<compile_context>
chip_gen: v7x
topology: tpu7x:2x2x1
jax: 0.10.2.dev20260603
libtpu: 0.0.44.dev20260713+nightly
codegen_flags: <defaults>
</compile_context>

<pallas_src>
import dataclasses

import jax
import jax.numpy as jnp
from jax import lax
from jax.experimental import pallas as pl
from jax.experimental.pallas import tpu as pltpu
from jax.experimental.pallas import tpu_sc as plsc

M_ITEM = 1000000
DIM = 16
N_ROWS = 819200
LR = 0.01
NC = 2
NS = 16
NW = NC * NS
R = 1000
RREG = 1008
NCHUNK = M_ITEM // R
GB = 512
QN = GB // 128
OFFS_PAD = 1024


def _body(gt_hbm, items_hbm, offs_hbm, out_hbm,
          shacc, shcnt, accv, cntv, updv, gvt, gv, ids, idxs, ones, offs):
    cidx = lax.axis_index("c")
    s = lax.axis_index("s")
    w = s * NC + cidx
    base = pl.multiple_of(s * RREG, 8)
    pltpu.sync_copy(offs_hbm, offs)

    zero16 = jnp.zeros((DIM,), jnp.float32)
    one16 = jnp.ones((DIM,), jnp.float32)

    @pl.loop(0, RREG)
    def _z(r):
        accv[r] = zero16
        cntv[r] = zero16

    @pl.loop(0, 128)
    def _o(r):
        ones[r] = one16

    pltpu.sync_copy(accv, shacc.at[pl.ds(base, RREG), :])
    pltpu.sync_copy(cntv, shcnt.at[pl.ds(base, RREG), :])

    kmax = (jnp.int32(NCHUNK) - w + (NW - 1)) // NW
    iota16 = lax.iota(jnp.int32, DIM)

    def _chunk(k, carry0):
        c = w + k * NW
        tb = pl.multiple_of(c * R, 8)
        ovec = offs[pl.ds(c, 16)]
        lo = ovec[0]
        hi = ovec[1]
        lo8 = lo & jnp.int32(-8)
        nb = (hi - lo8 + (GB - 1)) // GB

        def batch(b, carry):
            s0 = lo8 + b * GB
            st = jnp.minimum(s0, jnp.int32(N_ROWS - GB))
            st = pl.multiple_of(st, 8)
            d = s0 - st
            pltpu.sync_copy(gt_hbm.at[:, pl.ds(st, GB)], gvt)
            pltpu.sync_copy(items_hbm.at[pl.ds(st, GB)], ids)

            def clipgrp(jb, cc):
                j0 = jb * DIM
                cols = [gvt.at[t][pl.ds(j0, DIM)] for t in range(DIM)]
                ssv = cols[0] * cols[0]
                for t in range(1, DIM):
                    ssv = ssv + cols[t] * cols[t]
                bits = lax.bitcast_convert_type(ssv, jnp.int32)
                y = lax.bitcast_convert_type(
                    jnp.int32(0x5F3759DF) - (bits >> 1), jnp.float32)
                y = y * (1.5 - 0.5 * ssv * y * y)
                y = y * (1.5 - 0.5 * ssv * y * y)
                y = y * (1.5 - 0.5 * ssv * y * y)
                scale = jnp.where(ssv > 1.0, y, 1.0)
                rowidx = iota16 + j0
                for t in range(DIM):
                    colidx = jnp.full((DIM,), t, jnp.int32)
                    plsc.store_scatter(gv, [rowidx, colidx],
                                       cols[t] * scale)
                return cc

            lax.fori_loop(0, GB // DIM, clipgrp, 0)

            for q in range(QN):
                def idxgrp(jb, cc, q=q):
                    p0 = q * 128 + jb * DIM
                    idvec = ids[pl.ds(p0, DIM)]
                    i1 = idvec - tb
                    i2 = jnp.minimum(jnp.maximum(i1, -1), R)
                    i2 = jnp.where(i2 < 0, R, i2)
                    i2 = jnp.where(iota16 + p0 < d, R, i2)
                    idxs.at[q][pl.ds(jb * DIM, DIM)] = i2 + base
                    return cc

                lax.fori_loop(0, 128 // DIM, idxgrp, 0)
                pltpu.sync_copy(gv.at[pl.ds(q * 128, 128), :],
                                shacc.at[idxs.at[q]], add=True)
                pltpu.sync_copy(ones, shcnt.at[idxs.at[q]], add=True)
            return carry

        lax.fori_loop(0, nb, batch, 0)

        pltpu.sync_copy(shacc.at[pl.ds(base, R), :], accv.at[pl.ds(0, R), :])
        pltpu.sync_copy(shcnt.at[pl.ds(base, R), :], cntv.at[pl.ds(0, R), :])

        def comb(r, carry):
            a = accv[r]
            cl = cntv[r]
            updv[pl.ds(r * DIM, DIM)] = LR * (a / jnp.maximum(cl, 1.0))
            accv[r] = zero16
            cntv[r] = zero16
            return carry

        lax.fori_loop(0, R, comb, 0)
        pltpu.sync_copy(accv, shacc.at[pl.ds(base, RREG), :])
        pltpu.sync_copy(cntv, shcnt.at[pl.ds(base, RREG), :])
        pltpu.sync_copy(updv, out_hbm.at[pl.ds(tb * DIM, R * DIM)])
        return carry0

    lax.fori_loop(0, kmax, _chunk, 0)


def kernel(items_emb, items_emb_grad, items):
    boundaries = jnp.arange(NCHUNK + 1, dtype=jnp.int32) * R
    offs = jnp.searchsorted(items, boundaries, side="left").astype(jnp.int32)
    offs = jnp.pad(offs, (0, OFFS_PAD - (NCHUNK + 1)),
                   constant_values=N_ROWS)

    mesh = plsc.VectorSubcoreMesh(core_axis_name="c", subcore_axis_name="s")
    cp = pltpu.CompilerParams()
    if "needs_layout_passes" in pltpu.CompilerParams.__dataclass_fields__:
        cp = dataclasses.replace(cp, needs_layout_passes=False)
    if "use_tc_tiling_on_sc" in pltpu.CompilerParams.__dataclass_fields__:
        cp = dataclasses.replace(cp, use_tc_tiling_on_sc=False)
    run = pl.kernel(
        _body,
        compiler_params=cp,
        out_type=jax.ShapeDtypeStruct((M_ITEM * DIM,), jnp.float32),
        mesh=mesh,
        scratch_types=[
            pltpu.VMEM_SHARED((NS * RREG, DIM), jnp.float32),
            pltpu.VMEM_SHARED((NS * RREG, DIM), jnp.float32),
            pltpu.VMEM((RREG, DIM), jnp.float32),
            pltpu.VMEM((RREG, DIM), jnp.float32),
            pltpu.VMEM((R * DIM,), jnp.float32),
            pltpu.VMEM((DIM, GB), jnp.float32),
            pltpu.VMEM((GB, DIM), jnp.float32),
            pltpu.VMEM((GB,), jnp.int32),
            pltpu.VMEM((QN, 128), jnp.int32),
            pltpu.VMEM((128, DIM), jnp.float32),
            pltpu.VMEM((OFFS_PAD,), jnp.int32),
        ],
    )
    upd = run(items_emb_grad.T, items, offs)
    return items_emb - upd.reshape(M_ITEM, DIM)

# --- scband reference (transcript-rebuilt; emitter-appended) ---
"""Pipeline reference for scband-fed-rec-server-76020921140231 (READ-ONLY COPY).

The authoritative reference and input builder live on the scoring server;
editing this copy changes nothing except your own understanding.
"""

import jax, jax.numpy as jnp
import numpy as np

M_ITEM = 1000000
DIM = 16
N = 819200
LR = 0.01
GRAD_LIMIT = 1.0


def setup_inputs(seed: int = 0) -> dict:
    key = jax.random.key(seed)
    k1, k2, k3 = jax.random.split(key, 3)
    items_emb = jax.random.normal(k1, (M_ITEM, DIM), dtype=jnp.float32) * 0.01
    items_emb_grad = jax.random.normal(k2, (N, DIM), dtype=jnp.float32)
    items = jnp.sort(jax.random.randint(k3, (N,), 0, M_ITEM, dtype=jnp.int32))
    return {"items_emb": items_emb, "items_emb_grad": items_emb_grad, "items": items}


def reference(items_emb, items_emb_grad, items):
    # Norm-defense gradient clipping (per-row L2 clip at GRAD_LIMIT)
    norm = jnp.linalg.norm(items_emb_grad, axis=-1, keepdims=True)
    safe_norm = jnp.maximum(norm, 1e-12)
    scale = jnp.where(norm > GRAD_LIMIT, GRAD_LIMIT / safe_norm, 1.0)
    g = items_emb_grad * scale
    # Aggregate per-item gradients from all clients: segment-sum by item id
    sums = jax.ops.segment_sum(g, items, num_segments=M_ITEM)
    counts = jax.ops.segment_sum(jnp.ones((g.shape[0],), dtype=g.dtype), items, num_segments=M_ITEM)
    # 'Mean' aggregation per item (items with no gradient contribute zero)
    final_grads = sums / jnp.maximum(counts, 1.0)[:, None]
    # Server-side SGD update of the item embedding table
    new_table = items_emb - LR * final_grads
    return new_table

if __name__ == "__main__":
    import jax
    _d = setup_inputs()
    print(jax.jit(kernel)(*tuple(_d.values())))

</pallas_src>

<mosaic_0001>
#map = affine_map<(d0, d1) -> (0, 0)>
#map1 = affine_map<(d0, d1) -> (0)>
module attributes {stable_mosaic.version = 14 : i64} {
  func.func @_body(%arg0: i32, %arg1: i32, %arg2: memref<16x819200xf32, #tpu.memory_space<hbm>>, %arg3: memref<819200xi32, #tpu.memory_space<hbm>>, %arg4: memref<1024xi32, #tpu.memory_space<hbm>>, %arg5: memref<16000000xf32, #tpu.memory_space<hbm>>, %arg6: memref<16128x16xf32, #tpu.memory_space<vmem_shared>>, %arg7: memref<16128x16xf32, #tpu.memory_space<vmem_shared>>, %arg8: memref<1008x16xf32, #tpu.memory_space<vmem>>, %arg9: memref<1008x16xf32, #tpu.memory_space<vmem>>, %arg10: memref<16000xf32, #tpu.memory_space<vmem>>, %arg11: memref<16x512xf32, #tpu.memory_space<vmem>>, %arg12: memref<512x16xf32, #tpu.memory_space<vmem>>, %arg13: memref<512xi32, #tpu.memory_space<vmem>>, %arg14: memref<4x128xi32, #tpu.memory_space<vmem>>, %arg15: memref<128x16xf32, #tpu.memory_space<vmem>>, %arg16: memref<1024xi32, #tpu.memory_space<vmem>>) attributes {dimension_semantics = [#tpu.dimension_semantics<core_parallel>, #tpu.dimension_semantics<subcore_parallel>], iteration_bounds = array<i64: 2, 16>, scalar_prefetch = 0 : i64, scratch_operands = 11 : i64, tpu.core_type = #tpu.core_type<sc_vector_subcore>, window_params = [{transform_indices = #map}, {transform_indices = #map1}, {transform_indices = #map1}, {transform_indices = #map1}]} {
    %mul3A = arith.constant 2 : i32
    %mul3A_0 = arith.muli %arg1, %mul3A : i32
    %add3A = arith.addi %mul3A_0, %arg0 : i32
    %mul3A_1 = arith.constant 1008 : i32
    %mul3A_2 = arith.muli %arg1, %mul3A_1 : i32
    %multiple_of3A = tpu.assume_multiple %mul3A_2, 8 : i32
    "tpu.region"() ({
      %run_scoped3A = tpu.sem_alloc : memref<!tpu.dma_semaphore, #tpu.memory_space<semaphore_mem>>
      tpu.enqueue_dma source(%arg4 : memref<1024xi32, #tpu.memory_space<hbm>>) target(%arg16 : memref<1024xi32, #tpu.memory_space<vmem>>) target_semaphore(%run_scoped3A : memref<!tpu.dma_semaphore, #tpu.memory_space<semaphore_mem>>)
      tpu.wait_dma2 semaphore(%run_scoped3A : memref<!tpu.dma_semaphore, #tpu.memory_space<semaphore_mem>>) src(%arg4 : memref<1024xi32, #tpu.memory_space<hbm>>) dst(%arg16 : memref<1024xi32, #tpu.memory_space<vmem>>)
      tpu.yield
    }) : () -> ()
    %broadcast_in_dim3A = arith.constant 0.000000e+00 : f32
    %broadcast_in_dim3A_3 = vector.broadcast %broadcast_in_dim3A : f32 to vector<16xf32>
    %broadcast_in_dim3A_4 = arith.constant 1.000000e+00 : f32
    %broadcast_in_dim3A_5 = vector.broadcast %broadcast_in_dim3A_4 : f32 to vector<16xf32>
    %scan3A = arith.constant 0 : i32
    %scan3A_6 = arith.constant 1008 : i32
    %scan3A_7 = arith.addi %scan3A, %scan3A_6 : i32
    %scan3A_8 = arith.constant 1 : i32
    scf.for %scan3A_44 = %scan3A to %scan3A_7 step %scan3A_8  : i32 {
      %mul3A_45 = arith.constant 1 : i32
      %mul3A_46 = arith.muli %scan3A_44, %mul3A_45 : i32
      %add3A_47 = arith.constant 0 : i32
      %add3A_48 = arith.addi %add3A_47, %mul3A_46 : i32
      %swap3A = arith.index_cast %add3A_48 : i32 to index
      %swap3A_49 = arith.constant 0 : index
      %swap3A_50 = tpu.vector_load %arg8[%swap3A, %swap3A_49] {strides = array<i32>} : memref<1008x16xf32, #tpu.memory_space<vmem>>, vector<16xf32>,
      tpu.vector_store %arg8[%swap3A, %swap3A_49], %broadcast_in_dim3A_3 {strides = array<i32>} : memref<1008x16xf32, #tpu.memory_space<vmem>>, vector<16xf32>,
      %swap3A_51 = arith.index_cast %add3A_48 : i32 to index
      %swap3A_52 = arith.constant 0 : index
      %swap3A_53 = tpu.vector_load %arg9[%swap3A_51, %swap3A_52] {strides = array<i32>} : memref<1008x16xf32, #tpu.memory_space<vmem>>, vector<16xf32>,
      tpu.vector_store %arg9[%swap3A_51, %swap3A_52], %broadcast_in_dim3A_3 {strides = array<i32>} : memref<1008x16xf32, #tpu.memory_space<vmem>>, vector<16xf32>,
    }
    %scan3A_9 = arith.constant 1008 : i32
    %scan3A_10 = arith.constant 0 : i32
    %scan3A_11 = arith.constant 128 : i32
    %scan3A_12 = arith.addi %scan3A_10, %scan3A_11 : i32
    %scan3A_13 = arith.constant 1 : i32
    scf.for %scan3A_44 = %scan3A_10 to %scan3A_12 step %scan3A_13  : i32 {
      %mul3A_45 = arith.constant 1 : i32
      %mul3A_46 = arith.muli %scan3A_44, %mul3A_45 : i32
      %add3A_47 = arith.constant 0 : i32
      %add3A_48 = arith.addi %add3A_47, %mul3A_46 : i32
      %swap3A = arith.index_cast %add3A_48 : i32 to index
      %swap3A_49 = arith.constant 0 : index
      %swap3A_50 = tpu.vector_load %arg15[%swap3A, %swap3A_49] {strides = array<i32>} : memref<128x16xf32, #tpu.memory_space<vmem>>, vector<16xf32>,
      tpu.vector_store %arg15[%swap3A, %swap3A_49], %broadcast_in_dim3A_5 {strides = array<i32>} : memref<128x16xf32, #tpu.memory_space<vmem>>, vector<16xf32>,
    }
    %scan3A_14 = arith.constant 128 : i32
    "tpu.region"() ({
      %run_scoped3A = tpu.sem_alloc : memref<!tpu.dma_semaphore, #tpu.memory_space<semaphore_mem>>
      %dma_start3A = arith.constant 0 : i32
      %dma_start3A_44 = tpu.memref_slice %arg6[%multiple_of3A, %dma_start3A] : memref<16128x16xf32, #tpu.memory_space<vmem_shared>> -> memref<1008x16xf32, #tpu.memory_space<vmem_shared>>
      %dma_start3A_45 = arith.constant 0 : i32
      %dma_start3A_46 = tpu.memref_slice %arg6[%multiple_of3A, %dma_start3A_45] : memref<16128x16xf32, #tpu.memory_space<vmem_shared>> -> memref<1008x16xf32, #tpu.memory_space<vmem_shared>>
      tpu.enqueue_dma source(%arg8 : memref<1008x16xf32, #tpu.memory_space<vmem>>) target(%dma_start3A_46 : memref<1008x16xf32, #tpu.memory_space<vmem_shared>>) target_semaphore(%run_scoped3A : memref<!tpu.dma_semaphore, #tpu.memory_space<semaphore_mem>>)
      %dma_wait3A = arith.constant 0 : i32
      %dma_wait3A_47 = tpu.memref_slice %arg6[%multiple_of3A, %dma_wait3A] : memref<16128x16xf32, #tpu.memory_space<vmem_shared>> -> memref<1008x16xf32, #tpu.memory_space<vmem_shared>>
      %dma_wait3A_48 = arith.constant 0 : i32
      %dma_wait3A_49 = tpu.memref_slice %arg6[%multiple_of3A, %dma_wait3A_48] : memref<16128x16xf32, #tpu.memory_space<vmem_shared>> -> memref<1008x16xf32, #tpu.memory_space<vmem_shared>>
      tpu.wait_dma2 semaphore(%run_scoped3A : memref<!tpu.dma_semaphore, #tpu.memory_space<semaphore_mem>>) src(%arg8 : memref<1008x16xf32, #tpu.memory_space<vmem>>) dst(%dma_wait3A_49 : memref<1008x16xf32, #tpu.memory_space<vmem_shared>>)
      tpu.yield
    }) : () -> ()
    "tpu.region"() ({
      %run_scoped3A = tpu.sem_alloc : memref<!tpu.dma_semaphore, #tpu.memory_space<semaphore_mem>>
      %dma_start3A = arith.constant 0 : i32
      %dma_start3A_44 = tpu.memref_slice %arg7[%multiple_of3A, %dma_start3A] : memref<16128x16xf32, #tpu.memory_space<vmem_shared>> -> memref<1008x16xf32, #tpu.memory_space<vmem_shared>>
      %dma_start3A_45 = arith.constant 0 : i32
      %dma_start3A_46 = tpu.memref_slice %arg7[%multiple_of3A, %dma_start3A_45] : memref<16128x16xf32, #tpu.memory_space<vmem_shared>> -> memref<1008x16xf32, #tpu.memory_space<vmem_shared>>
      tpu.enqueue_dma source(%arg9 : memref<1008x16xf32, #tpu.memory_space<vmem>>) target(%dma_start3A_46 : memref<1008x16xf32, #tpu.memory_space<vmem_shared>>) target_semaphore(%run_scoped3A : memref<!tpu.dma_semaphore, #tpu.memory_space<semaphore_mem>>)
      %dma_wait3A = arith.constant 0 : i32
      %dma_wait3A_47 = tpu.memref_slice %arg7[%multiple_of3A, %dma_wait3A] : memref<16128x16xf32, #tpu.memory_space<vmem_shared>> -> memref<1008x16xf32, #tpu.memory_space<vmem_shared>>
      %dma_wait3A_48 = arith.constant 0 : i32
      %dma_wait3A_49 = tpu.memref_slice %arg7[%multiple_of3A, %dma_wait3A_48] : memref<16128x16xf32, #tpu.memory_space<vmem_shared>> -> memref<1008x16xf32, #tpu.memory_space<vmem_shared>>
      tpu.wait_dma2 semaphore(%run_scoped3A : memref<!tpu.dma_semaphore, #tpu.memory_space<semaphore_mem>>) src(%arg9 : memref<1008x16xf32, #tpu.memory_space<vmem>>) dst(%dma_wait3A_49 : memref<1008x16xf32, #tpu.memory_space<vmem_shared>>)
      tpu.yield
    }) : () -> ()
    %sub3A = arith.constant 1000 : i32
    %sub3A_15 = arith.subi %sub3A, %add3A : i32
    %add3A_16 = arith.constant 31 : i32
    %add3A_17 = arith.addi %sub3A_15, %add3A_16 : i32
    %jit3A = arith.constant 32 : i32
    %div3A = arith.divsi %add3A_17, %jit3A : i32
    %sign3A = arith.constant 0 : i32
    %sign3A_18 = arith.cmpi sgt, %add3A_17, %sign3A : i32
    %sign3A_19 = arith.extui %sign3A_18 : i1 to i32
    %sign3A_20 = arith.constant 0 : i32
    %sign3A_21 = arith.cmpi slt, %add3A_17, %sign3A_20 : i32
    %sign3A_22 = arith.extui %sign3A_21 : i1 to i32
    %sign3A_23 = arith.subi %sign3A_19, %sign3A_22 : i32
    %sign3A_24 = arith.constant 0 : i32
    %sign3A_25 = arith.cmpi sgt, %jit3A, %sign3A_24 : i32
    %sign3A_26 = arith.extui %sign3A_25 : i1 to i32
    %sign3A_27 = arith.constant 0 : i32
    %sign3A_28 = arith.cmpi slt, %jit3A, %sign3A_27 : i32
    %sign3A_29 = arith.extui %sign3A_28 : i1 to i32
    %sign3A_30 = arith.subi %sign3A_26, %sign3A_29 : i32
    %ne3A = arith.cmpi ne, %sign3A_23, %sign3A_30 : i32
    %rem3A = arith.remsi %add3A_17, %jit3A : i32
    %ne3A_31 = arith.constant 0 : i32
    %ne3A_32 = arith.cmpi ne, %rem3A, %ne3A_31 : i32
    %and3A = arith.andi %ne3A, %ne3A_32 : i1
    %sub3A_33 = arith.constant 1 : i32
    %sub3A_34 = arith.subi %div3A, %sub3A_33 : i32
    %select_n3A = arith.select %and3A, %sub3A_34, %div3A : i32
    %iota3A = tpu.iota {dimensions = array<i32: 0>} : vector<16xi32>
    %while3A = arith.constant 0 : i32
    %while3A_35 = arith.constant 0 : i32
    %while3A_36 = arith.subi %select_n3A, %while3A_35 : i32
    %while3A_37 = arith.addi %while3A_35, %while3A_36 : i32
    %while3A_38 = arith.constant 1 : i32
    %while3A_39 = arith.divsi %while3A_36, %while3A_38 : i32
    %while3A_40 = arith.muli %while3A_39, %while3A_38 : i32
    %while3A_41 = arith.addi %while3A_35, %while3A_40 : i32
    %while3A_42 = arith.constant 1 : i32
    scf.for %while3A_44 = %while3A_35 to %while3A_41 step %while3A_42  : i32 {
      %mul3A_45 = arith.constant 32 : i32
      %mul3A_46 = arith.muli %while3A_44, %mul3A_45 : i32
      %add3A_47 = arith.addi %add3A, %mul3A_46 : i32
      %mul3A_48 = arith.constant 1000 : i32
      %mul3A_49 = arith.muli %add3A_47, %mul3A_48 : i32
      %multiple_of3A_50 = tpu.assume_multiple %mul3A_49, 8 : i32
      %get3A = arith.index_cast %add3A_47 : i32 to index
      %get3A_51 = tpu.vector_load %arg16[%get3A] {strides = array<i32>} : memref<1024xi32, #tpu.memory_space<vmem>>, vector<16xi32>,
      %slice3A = vector.extract_strided_slice %get3A_51 {offsets = [0], sizes = [1], strides = [1]} : vector<16xi32> to vector<1xi32>
      %squeeze3A = vector.extract %slice3A[0] : i32 from vector<1xi32>
      %slice3A_52 = vector.extract_strided_slice %get3A_51 {offsets = [1], sizes = [1], strides = [1]} : vector<16xi32> to vector<1xi32>
      %squeeze3A_53 = vector.extract %slice3A_52[0] : i32 from vector<1xi32>
      %and3A_54 = arith.constant -8 : i32
      %and3A_55 = arith.andi %squeeze3A, %and3A_54 : i32
      %sub3A_56 = arith.subi %squeeze3A_53, %and3A_55 : i32
      %add3A_57 = arith.constant 511 : i32
      %add3A_58 = arith.addi %sub3A_56, %add3A_57 : i32
      %jit3A_59 = arith.constant 512 : i32
      %div3A_60 = arith.divsi %add3A_58, %jit3A_59 : i32
      %sign3A_61 = arith.constant 0 : i32
      %sign3A_62 = arith.cmpi sgt, %add3A_58, %sign3A_61 : i32
      %sign3A_63 = arith.extui %sign3A_62 : i1 to i32
      %sign3A_64 = arith.constant 0 : i32
      %sign3A_65 = arith.cmpi slt, %add3A_58, %sign3A_64 : i32
      %sign3A_66 = arith.extui %sign3A_65 : i1 to i32
      %sign3A_67 = arith.subi %sign3A_63, %sign3A_66 : i32
      %sign3A_68 = arith.constant 0 : i32
      %sign3A_69 = arith.cmpi sgt, %jit3A_59, %sign3A_68 : i32
      %sign3A_70 = arith.extui %sign3A_69 : i1 to i32
      %sign3A_71 = arith.constant 0 : i32
      %sign3A_72 = arith.cmpi slt, %jit3A_59, %sign3A_71 : i32
      %sign3A_73 = arith.extui %sign3A_72 : i1 to i32
      %sign3A_74 = arith.subi %sign3A_70, %sign3A_73 : i32
      %ne3A_75 = arith.cmpi ne, %sign3A_67, %sign3A_74 : i32
      %rem3A_76 = arith.remsi %add3A_58, %jit3A_59 : i32
      %ne3A_77 = arith.constant 0 : i32
      %ne3A_78 = arith.cmpi ne, %rem3A_76, %ne3A_77 : i32
      %and3A_79 = arith.andi %ne3A_75, %ne3A_78 : i1
      %sub3A_80 = arith.constant 1 : i32
      %sub3A_81 = arith.subi %div3A_60, %sub3A_80 : i32
      %select_n3A_82 = arith.select %and3A_79, %sub3A_81, %div3A_60 : i32
      %while3A_83 = arith.constant 0 : i32
      %while3A_84 = arith.constant 0 : i32
      %while3A_85 = arith.subi %select_n3A_82, %while3A_84 : i32
      %while3A_86 = arith.addi %while3A_84, %while3A_85 : i32
      %while3A_87 = arith.constant 1 : i32
      %while3A_88 = arith.divsi %while3A_85, %while3A_87 : i32
      %while3A_89 = arith.muli %while3A_88, %while3A_87 : i32
      %while3A_90 = arith.addi %while3A_84, %while3A_89 : i32
      %while3A_91 = arith.constant 1 : i32
      scf.for %while3A_101 = %while3A_84 to %while3A_90 step %while3A_91  : i32 {
        %mul3A_102 = arith.constant 512 : i32
        %mul3A_103 = arith.muli %while3A_101, %mul3A_102 : i32
        %add3A_104 = arith.addi %and3A_55, %mul3A_103 : i32
        %min3A = arith.constant 818688 : i32
        %min3A_105 = arith.minsi %add3A_104, %min3A : i32
        %multiple_of3A_106 = tpu.assume_multiple %min3A_105, 8 : i32
        %sub3A_107 = arith.subi %add3A_104, %multiple_of3A_106 : i32
        "tpu.region"() ({
          %run_scoped3A_145 = tpu.sem_alloc : memref<!tpu.dma_semaphore, #tpu.memory_space<semaphore_mem>>
          %dma_start3A = arith.constant 0 : i32
          %dma_start3A_146 = tpu.memref_slice %arg2[%dma_start3A, %multiple_of3A_106] : memref<16x819200xf32, #tpu.memory_space<hbm>> -> memref<16x512xf32, #tpu.memory_space<hbm>>
          %dma_start3A_147 = arith.constant 0 : i32
          %dma_start3A_148 = tpu.memref_slice %arg2[%dma_start3A_147, %multiple_of3A_106] : memref<16x819200xf32, #tpu.memory_space<hbm>> -> memref<16x512xf32, #tpu.memory_space<hbm>>
          tpu.enqueue_dma source(%dma_start3A_148 : memref<16x512xf32, #tpu.memory_space<hbm>>) target(%arg11 : memref<16x512xf32, #tpu.memory_space<vmem>>) target_semaphore(%run_scoped3A_145 : memref<!tpu.dma_semaphore, #tpu.memory_space<semaphore_mem>>)
          %dma_wait3A = arith.constant 0 : i32
          %dma_wait3A_149 = tpu.memref_slice %arg2[%dma_wait3A, %multiple_of3A_106] : memref<16x819200xf32, #tpu.memory_space<hbm>> -> memref<16x512xf32, #tpu.memory_space<hbm>>
          %dma_wait3A_150 = arith.constant 0 : i32
          %dma_wait3A_151 = tpu.memref_slice %arg2[%dma_wait3A_150, %multiple_of3A_106] : memref<16x819200xf32, #tpu.memory_space<hbm>> -> memref<16x512xf32, #tpu.memory_space<hbm>>
          tpu.wait_dma2 semaphore(%run_scoped3A_145 : memref<!tpu.dma_semaphore, #tpu.memory_space<semaphore_mem>>) src(%dma_wait3A_151 : memref<16x512xf32, #tpu.memory_space<hbm>>) dst(%arg11 : memref<16x512xf32, #tpu.memory_space<vmem>>)
          tpu.yield
        }) : () -> ()
        "tpu.region"() ({
          %run_scoped3A_145 = tpu.sem_alloc : memref<!tpu.dma_semaphore, #tpu.memory_space<semaphore_mem>>
          %dma_start3A = tpu.memref_slice %arg3[%multiple_of3A_106] : memref<819200xi32, #tpu.memory_space<hbm>> -> memref<512xi32, #tpu.memory_space<hbm>>
          %dma_start3A_146 = tpu.memref_slice %arg3[%multiple_of3A_106] : memref<819200xi32, #tpu.memory_space<hbm>> -> memref<512xi32, #tpu.memory_space<hbm>>
          tpu.enqueue_dma source(%dma_start3A_146 : memref<512xi32, #tpu.memory_space<hbm>>) target(%arg13 : memref<512xi32, #tpu.memory_space<vmem>>) target_semaphore(%run_scoped3A_145 : memref<!tpu.dma_semaphore, #tpu.memory_space<semaphore_mem>>)
          %dma_wait3A = tpu.memref_slice %arg3[%multiple_of3A_106] : memref<819200xi32, #tpu.memory_space<hbm>> -> memref<512xi32, #tpu.memory_space<hbm>>
          %dma_wait3A_147 = tpu.memref_slice %arg3[%multiple_of3A_106] : memref<819200xi32, #tpu.memory_space<hbm>> -> memref<512xi32, #tpu.memory_space<hbm>>
          tpu.wait_dma2 semaphore(%run_scoped3A_145 : memref<!tpu.dma_semaphore, #tpu.memory_space<semaphore_mem>>) src(%dma_wait3A_147 : memref<512xi32, #tpu.memory_space<hbm>>) dst(%arg13 : memref<512xi32, #tpu.memory_space<vmem>>)
          tpu.yield
        }) : () -> ()
        %scan3A_108 = arith.constant 0 : i32
        %scan3A_109 = arith.constant 0 : i32
        %scan3A_110 = arith.constant 32 : i32
        %scan3A_111 = arith.addi %scan3A_109, %scan3A_110 : i32
        %scan3A_112 = arith.constant 1 : i32
        scf.for %scan3A_145 = %scan3A_109 to %scan3A_111 step %scan3A_112  : i32 {
          %mul3A_146 = arith.constant 16 : i32
          %mul3A_147 = arith.muli %scan3A_145, %mul3A_146 : i32
          %get3A_148 = arith.constant 0 : i32
          %get3A_149 = arith.constant 0 : i32
          %get3A_150 = tpu.memref_slice %arg11[%get3A_148, %get3A_149] : memref<16x512xf32, #tpu.memory_space<vmem>> -> memref<1x512xf32, #tpu.memory_space<vmem>>
          %get3A_151 = tpu.memref_squeeze %get3A_150 : memref<1x512xf32, #tpu.memory_space<vmem>> -> memref<512xf32, #tpu.memory_space<vmem>>
          %get3A_152 = arith.index_cast %mul3A_147 : i32 to index
          %get3A_153 = tpu.vector_load %get3A_151[%get3A_152] {strides = array<i32>} : memref<512xf32, #tpu.memory_space<vmem>>, vector<16xf32>,
          %get3A_154 = arith.constant 1 : i32
          %get3A_155 = arith.constant 0 : i32
          %get3A_156 = tpu.memref_slice %arg11[%get3A_154, %get3A_155] : memref<16x512xf32, #tpu.memory_space<vmem>> -> memref<1x512xf32, #tpu.memory_space<vmem>>
          %get3A_157 = tpu.memref_squeeze %get3A_156 : memref<1x512xf32, #tpu.memory_space<vmem>> -> memref<512xf32, #tpu.memory_space<vmem>>
          %get3A_158 = arith.index_cast %mul3A_147 : i32 to index
          %get3A_159 = tpu.vector_load %get3A_157[%get3A_158] {strides = array<i32>} : memref<512xf32, #tpu.memory_space<vmem>>, vector<16xf32>,
          %get3A_160 = arith.constant 2 : i32
          %get3A_161 = arith.constant 0 : i32
          %get3A_162 = tpu.memref_slice %arg11[%get3A_160, %get3A_161] : memref<16x512xf32, #tpu.memory_space<vmem>> -> memref<1x512xf32, #tpu.memory_space<vmem>>
          %get3A_163 = tpu.memref_squeeze %get3A_162 : memref<1x512xf32, #tpu.memory_space<vmem>> -> memref<512xf32, #tpu.memory_space<vmem>>
          %get3A_164 = arith.index_cast %mul3A_147 : i32 to index
          %get3A_165 = tpu.vector_load %get3A_163[%get3A_164] {strides = array<i32>} : memref<512xf32, #tpu.memory_space<vmem>>, vector<16xf32>,
          %get3A_166 = arith.constant 3 : i32
          %get3A_167 = arith.constant 0 : i32
          %get3A_168 = tpu.memref_slice %arg11[%get3A_166, %get3A_167] : memref<16x512xf32, #tpu.memory_space<vmem>> -> memref<1x512xf32, #tpu.memory_space<vmem>>
          %get3A_169 = tpu.memref_squeeze %get3A_168 : memref<1x512xf32, #tpu.memory_space<vmem>> -> memref<512xf32, #tpu.memory_space<vmem>>
          %get3A_170 = arith.index_cast %mul3A_147 : i32 to index
          %get3A_171 = tpu.vector_load %get3A_169[%get3A_170] {strides = array<i32>} : memref<512xf32, #tpu.memory_space<vmem>>, vector<16xf32>,
          %get3A_172 = arith.constant 4 : i32
          %get3A_173 = arith.constant 0 : i32
          %get3A_174 = tpu.memref_slice %arg11[%get3A_172, %get3A_173] : memref<16x512xf32, #tpu.memory_space<vmem>> -> memref<1x512xf32, #tpu.memory_space<vmem>>
          %get3A_175 = tpu.memref_squeeze %get3A_174 : memref<1x512xf32, #tpu.memory_space<vmem>> -> memref<512xf32, #tpu.memory_space<vmem>>
          %get3A_176 = arith.index_cast %mul3A_147 : i32 to index
          %get3A_177 = tpu.vector_load %get3A_175[%get3A_176] {strides = array<i32>} : memref<512xf32, #tpu.memory_space<vmem>>, vector<16xf32>,
          %get3A_178 = arith.constant 5 : i32
          %get3A_179 = arith.constant 0 : i32
          %get3A_180 = tpu.memref_slice %arg11[%get3A_178, %get3A_179] : memref<16x512xf32, #tpu.memory_space<vmem>> -> memref<1x512xf32, #tpu.memory_space<vmem>>
          %get3A_181 = tpu.memref_squeeze %get3A_180 : memref<1x512xf32, #tpu.memory_space<vmem>> -> memref<512xf32, #tpu.memory_space<vmem>>
          %get3A_182 = arith.index_cast %mul3A_147 : i32 to index
          %get3A_183 = tpu.vector_load %get3A_181[%get3A_182] {strides = array<i32>} : memref<512xf32, #tpu.memory_space<vmem>>, vector<16xf32>,
          %get3A_184 = arith.constant 6 : i32
          %get3A_185 = arith.constant 0 : i32
          %get3A_186 = tpu.memref_slice %arg11[%get3A_184, %get3A_185] : memref<16x512xf32, #tpu.memory_space<vmem>> -> memref<1x512xf32, #tpu.memory_space<vmem>>
          %get3A_187 = tpu.memref_squeeze %get3A_186 : memref<1x512xf32, #tpu.memory_space<vmem>> -> memref<512xf32, #tpu.memory_space<vmem>>
          %get3A_188 = arith.index_cast %mul3A_147 : i32 to index
          %get3A_189 = tpu.vector_load %get3A_187[%get3A_188] {strides = array<i32>} : memref<512xf32, #tpu.memory_space<vmem>>, vector<16xf32>,
          %get3A_190 = arith.constant 7 : i32
          %get3A_191 = arith.constant 0 : i32
          %get3A_192 = tpu.memref_slice %arg11[%get3A_190, %get3A_191] : memref<16x512xf32, #tpu.memory_space<vmem>> -> memref<1x512xf32, #tpu.memory_space<vmem>>
          %get3A_193 = tpu.memref_squeeze %get3A_192 : memref<1x512xf32, #tpu.memory_space<vmem>> -> memref<512xf32, #tpu.memory_space<vmem>>
          %get3A_194 = arith.index_cast %mul3A_147 : i32 to index
          %get3A_195 = tpu.vector_load %get3A_193[%get3A_194] {strides = array<i32>} : memref<512xf32, #tpu.memory_space<vmem>>, vector<16xf32>,
          %get3A_196 = arith.constant 8 : i32
          %get3A_197 = arith.constant 0 : i32
          %get3A_198 = tpu.memref_slice %arg11[%get3A_196, %get3A_197] : memref<16x512xf32, #tpu.memory_space<vmem>> -> memref<1x512xf32, #tpu.memory_space<vmem>>
          %get3A_199 = tpu.memref_squeeze %get3A_198 : memref<1x512xf32, #tpu.memory_space<vmem>> -> memref<512xf32, #tpu.memory_space<vmem>>
          %get3A_200 = arith.index_cast %mul3A_147 : i32 to index
          %get3A_201 = tpu.vector_load %get3A_199[%get3A_200] {strides = array<i32>} : memref<512xf32, #tpu.memory_space<vmem>>, vector<16xf32>,
          %get3A_202 = arith.constant 9 : i32
          %get3A_203 = arith.constant 0 : i32
          %get3A_204 = tpu.memref_slice %arg11[%get3A_202, %get3A_203] : memref<16x512xf32, #tpu.memory_space<vmem>> -> memref<1x512xf32, #tpu.memory_space<vmem>>
          %get3A_205 = tpu.memref_squeeze %get3A_204 : memref<1x512xf32, #tpu.memory_space<vmem>> -> memref<512xf32, #tpu.memory_space<vmem>>
          %get3A_206 = arith.index_cast %mul3A_147 : i32 to index
          %get3A_207 = tpu.vector_load %get3A_205[%get3A_206] {strides = array<i32>} : memref<512xf32, #tpu.memory_space<vmem>>, vector<16xf32>,
          %get3A_208 = arith.constant 10 : i32
          %get3A_209 = arith.constant 0 : i32
          %get3A_210 = tpu.memref_slice %arg11[%get3A_208, %get3A_209] : memref<16x512xf32, #tpu.memory_space<vmem>> -> memref<1x512xf32, #tpu.memory_space<vmem>>
          %get3A_211 = tpu.memref_squeeze %get3A_210 : memref<1x512xf32, #tpu.memory_space<vmem>> -> memref<512xf32, #tpu.memory_space<vmem>>
          %get3A_212 = arith.index_cast %mul3A_147 : i32 to index
          %get3A_213 = tpu.vector_load %get3A_211[%get3A_212] {strides = array<i32>} : memref<512xf32, #tpu.memory_space<vmem>>, vector<16xf32>,
          %get3A_214 = arith.constant 11 : i32
          %get3A_215 = arith.constant 0 : i32
          %get3A_216 = tpu.memref_slice %arg11[%get3A_214, %get3A_215] : memref<16x512xf32, #tpu.memory_space<vmem>> -> memref<1x512xf32, #tpu.memory_space<vmem>>
          %get3A_217 = tpu.memref_squeeze %get3A_216 : memref<1x512xf32, #tpu.memory_space<vmem>> -> memref<512xf32, #tpu.memory_space<vmem>>
          %get3A_218 = arith.index_cast %mul3A_147 : i32 to index
          %get3A_219 = tpu.vector_load %get3A_217[%get3A_218] {strides = array<i32>} : memref<512xf32, #tpu.memory_space<vmem>>, vector<16xf32>,
          %get3A_220 = arith.constant 12 : i32
          %get3A_221 = arith.constant 0 : i32
          %get3A_222 = tpu.memref_slice %arg11[%get3A_220, %get3A_221] : memref<16x512xf32, #tpu.memory_space<vmem>> -> memref<1x512xf32, #tpu.memory_space<vmem>>
          %get3A_223 = tpu.memref_squeeze %get3A_222 : memref<1x512xf32, #tpu.memory_space<vmem>> -> memref<512xf32, #tpu.memory_space<vmem>>
          %get3A_224 = arith.index_cast %mul3A_147 : i32 to index
          %get3A_225 = tpu.vector_load %get3A_223[%get3A_224] {strides = array<i32>} : memref<512xf32, #tpu.memory_space<vmem>>, vector<16xf32>,
          %get3A_226 = arith.constant 13 : i32
          %get3A_227 = arith.constant 0 : i32
          %get3A_228 = tpu.memref_slice %arg11[%get3A_226, %get3A_227] : memref<16x512xf32, #tpu.memory_space<vmem>> -> memref<1x512xf32, #tpu.memory_space<vmem>>
          %get3A_229 = tpu.memref_squeeze %get3A_228 : memref<1x512xf32, #tpu.memory_space<vmem>> -> memref<512xf32, #tpu.memory_space<vmem>>
          %get3A_230 = arith.index_cast %mul3A_147 : i32 to index
          %get3A_231 = tpu.vector_load %get3A_229[%get3A_230] {strides = array<i32>} : memref<512xf32, #tpu.memory_space<vmem>>, vector<16xf32>,
          %get3A_232 = arith.constant 14 : i32
          %get3A_233 = arith.constant 0 : i32
          %get3A_234 = tpu.memref_slice %arg11[%get3A_232, %get3A_233] : memref<16x512xf32, #tpu.memory_space<vmem>> -> memref<1x512xf32, #tpu.memory_space<vmem>>
          %get3A_235 = tpu.memref_squeeze %get3A_234 : memref<1x512xf32, #tpu.memory_space<vmem>> -> memref<512xf32, #tpu.memory_space<vmem>>
          %get3A_236 = arith.index_cast %mul3A_147 : i32 to index
          %get3A_237 = tpu.vector_load %get3A_235[%get3A_236] {strides = array<i32>} : memref<512xf32, #tpu.memory_space<vmem>>, vector<16xf32>,
          %get3A_238 = arith.constant 15 : i32
          %get3A_239 = arith.constant 0 : i32
          %get3A_240 = tpu.memref_slice %arg11[%get3A_238, %get3A_239] : memref<16x512xf32, #tpu.memory_space<vmem>> -> memref<1x512xf32, #tpu.memory_space<vmem>>
          %get3A_241 = tpu.memref_squeeze %get3A_240 : memref<1x512xf32, #tpu.memory_space<vmem>> -> memref<512xf32, #tpu.memory_space<vmem>>
          %get3A_242 = arith.index_cast %mul3A_147 : i32 to index
          %get3A_243 = tpu.vector_load %get3A_241[%get3A_242] {strides = array<i32>} : memref<512xf32, #tpu.memory_space<vmem>>, vector<16xf32>,
          %mul3A_244 = arith.mulf %get3A_153, %get3A_153 : vector<16xf32>
          %mul3A_245 = arith.mulf %get3A_159, %get3A_159 : vector<16xf32>
          %add3A_246 = arith.addf %mul3A_244, %mul3A_245 : vector<16xf32>
          %mul3A_247 = arith.mulf %get3A_165, %get3A_165 : vector<16xf32>
          %add3A_248 = arith.addf %add3A_246, %mul3A_247 : vector<16xf32>
          %mul3A_249 = arith.mulf %get3A_171, %get3A_171 : vector<16xf32>
          %add3A_250 = arith.addf %add3A_248, %mul3A_249 : vector<16xf32>
          %mul3A_251 = arith.mulf %get3A_177, %get3A_177 : vector<16xf32>
          %add3A_252 = arith.addf %add3A_250, %mul3A_251 : vector<16xf32>
          %mul3A_253 = arith.mulf %get3A_183, %get3A_183 : vector<16xf32>
          %add3A_254 = arith.addf %add3A_252, %mul3A_253 : vector<16xf32>
          %mul3A_255 = arith.mulf %get3A_189, %get3A_189 : vector<16xf32>
          %add3A_256 = arith.addf %add3A_254, %mul3A_255 : vector<16xf32>
          %mul3A_257 = arith.mulf %get3A_195, %get3A_195 : vector<16xf32>
          %add3A_258 = arith.addf %add3A_256, %mul3A_257 : vector<16xf32>
          %mul3A_259 = arith.mulf %get3A_201, %get3A_201 : vector<16xf32>
          %add3A_260 = arith.addf %add3A_258, %mul3A_259 : vector<16xf32>
          %mul3A_261 = arith.mulf %get3A_207, %get3A_207 : vector<16xf32>
          %add3A_262 = arith.addf %add3A_260, %mul3A_261 : vector<16xf32>
          %mul3A_263 = arith.mulf %get3A_213, %get3A_213 : vector<16xf32>
          %add3A_264 = arith.addf %add3A_262, %mul3A_263 : vector<16xf32>
          %mul3A_265 = arith.mulf %get3A_219, %get3A_219 : vector<16xf32>
          %add3A_266 = arith.addf %add3A_264, %mul3A_265 : vector<16xf32>
          %mul3A_267 = arith.mulf %get3A_225, %get3A_225 : vector<16xf32>
          %add3A_268 = arith.addf %add3A_266, %mul3A_267 : vector<16xf32>
          %mul3A_269 = arith.mulf %get3A_231, %get3A_231 : vector<16xf32>
          %add3A_270 = arith.addf %add3A_268, %mul3A_269 : vector<16xf32>
          %mul3A_271 = arith.mulf %get3A_237, %get3A_237 : vector<16xf32>
          %add3A_272 = arith.addf %add3A_270, %mul3A_271 : vector<16xf32>
          %mul3A_273 = arith.mulf %get3A_243, %get3A_243 : vector<16xf32>
          %add3A_274 = arith.addf %add3A_272, %mul3A_273 : vector<16xf32>
          %bitcast_convert_type3A = tpu.bitcast %add3A_274 : vector<16xf32> -> vector<16xi32>
          %shift_right_arithmetic3A = arith.constant 1 : i32
          %shift_right_arithmetic3A_275 = vector.broadcast %shift_right_arithmetic3A : i32 to vector<16xi32>
          %shift_right_arithmetic3A_276 = arith.shrsi %bitcast_convert_type3A, %shift_right_arithmetic3A_275 : vector<16xi32>
          %sub3A_277 = arith.constant 1597463007 : i32
          %sub3A_278 = vector.broadcast %sub3A_277 : i32 to vector<16xi32>
          %sub3A_279 = arith.subi %sub3A_278, %shift_right_arithmetic3A_276 : vector<16xi32>
          %bitcast_convert_type3A_280 = tpu.bitcast %sub3A_279 : vector<16xi32> -> vector<16xf32>
          %mul3A_281 = arith.constant 5.000000e-01 : f32
          %mul3A_282 = vector.broadcast %mul3A_281 : f32 to vector<16xf32>
          %mul3A_283 = arith.mulf %mul3A_282, %add3A_274 : vector<16xf32>
          %mul3A_284 = arith.mulf %mul3A_283, %bitcast_convert_type3A_280 : vector<16xf32>
          %mul3A_285 = arith.mulf %mul3A_284, %bitcast_convert_type3A_280 : vector<16xf32>
          %sub3A_286 = arith.constant 1.500000e+00 : f32
          %sub3A_287 = vector.broadcast %sub3A_286 : f32 to vector<16xf32>
          %sub3A_288 = arith.subf %sub3A_287, %mul3A_285 : vector<16xf32>
          %mul3A_289 = arith.mulf %bitcast_convert_type3A_280, %sub3A_288 : vector<16xf32>
          %mul3A_290 = arith.constant 5.000000e-01 : f32
          %mul3A_291 = vector.broadcast %mul3A_290 : f32 to vector<16xf32>
          %mul3A_292 = arith.mulf %mul3A_291, %add3A_274 : vector<16xf32>
          %mul3A_293 = arith.mulf %mul3A_292, %mul3A_289 : vector<16xf32>
          %mul3A_294 = arith.mulf %mul3A_293, %mul3A_289 : vector<16xf32>
          %sub3A_295 = arith.constant 1.500000e+00 : f32
          %sub3A_296 = vector.broadcast %sub3A_295 : f32 to vector<16xf32>
          %sub3A_297 = arith.subf %sub3A_296, %mul3A_294 : vector<16xf32>
          %mul3A_298 = arith.mulf %mul3A_289, %sub3A_297 : vector<16xf32>
          %mul3A_299 = arith.constant 5.000000e-01 : f32
          %mul3A_300 = vector.broadcast %mul3A_299 : f32 to vector<16xf32>
          %mul3A_301 = arith.mulf %mul3A_300, %add3A_274 : vector<16xf32>
          %mul3A_302 = arith.mulf %mul3A_301, %mul3A_298 : vector<16xf32>
          %mul3A_303 = arith.mulf %mul3A_302, %mul3A_298 : vector<16xf32>
          %sub3A_304 = arith.constant 1.500000e+00 : f32
          %sub3A_305 = vector.broadcast %sub3A_304 : f32 to vector<16xf32>
          %sub3A_306 = arith.subf %sub3A_305, %mul3A_303 : vector<16xf32>
          %mul3A_307 = arith.mulf %mul3A_298, %sub3A_306 : vector<16xf32>
          %gt3A = arith.constant 1.000000e+00 : f32
          %gt3A_308 = vector.broadcast %gt3A : f32 to vector<16xf32>
          %gt3A_309 = arith.cmpf ogt, %add3A_274, %gt3A_308 : vector<16xf32>
          %jit3A_310 = arith.constant 1.000000e+00 : f32
          %broadcast_in_dim3A_311 = vector.broadcast %jit3A_310 : f32 to vector<16xf32>
          %select_n3A_312 = arith.select %gt3A_309, %mul3A_307, %broadcast_in_dim3A_311 : vector<16xi1>, vector<16xf32>
          %add3A_313 = vector.broadcast %mul3A_147 : i32 to vector<16xi32>
          %add3A_314 = arith.addi %iota3A, %add3A_313 : vector<16xi32>
          %broadcast_in_dim3A_315 = arith.constant 0 : i32
          %broadcast_in_dim3A_316 = vector.broadcast %broadcast_in_dim3A_315 : i32 to vector<16xi32>
          %mul3A_317 = arith.mulf %get3A_153, %select_n3A_312 : vector<16xf32>
          tpu.vector_store_idx %arg12[%add3A_314, %broadcast_in_dim3A_316], %mul3A_317 : memref<512x16xf32, #tpu.memory_space<vmem>>[vector<16xi32>, vector<16xi32>], vector<16xf32>,
          %broadcast_in_dim3A_318 = arith.constant 1 : i32
          %broadcast_in_dim3A_319 = vector.broadcast %broadcast_in_dim3A_318 : i32 to vector<16xi32>
          %mul3A_320 = arith.mulf %get3A_159, %select_n3A_312 : vector<16xf32>
          tpu.vector_store_idx %arg12[%add3A_314, %broadcast_in_dim3A_319], %mul3A_320 : memref<512x16xf32, #tpu.memory_space<vmem>>[vector<16xi32>, vector<16xi32>], vector<16xf32>,
          %broadcast_in_dim3A_321 = arith.constant 2 : i32
          %broadcast_in_dim3A_322 = vector.broadcast %broadcast_in_dim3A_321 : i32 to vector<16xi32>
          %mul3A_323 = arith.mulf %get3A_165, %select_n3A_312 : vector<16xf32>
          tpu.vector_store_idx %arg12[%add3A_314, %broadcast_in_dim3A_322], %mul3A_323 : memref<512x16xf32, #tpu.memory_space<vmem>>[vector<16xi32>, vector<16xi32>], vector<16xf32>,
          %broadcast_in_dim3A_324 = arith.constant 3 : i32
          %broadcast_in_dim3A_325 = vector.broadcast %broadcast_in_dim3A_324 : i32 to vector<16xi32>
          %mul3A_326 = arith.mulf %get3A_171, %select_n3A_312 : vector<16xf32>
          tpu.vector_store_idx %arg12[%add3A_314, %broadcast_in_dim3A_325], %mul3A_326 : memref<512x16xf32, #tpu.memory_space<vmem>>[vector<16xi32>, vector<16xi32>], vector<16xf32>,
          %broadcast_in_dim3A_327 = arith.constant 4 : i32
          %broadcast_in_dim3A_328 = vector.broadcast %broadcast_in_dim3A_327 : i32 to vector<16xi32>
          %mul3A_329 = arith.mulf %get3A_177, %select_n3A_312 : vector<16xf32>
          tpu.vector_store_idx %arg12[%add3A_314, %broadcast_in_dim3A_328], %mul3A_329 : memref<512x16xf32, #tpu.memory_space<vmem>>[vector<16xi32>, vector<16xi32>], vector<16xf32>,
          %broadcast_in_dim3A_330 = arith.constant 5 : i32
          %broadcast_in_dim3A_331 = vector.broadcast %broadcast_in_dim3A_330 : i32 to vector<16xi32>
          %mul3A_332 = arith.mulf %get3A_183, %select_n3A_312 : vector<16xf32>
          tpu.vector_store_idx %arg12[%add3A_314, %broadcast_in_dim3A_331], %mul3A_332 : memref<512x16xf32, #tpu.memory_space<vmem>>[vector<16xi32>, vector<16xi32>], vector<16xf32>,
          %broadcast_in_dim3A_333 = arith.constant 6 : i32
          %broadcast_in_dim3A_334 = vector.broadcast %broadcast_in_dim3A_333 : i32 to vector<16xi32>
          %mul3A_335 = arith.mulf %get3A_189, %select_n3A_312 : vector<16xf32>
          tpu.vector_store_idx %arg12[%add3A_314, %broadcast_in_dim3A_334], %mul3A_335 : memref<512x16xf32, #tpu.memory_space<vmem>>[vector<16xi32>, vector<16xi32>], vector<16xf32>,
          %broadcast_in_dim3A_336 = arith.constant 7 : i32
          %broadcast_in_dim3A_337 = vector.broadcast %broadcast_in_dim3A_336 : i32 to vector<16xi32>
          %mul3A_338 = arith.mulf %get3A_195, %select_n3A_312 : vector<16xf32>
          tpu.vector_store_idx %arg12[%add3A_314, %broadcast_in_dim3A_337], %mul3A_338 : memref<512x16xf32, #tpu.memory_space<vmem>>[vector<16xi32>, vector<16xi32>], vector<16xf32>,
          %broadcast_in_dim3A_339 = arith.constant 8 : i32
          %broadcast_in_dim3A_340 = vector.broadcast %broadcast_in_dim3A_339 : i32 to vector<16xi32>
          %mul3A_341 = arith.mulf %get3A_201, %select_n3A_312 : vector<16xf32>
          tpu.vector_store_idx %arg12[%add3A_314, %broadcast_in_dim3A_340], %mul3A_341 : memref<512x16xf32, #tpu.memory_space<vmem>>[vector<16xi32>, vector<16xi32>], vector<16xf32>,
          %broadcast_in_dim3A_342 = arith.constant 9 : i32
          %broadcast_in_dim3A_343 = vector.broadcast %broadcast_in_dim3A_342 : i32 to vector<16xi32>
          %mul3A_344 = arith.mulf %get3A_207, %select_n3A_312 : vector<16xf32>
          tpu.vector_store_idx %arg12[%add3A_314, %broadcast_in_dim3A_343], %mul3A_344 : memref<512x16xf32, #tpu.memory_space<vmem>>[vector<16xi32>, vector<16xi32>], vector<16xf32>,
          %broadcast_in_dim3A_345 = arith.constant 10 : i32
          %broadcast_in_dim3A_346 = vector.broadcast %broadcast_in_dim3A_345 : i32 to vector<16xi32>
          %mul3A_347 = arith.mulf %get3A_213, %select_n3A_312 : vector<16xf32>
          tpu.vector_store_idx %arg12[%add3A_314, %broadcast_in_dim3A_346], %mul3A_347 : memref<512x16xf32, #tpu.memory_space<vmem>>[vector<16xi32>, vector<16xi32>], vector<16xf32>,
          %broadcast_in_dim3A_348 = arith.constant 11 : i32
          %broadcast_in_dim3A_349 = vector.broadcast %broadcast_in_dim3A_348 : i32 to vector<16xi32>
          %mul3A_350 = arith.mulf %get3A_219, %select_n3A_312 : vector<16xf32>
          tpu.vector_store_idx %arg12[%add3A_314, %broadcast_in_dim3A_349], %mul3A_350 : memref<512x16xf32, #tpu.memory_space<vmem>>[vector<16xi32>, vector<16xi32>], vector<16xf32>,
          %broadcast_in_dim3A_351 = arith.constant 12 : i32
          %broadcast_in_dim3A_352 = vector.broadcast %broadcast_in_dim3A_351 : i32 to vector<16xi32>
          %mul3A_353 = arith.mulf %get3A_225, %select_n3A_312 : vector<16xf32>
          tpu.vector_store_idx %arg12[%add3A_314, %broadcast_in_dim3A_352], %mul3A_353 : memref<512x16xf32, #tpu.memory_space<vmem>>[vector<16xi32>, vector<16xi32>], vector<16xf32>,
          %broadcast_in_dim3A_354 = arith.constant 13 : i32
          %broadcast_in_dim3A_355 = vector.broadcast %broadcast_in_dim3A_354 : i32 to vector<16xi32>
          %mul3A_356 = arith.mulf %get3A_231, %select_n3A_312 : vector<16xf32>
          tpu.vector_store_idx %arg12[%add3A_314, %broadcast_in_dim3A_355], %mul3A_356 : memref<512x16xf32, #tpu.memory_space<vmem>>[vector<16xi32>, vector<16xi32>], vector<16xf32>,
          %broadcast_in_dim3A_357 = arith.constant 14 : i32
          %broadcast_in_dim3A_358 = vector.broadcast %broadcast_in_dim3A_357 : i32 to vector<16xi32>
          %mul3A_359 = arith.mulf %get3A_237, %select_n3A_312 : vector<16xf32>
          tpu.vector_store_idx %arg12[%add3A_314, %broadcast_in_dim3A_358], %mul3A_359 : memref<512x16xf32, #tpu.memory_space<vmem>>[vector<16xi32>, vector<16xi32>], vector<16xf32>,
          %broadcast_in_dim3A_360 = arith.constant 15 : i32
          %broadcast_in_dim3A_361 = vector.broadcast %broadcast_in_dim3A_360 : i32 to vector<16xi32>
          %mul3A_362 = arith.mulf %get3A_243, %select_n3A_312 : vector<16xf32>
          tpu.vector_store_idx %arg12[%add3A_314, %broadcast_in_dim3A_361], %mul3A_362 : memref<512x16xf32, #tpu.memory_space<vmem>>[vector<16xi32>, vector<16xi32>], vector<16xf32>,
        }
        %scan3A_113 = arith.constant 32 : i32
        %scan3A_114 = arith.constant 0 : i32
        %scan3A_115 = arith.constant 0 : i32
        %scan3A_116 = arith.constant 8 : i32
        %scan3A_117 = arith.addi %scan3A_115, %scan3A_116 : i32
        %scan3A_118 = arith.constant 1 : i32
        scf.for %scan3A_145 = %scan3A_115 to %scan3A_117 step %scan3A_118  : i32 {
          %mul3A_146 = arith.constant 16 : i32
          %mul3A_147 = arith.muli %scan3A_145, %mul3A_146 : i32
          %add3A_148 = arith.constant 0 : i32
          %add3A_149 = arith.addi %add3A_148, %mul3A_147 : i32
          %get3A_150 = arith.index_cast %add3A_149 : i32 to index
          %get3A_151 = tpu.vector_load %arg13[%get3A_150] {strides = array<i32>} : memref<512xi32, #tpu.memory_space<vmem>>, vector<16xi32>,
          %sub3A_152 = vector.broadcast %multiple_of3A_50 : i32 to vector<16xi32>
          %sub3A_153 = arith.subi %get3A_151, %sub3A_152 : vector<16xi32>
          %max3A = arith.constant -1 : i32
          %max3A_154 = vector.broadcast %max3A : i32 to vector<16xi32>
          %max3A_155 = arith.maxsi %sub3A_153, %max3A_154 : vector<16xi32>
          %min3A_156 = arith.constant 1000 : i32
          %min3A_157 = vector.broadcast %min3A_156 : i32 to vector<16xi32>
          %min3A_158 = arith.minsi %max3A_155, %min3A_157 : vector<16xi32>
          %lt3A = arith.constant 0 : i32
          %lt3A_159 = vector.broadcast %lt3A : i32 to vector<16xi32>
          %lt3A_160 = arith.cmpi slt, %min3A_158, %lt3A_159 : vector<16xi32>
          %jit3A_161 = arith.constant 1000 : i32
          %broadcast_in_dim3A_162 = vector.broadcast %jit3A_161 : i32 to vector<16xi32>
          %select_n3A_163 = arith.select %lt3A_160, %broadcast_in_dim3A_162, %min3A_158 : vector<16xi1>, vector<16xi32>
          %add3A_164 = vector.broadcast %add3A_149 : i32 to vector<16xi32>
          %add3A_165 = arith.addi %iota3A, %add3A_164 : vector<16xi32>
          %lt3A_166 = vector.broadcast %sub3A_107 : i32 to vector<16xi32>
          %lt3A_167 = arith.cmpi slt, %add3A_165, %lt3A_166 : vector<16xi32>
          %jit3A_168 = arith.constant 1000 : i32
          %broadcast_in_dim3A_169 = vector.broadcast %jit3A_168 : i32 to vector<16xi32>
          %select_n3A_170 = arith.select %lt3A_167, %broadcast_in_dim3A_169, %select_n3A_163 : vector<16xi1>, vector<16xi32>
          %add3A_171 = vector.broadcast %multiple_of3A : i32 to vector<16xi32>
          %add3A_172 = arith.addi %select_n3A_170, %add3A_171 : vector<16xi32>
          %mul3A_173 = arith.constant 16 : i32
          %mul3A_174 = arith.muli %scan3A_145, %mul3A_173 : i32
          %swap3A = arith.constant 0 : i32
          %swap3A_175 = arith.constant 0 : i32
          %swap3A_176 = tpu.memref_slice %arg14[%swap3A, %swap3A_175] : memref<4x128xi32, #tpu.memory_space<vmem>> -> memref<1x128xi32, #tpu.memory_space<vmem>>
          %swap3A_177 = tpu.memref_squeeze %swap3A_176 : memref<1x128xi32, #tpu.memory_space<vmem>> -> memref<128xi32, #tpu.memory_space<vmem>>
          %swap3A_178 = arith.index_cast %mul3A_174 : i32 to index
          %swap3A_179 = tpu.vector_load %swap3A_177[%swap3A_178] {strides = array<i32>} : memref<128xi32, #tpu.memory_space<vmem>>, vector<16xi32>,
          tpu.vector_store %swap3A_177[%swap3A_178], %add3A_172 {strides = array<i32>} : memref<128xi32, #tpu.memory_space<vmem>>, vector<16xi32>,
        }
        %scan3A_119 = arith.constant 8 : i32
        %run_scoped3A = arith.constant 0 : i32
        "tpu.region"() ({
          %run_scoped3A_145 = tpu.sem_alloc : memref<!tpu.dma_semaphore, #tpu.memory_space<semaphore_mem>>
          %dma_start3A = arith.constant 0 : i32
          %dma_start3A_146 = arith.constant 0 : i32
          %dma_start3A_147 = tpu.memref_slice %arg12[%dma_start3A, %dma_start3A_146] : memref<512x16xf32, #tpu.memory_space<vmem>> -> memref<128x16xf32, #tpu.memory_space<vmem>>
          %dma_start3A_148 = arith.constant 0 : i32
          %dma_start3A_149 = tpu.memref_slice %arg14[%run_scoped3A, %dma_start3A_148] : memref<4x128xi32, #tpu.memory_space<vmem>> -> memref<1x128xi32, #tpu.memory_space<vmem>>
          %dma_start3A_150 = tpu.memref_squeeze %dma_start3A_149 : memref<1x128xi32, #tpu.memory_space<vmem>> -> memref<128xi32, #tpu.memory_space<vmem>>
          %dma_start3A_151 = arith.constant 0 : i32
          %dma_start3A_152 = arith.constant 0 : i32
          %dma_start3A_153 = tpu.memref_slice %arg6[%dma_start3A_151, %dma_start3A_152] : memref<16128x16xf32, #tpu.memory_space<vmem_shared>> -> memref<16128x16xf32, #tpu.memory_space<vmem_shared>>
          tpu.enqueue_indirect_dma source(%dma_start3A_147 : memref<128x16xf32, #tpu.memory_space<vmem>>) target(%dma_start3A_153 : memref<16128x16xf32, #tpu.memory_space<vmem_shared>>) offsets(%dma_start3A_150 : memref<128xi32, #tpu.memory_space<vmem>>) semaphore(%run_scoped3A_145 : memref<!tpu.dma_semaphore, #tpu.memory_space<semaphore_mem>>) {add = true}
          %dma_wait3A = arith.constant 0 : i32
          %dma_wait3A_154 = arith.constant 0 : i32
          %dma_wait3A_155 = tpu.memref_slice %arg12[%dma_wait3A, %dma_wait3A_154] : memref<512x16xf32, #tpu.memory_space<vmem>> -> memref<128x16xf32, #tpu.memory_space<vmem>>
          %dma_wait3A_156 = arith.constant 0 : i32
          %dma_wait3A_157 = tpu.memref_slice %arg14[%run_scoped3A, %dma_wait3A_156] : memref<4x128xi32, #tpu.memory_space<vmem>> -> memref<1x128xi32, #tpu.memory_space<vmem>>
          %dma_wait3A_158 = tpu.memref_squeeze %dma_wait3A_157 : memref<1x128xi32, #tpu.memory_space<vmem>> -> memref<128xi32, #tpu.memory_space<vmem>>
          %dma_wait3A_159 = arith.constant 0 : i32
          %dma_wait3A_160 = arith.constant 0 : i32
          %dma_wait3A_161 = tpu.memref_slice %arg6[%dma_wait3A_159, %dma_wait3A_160] : memref<16128x16xf32, #tpu.memory_space<vmem_shared>> -> memref<16128x16xf32, #tpu.memory_space<vmem_shared>>
          tpu.wait_indirect_dma semaphore(%run_scoped3A_145 : memref<!tpu.dma_semaphore, #tpu.memory_space<semaphore_mem>>) src(%dma_wait3A_155 : memref<128x16xf32, #tpu.memory_space<vmem>>) dst(%dma_wait3A_161 : memref<16128x16xf32, #tpu.memory_space<vmem_shared>>)
          tpu.yield
        }) : () -> ()
        %run_scoped3A_120 = arith.constant 0 : i32
        "tpu.region"() ({
          %run_scoped3A_145 = tpu.sem_alloc : memref<!tpu.dma_semaphore, #tpu.memory_space<semaphore_mem>>
          %dma_start3A = arith.constant 0 : i32
          %dma_start3A_146 = tpu.memref_slice %arg14[%run_scoped3A_120, %dma_start3A] : memref<4x128xi32, #tpu.memory_space<vmem>> -> memref<1x128xi32, #tpu.memory_space<vmem>>
          %dma_start3A_147 = tpu.memref_squeeze %dma_start3A_146 : memref<1x128xi32, #tpu.memory_space<vmem>> -> memref<128xi32, #tpu.memory_space<vmem>>
          %dma_start3A_148 = arith.constant 0 : i32
          %dma_start3A_149 = arith.constant 0 : i32
          %dma_start3A_150 = tpu.memref_slice %arg7[%dma_start3A_148, %dma_start3A_149] : memref<16128x16xf32, #tpu.memory_space<vmem_shared>> -> memref<16128x16xf32, #tpu.memory_space<vmem_shared>>
          tpu.enqueue_indirect_dma source(%arg15 : memref<128x16xf32, #tpu.memory_space<vmem>>) target(%dma_start3A_150 : memref<16128x16xf32, #tpu.memory_space<vmem_shared>>) offsets(%dma_start3A_147 : memref<128xi32, #tpu.memory_space<vmem>>) semaphore(%run_scoped3A_145 : memref<!tpu.dma_semaphore, #tpu.memory_space<semaphore_mem>>) {add = true}
          %dma_wait3A = arith.constant 0 : i32
          %dma_wait3A_151 = tpu.memref_slice %arg14[%run_scoped3A_120, %dma_wait3A] : memref<4x128xi32, #tpu.memory_space<vmem>> -> memref<1x128xi32, #tpu.memory_space<vmem>>
          %dma_wait3A_152 = tpu.memref_squeeze %dma_wait3A_151 : memref<1x128xi32, #tpu.memory_space<vmem>> -> memref<128xi32, #tpu.memory_space<vmem>>
          %dma_wait3A_153 = arith.constant 0 : i32
          %dma_wait3A_154 = arith.constant 0 : i32
          %dma_wait3A_155 = tpu.memref_slice %arg7[%dma_wait3A_153, %dma_wait3A_154] : memref<16128x16xf32, #tpu.memory_space<vmem_shared>> -> memref<16128x16xf32, #tpu.memory_space<vmem_shared>>
          tpu.wait_indirect_dma semaphore(%run_scoped3A_145 : memref<!tpu.dma_semaphore, #tpu.memory_space<semaphore_mem>>) src(%arg15 : memref<128x16xf32, #tpu.memory_space<vmem>>) dst(%dma_wait3A_155 : memref<16128x16xf32, #tpu.memory_space<vmem_shared>>)
          tpu.yield
        }) : () -> ()
        %scan3A_121 = arith.constant 0 : i32
        %scan3A_122 = arith.constant 0 : i32
        %scan3A_123 = arith.constant 8 : i32
        %scan3A_124 = arith.addi %scan3A_122, %scan3A_123 : i32
        %scan3A_125 = arith.constant 1 : i32
        scf.for %scan3A_145 = %scan3A_122 to %scan3A_124 step %scan3A_125  : i32 {
          %mul3A_146 = arith.constant 16 : i32
          %mul3A_147 = arith.muli %scan3A_145, %mul3A_146 : i32
          %add3A_148 = arith.constant 128 : i32
          %add3A_149 = arith.addi %add3A_148, %mul3A_147 : i32
          %get3A_150 = arith.index_cast %add3A_149 : i32 to index
          %get3A_151 = tpu.vector_load %arg13[%get3A_150] {strides = array<i32>} : memref<512xi32, #tpu.memory_space<vmem>>, vector<16xi32>,
          %sub3A_152 = vector.broadcast %multiple_of3A_50 : i32 to vector<16xi32>
          %sub3A_153 = arith.subi %get3A_151, %sub3A_152 : vector<16xi32>
          %max3A = arith.constant -1 : i32
          %max3A_154 = vector.broadcast %max3A : i32 to vector<16xi32>
          %max3A_155 = arith.maxsi %sub3A_153, %max3A_154 : vector<16xi32>
          %min3A_156 = arith.constant 1000 : i32
          %min3A_157 = vector.broadcast %min3A_156 : i32 to vector<16xi32>
          %min3A_158 = arith.minsi %max3A_155, %min3A_157 : vector<16xi32>
          %lt3A = arith.constant 0 : i32
          %lt3A_159 = vector.broadcast %lt3A : i32 to vector<16xi32>
          %lt3A_160 = arith.cmpi slt, %min3A_158, %lt3A_159 : vector<16xi32>
          %jit3A_161 = arith.constant 1000 : i32
          %broadcast_in_dim3A_162 = vector.broadcast %jit3A_161 : i32 to vector<16xi32>
          %select_n3A_163 = arith.select %lt3A_160, %broadcast_in_dim3A_162, %min3A_158 : vector<16xi1>, vector<16xi32>
          %add3A_164 = vector.broadcast %add3A_149 : i32 to vector<16xi32>
          %add3A_165 = arith.addi %iota3A, %add3A_164 : vector<16xi32>
          %lt3A_166 = vector.broadcast %sub3A_107 : i32 to vector<16xi32>
          %lt3A_167 = arith.cmpi slt, %add3A_165, %lt3A_166 : vector<16xi32>
          %jit3A_168 = arith.constant 1000 : i32
          %broadcast_in_dim3A_169 = vector.broadcast %jit3A_168 : i32 to vector<16xi32>
          %select_n3A_170 = arith.select %lt3A_167, %broadcast_in_dim3A_169, %select_n3A_163 : vector<16xi1>, vector<16xi32>
          %add3A_171 = vector.broadcast %multiple_of3A : i32 to vector<16xi32>
          %add3A_172 = arith.addi %select_n3A_170, %add3A_171 : vector<16xi32>
          %mul3A_173 = arith.constant 16 : i32
          %mul3A_174 = arith.muli %scan3A_145, %mul3A_173 : i32
          %swap3A = arith.constant 1 : i32
          %swap3A_175 = arith.constant 0 : i32
          %swap3A_176 = tpu.memref_slice %arg14[%swap3A, %swap3A_175] : memref<4x128xi32, #tpu.memory_space<vmem>> -> memref<1x128xi32, #tpu.memory_space<vmem>>
          %swap3A_177 = tpu.memref_squeeze %swap3A_176 : memref<1x128xi32, #tpu.memory_space<vmem>> -> memref<128xi32, #tpu.memory_space<vmem>>
          %swap3A_178 = arith.index_cast %mul3A_174 : i32 to index
          %swap3A_179 = tpu.vector_load %swap3A_177[%swap3A_178] {strides = array<i32>} : memref<128xi32, #tpu.memory_space<vmem>>, vector<16xi32>,
          tpu.vector_store %swap3A_177[%swap3A_178], %add3A_172 {strides = array<i32>} : memref<128xi32, #tpu.memory_space<vmem>>, vector<16xi32>,
        }
        %scan3A_126 = arith.constant 8 : i32
        %run_scoped3A_127 = arith.constant 1 : i32
        "tpu.region"() ({
          %run_scoped3A_145 = tpu.sem_alloc : memref<!tpu.dma_semaphore, #tpu.memory_space<semaphore_mem>>
          %dma_start3A = arith.constant 128 : i32
          %dma_start3A_146 = arith.constant 0 : i32
          %dma_start3A_147 = tpu.memref_slice %arg12[%dma_start3A, %dma_start3A_146] : memref<512x16xf32, #tpu.memory_space<vmem>> -> memref<128x16xf32, #tpu.memory_space<vmem>>
          %dma_start3A_148 = arith.constant 0 : i32
          %dma_start3A_149 = tpu.memref_slice %arg14[%run_scoped3A_127, %dma_start3A_148] : memref<4x128xi32, #tpu.memory_space<vmem>> -> memref<1x128xi32, #tpu.memory_space<vmem>>
          %dma_start3A_150 = tpu.memref_squeeze %dma_start3A_149 : memref<1x128xi32, #tpu.memory_space<vmem>> -> memref<128xi32, #tpu.memory_space<vmem>>
          %dma_start3A_151 = arith.constant 0 : i32
          %dma_start3A_152 = arith.constant 0 : i32
          %dma_start3A_153 = tpu.memref_slice %arg6[%dma_start3A_151, %dma_start3A_152] : memref<16128x16xf32, #tpu.memory_space<vmem_shared>> -> memref<16128x16xf32, #tpu.memory_space<vmem_shared>>
          tpu.enqueue_indirect_dma source(%dma_start3A_147 : memref<128x16xf32, #tpu.memory_space<vmem>>) target(%dma_start3A_153 : memref<16128x16xf32, #tpu.memory_space<vmem_shared>>) offsets(%dma_start3A_150 : memref<128xi32, #tpu.memory_space<vmem>>) semaphore(%run_scoped3A_145 : memref<!tpu.dma_semaphore, #tpu.memory_space<semaphore_mem>>) {add = true}
          %dma_wait3A = arith.constant 128 : i32
          %dma_wait3A_154 = arith.constant 0 : i32
          %dma_wait3A_155 = tpu.memref_slice %arg12[%dma_wait3A, %dma_wait3A_154] : memref<512x16xf32, #tpu.memory_space<vmem>> -> memref<128x16xf32, #tpu.memory_space<vmem>>
          %dma_wait3A_156 = arith.constant 0 : i32
          %dma_wait3A_157 = tpu.memref_slice %arg14[%run_scoped3A_127, %dma_wait3A_156] : memref<4x128xi32, #tpu.memory_space<vmem>> -> memref<1x128xi32, #tpu.memory_space<vmem>>
          %dma_wait3A_158 = tpu.memref_squeeze %dma_wait3A_157 : memref<1x128xi32, #tpu.memory_space<vmem>> -> memref<128xi32, #tpu.memory_space<vmem>>
          %dma_wait3A_159 = arith.constant 0 : i32
          %dma_wait3A_160 = arith.constant 0 : i32
          %dma_wait3A_161 = tpu.memref_slice %arg6[%dma_wait3A_159, %dma_wait3A_160] : memref<16128x16xf32, #tpu.memory_space<vmem_shared>> -> memref<16128x16xf32, #tpu.memory_space<vmem_shared>>
          tpu.wait_indirect_dma semaphore(%run_scoped3A_145 : memref<!tpu.dma_semaphore, #tpu.memory_space<semaphore_mem>>) src(%dma_wait3A_155 : memref<128x16xf32, #tpu.memory_space<vmem>>) dst(%dma_wait3A_161 : memref<16128x16xf32, #tpu.memory_space<vmem_shared>>)
          tpu.yield
        }) : () -> ()
        %run_scoped3A_128 = arith.constant 1 : i32
        "tpu.region"() ({
          %run_scoped3A_145 = tpu.sem_alloc : memref<!tpu.dma_semaphore, #tpu.memory_space<semaphore_mem>>
          %dma_start3A = arith.constant 0 : i32
          %dma_start3A_146 = tpu.memref_slice %arg14[%run_scoped3A_128, %dma_start3A] : memref<4x128xi32, #tpu.memory_space<vmem>> -> memref<1x128xi32, #tpu.memory_space<vmem>>
          %dma_start3A_147 = tpu.memref_squeeze %dma_start3A_146 : memref<1x128xi32, #tpu.memory_space<vmem>> -> memref<128xi32, #tpu.memory_space<vmem>>
          %dma_start3A_148 = arith.constant 0 : i32
          %dma_start3A_149 = arith.constant 0 : i32
          %dma_start3A_150 = tpu.memref_slice %arg7[%dma_start3A_148, %dma_start3A_149] : memref<16128x16xf32, #tpu.memory_space<vmem_shared>> -> memref<16128x16xf32, #tpu.memory_space<vmem_shared>>
          tpu.enqueue_indirect_dma source(%arg15 : memref<128x16xf32, #tpu.memory_space<vmem>>) target(%dma_start3A_150 : memref<16128x16xf32, #tpu.memory_space<vmem_shared>>) offsets(%dma_start3A_147 : memref<128xi32, #tpu.memory_space<vmem>>) semaphore(%run_scoped3A_145 : memref<!tpu.dma_semaphore, #tpu.memory_space<semaphore_mem>>) {add = true}
          %dma_wait3A = arith.constant 0 : i32
          %dma_wait3A_151 = tpu.memref_slice %arg14[%run_scoped3A_128, %dma_wait3A] : memref<4x128xi32, #tpu.memory_space<vmem>> -> memref<1x128xi32, #tpu.memory_space<vmem>>
          %dma_wait3A_152 = tpu.memref_squeeze %dma_wait3A_151 : memref<1x128xi32, #tpu.memory_space<vmem>> -> memref<128xi32, #tpu.memory_space<vmem>>
          %dma_wait3A_153 = arith.constant 0 : i32
          %dma_wait3A_154 = arith.constant 0 : i32
          %dma_wait3A_155 = tpu.memref_slice %arg7[%dma_wait3A_153, %dma_wait3A_154] : memref<16128x16xf32, #tpu.memory_space<vmem_shared>> -> memref<16128x16xf32, #tpu.memory_space<vmem_shared>>
          tpu.wait_indirect_dma semaphore(%run_scoped3A_145 : memref<!tpu.dma_semaphore, #tpu.memory_space<semaphore_mem>>) src(%arg15 : memref<128x16xf32, #tpu.memory_space<vmem>>) dst(%dma_wait3A_155 : memref<16128x16xf32, #tpu.memory_space<vmem_shared>>)
          tpu.yield
        }) : () -> ()
        %scan3A_129 = arith.constant 0 : i32
        %scan3A_130 = arith.constant 0 : i32
        %scan3A_131 = arith.constant 8 : i32
        %scan3A_132 = arith.addi %scan3A_130, %scan3A_131 : i32
        %scan3A_133 = arith.constant 1 : i32
        scf.for %scan3A_145 = %scan3A_130 to %scan3A_132 step %scan3A_133  : i32 {
          %mul3A_146 = arith.constant 16 : i32
          %mul3A_147 = arith.muli %scan3A_145, %mul3A_146 : i32
          %add3A_148 = arith.constant 256 : i32
          %add3A_149 = arith.addi %add3A_148, %mul3A_147 : i32
          %get3A_150 = arith.index_cast %add3A_149 : i32 to index
          %get3A_151 = tpu.vector_load %arg13[%get3A_150] {strides = array<i32>} : memref<512xi32, #tpu.memory_space<vmem>>, vector<16xi32>,
          %sub3A_152 = vector.broadcast %multiple_of3A_50 : i32 to vector<16xi32>
          %sub3A_153 = arith.subi %get3A_151, %sub3A_152 : vector<16xi32>
          %max3A = arith.constant -1 : i32
          %max3A_154 = vector.broadcast %max3A : i32 to vector<16xi32>
          %max3A_155 = arith.maxsi %sub3A_153, %max3A_154 : vector<16xi32>
          %min3A_156 = arith.constant 1000 : i32
          %min3A_157 = vector.broadcast %min3A_156 : i32 to vector<16xi32>
          %min3A_158 = arith.minsi %max3A_155, %min3A_157 : vector<16xi32>
          %lt3A = arith.constant 0 : i32
          %lt3A_159 = vector.broadcast %lt3A : i32 to vector<16xi32>
          %lt3A_160 = arith.cmpi slt, %min3A_158, %lt3A_159 : vector<16xi32>
          %jit3A_161 = arith.constant 1000 : i32
          %broadcast_in_dim3A_162 = vector.broadcast %jit3A_161 : i32 to vector<16xi32>
          %select_n3A_163 = arith.select %lt3A_160, %broadcast_in_dim3A_162, %min3A_158 : vector<16xi1>, vector<16xi32>
          %add3A_164 = vector.broadcast %add3A_149 : i32 to vector<16xi32>
          %add3A_165 = arith.addi %iota3A, %add3A_164 : vector<16xi32>
          %lt3A_166 = vector.broadcast %sub3A_107 : i32 to vector<16xi32>
          %lt3A_167 = arith.cmpi slt, %add3A_165, %lt3A_166 : vector<16xi32>
          %jit3A_168 = arith.constant 1000 : i32
          %broadcast_in_dim3A_169 = vector.broadcast %jit3A_168 : i32 to vector<16xi32>
          %select_n3A_170 = arith.select %lt3A_167, %broadcast_in_dim3A_169, %select_n3A_163 : vector<16xi1>, vector<16xi32>
          %add3A_171 = vector.broadcast %multiple_of3A : i32 to vector<16xi32>
          %add3A_172 = arith.addi %select_n3A_170, %add3A_171 : vector<16xi32>
          %mul3A_173 = arith.constant 16 : i32
          %mul3A_174 = arith.muli %scan3A_145, %mul3A_173 : i32
          %swap3A = arith.constant 2 : i32
          %swap3A_175 = arith.constant 0 : i32
          %swap3A_176 = tpu.memref_slice %arg14[%swap3A, %swap3A_175] : memref<4x128xi32, #tpu.memory_space<vmem>> -> memref<1x128xi32, #tpu.memory_space<vmem>>
          %swap3A_177 = tpu.memref_squeeze %swap3A_176 : memref<1x128xi32, #tpu.memory_space<vmem>> -> memref<128xi32, #tpu.memory_space<vmem>>
          %swap3A_178 = arith.index_cast %mul3A_174 : i32 to index
          %swap3A_179 = tpu.vector_load %swap3A_177[%swap3A_178] {strides = array<i32>} : memref<128xi32, #tpu.memory_space<vmem>>, vector<16xi32>,
          tpu.vector_store %swap3A_177[%swap3A_178], %add3A_172 {strides = array<i32>} : memref<128xi32, #tpu.memory_space<vmem>>, vector<16xi32>,
        }
        %scan3A_134 = arith.constant 8 : i32
        %run_scoped3A_135 = arith.constant 2 : i32
        "tpu.region"() ({
          %run_scoped3A_145 = tpu.sem_alloc : memref<!tpu.dma_semaphore, #tpu.memory_space<semaphore_mem>>
          %dma_start3A = arith.constant 256 : i32
          %dma_start3A_146 = arith.constant 0 : i32
          %dma_start3A_147 = tpu.memref_slice %arg12[%dma_start3A, %dma_start3A_146] : memref<512x16xf32, #tpu.memory_space<vmem>> -> memref<128x16xf32, #tpu.memory_space<vmem>>
          %dma_start3A_148 = arith.constant 0 : i32
          %dma_start3A_149 = tpu.memref_slice %arg14[%run_scoped3A_135, %dma_start3A_148] : memref<4x128xi32, #tpu.memory_space<vmem>> -> memref<1x128xi32, #tpu.memory_space<vmem>>
          %dma_start3A_150 = tpu.memref_squeeze %dma_start3A_149 : memref<1x128xi32, #tpu.memory_space<vmem>> -> memref<128xi32, #tpu.memory_space<vmem>>
          %dma_start3A_151 = arith.constant 0 : i32
          %dma_start3A_152 = arith.constant 0 : i32
          %dma_start3A_153 = tpu.memref_slice %arg6[%dma_start3A_151, %dma_start3A_152] : memref<16128x16xf32, #tpu.memory_space<vmem_shared>> -> memref<16128x16xf32, #tpu.memory_space<vmem_shared>>
          tpu.enqueue_indirect_dma source(%dma_start3A_147 : memref<128x16xf32, #tpu.memory_space<vmem>>) target(%dma_start3A_153 : memref<16128x16xf32, #tpu.memory_space<vmem_shared>>) offsets(%dma_start3A_150 : memref<128xi32, #tpu.memory_space<vmem>>) semaphore(%run_scoped3A_145 : memref<!tpu.dma_semaphore, #tpu.memory_space<semaphore_mem>>) {add = true}
          %dma_wait3A = arith.constant 256 : i32
          %dma_wait3A_154 = arith.constant 0 : i32
          %dma_wait3A_155 = tpu.memref_slice %arg12[%dma_wait3A, %dma_wait3A_154] : memref<512x16xf32, #tpu.memory_space<vmem>> -> memref<128x16xf32, #tpu.memory_space<vmem>>
          %dma_wait3A_156 = arith.constant 0 : i32
          %dma_wait3A_157 = tpu.memref_slice %arg14[%run_scoped3A_135, %dma_wait3A_156] : memref<4x128xi32, #tpu.memory_space<vmem>> -> memref<1x128xi32, #tpu.memory_space<vmem>>
          %dma_wait3A_158 = tpu.memref_squeeze %dma_wait3A_157 : memref<1x128xi32, #tpu.memory_space<vmem>> -> memref<128xi32, #tpu.memory_space<vmem>>
          %dma_wait3A_159 = arith.constant 0 : i32
          %dma_wait3A_160 = arith.constant 0 : i32
          %dma_wait3A_161 = tpu.memref_slice %arg6[%dma_wait3A_159, %dma_wait3A_160] : memref<16128x16xf32, #tpu.memory_space<vmem_shared>> -> memref<16128x16xf32, #tpu.memory_space<vmem_shared>>
          tpu.wait_indirect_dma semaphore(%run_scoped3A_145 : memref<!tpu.dma_semaphore, #tpu.memory_space<semaphore_mem>>) src(%dma_wait3A_155 : memref<128x16xf32, #tpu.memory_space<vmem>>) dst(%dma_wait3A_161 : memref<16128x16xf32, #tpu.memory_space<vmem_shared>>)
          tpu.yield
        }) : () -> ()
        %run_scoped3A_136 = arith.constant 2 : i32
        "tpu.region"() ({
          %run_scoped3A_145 = tpu.sem_alloc : memref<!tpu.dma_semaphore, #tpu.memory_space<semaphore_mem>>
          %dma_start3A = arith.constant 0 : i32
          %dma_start3A_146 = tpu.memref_slice %arg14[%run_scoped3A_136, %dma_start3A] : memref<4x128xi32, #tpu.memory_space<vmem>> -> memref<1x128xi32, #tpu.memory_space<vmem>>
          %dma_start3A_147 = tpu.memref_squeeze %dma_start3A_146 : memref<1x128xi32, #tpu.memory_space<vmem>> -> memref<128xi32, #tpu.memory_space<vmem>>
          %dma_start3A_148 = arith.constant 0 : i32
          %dma_start3A_149 = arith.constant 0 : i32
          %dma_start3A_150 = tpu.memref_slice %arg7[%dma_start3A_148, %dma_start3A_149] : memref<16128x16xf32, #tpu.memory_space<vmem_shared>> -> memref<16128x16xf32, #tpu.memory_space<vmem_shared>>
          tpu.enqueue_indirect_dma source(%arg15 : memref<128x16xf32, #tpu.memory_space<vmem>>) target(%dma_start3A_150 : memref<16128x16xf32, #tpu.memory_space<vmem_shared>>) offsets(%dma_start3A_147 : memref<128xi32, #tpu.memory_space<vmem>>) semaphore(%run_scoped3A_145 : memref<!tpu.dma_semaphore, #tpu.memory_space<semaphore_mem>>) {add = true}
          %dma_wait3A = arith.constant 0 : i32
          %dma_wait3A_151 = tpu.memref_slice %arg14[%run_scoped3A_136, %dma_wait3A] : memref<4x128xi32, #tpu.memory_space<vmem>> -> memref<1x128xi32, #tpu.memory_space<vmem>>
          %dma_wait3A_152 = tpu.memref_squeeze %dma_wait3A_151 : memref<1x128xi32, #tpu.memory_space<vmem>> -> memref<128xi32, #tpu.memory_space<vmem>>
          %dma_wait3A_153 = arith.constant 0 : i32
          %dma_wait3A_154 = arith.constant 0 : i32
          %dma_wait3A_155 = tpu.memref_slice %arg7[%dma_wait3A_153, %dma_wait3A_154] : memref<16128x16xf32, #tpu.memory_space<vmem_shared>> -> memref<16128x16xf32, #tpu.memory_space<vmem_shared>>
          tpu.wait_indirect_dma semaphore(%run_scoped3A_145 : memref<!tpu.dma_semaphore, #tpu.memory_space<semaphore_mem>>) src(%arg15 : memref<128x16xf32, #tpu.memory_space<vmem>>) dst(%dma_wait3A_155 : memref<16128x16xf32, #tpu.memory_space<vmem_shared>>)
          tpu.yield
        }) : () -> ()
        %scan3A_137 = arith.constant 0 : i32
        %scan3A_138 = arith.constant 0 : i32
        %scan3A_139 = arith.constant 8 : i32
        %scan3A_140 = arith.addi %scan3A_138, %scan3A_139 : i32
        %scan3A_141 = arith.constant 1 : i32
        scf.for %scan3A_145 = %scan3A_138 to %scan3A_140 step %scan3A_141  : i32 {
          %mul3A_146 = arith.constant 16 : i32
          %mul3A_147 = arith.muli %scan3A_145, %mul3A_146 : i32
          %add3A_148 = arith.constant 384 : i32
          %add3A_149 = arith.addi %add3A_148, %mul3A_147 : i32
          %get3A_150 = arith.index_cast %add3A_149 : i32 to index
          %get3A_151 = tpu.vector_load %arg13[%get3A_150] {strides = array<i32>} : memref<512xi32, #tpu.memory_space<vmem>>, vector<16xi32>,
          %sub3A_152 = vector.broadcast %multiple_of3A_50 : i32 to vector<16xi32>
          %sub3A_153 = arith.subi %get3A_151, %sub3A_152 : vector<16xi32>
          %max3A = arith.constant -1 : i32
          %max3A_154 = vector.broadcast %max3A : i32 to vector<16xi32>
          %max3A_155 = arith.maxsi %sub3A_153, %max3A_154 : vector<16xi32>
          %min3A_156 = arith.constant 1000 : i32
          %min3A_157 = vector.broadcast %min3A_156 : i32 to vector<16xi32>
          %min3A_158 = arith.minsi %max3A_155, %min3A_157 : vector<16xi32>
          %lt3A = arith.constant 0 : i32
          %lt3A_159 = vector.broadcast %lt3A : i32 to vector<16xi32>
          %lt3A_160 = arith.cmpi slt, %min3A_158, %lt3A_159 : vector<16xi32>
          %jit3A_161 = arith.constant 1000 : i32
          %broadcast_in_dim3A_162 = vector.broadcast %jit3A_161 : i32 to vector<16xi32>
          %select_n3A_163 = arith.select %lt3A_160, %broadcast_in_dim3A_162, %min3A_158 : vector<16xi1>, vector<16xi32>
          %add3A_164 = vector.broadcast %add3A_149 : i32 to vector<16xi32>
          %add3A_165 = arith.addi %iota3A, %add3A_164 : vector<16xi32>
          %lt3A_166 = vector.broadcast %sub3A_107 : i32 to vector<16xi32>
          %lt3A_167 = arith.cmpi slt, %add3A_165, %lt3A_166 : vector<16xi32>
          %jit3A_168 = arith.constant 1000 : i32
          %broadcast_in_dim3A_169 = vector.broadcast %jit3A_168 : i32 to vector<16xi32>
          %select_n3A_170 = arith.select %lt3A_167, %broadcast_in_dim3A_169, %select_n3A_163 : vector<16xi1>, vector<16xi32>
          %add3A_171 = vector.broadcast %multiple_of3A : i32 to vector<16xi32>
          %add3A_172 = arith.addi %select_n3A_170, %add3A_171 : vector<16xi32>
          %mul3A_173 = arith.constant 16 : i32
          %mul3A_174 = arith.muli %scan3A_145, %mul3A_173 : i32
          %swap3A = arith.constant 3 : i32
          %swap3A_175 = arith.constant 0 : i32
          %swap3A_176 = tpu.memref_slice %arg14[%swap3A, %swap3A_175] : memref<4x128xi32, #tpu.memory_space<vmem>> -> memref<1x128xi32, #tpu.memory_space<vmem>>
          %swap3A_177 = tpu.memref_squeeze %swap3A_176 : memref<1x128xi32, #tpu.memory_space<vmem>> -> memref<128xi32, #tpu.memory_space<vmem>>
          %swap3A_178 = arith.index_cast %mul3A_174 : i32 to index
          %swap3A_179 = tpu.vector_load %swap3A_177[%swap3A_178] {strides = array<i32>} : memref<128xi32, #tpu.memory_space<vmem>>, vector<16xi32>,
          tpu.vector_store %swap3A_177[%swap3A_178], %add3A_172 {strides = array<i32>} : memref<128xi32, #tpu.memory_space<vmem>>, vector<16xi32>,
        }
        %scan3A_142 = arith.constant 8 : i32
        %run_scoped3A_143 = arith.constant 3 : i32
        "tpu.region"() ({
          %run_scoped3A_145 = tpu.sem_alloc : memref<!tpu.dma_semaphore, #tpu.memory_space<semaphore_mem>>
          %dma_start3A = arith.constant 384 : i32
          %dma_start3A_146 = arith.constant 0 : i32
          %dma_start3A_147 = tpu.memref_slice %arg12[%dma_start3A, %dma_start3A_146] : memref<512x16xf32, #tpu.memory_space<vmem>> -> memref<128x16xf32, #tpu.memory_space<vmem>>
          %dma_start3A_148 = arith.constant 0 : i32
          %dma_start3A_149 = tpu.memref_slice %arg14[%run_scoped3A_143, %dma_start3A_148] : memref<4x128xi32, #tpu.memory_space<vmem>> -> memref<1x128xi32, #tpu.memory_space<vmem>>
          %dma_start3A_150 = tpu.memref_squeeze %dma_start3A_149 : memref<1x128xi32, #tpu.memory_space<vmem>> -> memref<128xi32, #tpu.memory_space<vmem>>
          %dma_start3A_151 = arith.constant 0 : i32
          %dma_start3A_152 = arith.constant 0 : i32
          %dma_start3A_153 = tpu.memref_slice %arg6[%dma_start3A_151, %dma_start3A_152] : memref<16128x16xf32, #tpu.memory_space<vmem_shared>> -> memref<16128x16xf32, #tpu.memory_space<vmem_shared>>
          tpu.enqueue_indirect_dma source(%dma_start3A_147 : memref<128x16xf32, #tpu.memory_space<vmem>>) target(%dma_start3A_153 : memref<16128x16xf32, #tpu.memory_space<vmem_shared>>) offsets(%dma_start3A_150 : memref<128xi32, #tpu.memory_space<vmem>>) semaphore(%run_scoped3A_145 : memref<!tpu.dma_semaphore, #tpu.memory_space<semaphore_mem>>) {add = true}
          %dma_wait3A = arith.constant 384 : i32
          %dma_wait3A_154 = arith.constant 0 : i32
          %dma_wait3A_155 = tpu.memref_slice %arg12[%dma_wait3A, %dma_wait3A_154] : memref<512x16xf32, #tpu.memory_space<vmem>> -> memref<128x16xf32, #tpu.memory_space<vmem>>
          %dma_wait3A_156 = arith.constant 0 : i32
          %dma_wait3A_157 = tpu.memref_slice %arg14[%run_scoped3A_143, %dma_wait3A_156] : memref<4x128xi32, #tpu.memory_space<vmem>> -> memref<1x128xi32, #tpu.memory_space<vmem>>
          %dma_wait3A_158 = tpu.memref_squeeze %dma_wait3A_157 : memref<1x128xi32, #tpu.memory_space<vmem>> -> memref<128xi32, #tpu.memory_space<vmem>>
          %dma_wait3A_159 = arith.constant 0 : i32
          %dma_wait3A_160 = arith.constant 0 : i32
          %dma_wait3A_161 = tpu.memref_slice %arg6[%dma_wait3A_159, %dma_wait3A_160] : memref<16128x16xf32, #tpu.memory_space<vmem_shared>> -> memref<16128x16xf32, #tpu.memory_space<vmem_shared>>
          tpu.wait_indirect_dma semaphore(%run_scoped3A_145 : memref<!tpu.dma_semaphore, #tpu.memory_space<semaphore_mem>>) src(%dma_wait3A_155 : memref<128x16xf32, #tpu.memory_space<vmem>>) dst(%dma_wait3A_161 : memref<16128x16xf32, #tpu.memory_space<vmem_shared>>)
          tpu.yield
        }) : () -> ()
        %run_scoped3A_144 = arith.constant 3 : i32
        "tpu.region"() ({
          %run_scoped3A_145 = tpu.sem_alloc : memref<!tpu.dma_semaphore, #tpu.memory_space<semaphore_mem>>
          %dma_start3A = arith.constant 0 : i32
          %dma_start3A_146 = tpu.memref_slice %arg14[%run_scoped3A_144, %dma_start3A] : memref<4x128xi32, #tpu.memory_space<vmem>> -> memref<1x128xi32, #tpu.memory_space<vmem>>
          %dma_start3A_147 = tpu.memref_squeeze %dma_start3A_146 : memref<1x128xi32, #tpu.memory_space<vmem>> -> memref<128xi32, #tpu.memory_space<vmem>>
          %dma_start3A_148 = arith.constant 0 : i32
          %dma_start3A_149 = arith.constant 0 : i32
          %dma_start3A_150 = tpu.memref_slice %arg7[%dma_start3A_148, %dma_start3A_149] : memref<16128x16xf32, #tpu.memory_space<vmem_shared>> -> memref<16128x16xf32, #tpu.memory_space<vmem_shared>>
          tpu.enqueue_indirect_dma source(%arg15 : memref<128x16xf32, #tpu.memory_space<vmem>>) target(%dma_start3A_150 : memref<16128x16xf32, #tpu.memory_space<vmem_shared>>) offsets(%dma_start3A_147 : memref<128xi32, #tpu.memory_space<vmem>>) semaphore(%run_scoped3A_145 : memref<!tpu.dma_semaphore, #tpu.memory_space<semaphore_mem>>) {add = true}
          %dma_wait3A = arith.constant 0 : i32
          %dma_wait3A_151 = tpu.memref_slice %arg14[%run_scoped3A_144, %dma_wait3A] : memref<4x128xi32, #tpu.memory_space<vmem>> -> memref<1x128xi32, #tpu.memory_space<vmem>>
          %dma_wait3A_152 = tpu.memref_squeeze %dma_wait3A_151 : memref<1x128xi32, #tpu.memory_space<vmem>> -> memref<128xi32, #tpu.memory_space<vmem>>
          %dma_wait3A_153 = arith.constant 0 : i32
          %dma_wait3A_154 = arith.constant 0 : i32
          %dma_wait3A_155 = tpu.memref_slice %arg7[%dma_wait3A_153, %dma_wait3A_154] : memref<16128x16xf32, #tpu.memory_space<vmem_shared>> -> memref<16128x16xf32, #tpu.memory_space<vmem_shared>>
          tpu.wait_indirect_dma semaphore(%run_scoped3A_145 : memref<!tpu.dma_semaphore, #tpu.memory_space<semaphore_mem>>) src(%arg15 : memref<128x16xf32, #tpu.memory_space<vmem>>) dst(%dma_wait3A_155 : memref<16128x16xf32, #tpu.memory_space<vmem_shared>>)
          tpu.yield
        }) : () -> ()
      }
      %while3A_92 = arith.constant 1 : i32
      scf.for %while3A_101 = %while3A_90 to %while3A_86 step %while3A_92  : i32 {
        %mul3A_102 = arith.constant 512 : i32
        %mul3A_103 = arith.muli %while3A_101, %mul3A_102 : i32
        %add3A_104 = arith.addi %and3A_55, %mul3A_103 : i32
        %min3A = arith.constant 818688 : i32
        %min3A_105 = arith.minsi %add3A_104, %min3A : i32
        %multiple_of3A_106 = tpu.assume_multiple %min3A_105, 8 : i32
        %sub3A_107 = arith.subi %add3A_104, %multiple_of3A_106 : i32
        "tpu.region"() ({
          %run_scoped3A_145 = tpu.sem_alloc : memref<!tpu.dma_semaphore, #tpu.memory_space<semaphore_mem>>
          %dma_start3A = arith.constant 0 : i32
          %dma_start3A_146 = tpu.memref_slice %arg2[%dma_start3A, %multiple_of3A_106] : memref<16x819200xf32, #tpu.memory_space<hbm>> -> memref<16x512xf32, #tpu.memory_space<hbm>>
          %dma_start3A_147 = arith.constant 0 : i32
          %dma_start3A_148 = tpu.memref_slice %arg2[%dma_start3A_147, %multiple_of3A_106] : memref<16x819200xf32, #tpu.memory_space<hbm>> -> memref<16x512xf32, #tpu.memory_space<hbm>>
          tpu.enqueue_dma source(%dma_start3A_148 : memref<16x512xf32, #tpu.memory_space<hbm>>) target(%arg11 : memref<16x512xf32, #tpu.memory_space<vmem>>) target_semaphore(%run_scoped3A_145 : memref<!tpu.dma_semaphore, #tpu.memory_space<semaphore_mem>>)
          %dma_wait3A = arith.constant 0 : i32
          %dma_wait3A_149 = tpu.memref_slice %arg2[%dma_wait3A, %multiple_of3A_106] : memref<16x819200xf32, #tpu.memory_space<hbm>> -> memref<16x512xf32, #tpu.memory_space<hbm>>
          %dma_wait3A_150 = arith.constant 0 : i32
          %dma_wait3A_151 = tpu.memref_slice %arg2[%dma_wait3A_150, %multiple_of3A_106] : memref<16x819200xf32, #tpu.memory_space<hbm>> -> memref<16x512xf32, #tpu.memory_space<hbm>>
          tpu.wait_dma2 semaphore(%run_scoped3A_145 : memref<!tpu.dma_semaphore, #tpu.memory_space<semaphore_mem>>) src(%dma_wait3A_151 : memref<16x512xf32, #tpu.memory_space<hbm>>) dst(%arg11 : memref<16x512xf32, #tpu.memory_space<vmem>>)
          tpu.yield
        }) : () -> ()
        "tpu.region"() ({
          %run_scoped3A_145 = tpu.sem_alloc : memref<!tpu.dma_semaphore, #tpu.memory_space<semaphore_mem>>
          %dma_start3A = tpu.memref_slice %arg3[%multiple_of3A_106] : memref<819200xi32, #tpu.memory_space<hbm>> -> memref<512xi32, #tpu.memory_space<hbm>>
          %dma_start3A_146 = tpu.memref_slice %arg3[%multiple_of3A_106] : memref<819200xi32, #tpu.memory_space<hbm>> -> memref<512xi32, #tpu.memory_space<hbm>>
          tpu.enqueue_dma source(%dma_start3A_146 : memref<512xi32, #tpu.memory_space<hbm>>) target(%arg13 : memref<512xi32, #tpu.memory_space<vmem>>) target_semaphore(%run_scoped3A_145 : memref<!tpu.dma_semaphore, #tpu.memory_space<semaphore_mem>>)
          %dma_wait3A = tpu.memref_slice %arg3[%multiple_of3A_106] : memref<819200xi32, #tpu.memory_space<hbm>> -> memref<512xi32, #tpu.memory_space<hbm>>
          %dma_wait3A_147 = tpu.memref_slice %arg3[%multiple_of3A_106] : memref<819200xi32, #tpu.memory_space<hbm>> -> memref<512xi32, #tpu.memory_space<hbm>>
          tpu.wait_dma2 semaphore(%run_scoped3A_145 : memref<!tpu.dma_semaphore, #tpu.memory_space<semaphore_mem>>) src(%dma_wait3A_147 : memref<512xi32, #tpu.memory_space<hbm>>) dst(%arg13 : memref<512xi32, #tpu.memory_space<vmem>>)
          tpu.yield
        }) : () -> ()
        %scan3A_108 = arith.constant 0 : i32
        %scan3A_109 = arith.constant 0 : i32
        %scan3A_110 = arith.constant 32 : i32
        %scan3A_111 = arith.addi %scan3A_109, %scan3A_110 : i32
        %scan3A_112 = arith.constant 1 : i32
        scf.for %scan3A_145 = %scan3A_109 to %scan3A_111 step %scan3A_112  : i32 {
          %mul3A_146 = arith.constant 16 : i32
          %mul3A_147 = arith.muli %scan3A_145, %mul3A_146 : i32
          %get3A_148 = arith.constant 0 : i32
          %get3A_149 = arith.constant 0 : i32
          %get3A_150 = tpu.memref_slice %arg11[%get3A_148, %get3A_149] : memref<16x512xf32, #tpu.memory_space<vmem>> -> memref<1x512xf32, #tpu.memory_space<vmem>>
          %get3A_151 = tpu.memref_squeeze %get3A_150 : memref<1x512xf32, #tpu.memory_space<vmem>> -> memref<512xf32, #tpu.memory_space<vmem>>
          %get3A_152 = arith.index_cast %mul3A_147 : i32 to index
          %get3A_153 = tpu.vector_load %get3A_151[%get3A_152] {strides = array<i32>} : memref<512xf32, #tpu.memory_space<vmem>>, vector<16xf32>,
          %get3A_154 = arith.constant 1 : i32
          %get3A_155 = arith.constant 0 : i32
          %get3A_156 = tpu.memref_slice %arg11[%get3A_154, %get3A_155] : memref<16x512xf32, #tpu.memory_space<vmem>> -> memref<1x512xf32, #tpu.memory_space<vmem>>
          %get3A_157 = tpu.memref_squeeze %get3A_156 : memref<1x512xf32, #tpu.memory_space<vmem>> -> memref<512xf32, #tpu.memory_space<vmem>>
          %get3A_158 = arith.index_cast %mul3A_147 : i32 to index
          %get3A_159 = tpu.vector_load %get3A_157[%get3A_158] {strides = array<i32>} : memref<512xf32, #tpu.memory_space<vmem>>, vector<16xf32>,
          %get3A_160 = arith.constant 2 : i32
          %get3A_161 = arith.constant 0 : i32
          %get3A_162 = tpu.memref_slice %arg11[%get3A_160, %get3A_161] : memref<16x512xf32, #tpu.memory_space<vmem>> -> memref<1x512xf32, #tpu.memory_space<vmem>>
          %get3A_163 = tpu.memref_squeeze %get3A_162 : memref<1x512xf32, #tpu.memory_space<vmem>> -> memref<512xf32, #tpu.memory_space<vmem>>
          %get3A_164 = arith.index_cast %mul3A_147 : i32 to index
          %get3A_165 = tpu.vector_load %get3A_163[%get3A_164] {strides = array<i32>} : memref<512xf32, #tpu.memory_space<vmem>>, vector<16xf32>,
          %get3A_166 = arith.constant 3 : i32
          %get3A_167 = arith.constant 0 : i32
          %get3A_168 = tpu.memref_slice %arg11[%get3A_166, %get3A_167] : memref<16x512xf32, #tpu.memory_space<vmem>> -> memref<1x512xf32, #tpu.memory_space<vmem>>
          %get3A_169 = tpu.memref_squeeze %get3A_168 : memref<1x512xf32, #tpu.memory_space<vmem>> -> memref<512xf32, #tpu.memory_space<vmem>>
          %get3A_170 = arith.index_cast %mul3A_147 : i32 to index
          %get3A_171 = tpu.vector_load %get3A_169[%get3A_170] {strides = array<i32>} : memref<512xf32, #tpu.memory_space<vmem>>, vector<16xf32>,
          %get3A_172 = arith.constant 4 : i32
          %get3A_173 = arith.constant 0 : i32
          %get3A_174 = tpu.memref_slice %arg11[%get3A_172, %get3A_173] : memref<16x512xf32, #tpu.memory_space<vmem>> -> memref<1x512xf32, #tpu.memory_space<vmem>>
          %get3A_175 = tpu.memref_squeeze %get3A_174 : memref<1x512xf32, #tpu.memory_space<vmem>> -> memref<512xf32, #tpu.memory_space<vmem>>
          %get3A_176 = arith.index_cast %mul3A_147 : i32 to index
          %get3A_177 = tpu.vector_load %get3A_175[%get3A_176] {strides = array<i32>} : memref<512xf32, #tpu.memory_space<vmem>>, vector<16xf32>,
          %get3A_178 = arith.constant 5 : i32
          %get3A_179 = arith.constant 0 : i32
          %get3A_180 = tpu.memref_slice %arg11[%get3A_178, %get3A_179] : memref<16x512xf32, #tpu.memory_space<vmem>> -> memref<1x512xf32, #tpu.memory_space<vmem>>
          %get3A_181 = tpu.memref_squeeze %get3A_180 : memref<1x512xf32, #tpu.memory_space<vmem>> -> memref<512xf32, #tpu.memory_space<vmem>>
          %get3A_182 = arith.index_cast %mul3A_147 : i32 to index
          %get3A_183 = tpu.vector_load %get3A_181[%get3A_182] {strides = array<i32>} : memref<512xf32, #tpu.memory_space<vmem>>, vector<16xf32>,
          %get3A_184 = arith.constant 6 : i32
          %get3A_185 = arith.constant 0 : i32
          %get3A_186 = tpu.memref_slice %arg11[%get3A_184, %get3A_185] : memref<16x512xf32, #tpu.memory_space<vmem>> -> memref<1x512xf32, #tpu.memory_space<vmem>>
          %get3A_187 = tpu.memref_squeeze %get3A_186 : memref<1x512xf32, #tpu.memory_space<vmem>> -> memref<512xf32, #tpu.memory_space<vmem>>
          %get3A_188 = arith.index_cast %mul3A_147 : i32 to index
          %get3A_189 = tpu.vector_load %get3A_187[%get3A_188] {strides = array<i32>} : memref<512xf32, #tpu.memory_space<vmem>>, vector<16xf32>,
          %get3A_190 = arith.constant 7 : i32
          %get3A_191 = arith.constant 0 : i32
          %get3A_192 = tpu.memref_slice %arg11[%get3A_190, %get3A_191] : memref<16x512xf32, #tpu.memory_space<vmem>> -> memref<1x512xf32, #tpu.memory_space<vmem>>
          %get3A_193 = tpu.memref_squeeze %get3A_192 : memref<1x512xf32, #tpu.memory_space<vmem>> -> memref<512xf32, #tpu.memory_space<vmem>>
          %get3A_194 = arith.index_cast %mul3A_147 : i32 to index
          %get3A_195 = tpu.vector_load %get3A_193[%get3A_194] {strides = array<i32>} : memref<512xf32, #tpu.memory_space<vmem>>, vector<16xf32>,
          %get3A_196 = arith.constant 8 : i32
          %get3A_197 = arith.constant 0 : i32
          %get3A_198 = tpu.memref_slice %arg11[%get3A_196, %get3A_197] : memref<16x512xf32, #tpu.memory_space<vmem>> -> memref<1x512xf32, #tpu.memory_space<vmem>>
          %get3A_199 = tpu.memref_squeeze %get3A_198 : memref<1x512xf32, #tpu.memory_space<vmem>> -> memref<512xf32, #tpu.memory_space<vmem>>
          %get3A_200 = arith.index_cast %mul3A_147 : i32 to index
          %get3A_201 = tpu.vector_load %get3A_199[%get3A_200] {strides = array<i32>} : memref<512xf32, #tpu.memory_space<vmem>>, vector<16xf32>,
          %get3A_202 = arith.constant 9 : i32
          %get3A_203 = arith.constant 0 : i32
          %get3A_204 = tpu.memref_slice %arg11[%get3A_202, %get3A_203] : memref<16x512xf32, #tpu.memory_space<vmem>> -> memref<1x512xf32, #tpu.memory_space<vmem>>
          %get3A_205 = tpu.memref_squeeze %get3A_204 : memref<1x512xf32, #tpu.memory_space<vmem>> -> memref<512xf32, #tpu.memory_space<vmem>>
          %get3A_206 = arith.index_cast %mul3A_147 : i32 to index
          %get3A_207 = tpu.vector_load %get3A_205[%get3A_206] {strides = array<i32>} : memref<512xf32, #tpu.memory_space<vmem>>, vector<16xf32>,
          %get3A_208 = arith.constant 10 : i32
          %get3A_209 = arith.constant 0 : i32
          %get3A_210 = tpu.memref_slice %arg11[%get3A_208, %get3A_209] : memref<16x512xf32, #tpu.memory_space<vmem>> -> memref<1x512xf32, #tpu.memory_space<vmem>>
          %get3A_211 = tpu.memref_squeeze %get3A_210 : memref<1x512xf32, #tpu.memory_space<vmem>> -> memref<512xf32, #tpu.memory_space<vmem>>
          %get3A_212 = arith.index_cast %mul3A_147 : i32 to index
          %get3A_213 = tpu.vector_load %get3A_211[%get3A_212] {strides = array<i32>} : memref<512xf32, #tpu.memory_space<vmem>>, vector<16xf32>,
          %get3A_214 = arith.constant 11 : i32
          %get3A_215 = arith.constant 0 : i32
          %get3A_216 = tpu.memref_slice %arg11[%get3A_214, %get3A_215] : memref<16x512xf32, #tpu.memory_space<vmem>> -> memref<1x512xf32, #tpu.memory_space<vmem>>
          %get3A_217 = tpu.memref_squeeze %get3A_216 : memref<1x512xf32, #tpu.memory_space<vmem>> -> memref<512xf32, #tpu.memory_space<vmem>>
          %get3A_218 = arith.index_cast %mul3A_147 : i32 to index
          %get3A_219 = tpu.vector_load %get3A_217[%get3A_218] {strides = array<i32>} : memref<512xf32, #tpu.memory_space<vmem>>, vector<16xf32>,
          %get3A_220 = arith.constant 12 : i32
          %get3A_221 = arith.constant 0 : i32
          %get3A_222 = tpu.memref_slice %arg11[%get3A_220, %get3A_221] : memref<16x512xf32, #tpu.memory_space<vmem>> -> memref<1x512xf32, #tpu.memory_space<vmem>>
          %get3A_223 = tpu.memref_squeeze %get3A_222 : memref<1x512xf32, #tpu.memory_space<vmem>> -> memref<512xf32, #tpu.memory_space<vmem>>
          %get3A_224 = arith.index_cast %mul3A_147 : i32 to index
          %get3A_225 = tpu.vector_load %get3A_223[%get3A_224] {strides = array<i32>} : memref<512xf32, #tpu.memory_space<vmem>>, vector<16xf32>,
          %get3A_226 = arith.constant 13 : i32
          %get3A_227 = arith.constant 0 : i32
          %get3A_228 = tpu.memref_slice %arg11[%get3A_226, %get3A_227] : memref<16x512xf32, #tpu.memory_space<vmem>> -> memref<1x512xf32, #tpu.memory_space<vmem>>
          %get3A_229 = tpu.memref_squeeze %get3A_228 : memref<1x512xf32, #tpu.memory_space<vmem>> -> memref<512xf32, #tpu.memory_space<vmem>>
          %get3A_230 = arith.index_cast %mul3A_147 : i32 to index
          %get3A_231 = tpu.vector_load %get3A_229[%get3A_230] {strides = array<i32>} : memref<512xf32, #tpu.memory_space<vmem>>, vector<16xf32>,
          %get3A_232 = arith.constant 14 : i32
          %get3A_233 = arith.constant 0 : i32
          %get3A_234 = tpu.memref_slice %arg11[%get3A_232, %get3A_233] : memref<16x512xf32, #tpu.memory_space<vmem>> -> memref<1x512xf32, #tpu.memory_space<vmem>>
          %get3A_235 = tpu.memref_squeeze %get3A_234 : memref<1x512xf32, #tpu.memory_space<vmem>> -> memref<512xf32, #tpu.memory_space<vmem>>
          %get3A_236 = arith.index_cast %mul3A_147 : i32 to index
          %get3A_237 = tpu.vector_load %get3A_235[%get3A_236] {strides = array<i32>} : memref<512xf32, #tpu.memory_space<vmem>>, vector<16xf32>,
          %get3A_238 = arith.constant 15 : i32
          %get3A_239 = arith.constant 0 : i32
          %get3A_240 = tpu.memref_slice %arg11[%get3A_238, %get3A_239] : memref<16x512xf32, #tpu.memory_space<vmem>> -> memref<1x512xf32, #tpu.memory_space<vmem>>
          %get3A_241 = tpu.memref_squeeze %get3A_240 : memref<1x512xf32, #tpu.memory_space<vmem>> -> memref<512xf32, #tpu.memory_space<vmem>>
          %get3A_242 = arith.index_cast %mul3A_147 : i32 to index
          %get3A_243 = tpu.vector_load %get3A_241[%get3A_242] {strides = array<i32>} : memref<512xf32, #tpu.memory_space<vmem>>, vector<16xf32>,
          %mul3A_244 = arith.mulf %get3A_153, %get3A_153 : vector<16xf32>
          %mul3A_245 = arith.mulf %get3A_159, %get3A_159 : vector<16xf32>
          %add3A_246 = arith.addf %mul3A_244, %mul3A_245 : vector<16xf32>
          %mul3A_247 = arith.mulf %get3A_165, %get3A_165 : vector<16xf32>
          %add3A_248 = arith.addf %add3A_246, %mul3A_247 : vector<16xf32>
          %mul3A_249 = arith.mulf %get3A_171, %get3A_171 : vector<16xf32>
          %add3A_250 = arith.addf %add3A_248, %mul3A_249 : vector<16xf32>
          %mul3A_251 = arith.mulf %get3A_177, %get3A_177 : vector<16xf32>
          %add3A_252 = arith.addf %add3A_250, %mul3A_251 : vector<16xf32>
          %mul3A_253 = arith.mulf %get3A_183, %get3A_183 : vector<16xf32>
          %add3A_254 = arith.addf %add3A_252, %mul3A_253 : vector<16xf32>
          %mul3A_255 = arith.mulf %get3A_189, %get3A_189 : vector<16xf32>
          %add3A_256 = arith.addf %add3A_254, %mul3A_255 : vector<16xf32>
          %mul3A_257 = arith.mulf %get3A_195, %get3A_195 : vector<16xf32>
          %add3A_258 = arith.addf %add3A_256, %mul3A_257 : vector<16xf32>
          %mul3A_259 = arith.mulf %get3A_201, %get3A_201 : vector<16xf32>
          %add3A_260 = arith.addf %add3A_258, %mul3A_259 : vector<16xf32>
          %mul3A_261 = arith.mulf %get3A_207, %get3A_207 : vector<16xf32>
          %add3A_262 = arith.addf %add3A_260, %mul3A_261 : vector<16xf32>
          %mul3A_263 = arith.mulf %get3A_213, %get3A_213 : vector<16xf32>
          %add3A_264 = arith.addf %add3A_262, %mul3A_263 : vector<16xf32>
          %mul3A_265 = arith.mulf %get3A_219, %get3A_219 : vector<16xf32>
          %add3A_266 = arith.addf %add3A_264, %mul3A_265 : vector<16xf32>
          %mul3A_267 = arith.mulf %get3A_225, %get3A_225 : vector<16xf32>
          %add3A_268 = arith.addf %add3A_266, %mul3A_267 : vector<16xf32>
          %mul3A_269 = arith.mulf %get3A_231, %get3A_231 : vector<16xf32>
          %add3A_270 = arith.addf %add3A_268, %mul3A_269 : vector<16xf32>
          %mul3A_271 = arith.mulf %get3A_237, %get3A_237 : vector<16xf32>
          %add3A_272 = arith.addf %add3A_270, %mul3A_271 : vector<16xf32>
          %mul3A_273 = arith.mulf %get3A_243, %get3A_243 : vector<16xf32>
          %add3A_274 = arith.addf %add3A_272, %mul3A_273 : vector<16xf32>
          %bitcast_convert_type3A = tpu.bitcast %add3A_274 : vector<16xf32> -> vector<16xi32>
          %shift_right_arithmetic3A = arith.constant 1 : i32
          %shift_right_arithmetic3A_275 = vector.broadcast %shift_right_arithmetic3A : i32 to vector<16xi32>
          %shift_right_arithmetic3A_276 = arith.shrsi %bitcast_convert_type3A, %shift_right_arithmetic3A_275 : vector<16xi32>
          %sub3A_277 = arith.constant 1597463007 : i32
          %sub3A_278 = vector.broadcast %sub3A_277 : i32 to vector<16xi32>
          %sub3A_279 = arith.subi %sub3A_278, %shift_right_arithmetic3A_276 : vector<16xi32>
          %bitcast_convert_type3A_280 = tpu.bitcast %sub3A_279 : vector<16xi32> -> vector<16xf32>
          %mul3A_281 = arith.constant 5.000000e-01 : f32
          %mul3A_282 = vector.broadcast %mul3A_281 : f32 to vector<16xf32>
          %mul3A_283 = arith.mulf %mul3A_282, %add3A_274 : vector<16xf32>
          %mul3A_284 = arith.mulf %mul3A_283, %bitcast_convert_type3A_280 : vector<16xf32>
          %mul3A_285 = arith.mulf %mul3A_284, %bitcast_convert_type3A_280 : vector<16xf32>
          %sub3A_286 = arith.constant 1.500000e+00 : f32
          %sub3A_287 = vector.broadcast %sub3A_286 : f32 to vector<16xf32>
          %sub3A_288 = arith.subf %sub3A_287, %mul3A_285 : vector<16xf32>
          %mul3A_289 = arith.mulf %bitcast_convert_type3A_280, %sub3A_288 : vector<16xf32>
          %mul3A_290 = arith.constant 5.000000e-01 : f32
          %mul3A_291 = vector.broadcast %mul3A_290 : f32 to vector<16xf32>
          %mul3A_292 = arith.mulf %mul3A_291, %add3A_274 : vector<16xf32>
          %mul3A_293 = arith.mulf %mul3A_292, %mul3A_289 : vector<16xf32>
          %mul3A_294 = arith.mulf %mul3A_293, %mul3A_289 : vector<16xf32>
          %sub3A_295 = arith.constant 1.500000e+00 : f32
          %sub3A_296 = vector.broadcast %sub3A_295 : f32 to vector<16xf32>
          %sub3A_297 = arith.subf %sub3A_296, %mul3A_294 : vector<16xf32>
          %mul3A_298 = arith.mulf %mul3A_289, %sub3A_297 : vector<16xf32>
          %mul3A_299 = arith.constant 5.000000e-01 : f32
          %mul3A_300 = vector.broadcast %mul3A_299 : f32 to vector<16xf32>
          %mul3A_301 = arith.mulf %mul3A_300, %add3A_274 : vector<16xf32>
          %mul3A_302 = arith.mulf %mul3A_301, %mul3A_298 : vector<16xf32>
          %mul3A_303 = arith.mulf %mul3A_302, %mul3A_298 : vector<16xf32>
          %sub3A_304 = arith.constant 1.500000e+00 : f32
          %sub3A_305 = vector.broadcast %sub3A_304 : f32 to vector<16xf32>
          %sub3A_306 = arith.subf %sub3A_305, %mul3A_303 : vector<16xf32>
          %mul3A_307 = arith.mulf %mul3A_298, %sub3A_306 : vector<16xf32>
          %gt3A = arith.constant 1.000000e+00 : f32
          %gt3A_308 = vector.broadcast %gt3A : f32 to vector<16xf32>
          %gt3A_309 = arith.cmpf ogt, %add3A_274, %gt3A_308 : vector<16xf32>
          %jit3A_310 = arith.constant 1.000000e+00 : f32
          %broadcast_in_dim3A_311 = vector.broadcast %jit3A_310 : f32 to vector<16xf32>
          %select_n3A_312 = arith.select %gt3A_309, %mul3A_307, %broadcast_in_dim3A_311 : vector<16xi1>, vector<16xf32>
          %add3A_313 = vector.broadcast %mul3A_147 : i32 to vector<16xi32>
          %add3A_314 = arith.addi %iota3A, %add3A_313 : vector<16xi32>
          %broadcast_in_dim3A_315 = arith.constant 0 : i32
          %broadcast_in_dim3A_316 = vector.broadcast %broadcast_in_dim3A_315 : i32 to vector<16xi32>
          %mul3A_317 = arith.mulf %get3A_153, %select_n3A_312 : vector<16xf32>
          tpu.vector_store_idx %arg12[%add3A_314, %broadcast_in_dim3A_316], %mul3A_317 : memref<512x16xf32, #tpu.memory_space<vmem>>[vector<16xi32>, vector<16xi32>], vector<16xf32>,
          %broadcast_in_dim3A_318 = arith.constant 1 : i32
          %broadcast_in_dim3A_319 = vector.broadcast %broadcast_in_dim3A_318 : i32 to vector<16xi32>
          %mul3A_320 = arith.mulf %get3A_159, %select_n3A_312 : vector<16xf32>
          tpu.vector_store_idx %arg12[%add3A_314, %broadcast_in_dim3A_319], %mul3A_320 : memref<512x16xf32, #tpu.memory_space<vmem>>[vector<16xi32>, vector<16xi32>], vector<16xf32>,
          %broadcast_in_dim3A_321 = arith.constant 2 : i32
          %broadcast_in_dim3A_322 = vector.broadcast %broadcast_in_dim3A_321 : i32 to vector<16xi32>
          %mul3A_323 = arith.mulf %get3A_165, %select_n3A_312 : vector<16xf32>
          tpu.vector_store_idx %arg12[%add3A_314, %broadcast_in_dim3A_322], %mul3A_323 : memref<512x16xf32, #tpu.memory_space<vmem>>[vector<16xi32>, vector<16xi32>], vector<16xf32>,
          %broadcast_in_dim3A_324 = arith.constant 3 : i32
          %broadcast_in_dim3A_325 = vector.broadcast %broadcast_in_dim3A_324 : i32 to vector<16xi32>
          %mul3A_326 = arith.mulf %get3A_171, %select_n3A_312 : vector<16xf32>
          tpu.vector_store_idx %arg12[%add3A_314, %broadcast_in_dim3A_325], %mul3A_326 : memref<512x16xf32, #tpu.memory_space<vmem>>[vector<16xi32>, vector<16xi32>], vector<16xf32>,
          %broadcast_in_dim3A_327 = arith.constant 4 : i32
          %broadcast_in_dim3A_328 = vector.broadcast %broadcast_in_dim3A_327 : i32 to vector<16xi32>
          %mul3A_329 = arith.mulf %get3A_177, %select_n3A_312 : vector<16xf32>
          tpu.vector_store_idx %arg12[%add3A_314, %broadcast_in_dim3A_328], %mul3A_329 : memref<512x16xf32, #tpu.memory_space<vmem>>[vector<16xi32>, vector<16xi32>], vector<16xf32>,
          %broadcast_in_dim3A_330 = arith.constant 5 : i32
          %broadcast_in_dim3A_331 = vector.broadcast %broadcast_in_dim3A_330 : i32 to vector<16xi32>
          %mul3A_332 = arith.mulf %get3A_183, %select_n3A_312 : vector<16xf32>
          tpu.vector_store_idx %arg12[%add3A_314, %broadcast_in_dim3A_331], %mul3A_332 : memref<512x16xf32, #tpu.memory_space<vmem>>[vector<16xi32>, vector<16xi32>], vector<16xf32>,
          %broadcast_in_dim3A_333 = arith.constant 6 : i32
          %broadcast_in_dim3A_334 = vector.broadcast %broadcast_in_dim3A_333 : i32 to vector<16xi32>
          %mul3A_335 = arith.mulf %get3A_189, %select_n3A_312 : vector<16xf32>
          tpu.vector_store_idx %arg12[%add3A_314, %broadcast_in_dim3A_334], %mul3A_335 : memref<512x16xf32, #tpu.memory_space<vmem>>[vector<16xi32>, vector<16xi32>], vector<16xf32>,
          %broadcast_in_dim3A_336 = arith.constant 7 : i32
          %broadcast_in_dim3A_337 = vector.broadcast %broadcast_in_dim3A_336 : i32 to vector<16xi32>
          %mul3A_338 = arith.mulf %get3A_195, %select_n3A_312 : vector<16xf32>
          tpu.vector_store_idx %arg12[%add3A_314, %broadcast_in_dim3A_337], %mul3A_338 : memref<512x16xf32, #tpu.memory_space<vmem>>[vector<16xi32>, vector<16xi32>], vector<16xf32>,
          %broadcast_in_dim3A_339 = arith.constant 8 : i32
          %broadcast_in_dim3A_340 = vector.broadcast %broadcast_in_dim3A_339 : i32 to vector<16xi32>
          %mul3A_341 = arith.mulf %get3A_201, %select_n3A_312 : vector<16xf32>
          tpu.vector_store_idx %arg12[%add3A_314, %broadcast_in_dim3A_340], %mul3A_341 : memref<512x16xf32, #tpu.memory_space<vmem>>[vector<16xi32>, vector<16xi32>], vector<16xf32>,
          %broadcast_in_dim3A_342 = arith.constant 9 : i32
          %broadcast_in_dim3A_343 = vector.broadcast %broadcast_in_dim3A_342 : i32 to vector<16xi32>
          %mul3A_344 = arith.mulf %get3A_207, %select_n3A_312 : vector<16xf32>
          tpu.vector_store_idx %arg12[%add3A_314, %broadcast_in_dim3A_343], %mul3A_344 : memref<512x16xf32, #tpu.memory_space<vmem>>[vector<16xi32>, vector<16xi32>], vector<16xf32>,
          %broadcast_in_dim3A_345 = arith.constant 10 : i32
          %broadcast_in_dim3A_346 = vector.broadcast %broadcast_in_dim3A_345 : i32 to vector<16xi32>
          %mul3A_347 = arith.mulf %get3A_213, %select_n3A_312 : vector<16xf32>
          tpu.vector_store_idx %arg12[%add3A_314, %broadcast_in_dim3A_346], %mul3A_347 : memref<512x16xf32, #tpu.memory_space<vmem>>[vector<16xi32>, vector<16xi32>], vector<16xf32>,
          %broadcast_in_dim3A_348 = arith.constant 11 : i32
          %broadcast_in_dim3A_349 = vector.broadcast %broadcast_in_dim3A_348 : i32 to vector<16xi32>
          %mul3A_350 = arith.mulf %get3A_219, %select_n3A_312 : vector<16xf32>
          tpu.vector_store_idx %arg12[%add3A_314, %broadcast_in_dim3A_349], %mul3A_350 : memref<512x16xf32, #tpu.memory_space<vmem>>[vector<16xi32>, vector<16xi32>], vector<16xf32>,
          %broadcast_in_dim3A_351 = arith.constant 12 : i32
          %broadcast_in_dim3A_352 = vector.broadcast %broadcast_in_dim3A_351 : i32 to vector<16xi32>
          %mul3A_353 = arith.mulf %get3A_225, %select_n3A_312 : vector<16xf32>
          tpu.vector_store_idx %arg12[%add3A_314, %broadcast_in_dim3A_352], %mul3A_353 : memref<512x16xf32, #tpu.memory_space<vmem>>[vector<16xi32>, vector<16xi32>], vector<16xf32>,
          %broadcast_in_dim3A_354 = arith.constant 13 : i32
          %broadcast_in_dim3A_355 = vector.broadcast %broadcast_in_dim3A_354 : i32 to vector<16xi32>
          %mul3A_356 = arith.mulf %get3A_231, %select_n3A_312 : vector<16xf32>
          tpu.vector_store_idx %arg12[%add3A_314, %broadcast_in_dim3A_355], %mul3A_356 : memref<512x16xf32, #tpu.memory_space<vmem>>[vector<16xi32>, vector<16xi32>], vector<16xf32>,
          %broadcast_in_dim3A_357 = arith.constant 14 : i32
          %broadcast_in_dim3A_358 = vector.broadcast %broadcast_in_dim3A_357 : i32 to vector<16xi32>
          %mul3A_359 = arith.mulf %get3A_237, %select_n3A_312 : vector<16xf32>
          tpu.vector_store_idx %arg12[%add3A_314, %broadcast_in_dim3A_358], %mul3A_359 : memref<512x16xf32, #tpu.memory_space<vmem>>[vector<16xi32>, vector<16xi32>], vector<16xf32>,
          %broadcast_in_dim3A_360 = arith.constant 15 : i32
          %broadcast_in_dim3A_361 = vector.broadcast %broadcast_in_dim3A_360 : i32 to vector<16xi32>
          %mul3A_362 = arith.mulf %get3A_243, %select_n3A_312 : vector<16xf32>
          tpu.vector_store_idx %arg12[%add3A_314, %broadcast_in_dim3A_361], %mul3A_362 : memref<512x16xf32, #tpu.memory_space<vmem>>[vector<16xi32>, vector<16xi32>], vector<16xf32>,
        }
        %scan3A_113 = arith.constant 32 : i32
        %scan3A_114 = arith.constant 0 : i32
        %scan3A_115 = arith.constant 0 : i32
        %scan3A_116 = arith.constant 8 : i32
        %scan3A_117 = arith.addi %scan3A_115, %scan3A_116 : i32
        %scan3A_118 = arith.constant 1 : i32
        scf.for %scan3A_145 = %scan3A_115 to %scan3A_117 step %scan3A_118  : i32 {
          %mul3A_146 = arith.constant 16 : i32
          %mul3A_147 = arith.muli %scan3A_145, %mul3A_146 : i32
          %add3A_148 = arith.constant 0 : i32
          %add3A_149 = arith.addi %add3A_148, %mul3A_147 : i32
          %get3A_150 = arith.index_cast %add3A_149 : i32 to index
          %get3A_151 = tpu.vector_load %arg13[%get3A_150] {strides = array<i32>} : memref<512xi32, #tpu.memory_space<vmem>>, vector<16xi32>,
          %sub3A_152 = vector.broadcast %multiple_of3A_50 : i32 to vector<16xi32>
          %sub3A_153 = arith.subi %get3A_151, %sub3A_152 : vector<16xi32>
          %max3A = arith.constant -1 : i32
          %max3A_154 = vector.broadcast %max3A : i32 to vector<16xi32>
          %max3A_155 = arith.maxsi %sub3A_153, %max3A_154 : vector<16xi32>
          %min3A_156 = arith.constant 1000 : i32
          %min3A_157 = vector.broadcast %min3A_156 : i32 to vector<16xi32>
          %min3A_158 = arith.minsi %max3A_155, %min3A_157 : vector<16xi32>
          %lt3A = arith.constant 0 : i32
          %lt3A_159 = vector.broadcast %lt3A : i32 to vector<16xi32>
          %lt3A_160 = arith.cmpi slt, %min3A_158, %lt3A_159 : vector<16xi32>
          %jit3A_161 = arith.constant 1000 : i32
          %broadcast_in_dim3A_162 = vector.broadcast %jit3A_161 : i32 to vector<16xi32>
          %select_n3A_163 = arith.select %lt3A_160, %broadcast_in_dim3A_162, %min3A_158 : vector<16xi1>, vector<16xi32>
          %add3A_164 = vector.broadcast %add3A_149 : i32 to vector<16xi32>
          %add3A_165 = arith.addi %iota3A, %add3A_164 : vector<16xi32>
          %lt3A_166 = vector.broadcast %sub3A_107 : i32 to vector<16xi32>
          %lt3A_167 = arith.cmpi slt, %add3A_165, %lt3A_166 : vector<16xi32>
          %jit3A_168 = arith.constant 1000 : i32
          %broadcast_in_dim3A_169 = vector.broadcast %jit3A_168 : i32 to vector<16xi32>
          %select_n3A_170 = arith.select %lt3A_167, %broadcast_in_dim3A_169, %select_n3A_163 : vector<16xi1>, vector<16xi32>
          %add3A_171 = vector.broadcast %multiple_of3A : i32 to vector<16xi32>
          %add3A_172 = arith.addi %select_n3A_170, %add3A_171 : vector<16xi32>
          %mul3A_173 = arith.constant 16 : i32
          %mul3A_174 = arith.muli %scan3A_145, %mul3A_173 : i32
          %swap3A = arith.constant 0 : i32
          %swap3A_175 = arith.constant 0 : i32
          %swap3A_176 = tpu.memref_slice %arg14[%swap3A, %swap3A_175] : memref<4x128xi32, #tpu.memory_space<vmem>> -> memref<1x128xi32, #tpu.memory_space<vmem>>
          %swap3A_177 = tpu.memref_squeeze %swap3A_176 : memref<1x128xi32, #tpu.memory_space<vmem>> -> memref<128xi32, #tpu.memory_space<vmem>>
          %swap3A_178 = arith.index_cast %mul3A_174 : i32 to index
          %swap3A_179 = tpu.vector_load %swap3A_177[%swap3A_178] {strides = array<i32>} : memref<128xi32, #tpu.memory_space<vmem>>, vector<16xi32>,
          tpu.vector_store %swap3A_177[%swap3A_178], %add3A_172 {strides = array<i32>} : memref<128xi32, #tpu.memory_space<vmem>>, vector<16xi32>,
        }
        %scan3A_119 = arith.constant 8 : i32
        %run_scoped3A = arith.constant 0 : i32
        "tpu.region"() ({
          %run_scoped3A_145 = tpu.sem_alloc : memref<!tpu.dma_semaphore, #tpu.memory_space<semaphore_mem>>
          %dma_start3A = arith.constant 0 : i32
          %dma_start3A_146 = arith.constant 0 : i32
          %dma_start3A_147 = tpu.memref_slice %arg12[%dma_start3A, %dma_start3A_146] : memref<512x16xf32, #tpu.memory_space<vmem>> -> memref<128x16xf32, #tpu.memory_space<vmem>>
          %dma_start3A_148 = arith.constant 0 : i32
          %dma_start3A_149 = tpu.memref_slice %arg14[%run_scoped3A, %dma_start3A_148] : memref<4x128xi32, #tpu.memory_space<vmem>> -> memref<1x128xi32, #tpu.memory_space<vmem>>
          %dma_start3A_150 = tpu.memref_squeeze %dma_start3A_149 : memref<1x128xi32, #tpu.memory_space<vmem>> -> memref<128xi32, #tpu.memory_space<vmem>>
          %dma_start3A_151 = arith.constant 0 : i32
          %dma_start3A_152 = arith.constant 0 : i32
          %dma_start3A_153 = tpu.memref_slice %arg6[%dma_start3A_151, %dma_start3A_152] : memref<16128x16xf32, #tpu.memory_space<vmem_shared>> -> memref<16128x16xf32, #tpu.memory_space<vmem_shared>>
          tpu.enqueue_indirect_dma source(%dma_start3A_147 : memref<128x16xf32, #tpu.memory_space<vmem>>) target(%dma_start3A_153 : memref<16128x16xf32, #tpu.memory_space<vmem_shared>>) offsets(%dma_start3A_150 : memref<128xi32, #tpu.memory_space<vmem>>) semaphore(%run_scoped3A_145 : memref<!tpu.dma_semaphore, #tpu.memory_space<semaphore_mem>>) {add = true}
          %dma_wait3A = arith.constant 0 : i32
          %dma_wait3A_154 = arith.constant 0 : i32
          %dma_wait3A_155 = tpu.memref_slice %arg12[%dma_wait3A, %dma_wait3A_154] : memref<512x16xf32, #tpu.memory_space<vmem>> -> memref<128x16xf32, #tpu.memory_space<vmem>>
          %dma_wait3A_156 = arith.constant 0 : i32
          %dma_wait3A_157 = tpu.memref_slice %arg14[%run_scoped3A, %dma_wait3A_156] : memref<4x128xi32, #tpu.memory_space<vmem>> -> memref<1x128xi32, #tpu.memory_space<vmem>>
          %dma_wait3A_158 = tpu.memref_squeeze %dma_wait3A_157 : memref<1x128xi32, #tpu.memory_space<vmem>> -> memref<128xi32, #tpu.memory_space<vmem>>
          %dma_wait3A_159 = arith.constant 0 : i32
          %dma_wait3A_160 = arith.constant 0 : i32
          %dma_wait3A_161 = tpu.memref_slice %arg6[%dma_wait3A_159, %dma_wait3A_160] : memref<16128x16xf32, #tpu.memory_space<vmem_shared>> -> memref<16128x16xf32, #tpu.memory_space<vmem_shared>>
          tpu.wait_indirect_dma semaphore(%run_scoped3A_145 : memref<!tpu.dma_semaphore, #tpu.memory_space<semaphore_mem>>) src(%dma_wait3A_155 : memref<128x16xf32, #tpu.memory_space<vmem>>) dst(%dma_wait3A_161 : memref<16128x16xf32, #tpu.memory_space<vmem_shared>>)
          tpu.yield
        }) : () -> ()
        %run_scoped3A_120 = arith.constant 0 : i32
        "tpu.region"() ({
          %run_scoped3A_145 = tpu.sem_alloc : memref<!tpu.dma_semaphore, #tpu.memory_space<semaphore_mem>>
          %dma_start3A = arith.constant 0 : i32
          %dma_start3A_146 = tpu.memref_slice %arg14[%run_scoped3A_120, %dma_start3A] : memref<4x128xi32, #tpu.memory_space<vmem>> -> memref<1x128xi32, #tpu.memory_space<vmem>>
          %dma_start3A_147 = tpu.memref_squeeze %dma_start3A_146 : memref<1x128xi32, #tpu.memory_space<vmem>> -> memref<128xi32, #tpu.memory_space<vmem>>
          %dma_start3A_148 = arith.constant 0 : i32
          %dma_start3A_149 = arith.constant 0 : i32
          %dma_start3A_150 = tpu.memref_slice %arg7[%dma_start3A_148, %dma_start3A_149] : memref<16128x16xf32, #tpu.memory_space<vmem_shared>> -> memref<16128x16xf32, #tpu.memory_space<vmem_shared>>
          tpu.enqueue_indirect_dma source(%arg15 : memref<128x16xf32, #tpu.memory_space<vmem>>) target(%dma_start3A_150 : memref<16128x16xf32, #tpu.memory_space<vmem_shared>>) offsets(%dma_start3A_147 : memref<128xi32, #tpu.memory_space<vmem>>) semaphore(%run_scoped3A_145 : memref<!tpu.dma_semaphore, #tpu.memory_space<semaphore_mem>>) {add = true}
          %dma_wait3A = arith.constant 0 : i32
          %dma_wait3A_151 = tpu.memref_slice %arg14[%run_scoped3A_120, %dma_wait3A] : memref<4x128xi32, #tpu.memory_space<vmem>> -> memref<1x128xi32, #tpu.memory_space<vmem>>
          %dma_wait3A_152 = tpu.memref_squeeze %dma_wait3A_151 : memref<1x128xi32, #tpu.memory_space<vmem>> -> memref<128xi32, #tpu.memory_space<vmem>>
          %dma_wait3A_153 = arith.constant 0 : i32
          %dma_wait3A_154 = arith.constant 0 : i32
          %dma_wait3A_155 = tpu.memref_slice %arg7[%dma_wait3A_153, %dma_wait3A_154] : memref<16128x16xf32, #tpu.memory_space<vmem_shared>> -> memref<16128x16xf32, #tpu.memory_space<vmem_shared>>
          tpu.wait_indirect_dma semaphore(%run_scoped3A_145 : memref<!tpu.dma_semaphore, #tpu.memory_space<semaphore_mem>>) src(%arg15 : memref<128x16xf32, #tpu.memory_space<vmem>>) dst(%dma_wait3A_155 : memref<16128x16xf32, #tpu.memory_space<vmem_shared>>)
          tpu.yield
        }) : () -> ()
        %scan3A_121 = arith.constant 0 : i32
        %scan3A_122 = arith.constant 0 : i32
        %scan3A_123 = arith.constant 8 : i32
        %scan3A_124 = arith.addi %scan3A_122, %scan3A_123 : i32
        %scan3A_125 = arith.constant 1 : i32
        scf.for %scan3A_145 = %scan3A_122 to %scan3A_124 step %scan3A_125  : i32 {
          %mul3A_146 = arith.constant 16 : i32
          %mul3A_147 = arith.muli %scan3A_145, %mul3A_146 : i32
          %add3A_148 = arith.constant 128 : i32
          %add3A_149 = arith.addi %add3A_148, %mul3A_147 : i32
          %get3A_150 = arith.index_cast %add3A_149 : i32 to index
          %get3A_151 = tpu.vector_load %arg13[%get3A_150] {strides = array<i32>} : memref<512xi32, #tpu.memory_space<vmem>>, vector<16xi32>,
          %sub3A_152 = vector.broadcast %multiple_of3A_50 : i32 to vector<16xi32>
          %sub3A_153 = arith.subi %get3A_151, %sub3A_152 : vector<16xi32>
          %max3A = arith.constant -1 : i32
          %max3A_154 = vector.broadcast %max3A : i32 to vector<16xi32>
          %max3A_155 = arith.maxsi %sub3A_153, %max3A_154 : vector<16xi32>
          %min3A_156 = arith.constant 1000 : i32
          %min3A_157 = vector.broadcast %min3A_156 : i32 to vector<16xi32>
          %min3A_158 = arith.minsi %max3A_155, %min3A_157 : vector<16xi32>
          %lt3A = arith.constant 0 : i32
          %lt3A_159 = vector.broadcast %lt3A : i32 to vector<16xi32>
          %lt3A_160 = arith.cmpi slt, %min3A_158, %lt3A_159 : vector<16xi32>
          %jit3A_161 = arith.constant 1000 : i32
          %broadcast_in_dim3A_162 = vector.broadcast %jit3A_161 : i32 to vector<16xi32>
          %select_n3A_163 = arith.select %lt3A_160, %broadcast_in_dim3A_162, %min3A_158 : vector<16xi1>, vector<16xi32>
          %add3A_164 = vector.broadcast %add3A_149 : i32 to vector<16xi32>
          %add3A_165 = arith.addi %iota3A, %add3A_164 : vector<16xi32>
          %lt3A_166 = vector.broadcast %sub3A_107 : i32 to vector<16xi32>
          %lt3A_167 = arith.cmpi slt, %add3A_165, %lt3A_166 : vector<16xi32>
          %jit3A_168 = arith.constant 1000 : i32
          %broadcast_in_dim3A_169 = vector.broadcast %jit3A_168 : i32 to vector<16xi32>
          %select_n3A_170 = arith.select %lt3A_167, %broadcast_in_dim3A_169, %select_n3A_163 : vector<16xi1>, vector<16xi32>
          %add3A_171 = vector.broadcast %multiple_of3A : i32 to vector<16xi32>
          %add3A_172 = arith.addi %select_n3A_170, %add3A_171 : vector<16xi32>
          %mul3A_173 = arith.constant 16 : i32
          %mul3A_174 = arith.muli %scan3A_145, %mul3A_173 : i32
          %swap3A = arith.constant 1 : i32
          %swap3A_175 = arith.constant 0 : i32
          %swap3A_176 = tpu.memref_slice %arg14[%swap3A, %swap3A_175] : memref<4x128xi32, #tpu.memory_space<vmem>> -> memref<1x128xi32, #tpu.memory_space<vmem>>
          %swap3A_177 = tpu.memref_squeeze %swap3A_176 : memref<1x128xi32, #tpu.memory_space<vmem>> -> memref<128xi32, #tpu.memory_space<vmem>>
          %swap3A_178 = arith.index_cast %mul3A_174 : i32 to index
          %swap3A_179 = tpu.vector_load %swap3A_177[%swap3A_178] {strides = array<i32>} : memref<128xi32, #tpu.memory_space<vmem>>, vector<16xi32>,
          tpu.vector_store %swap3A_177[%swap3A_178], %add3A_172 {strides = array<i32>} : memref<128xi32, #tpu.memory_space<vmem>>, vector<16xi32>,
        }
        %scan3A_126 = arith.constant 8 : i32
        %run_scoped3A_127 = arith.constant 1 : i32
        "tpu.region"() ({
          %run_scoped3A_145 = tpu.sem_alloc : memref<!tpu.dma_semaphore, #tpu.memory_space<semaphore_mem>>
          %dma_start3A = arith.constant 128 : i32
          %dma_start3A_146 = arith.constant 0 : i32
          %dma_start3A_147 = tpu.memref_slice %arg12[%dma_start3A, %dma_start3A_146] : memref<512x16xf32, #tpu.memory_space<vmem>> -> memref<128x16xf32, #tpu.memory_space<vmem>>
          %dma_start3A_148 = arith.constant 0 : i32
          %dma_start3A_149 = tpu.memref_slice %arg14[%run_scoped3A_127, %dma_start3A_148] : memref<4x128xi32, #tpu.memory_space<vmem>> -> memref<1x128xi32, #tpu.memory_space<vmem>>
          %dma_start3A_150 = tpu.memref_squeeze %dma_start3A_149 : memref<1x128xi32, #tpu.memory_space<vmem>> -> memref<128xi32, #tpu.memory_space<vmem>>
          %dma_start3A_151 = arith.constant 0 : i32
          %dma_start3A_152 = arith.constant 0 : i32
          %dma_start3A_153 = tpu.memref_slice %arg6[%dma_start3A_151, %dma_start3A_152] : memref<16128x16xf32, #tpu.memory_space<vmem_shared>> -> memref<16128x16xf32, #tpu.memory_space<vmem_shared>>
          tpu.enqueue_indirect_dma source(%dma_start3A_147 : memref<128x16xf32, #tpu.memory_space<vmem>>) target(%dma_start3A_153 : memref<16128x16xf32, #tpu.memory_space<vmem_shared>>) offsets(%dma_start3A_150 : memref<128xi32, #tpu.memory_space<vmem>>) semaphore(%run_scoped3A_145 : memref<!tpu.dma_semaphore, #tpu.memory_space<semaphore_mem>>) {add = true}
          %dma_wait3A = arith.constant 128 : i32
          %dma_wait3A_154 = arith.constant 0 : i32
          %dma_wait3A_155 = tpu.memref_slice %arg12[%dma_wait3A, %dma_wait3A_154] : memref<512x16xf32, #tpu.memory_space<vmem>> -> memref<128x16xf32, #tpu.memory_space<vmem>>
          %dma_wait3A_156 = arith.constant 0 : i32
          %dma_wait3A_157 = tpu.memref_slice %arg14[%run_scoped3A_127, %dma_wait3A_156] : memref<4x128xi32, #tpu.memory_space<vmem>> -> memref<1x128xi32, #tpu.memory_space<vmem>>
          %dma_wait3A_158 = tpu.memref_squeeze %dma_wait3A_157 : memref<1x128xi32, #tpu.memory_space<vmem>> -> memref<128xi32, #tpu.memory_space<vmem>>
          %dma_wait3A_159 = arith.constant 0 : i32
          %dma_wait3A_160 = arith.constant 0 : i32
          %dma_wait3A_161 = tpu.memref_slice %arg6[%dma_wait3A_159, %dma_wait3A_160] : memref<16128x16xf32, #tpu.memory_space<vmem_shared>> -> memref<16128x16xf32, #tpu.memory_space<vmem_shared>>
          tpu.wait_indirect_dma semaphore(%run_scoped3A_145 : memref<!tpu.dma_semaphore, #tpu.memory_space<semaphore_mem>>) src(%dma_wait3A_155 : memref<128x16xf32, #tpu.memory_space<vmem>>) dst(%dma_wait3A_161 : memref<16128x16xf32, #tpu.memory_space<vmem_shared>>)
          tpu.yield
        }) : () -> ()
        %run_scoped3A_128 = arith.constant 1 : i32
        "tpu.region"() ({
          %run_scoped3A_145 = tpu.sem_alloc : memref<!tpu.dma_semaphore, #tpu.memory_space<semaphore_mem>>
          %dma_start3A = arith.constant 0 : i32
          %dma_start3A_146 = tpu.memref_slice %arg14[%run_scoped3A_128, %dma_start3A] : memref<4x128xi32, #tpu.memory_space<vmem>> -> memref<1x128xi32, #tpu.memory_space<vmem>>
          %dma_start3A_147 = tpu.memref_squeeze %dma_start3A_146 : memref<1x128xi32, #tpu.memory_space<vmem>> -> memref<128xi32, #tpu.memory_space<vmem>>
          %dma_start3A_148 = arith.constant 0 : i32
          %dma_start3A_149 = arith.constant 0 : i32
          %dma_start3A_150 = tpu.memref_slice %arg7[%dma_start3A_148, %dma_start3A_149] : memref<16128x16xf32, #tpu.memory_space<vmem_shared>> -> memref<16128x16xf32, #tpu.memory_space<vmem_shared>>
          tpu.enqueue_indirect_dma source(%arg15 : memref<128x16xf32, #tpu.memory_space<vmem>>) target(%dma_start3A_150 : memref<16128x16xf32, #tpu.memory_space<vmem_shared>>) offsets(%dma_start3A_147 : memref<128xi32, #tpu.memory_space<vmem>>) semaphore(%run_scoped3A_145 : memref<!tpu.dma_semaphore, #tpu.memory_space<semaphore_mem>>) {add = true}
          %dma_wait3A = arith.constant 0 : i32
          %dma_wait3A_151 = tpu.memref_slice %arg14[%run_scoped3A_128, %dma_wait3A] : memref<4x128xi32, #tpu.memory_space<vmem>> -> memref<1x128xi32, #tpu.memory_space<vmem>>
          %dma_wait3A_152 = tpu.memref_squeeze %dma_wait3A_151 : memref<1x128xi32, #tpu.memory_space<vmem>> -> memref<128xi32, #tpu.memory_space<vmem>>
          %dma_wait3A_153 = arith.constant 0 : i32
          %dma_wait3A_154 = arith.constant 0 : i32
          %dma_wait3A_155 = tpu.memref_slice %arg7[%dma_wait3A_153, %dma_wait3A_154] : memref<16128x16xf32, #tpu.memory_space<vmem_shared>> -> memref<16128x16xf32, #tpu.memory_space<vmem_shared>>
          tpu.wait_indirect_dma semaphore(%run_scoped3A_145 : memref<!tpu.dma_semaphore, #tpu.memory_space<semaphore_mem>>) src(%arg15 : memref<128x16xf32, #tpu.memory_space<vmem>>) dst(%dma_wait3A_155 : memref<16128x16xf32, #tpu.memory_space<vmem_shared>>)
          tpu.yield
        }) : () -> ()
        %scan3A_129 = arith.constant 0 : i32
        %scan3A_130 = arith.constant 0 : i32
        %scan3A_131 = arith.constant 8 : i32
        %scan3A_132 = arith.addi %scan3A_130, %scan3A_131 : i32
        %scan3A_133 = arith.constant 1 : i32
        scf.for %scan3A_145 = %scan3A_130 to %scan3A_132 step %scan3A_133  : i32 {
          %mul3A_146 = arith.constant 16 : i32
          %mul3A_147 = arith.muli %scan3A_145, %mul3A_146 : i32
          %add3A_148 = arith.constant 256 : i32
          %add3A_149 = arith.addi %add3A_148, %mul3A_147 : i32
          %get3A_150 = arith.index_cast %add3A_149 : i32 to index
          %get3A_151 = tpu.vector_load %arg13[%get3A_150] {strides = array<i32>} : memref<512xi32, #tpu.memory_space<vmem>>, vector<16xi32>,
          %sub3A_152 = vector.broadcast %multiple_of3A_50 : i32 to vector<16xi32>
          %sub3A_153 = arith.subi %get3A_151, %sub3A_152 : vector<16xi32>
          %max3A = arith.constant -1 : i32
          %max3A_154 = vector.broadcast %max3A : i32 to vector<16xi32>
          %max3A_155 = arith.maxsi %sub3A_153, %max3A_154 : vector<16xi32>
          %min3A_156 = arith.constant 1000 : i32
          %min3A_157 = vector.broadcast %min3A_156 : i32 to vector<16xi32>
          %min3A_158 = arith.minsi %max3A_155, %min3A_157 : vector<16xi32>
          %lt3A = arith.constant 0 : i32
          %lt3A_159 = vector.broadcast %lt3A : i32 to vector<16xi32>
          %lt3A_160 = arith.cmpi slt, %min3A_158, %lt3A_159 : vector<16xi32>
          %jit3A_161 = arith.constant 1000 : i32
          %broadcast_in_dim3A_162 = vector.broadcast %jit3A_161 : i32 to vector<16xi32>
          %select_n3A_163 = arith.select %lt3A_160, %broadcast_in_dim3A_162, %min3A_158 : vector<16xi1>, vector<16xi32>
          %add3A_164 = vector.broadcast %add3A_149 : i32 to vector<16xi32>
          %add3A_165 = arith.addi %iota3A, %add3A_164 : vector<16xi32>
          %lt3A_166 = vector.broadcast %sub3A_107 : i32 to vector<16xi32>
          %lt3A_167 = arith.cmpi slt, %add3A_165, %lt3A_166 : vector<16xi32>
          %jit3A_168 = arith.constant 1000 : i32
          %broadcast_in_dim3A_169 = vector.broadcast %jit3A_168 : i32 to vector<16xi32>
          %select_n3A_170 = arith.select %lt3A_167, %broadcast_in_dim3A_169, %select_n3A_163 : vector<16xi1>, vector<16xi32>
          %add3A_171 = vector.broadcast %multiple_of3A : i32 to vector<16xi32>
          %add3A_172 = arith.addi %select_n3A_170, %add3A_171 : vector<16xi32>
          %mul3A_173 = arith.constant 16 : i32
          %mul3A_174 = arith.muli %scan3A_145, %mul3A_173 : i32
          %swap3A = arith.constant 2 : i32
          %swap3A_175 = arith.constant 0 : i32
          %swap3A_176 = tpu.memref_slice %arg14[%swap3A, %swap3A_175] : memref<4x128xi32, #tpu.memory_space<vmem>> -> memref<1x128xi32, #tpu.memory_space<vmem>>
          %swap3A_177 = tpu.memref_squeeze %swap3A_176 : memref<1x128xi32, #tpu.memory_space<vmem>> -> memref<128xi32, #tpu.memory_space<vmem>>
          %swap3A_178 = arith.index_cast %mul3A_174 : i32 to index
          %swap3A_179 = tpu.vector_load %swap3A_177[%swap3A_178] {strides = array<i32>} : memref<128xi32, #tpu.memory_space<vmem>>, vector<16xi32>,
          tpu.vector_store %swap3A_177[%swap3A_178], %add3A_172 {strides = array<i32>} : memref<128xi32, #tpu.memory_space<vmem>>, vector<16xi32>,
        }
        %scan3A_134 = arith.constant 8 : i32
        %run_scoped3A_135 = arith.constant 2 : i32
        "tpu.region"() ({
          %run_scoped3A_145 = tpu.sem_alloc : memref<!tpu.dma_semaphore, #tpu.memory_space<semaphore_mem>>
          %dma_start3A = arith.constant 256 : i32
          %dma_start3A_146 = arith.constant 0 : i32
          %dma_start3A_147 = tpu.memref_slice %arg12[%dma_start3A, %dma_start3A_146] : memref<512x16xf32, #tpu.memory_space<vmem>> -> memref<128x16xf32, #tpu.memory_space<vmem>>
          %dma_start3A_148 = arith.constant 0 : i32
          %dma_start3A_149 = tpu.memref_slice %arg14[%run_scoped3A_135, %dma_start3A_148] : memref<4x128xi32, #tpu.memory_space<vmem>> -> memref<1x128xi32, #tpu.memory_space<vmem>>
          %dma_start3A_150 = tpu.memref_squeeze %dma_start3A_149 : memref<1x128xi32, #tpu.memory_space<vmem>> -> memref<128xi32, #tpu.memory_space<vmem>>
          %dma_start3A_151 = arith.constant 0 : i32
          %dma_start3A_152 = arith.constant 0 : i32
          %dma_start3A_153 = tpu.memref_slice %arg6[%dma_start3A_151, %dma_start3A_152] : memref<16128x16xf32, #tpu.memory_space<vmem_shared>> -> memref<16128x16xf32, #tpu.memory_space<vmem_shared>>
          tpu.enqueue_indirect_dma source(%dma_start3A_147 : memref<128x16xf32, #tpu.memory_space<vmem>>) target(%dma_start3A_153 : memref<16128x16xf32, #tpu.memory_space<vmem_shared>>) offsets(%dma_start3A_150 : memref<128xi32, #tpu.memory_space<vmem>>) semaphore(%run_scoped3A_145 : memref<!tpu.dma_semaphore, #tpu.memory_space<semaphore_mem>>) {add = true}
          %dma_wait3A = arith.constant 256 : i32
          %dma_wait3A_154 = arith.constant 0 : i32
          %dma_wait3A_155 = tpu.memref_slice %arg12[%dma_wait3A, %dma_wait3A_154] : memref<512x16xf32, #tpu.memory_space<vmem>> -> memref<128x16xf32, #tpu.memory_space<vmem>>
          %dma_wait3A_156 = arith.constant 0 : i32
          %dma_wait3A_157 = tpu.memref_slice %arg14[%run_scoped3A_135, %dma_wait3A_156] : memref<4x128xi32, #tpu.memory_space<vmem>> -> memref<1x128xi32, #tpu.memory_space<vmem>>
          %dma_wait3A_158 = tpu.memref_squeeze %dma_wait3A_157 : memref<1x128xi32, #tpu.memory_space<vmem>> -> memref<128xi32, #tpu.memory_space<vmem>>
          %dma_wait3A_159 = arith.constant 0 : i32
          %dma_wait3A_160 = arith.constant 0 : i32
          %dma_wait3A_161 = tpu.memref_slice %arg6[%dma_wait3A_159, %dma_wait3A_160] : memref<16128x16xf32, #tpu.memory_space<vmem_shared>> -> memref<16128x16xf32, #tpu.memory_space<vmem_shared>>
          tpu.wait_indirect_dma semaphore(%run_scoped3A_145 : memref<!tpu.dma_semaphore, #tpu.memory_space<semaphore_mem>>) src(%dma_wait3A_155 : memref<128x16xf32, #tpu.memory_space<vmem>>) dst(%dma_wait3A_161 : memref<16128x16xf32, #tpu.memory_space<vmem_shared>>)
          tpu.yield
        }) : () -> ()
        %run_scoped3A_136 = arith.constant 2 : i32
        "tpu.region"() ({
          %run_scoped3A_145 = tpu.sem_alloc : memref<!tpu.dma_semaphore, #tpu.memory_space<semaphore_mem>>
          %dma_start3A = arith.constant 0 : i32
          %dma_start3A_146 = tpu.memref_slice %arg14[%run_scoped3A_136, %dma_start3A] : memref<4x128xi32, #tpu.memory_space<vmem>> -> memref<1x128xi32, #tpu.memory_space<vmem>>
          %dma_start3A_147 = tpu.memref_squeeze %dma_start3A_146 : memref<1x128xi32, #tpu.memory_space<vmem>> -> memref<128xi32, #tpu.memory_space<vmem>>
          %dma_start3A_148 = arith.constant 0 : i32
          %dma_start3A_149 = arith.constant 0 : i32
          %dma_start3A_150 = tpu.memref_slice %arg7[%dma_start3A_148, %dma_start3A_149] : memref<16128x16xf32, #tpu.memory_space<vmem_shared>> -> memref<16128x16xf32, #tpu.memory_space<vmem_shared>>
          tpu.enqueue_indirect_dma source(%arg15 : memref<128x16xf32, #tpu.memory_space<vmem>>) target(%dma_start3A_150 : memref<16128x16xf32, #tpu.memory_space<vmem_shared>>) offsets(%dma_start3A_147 : memref<128xi32, #tpu.memory_space<vmem>>) semaphore(%run_scoped3A_145 : memref<!tpu.dma_semaphore, #tpu.memory_space<semaphore_mem>>) {add = true}
          %dma_wait3A = arith.constant 0 : i32
          %dma_wait3A_151 = tpu.memref_slice %arg14[%run_scoped3A_136, %dma_wait3A] : memref<4x128xi32, #tpu.memory_space<vmem>> -> memref<1x128xi32, #tpu.memory_space<vmem>>
          %dma_wait3A_152 = tpu.memref_squeeze %dma_wait3A_151 : memref<1x128xi32, #tpu.memory_space<vmem>> -> memref<128xi32, #tpu.memory_space<vmem>>
          %dma_wait3A_153 = arith.constant 0 : i32
          %dma_wait3A_154 = arith.constant 0 : i32
          %dma_wait3A_155 = tpu.memref_slice %arg7[%dma_wait3A_153, %dma_wait3A_154] : memref<16128x16xf32, #tpu.memory_space<vmem_shared>> -> memref<16128x16xf32, #tpu.memory_space<vmem_shared>>
          tpu.wait_indirect_dma semaphore(%run_scoped3A_145 : memref<!tpu.dma_semaphore, #tpu.memory_space<semaphore_mem>>) src(%arg15 : memref<128x16xf32, #tpu.memory_space<vmem>>) dst(%dma_wait3A_155 : memref<16128x16xf32, #tpu.memory_space<vmem_shared>>)
          tpu.yield
        }) : () -> ()
        %scan3A_137 = arith.constant 0 : i32
        %scan3A_138 = arith.constant 0 : i32
        %scan3A_139 = arith.constant 8 : i32
        %scan3A_140 = arith.addi %scan3A_138, %scan3A_139 : i32
        %scan3A_141 = arith.constant 1 : i32
        scf.for %scan3A_145 = %scan3A_138 to %scan3A_140 step %scan3A_141  : i32 {
          %mul3A_146 = arith.constant 16 : i32
          %mul3A_147 = arith.muli %scan3A_145, %mul3A_146 : i32
          %add3A_148 = arith.constant 384 : i32
          %add3A_149 = arith.addi %add3A_148, %mul3A_147 : i32
          %get3A_150 = arith.index_cast %add3A_149 : i32 to index
          %get3A_151 = tpu.vector_load %arg13[%get3A_150] {strides = array<i32>} : memref<512xi32, #tpu.memory_space<vmem>>, vector<16xi32>,
          %sub3A_152 = vector.broadcast %multiple_of3A_50 : i32 to vector<16xi32>
          %sub3A_153 = arith.subi %get3A_151, %sub3A_152 : vector<16xi32>
          %max3A = arith.constant -1 : i32
          %max3A_154 = vector.broadcast %max3A : i32 to vector<16xi32>
          %max3A_155 = arith.maxsi %sub3A_153, %max3A_154 : vector<16xi32>
          %min3A_156 = arith.constant 1000 : i32
          %min3A_157 = vector.broadcast %min3A_156 : i32 to vector<16xi32>
          %min3A_158 = arith.minsi %max3A_155, %min3A_157 : vector<16xi32>
          %lt3A = arith.constant 0 : i32
          %lt3A_159 = vector.broadcast %lt3A : i32 to vector<16xi32>
          %lt3A_160 = arith.cmpi slt, %min3A_158, %lt3A_159 : vector<16xi32>
          %jit3A_161 = arith.constant 1000 : i32
          %broadcast_in_dim3A_162 = vector.broadcast %jit3A_161 : i32 to vector<16xi32>
          %select_n3A_163 = arith.select %lt3A_160, %broadcast_in_dim3A_162, %min3A_158 : vector<16xi1>, vector<16xi32>
          %add3A_164 = vector.broadcast %add3A_149 : i32 to vector<16xi32>
          %add3A_165 = arith.addi %iota3A, %add3A_164 : vector<16xi32>
          %lt3A_166 = vector.broadcast %sub3A_107 : i32 to vector<16xi32>
          %lt3A_167 = arith.cmpi slt, %add3A_165, %lt3A_166 : vector<16xi32>
          %jit3A_168 = arith.constant 1000 : i32
          %broadcast_in_dim3A_169 = vector.broadcast %jit3A_168 : i32 to vector<16xi32>
          %select_n3A_170 = arith.select %lt3A_167, %broadcast_in_dim3A_169, %select_n3A_163 : vector<16xi1>, vector<16xi32>
          %add3A_171 = vector.broadcast %multiple_of3A : i32 to vector<16xi32>
          %add3A_172 = arith.addi %select_n3A_170, %add3A_171 : vector<16xi32>
          %mul3A_173 = arith.constant 16 : i32
          %mul3A_174 = arith.muli %scan3A_145, %mul3A_173 : i32
          %swap3A = arith.constant 3 : i32
          %swap3A_175 = arith.constant 0 : i32
          %swap3A_176 = tpu.memref_slice %arg14[%swap3A, %swap3A_175] : memref<4x128xi32, #tpu.memory_space<vmem>> -> memref<1x128xi32, #tpu.memory_space<vmem>>
          %swap3A_177 = tpu.memref_squeeze %swap3A_176 : memref<1x128xi32, #tpu.memory_space<vmem>> -> memref<128xi32, #tpu.memory_space<vmem>>
          %swap3A_178 = arith.index_cast %mul3A_174 : i32 to index
          %swap3A_179 = tpu.vector_load %swap3A_177[%swap3A_178] {strides = array<i32>} : memref<128xi32, #tpu.memory_space<vmem>>, vector<16xi32>,
          tpu.vector_store %swap3A_177[%swap3A_178], %add3A_172 {strides = array<i32>} : memref<128xi32, #tpu.memory_space<vmem>>, vector<16xi32>,
        }
        %scan3A_142 = arith.constant 8 : i32
        %run_scoped3A_143 = arith.constant 3 : i32
        "tpu.region"() ({
          %run_scoped3A_145 = tpu.sem_alloc : memref<!tpu.dma_semaphore, #tpu.memory_space<semaphore_mem>>
          %dma_start3A = arith.constant 384 : i32
          %dma_start3A_146 = arith.constant 0 : i32
          %dma_start3A_147 = tpu.memref_slice %arg12[%dma_start3A, %dma_start3A_146] : memref<512x16xf32, #tpu.memory_space<vmem>> -> memref<128x16xf32, #tpu.memory_space<vmem>>
          %dma_start3A_148 = arith.constant 0 : i32
          %dma_start3A_149 = tpu.memref_slice %arg14[%run_scoped3A_143, %dma_start3A_148] : memref<4x128xi32, #tpu.memory_space<vmem>> -> memref<1x128xi32, #tpu.memory_space<vmem>>
          %dma_start3A_150 = tpu.memref_squeeze %dma_start3A_149 : memref<1x128xi32, #tpu.memory_space<vmem>> -> memref<128xi32, #tpu.memory_space<vmem>>
          %dma_start3A_151 = arith.constant 0 : i32
          %dma_start3A_152 = arith.constant 0 : i32
          %dma_start3A_153 = tpu.memref_slice %arg6[%dma_start3A_151, %dma_start3A_152] : memref<16128x16xf32, #tpu.memory_space<vmem_shared>> -> memref<16128x16xf32, #tpu.memory_space<vmem_shared>>
          tpu.enqueue_indirect_dma source(%dma_start3A_147 : memref<128x16xf32, #tpu.memory_space<vmem>>) target(%dma_start3A_153 : memref<16128x16xf32, #tpu.memory_space<vmem_shared>>) offsets(%dma_start3A_150 : memref<128xi32, #tpu.memory_space<vmem>>) semaphore(%run_scoped3A_145 : memref<!tpu.dma_semaphore, #tpu.memory_space<semaphore_mem>>) {add = true}
          %dma_wait3A = arith.constant 384 : i32
          %dma_wait3A_154 = arith.constant 0 : i32
          %dma_wait3A_155 = tpu.memref_slice %arg12[%dma_wait3A, %dma_wait3A_154] : memref<512x16xf32, #tpu.memory_space<vmem>> -> memref<128x16xf32, #tpu.memory_space<vmem>>
          %dma_wait3A_156 = arith.constant 0 : i32
          %dma_wait3A_157 = tpu.memref_slice %arg14[%run_scoped3A_143, %dma_wait3A_156] : memref<4x128xi32, #tpu.memory_space<vmem>> -> memref<1x128xi32, #tpu.memory_space<vmem>>
          %dma_wait3A_158 = tpu.memref_squeeze %dma_wait3A_157 : memref<1x128xi32, #tpu.memory_space<vmem>> -> memref<128xi32, #tpu.memory_space<vmem>>
          %dma_wait3A_159 = arith.constant 0 : i32
          %dma_wait3A_160 = arith.constant 0 : i32
          %dma_wait3A_161 = tpu.memref_slice %arg6[%dma_wait3A_159, %dma_wait3A_160] : memref<16128x16xf32, #tpu.memory_space<vmem_shared>> -> memref<16128x16xf32, #tpu.memory_space<vmem_shared>>
          tpu.wait_indirect_dma semaphore(%run_scoped3A_145 : memref<!tpu.dma_semaphore, #tpu.memory_space<semaphore_mem>>) src(%dma_wait3A_155 : memref<128x16xf32, #tpu.memory_space<vmem>>) dst(%dma_wait3A_161 : memref<16128x16xf32, #tpu.memory_space<vmem_shared>>)
          tpu.yield
        }) : () -> ()
        %run_scoped3A_144 = arith.constant 3 : i32
        "tpu.region"() ({
          %run_scoped3A_145 = tpu.sem_alloc : memref<!tpu.dma_semaphore, #tpu.memory_space<semaphore_mem>>
          %dma_start3A = arith.constant 0 : i32
          %dma_start3A_146 = tpu.memref_slice %arg14[%run_scoped3A_144, %dma_start3A] : memref<4x128xi32, #tpu.memory_space<vmem>> -> memref<1x128xi32, #tpu.memory_space<vmem>>
          %dma_start3A_147 = tpu.memref_squeeze %dma_start3A_146 : memref<1x128xi32, #tpu.memory_space<vmem>> -> memref<128xi32, #tpu.memory_space<vmem>>
          %dma_start3A_148 = arith.constant 0 : i32
          %dma_start3A_149 = arith.constant 0 : i32
          %dma_start3A_150 = tpu.memref_slice %arg7[%dma_start3A_148, %dma_start3A_149] : memref<16128x16xf32, #tpu.memory_space<vmem_shared>> -> memref<16128x16xf32, #tpu.memory_space<vmem_shared>>
          tpu.enqueue_indirect_dma source(%arg15 : memref<128x16xf32, #tpu.memory_space<vmem>>) target(%dma_start3A_150 : memref<16128x16xf32, #tpu.memory_space<vmem_shared>>) offsets(%dma_start3A_147 : memref<128xi32, #tpu.memory_space<vmem>>) semaphore(%run_scoped3A_145 : memref<!tpu.dma_semaphore, #tpu.memory_space<semaphore_mem>>) {add = true}
          %dma_wait3A = arith.constant 0 : i32
          %dma_wait3A_151 = tpu.memref_slice %arg14[%run_scoped3A_144, %dma_wait3A] : memref<4x128xi32, #tpu.memory_space<vmem>> -> memref<1x128xi32, #tpu.memory_space<vmem>>
          %dma_wait3A_152 = tpu.memref_squeeze %dma_wait3A_151 : memref<1x128xi32, #tpu.memory_space<vmem>> -> memref<128xi32, #tpu.memory_space<vmem>>
          %dma_wait3A_153 = arith.constant 0 : i32
          %dma_wait3A_154 = arith.constant 0 : i32
          %dma_wait3A_155 = tpu.memref_slice %arg7[%dma_wait3A_153, %dma_wait3A_154] : memref<16128x16xf32, #tpu.memory_space<vmem_shared>> -> memref<16128x16xf32, #tpu.memory_space<vmem_shared>>
          tpu.wait_indirect_dma semaphore(%run_scoped3A_145 : memref<!tpu.dma_semaphore, #tpu.memory_space<semaphore_mem>>) src(%arg15 : memref<128x16xf32, #tpu.memory_space<vmem>>) dst(%dma_wait3A_155 : memref<16128x16xf32, #tpu.memory_space<vmem_shared>>)
          tpu.yield
        }) : () -> ()
      }
      "tpu.region"() ({
        %run_scoped3A = tpu.sem_alloc : memref<!tpu.dma_semaphore, #tpu.memory_space<semaphore_mem>>
        %dma_start3A = arith.constant 0 : i32
        %dma_start3A_101 = arith.constant 0 : i32
        %dma_start3A_102 = tpu.memref_slice %arg8[%dma_start3A, %dma_start3A_101] : memref<1008x16xf32, #tpu.memory_space<vmem>> -> memref<1000x16xf32, #tpu.memory_space<vmem>>
        %dma_start3A_103 = arith.constant 0 : i32
        %dma_start3A_104 = tpu.memref_slice %arg6[%multiple_of3A, %dma_start3A_103] : memref<16128x16xf32, #tpu.memory_space<vmem_shared>> -> memref<1000x16xf32, #tpu.memory_space<vmem_shared>>
        %dma_start3A_105 = arith.constant 0 : i32
        %dma_start3A_106 = arith.constant 0 : i32
        %dma_start3A_107 = tpu.memref_slice %arg8[%dma_start3A_105, %dma_start3A_106] : memref<1008x16xf32, #tpu.memory_space<vmem>> -> memref<1000x16xf32, #tpu.memory_space<vmem>>
        %dma_start3A_108 = arith.constant 0 : i32
        %dma_start3A_109 = tpu.memref_slice %arg6[%multiple_of3A, %dma_start3A_108] : memref<16128x16xf32, #tpu.memory_space<vmem_shared>> -> memref<1000x16xf32, #tpu.memory_space<vmem_shared>>
        tpu.enqueue_dma source(%dma_start3A_109 : memref<1000x16xf32, #tpu.memory_space<vmem_shared>>) target(%dma_start3A_107 : memref<1000x16xf32, #tpu.memory_space<vmem>>) target_semaphore(%run_scoped3A : memref<!tpu.dma_semaphore, #tpu.memory_space<semaphore_mem>>)
        %dma_wait3A = arith.constant 0 : i32
        %dma_wait3A_110 = arith.constant 0 : i32
        %dma_wait3A_111 = tpu.memref_slice %arg8[%dma_wait3A, %dma_wait3A_110] : memref<1008x16xf32, #tpu.memory_space<vmem>> -> memref<1000x16xf32, #tpu.memory_space<vmem>>
        %dma_wait3A_112 = arith.constant 0 : i32
        %dma_wait3A_113 = tpu.memref_slice %arg6[%multiple_of3A, %dma_wait3A_112] : memref<16128x16xf32, #tpu.memory_space<vmem_shared>> -> memref<1000x16xf32, #tpu.memory_space<vmem_shared>>
        %dma_wait3A_114 = arith.constant 0 : i32
        %dma_wait3A_115 = arith.constant 0 : i32
        %dma_wait3A_116 = tpu.memref_slice %arg8[%dma_wait3A_114, %dma_wait3A_115] : memref<1008x16xf32, #tpu.memory_space<vmem>> -> memref<1000x16xf32, #tpu.memory_space<vmem>>
        %dma_wait3A_117 = arith.constant 0 : i32
        %dma_wait3A_118 = tpu.memref_slice %arg6[%multiple_of3A, %dma_wait3A_117] : memref<16128x16xf32, #tpu.memory_space<vmem_shared>> -> memref<1000x16xf32, #tpu.memory_space<vmem_shared>>
        tpu.wait_dma2 semaphore(%run_scoped3A : memref<!tpu.dma_semaphore, #tpu.memory_space<semaphore_mem>>) src(%dma_wait3A_118 : memref<1000x16xf32, #tpu.memory_space<vmem_shared>>) dst(%dma_wait3A_116 : memref<1000x16xf32, #tpu.memory_space<vmem>>)
        tpu.yield
      }) : () -> ()
      "tpu.region"() ({
        %run_scoped3A = tpu.sem_alloc : memref<!tpu.dma_semaphore, #tpu.memory_space<semaphore_mem>>
        %dma_start3A = arith.constant 0 : i32
        %dma_start3A_101 = arith.constant 0 : i32
        %dma_start3A_102 = tpu.memref_slice %arg9[%dma_start3A, %dma_start3A_101] : memref<1008x16xf32, #tpu.memory_space<vmem>> -> memref<1000x16xf32, #tpu.memory_space<vmem>>
        %dma_start3A_103 = arith.constant 0 : i32
        %dma_start3A_104 = tpu.memref_slice %arg7[%multiple_of3A, %dma_start3A_103] : memref<16128x16xf32, #tpu.memory_space<vmem_shared>> -> memref<1000x16xf32, #tpu.memory_space<vmem_shared>>
        %dma_start3A_105 = arith.constant 0 : i32
        %dma_start3A_106 = arith.constant 0 : i32
        %dma_start3A_107 = tpu.memref_slice %arg9[%dma_start3A_105, %dma_start3A_106] : memref<1008x16xf32, #tpu.memory_space<vmem>> -> memref<1000x16xf32, #tpu.memory_space<vmem>>
        %dma_start3A_108 = arith.constant 0 : i32
        %dma_start3A_109 = tpu.memref_slice %arg7[%multiple_of3A, %dma_start3A_108] : memref<16128x16xf32, #tpu.memory_space<vmem_shared>> -> memref<1000x16xf32, #tpu.memory_space<vmem_shared>>
        tpu.enqueue_dma source(%dma_start3A_109 : memref<1000x16xf32, #tpu.memory_space<vmem_shared>>) target(%dma_start3A_107 : memref<1000x16xf32, #tpu.memory_space<vmem>>) target_semaphore(%run_scoped3A : memref<!tpu.dma_semaphore, #tpu.memory_space<semaphore_mem>>)
        %dma_wait3A = arith.constant 0 : i32
        %dma_wait3A_110 = arith.constant 0 : i32
        %dma_wait3A_111 = tpu.memref_slice %arg9[%dma_wait3A, %dma_wait3A_110] : memref<1008x16xf32, #tpu.memory_space<vmem>> -> memref<1000x16xf32, #tpu.memory_space<vmem>>
        %dma_wait3A_112 = arith.constant 0 : i32
        %dma_wait3A_113 = tpu.memref_slice %arg7[%multiple_of3A, %dma_wait3A_112] : memref<16128x16xf32, #tpu.memory_space<vmem_shared>> -> memref<1000x16xf32, #tpu.memory_space<vmem_shared>>
        %dma_wait3A_114 = arith.constant 0 : i32
        %dma_wait3A_115 = arith.constant 0 : i32
        %dma_wait3A_116 = tpu.memref_slice %arg9[%dma_wait3A_114, %dma_wait3A_115] : memref<1008x16xf32, #tpu.memory_space<vmem>> -> memref<1000x16xf32, #tpu.memory_space<vmem>>
        %dma_wait3A_117 = arith.constant 0 : i32
        %dma_wait3A_118 = tpu.memref_slice %arg7[%multiple_of3A, %dma_wait3A_117] : memref<16128x16xf32, #tpu.memory_space<vmem_shared>> -> memref<1000x16xf32, #tpu.memory_space<vmem_shared>>
        tpu.wait_dma2 semaphore(%run_scoped3A : memref<!tpu.dma_semaphore, #tpu.memory_space<semaphore_mem>>) src(%dma_wait3A_118 : memref<1000x16xf32, #tpu.memory_space<vmem_shared>>) dst(%dma_wait3A_116 : memref<1000x16xf32, #tpu.memory_space<vmem>>)
        tpu.yield
      }) : () -> ()
      %scan3A_93 = arith.constant 0 : i32
      %scan3A_94 = arith.constant 0 : i32
      %scan3A_95 = arith.constant 1000 : i32
      %scan3A_96 = arith.addi %scan3A_94, %scan3A_95 : i32
      %scan3A_97 = arith.constant 1 : i32
      scf.for %scan3A_101 = %scan3A_94 to %scan3A_96 step %scan3A_97  : i32 {
        %get3A_102 = arith.index_cast %scan3A_101 : i32 to index
        %get3A_103 = arith.constant 0 : index
        %get3A_104 = tpu.vector_load %arg8[%get3A_102, %get3A_103] {strides = array<i32>} : memref<1008x16xf32, #tpu.memory_space<vmem>>, vector<16xf32>,
        %get3A_105 = arith.index_cast %scan3A_101 : i32 to index
        %get3A_106 = arith.constant 0 : index
        %get3A_107 = tpu.vector_load %arg9[%get3A_105, %get3A_106] {strides = array<i32>} : memref<1008x16xf32, #tpu.memory_space<vmem>>, vector<16xf32>,
        %max3A = arith.constant 1.000000e+00 : f32
        %max3A_108 = vector.broadcast %max3A : f32 to vector<16xf32>
        %max3A_109 = arith.maximumf %get3A_107, %max3A_108 : vector<16xf32>
        %div3A_110 = arith.divf %get3A_104, %max3A_109 : vector<16xf32>
        %mul3A_111 = arith.constant 0.00999999977 : f32
        %mul3A_112 = vector.broadcast %mul3A_111 : f32 to vector<16xf32>
        %mul3A_113 = arith.mulf %mul3A_112, %div3A_110 : vector<16xf32>
        %mul3A_114 = arith.constant 16 : i32
        %mul3A_115 = arith.muli %scan3A_101, %mul3A_114 : i32
        %swap3A = arith.index_cast %mul3A_115 : i32 to index
        %swap3A_116 = tpu.vector_load %arg10[%swap3A] {strides = array<i32>} : memref<16000xf32, #tpu.memory_space<vmem>>, vector<16xf32>,
        tpu.vector_store %arg10[%swap3A], %mul3A_113 {strides = array<i32>} : memref<16000xf32, #tpu.memory_space<vmem>>, vector<16xf32>,
        %swap3A_117 = arith.index_cast %scan3A_101 : i32 to index
        %swap3A_118 = arith.constant 0 : index
        %swap3A_119 = tpu.vector_load %arg8[%swap3A_117, %swap3A_118] {strides = array<i32>} : memref<1008x16xf32, #tpu.memory_space<vmem>>, vector<16xf32>,
        tpu.vector_store %arg8[%swap3A_117, %swap3A_118], %broadcast_in_dim3A_3 {strides = array<i32>} : memref<1008x16xf32, #tpu.memory_space<vmem>>, vector<16xf32>,
        %swap3A_120 = arith.index_cast %scan3A_101 : i32 to index
        %swap3A_121 = arith.constant 0 : index
        %swap3A_122 = tpu.vector_load %arg9[%swap3A_120, %swap3A_121] {strides = array<i32>} : memref<1008x16xf32, #tpu.memory_space<vmem>>, vector<16xf32>,
        tpu.vector_store %arg9[%swap3A_120, %swap3A_121], %broadcast_in_dim3A_3 {strides = array<i32>} : memref<1008x16xf32, #tpu.memory_space<vmem>>, vector<16xf32>,
      }
      %scan3A_98 = arith.constant 1000 : i32
      "tpu.region"() ({
        %run_scoped3A = tpu.sem_alloc : memref<!tpu.dma_semaphore, #tpu.memory_space<semaphore_mem>>
        %dma_start3A = arith.constant 0 : i32
        %dma_start3A_101 = tpu.memref_slice %arg6[%multiple_of3A, %dma_start3A] : memref<16128x16xf32, #tpu.memory_space<vmem_shared>> -> memref<1008x16xf32, #tpu.memory_space<vmem_shared>>
        %dma_start3A_102 = arith.constant 0 : i32
        %dma_start3A_103 = tpu.memref_slice %arg6[%multiple_of3A, %dma_start3A_102] : memref<16128x16xf32, #tpu.memory_space<vmem_shared>> -> memref<1008x16xf32, #tpu.memory_space<vmem_shared>>
        tpu.enqueue_dma source(%arg8 : memref<1008x16xf32, #tpu.memory_space<vmem>>) target(%dma_start3A_103 : memref<1008x16xf32, #tpu.memory_space<vmem_shared>>) target_semaphore(%run_scoped3A : memref<!tpu.dma_semaphore, #tpu.memory_space<semaphore_mem>>)
        %dma_wait3A = arith.constant 0 : i32
        %dma_wait3A_104 = tpu.memref_slice %arg6[%multiple_of3A, %dma_wait3A] : memref<16128x16xf32, #tpu.memory_space<vmem_shared>> -> memref<1008x16xf32, #tpu.memory_space<vmem_shared>>
        %dma_wait3A_105 = arith.constant 0 : i32
        %dma_wait3A_106 = tpu.memref_slice %arg6[%multiple_of3A, %dma_wait3A_105] : memref<16128x16xf32, #tpu.memory_space<vmem_shared>> -> memref<1008x16xf32, #tpu.memory_space<vmem_shared>>
        tpu.wait_dma2 semaphore(%run_scoped3A : memref<!tpu.dma_semaphore, #tpu.memory_space<semaphore_mem>>) src(%arg8 : memref<1008x16xf32, #tpu.memory_space<vmem>>) dst(%dma_wait3A_106 : memref<1008x16xf32, #tpu.memory_space<vmem_shared>>)
        tpu.yield
      }) : () -> ()
      "tpu.region"() ({
        %run_scoped3A = tpu.sem_alloc : memref<!tpu.dma_semaphore, #tpu.memory_space<semaphore_mem>>
        %dma_start3A = arith.constant 0 : i32
        %dma_start3A_101 = tpu.memref_slice %arg7[%multiple_of3A, %dma_start3A] : memref<16128x16xf32, #tpu.memory_space<vmem_shared>> -> memref<1008x16xf32, #tpu.memory_space<vmem_shared>>
        %dma_start3A_102 = arith.constant 0 : i32
        %dma_start3A_103 = tpu.memref_slice %arg7[%multiple_of3A, %dma_start3A_102] : memref<16128x16xf32, #tpu.memory_space<vmem_shared>> -> memref<1008x16xf32, #tpu.memory_space<vmem_shared>>
        tpu.enqueue_dma source(%arg9 : memref<1008x16xf32, #tpu.memory_space<vmem>>) target(%dma_start3A_103 : memref<1008x16xf32, #tpu.memory_space<vmem_shared>>) target_semaphore(%run_scoped3A : memref<!tpu.dma_semaphore, #tpu.memory_space<semaphore_mem>>)
        %dma_wait3A = arith.constant 0 : i32
        %dma_wait3A_104 = tpu.memref_slice %arg7[%multiple_of3A, %dma_wait3A] : memref<16128x16xf32, #tpu.memory_space<vmem_shared>> -> memref<1008x16xf32, #tpu.memory_space<vmem_shared>>
        %dma_wait3A_105 = arith.constant 0 : i32
        %dma_wait3A_106 = tpu.memref_slice %arg7[%multiple_of3A, %dma_wait3A_105] : memref<16128x16xf32, #tpu.memory_space<vmem_shared>> -> memref<1008x16xf32, #tpu.memory_space<vmem_shared>>
        tpu.wait_dma2 semaphore(%run_scoped3A : memref<!tpu.dma_semaphore, #tpu.memory_space<semaphore_mem>>) src(%arg9 : memref<1008x16xf32, #tpu.memory_space<vmem>>) dst(%dma_wait3A_106 : memref<1008x16xf32, #tpu.memory_space<vmem_shared>>)
        tpu.yield
      }) : () -> ()
      %mul3A_99 = arith.constant 16 : i32
      %mul3A_100 = arith.muli %multiple_of3A_50, %mul3A_99 : i32
      "tpu.region"() ({
        %run_scoped3A = tpu.sem_alloc : memref<!tpu.dma_semaphore, #tpu.memory_space<semaphore_mem>>
        %dma_start3A = tpu.memref_slice %arg5[%mul3A_100] : memref<16000000xf32, #tpu.memory_space<hbm>> -> memref<16000xf32, #tpu.memory_space<hbm>>
        %dma_start3A_101 = tpu.memref_slice %arg5[%mul3A_100] : memref<16000000xf32, #tpu.memory_space<hbm>> -> memref<16000xf32, #tpu.memory_space<hbm>>
        tpu.enqueue_dma source(%arg10 : memref<16000xf32, #tpu.memory_space<vmem>>) target(%dma_start3A_101 : memref<16000xf32, #tpu.memory_space<hbm>>) target_semaphore(%run_scoped3A : memref<!tpu.dma_semaphore, #tpu.memory_space<semaphore_mem>>)
        %dma_wait3A = tpu.memref_slice %arg5[%mul3A_100] : memref<16000000xf32, #tpu.memory_space<hbm>> -> memref<16000xf32, #tpu.memory_space<hbm>>
        %dma_wait3A_102 = tpu.memref_slice %arg5[%mul3A_100] : memref<16000000xf32, #tpu.memory_space<hbm>> -> memref<16000xf32, #tpu.memory_space<hbm>>
        tpu.wait_dma2 semaphore(%run_scoped3A : memref<!tpu.dma_semaphore, #tpu.memory_space<semaphore_mem>>) src(%arg10 : memref<16000xf32, #tpu.memory_space<vmem>>) dst(%dma_wait3A_102 : memref<16000xf32, #tpu.memory_space<hbm>>)
        tpu.yield
      }) : () -> ()
    }
    %while3A_43 = arith.constant 1 : i32
    scf.for %while3A_44 = %while3A_41 to %while3A_37 step %while3A_43  : i32 {
      %mul3A_45 = arith.constant 32 : i32
      %mul3A_46 = arith.muli %while3A_44, %mul3A_45 : i32
      %add3A_47 = arith.addi %add3A, %mul3A_46 : i32
      %mul3A_48 = arith.constant 1000 : i32
      %mul3A_49 = arith.muli %add3A_47, %mul3A_48 : i32
      %multiple_of3A_50 = tpu.assume_multiple %mul3A_49, 8 : i32
      %get3A = arith.index_cast %add3A_47 : i32 to index
      %get3A_51 = tpu.vector_load %arg16[%get3A] {strides = array<i32>} : memref<1024xi32, #tpu.memory_space<vmem>>, vector<16xi32>,
      %slice3A = vector.extract_strided_slice %get3A_51 {offsets = [0], sizes = [1], strides = [1]} : vector<16xi32> to vector<1xi32>
      %squeeze3A = vector.extract %slice3A[0] : i32 from vector<1xi32>
      %slice3A_52 = vector.extract_strided_slice %get3A_51 {offsets = [1], sizes = [1], strides = [1]} : vector<16xi32> to vector<1xi32>
      %squeeze3A_53 = vector.extract %slice3A_52[0] : i32 from vector<1xi32>
      %and3A_54 = arith.constant -8 : i32
      %and3A_55 = arith.andi %squeeze3A, %and3A_54 : i32
      %sub3A_56 = arith.subi %squeeze3A_53, %and3A_55 : i32
      %add3A_57 = arith.constant 511 : i32
      %add3A_58 = arith.addi %sub3A_56, %add3A_57 : i32
      %jit3A_59 = arith.constant 512 : i32
      %div3A_60 = arith.divsi %add3A_58, %jit3A_59 : i32
      %sign3A_61 = arith.constant 0 : i32
      %sign3A_62 = arith.cmpi sgt, %add3A_58, %sign3A_61 : i32
      %sign3A_63 = arith.extui %sign3A_62 : i1 to i32
      %sign3A_64 = arith.constant 0 : i32
      %sign3A_65 = arith.cmpi slt, %add3A_58, %sign3A_64 : i32
      %sign3A_66 = arith.extui %sign3A_65 : i1 to i32
      %sign3A_67 = arith.subi %sign3A_63, %sign3A_66 : i32
      %sign3A_68 = arith.constant 0 : i32
      %sign3A_69 = arith.cmpi sgt, %jit3A_59, %sign3A_68 : i32
      %sign3A_70 = arith.extui %sign3A_69 : i1 to i32
      %sign3A_71 = arith.constant 0 : i32
      %sign3A_72 = arith.cmpi slt, %jit3A_59, %sign3A_71 : i32
      %sign3A_73 = arith.extui %sign3A_72 : i1 to i32
      %sign3A_74 = arith.subi %sign3A_70, %sign3A_73 : i32
      %ne3A_75 = arith.cmpi ne, %sign3A_67, %sign3A_74 : i32
      %rem3A_76 = arith.remsi %add3A_58, %jit3A_59 : i32
      %ne3A_77 = arith.constant 0 : i32
      %ne3A_78 = arith.cmpi ne, %rem3A_76, %ne3A_77 : i32
      %and3A_79 = arith.andi %ne3A_75, %ne3A_78 : i1
      %sub3A_80 = arith.constant 1 : i32
      %sub3A_81 = arith.subi %div3A_60, %sub3A_80 : i32
      %select_n3A_82 = arith.select %and3A_79, %sub3A_81, %div3A_60 : i32
      %while3A_83 = arith.constant 0 : i32
      %while3A_84 = arith.constant 0 : i32
      %while3A_85 = arith.subi %select_n3A_82, %while3A_84 : i32
      %while3A_86 = arith.addi %while3A_84, %while3A_85 : i32
      %while3A_87 = arith.constant 1 : i32
      %while3A_88 = arith.divsi %while3A_85, %while3A_87 : i32
      %while3A_89 = arith.muli %while3A_88, %while3A_87 : i32
      %while3A_90 = arith.addi %while3A_84, %while3A_89 : i32
      %while3A_91 = arith.constant 1 : i32
      scf.for %while3A_101 = %while3A_84 to %while3A_90 step %while3A_91  : i32 {
        %mul3A_102 = arith.constant 512 : i32
        %mul3A_103 = arith.muli %while3A_101, %mul3A_102 : i32
        %add3A_104 = arith.addi %and3A_55, %mul3A_103 : i32
        %min3A = arith.constant 818688 : i32
        %min3A_105 = arith.minsi %add3A_104, %min3A : i32
        %multiple_of3A_106 = tpu.assume_multiple %min3A_105, 8 : i32
        %sub3A_107 = arith.subi %add3A_104, %multiple_of3A_106 : i32
        "tpu.region"() ({
          %run_scoped3A_145 = tpu.sem_alloc : memref<!tpu.dma_semaphore, #tpu.memory_space<semaphore_mem>>
          %dma_start3A = arith.constant 0 : i32
          %dma_start3A_146 = tpu.memref_slice %arg2[%dma_start3A, %multiple_of3A_106] : memref<16x819200xf32, #tpu.memory_space<hbm>> -> memref<16x512xf32, #tpu.memory_space<hbm>>
          %dma_start3A_147 = arith.constant 0 : i32
          %dma_start3A_148 = tpu.memref_slice %arg2[%dma_start3A_147, %multiple_of3A_106] : memref<16x819200xf32, #tpu.memory_space<hbm>> -> memref<16x512xf32, #tpu.memory_space<hbm>>
          tpu.enqueue_dma source(%dma_start3A_148 : memref<16x512xf32, #tpu.memory_space<hbm>>) target(%arg11 : memref<16x512xf32, #tpu.memory_space<vmem>>) target_semaphore(%run_scoped3A_145 : memref<!tpu.dma_semaphore, #tpu.memory_space<semaphore_mem>>)
          %dma_wait3A = arith.constant 0 : i32
          %dma_wait3A_149 = tpu.memref_slice %arg2[%dma_wait3A, %multiple_of3A_106] : memref<16x819200xf32, #tpu.memory_space<hbm>> -> memref<16x512xf32, #tpu.memory_space<hbm>>
          %dma_wait3A_150 = arith.constant 0 : i32
          %dma_wait3A_151 = tpu.memref_slice %arg2[%dma_wait3A_150, %multiple_of3A_106] : memref<16x819200xf32, #tpu.memory_space<hbm>> -> memref<16x512xf32, #tpu.memory_space<hbm>>
          tpu.wait_dma2 semaphore(%run_scoped3A_145 : memref<!tpu.dma_semaphore, #tpu.memory_space<semaphore_mem>>) src(%dma_wait3A_151 : memref<16x512xf32, #tpu.memory_space<hbm>>) dst(%arg11 : memref<16x512xf32, #tpu.memory_space<vmem>>)
          tpu.yield
        }) : () -> ()
        "tpu.region"() ({
          %run_scoped3A_145 = tpu.sem_alloc : memref<!tpu.dma_semaphore, #tpu.memory_space<semaphore_mem>>
          %dma_start3A = tpu.memref_slice %arg3[%multiple_of3A_106] : memref<819200xi32, #tpu.memory_space<hbm>> -> memref<512xi32, #tpu.memory_space<hbm>>
          %dma_start3A_146 = tpu.memref_slice %arg3[%multiple_of3A_106] : memref<819200xi32, #tpu.memory_space<hbm>> -> memref<512xi32, #tpu.memory_space<hbm>>
          tpu.enqueue_dma source(%dma_start3A_146 : memref<512xi32, #tpu.memory_space<hbm>>) target(%arg13 : memref<512xi32, #tpu.memory_space<vmem>>) target_semaphore(%run_scoped3A_145 : memref<!tpu.dma_semaphore, #tpu.memory_space<semaphore_mem>>)
          %dma_wait3A = tpu.memref_slice %arg3[%multiple_of3A_106] : memref<819200xi32, #tpu.memory_space<hbm>> -> memref<512xi32, #tpu.memory_space<hbm>>
          %dma_wait3A_147 = tpu.memref_slice %arg3[%multiple_of3A_106] : memref<819200xi32, #tpu.memory_space<hbm>> -> memref<512xi32, #tpu.memory_space<hbm>>
          tpu.wait_dma2 semaphore(%run_scoped3A_145 : memref<!tpu.dma_semaphore, #tpu.memory_space<semaphore_mem>>) src(%dma_wait3A_147 : memref<512xi32, #tpu.memory_space<hbm>>) dst(%arg13 : memref<512xi32, #tpu.memory_space<vmem>>)
          tpu.yield
        }) : () -> ()
        %scan3A_108 = arith.constant 0 : i32
        %scan3A_109 = arith.constant 0 : i32
        %scan3A_110 = arith.constant 32 : i32
        %scan3A_111 = arith.addi %scan3A_109, %scan3A_110 : i32
        %scan3A_112 = arith.constant 1 : i32
        scf.for %scan3A_145 = %scan3A_109 to %scan3A_111 step %scan3A_112  : i32 {
          %mul3A_146 = arith.constant 16 : i32
          %mul3A_147 = arith.muli %scan3A_145, %mul3A_146 : i32
          %get3A_148 = arith.constant 0 : i32
          %get3A_149 = arith.constant 0 : i32
          %get3A_150 = tpu.memref_slice %arg11[%get3A_148, %get3A_149] : memref<16x512xf32, #tpu.memory_space<vmem>> -> memref<1x512xf32, #tpu.memory_space<vmem>>
          %get3A_151 = tpu.memref_squeeze %get3A_150 : memref<1x512xf32, #tpu.memory_space<vmem>> -> memref<512xf32, #tpu.memory_space<vmem>>
          %get3A_152 = arith.index_cast %mul3A_147 : i32 to index
          %get3A_153 = tpu.vector_load %get3A_151[%get3A_152] {strides = array<i32>} : memref<512xf32, #tpu.memory_space<vmem>>, vector<16xf32>,
          %get3A_154 = arith.constant 1 : i32
          %get3A_155 = arith.constant 0 : i32
          %get3A_156 = tpu.memref_slice %arg11[%get3A_154, %get3A_155] : memref<16x512xf32, #tpu.memory_space<vmem>> -> memref<1x512xf32, #tpu.memory_space<vmem>>
          %get3A_157 = tpu.memref_squeeze %get3A_156 : memref<1x512xf32, #tpu.memory_space<vmem>> -> memref<512xf32, #tpu.memory_space<vmem>>
          %get3A_158 = arith.index_cast %mul3A_147 : i32 to index
          %get3A_159 = tpu.vector_load %get3A_157[%get3A_158] {strides = array<i32>} : memref<512xf32, #tpu.memory_space<vmem>>, vector<16xf32>,
          %get3A_160 = arith.constant 2 : i32
          %get3A_161 = arith.constant 0 : i32
          %get3A_162 = tpu.memref_slice %arg11[%get3A_160, %get3A_161] : memref<16x512xf32, #tpu.memory_space<vmem>> -> memref<1x512xf32, #tpu.memory_space<vmem>>
          %get3A_163 = tpu.memref_squeeze %get3A_162 : memref<1x512xf32, #tpu.memory_space<vmem>> -> memref<512xf32, #tpu.memory_space<vmem>>
          %get3A_164 = arith.index_cast %mul3A_147 : i32 to index
          %get3A_165 = tpu.vector_load %get3A_163[%get3A_164] {strides = array<i32>} : memref<512xf32, #tpu.memory_space<vmem>>, vector<16xf32>,
          %get3A_166 = arith.constant 3 : i32
          %get3A_167 = arith.constant 0 : i32
          %get3A_168 = tpu.memref_slice %arg11[%get3A_166, %get3A_167] : memref<16x512xf32, #tpu.memory_space<vmem>> -> memref<1x512xf32, #tpu.memory_space<vmem>>
          %get3A_169 = tpu.memref_squeeze %get3A_168 : memref<1x512xf32, #tpu.memory_space<vmem>> -> memref<512xf32, #tpu.memory_space<vmem>>
          %get3A_170 = arith.index_cast %mul3A_147 : i32 to index
          %get3A_171 = tpu.vector_load %get3A_169[%get3A_170] {strides = array<i32>} : memref<512xf32, #tpu.memory_space<vmem>>, vector<16xf32>,
          %get3A_172 = arith.constant 4 : i32
          %get3A_173 = arith.constant 0 : i32
          %get3A_174 = tpu.memref_slice %arg11[%get3A_172, %get3A_173] : memref<16x512xf32, #tpu.memory_space<vmem>> -> memref<1x512xf32, #tpu.memory_space<vmem>>
          %get3A_175 = tpu.memref_squeeze %get3A_174 : memref<1x512xf32, #tpu.memory_space<vmem>> -> memref<512xf32, #tpu.memory_space<vmem>>
          %get3A_176 = arith.index_cast %mul3A_147 : i32 to index
          %get3A_177 = tpu.vector_load %get3A_175[%get3A_176] {strides = array<i32>} : memref<512xf32, #tpu.memory_space<vmem>>, vector<16xf32>,
          %get3A_178 = arith.constant 5 : i32
          %get3A_179 = arith.constant 0 : i32
          %get3A_180 = tpu.memref_slice %arg11[%get3A_178, %get3A_179] : memref<16x512xf32, #tpu.memory_space<vmem>> -> memref<1x512xf32, #tpu.memory_space<vmem>>
          %get3A_181 = tpu.memref_squeeze %get3A_180 : memref<1x512xf32, #tpu.memory_space<vmem>> -> memref<512xf32, #tpu.memory_space<vmem>>
          %get3A_182 = arith.index_cast %mul3A_147 : i32 to index
          %get3A_183 = tpu.vector_load %get3A_181[%get3A_182] {strides = array<i32>} : memref<512xf32, #tpu.memory_space<vmem>>, vector<16xf32>,
          %get3A_184 = arith.constant 6 : i32
          %get3A_185 = arith.constant 0 : i32
          %get3A_186 = tpu.memref_slice %arg11[%get3A_184, %get3A_185] : memref<16x512xf32, #tpu.memory_space<vmem>> -> memref<1x512xf32, #tpu.memory_space<vmem>>
          %get3A_187 = tpu.memref_squeeze %get3A_186 : memref<1x512xf32, #tpu.memory_space<vmem>> -> memref<512xf32, #tpu.memory_space<vmem>>
          %get3A_188 = arith.index_cast %mul3A_147 : i32 to index
          %get3A_189 = tpu.vector_load %get3A_187[%get3A_188] {strides = array<i32>} : memref<512xf32, #tpu.memory_space<vmem>>, vector<16xf32>,
          %get3A_190 = arith.constant 7 : i32
          %get3A_191 = arith.constant 0 : i32
          %get3A_192 = tpu.memref_slice %arg11[%get3A_190, %get3A_191] : memref<16x512xf32, #tpu.memory_space<vmem>> -> memref<1x512xf32, #tpu.memory_space<vmem>>
          %get3A_193 = tpu.memref_squeeze %get3A_192 : memref<1x512xf32, #tpu.memory_space<vmem>> -> memref<512xf32, #tpu.memory_space<vmem>>
          %get3A_194 = arith.index_cast %mul3A_147 : i32 to index
          %get3A_195 = tpu.vector_load %get3A_193[%get3A_194] {strides = array<i32>} : memref<512xf32, #tpu.memory_space<vmem>>, vector<16xf32>,
          %get3A_196 = arith.constant 8 : i32
          %get3A_197 = arith.constant 0 : i32
          %get3A_198 = tpu.memref_slice %arg11[%get3A_196, %get3A_197] : memref<16x512xf32, #tpu.memory_space<vmem>> -> memref<1x512xf32, #tpu.memory_space<vmem>>
          %get3A_199 = tpu.memref_squeeze %get3A_198 : memref<1x512xf32, #tpu.memory_space<vmem>> -> memref<512xf32, #tpu.memory_space<vmem>>
          %get3A_200 = arith.index_cast %mul3A_147 : i32 to index
          %get3A_201 = tpu.vector_load %get3A_199[%get3A_200] {strides = array<i32>} : memref<512xf32, #tpu.memory_space<vmem>>, vector<16xf32>,
          %get3A_202 = arith.constant 9 : i32
          %get3A_203 = arith.constant 0 : i32
          %get3A_204 = tpu.memref_slice %arg11[%get3A_202, %get3A_203] : memref<16x512xf32, #tpu.memory_space<vmem>> -> memref<1x512xf32, #tpu.memory_space<vmem>>
          %get3A_205 = tpu.memref_squeeze %get3A_204 : memref<1x512xf32, #tpu.memory_space<vmem>> -> memref<512xf32, #tpu.memory_space<vmem>>
          %get3A_206 = arith.index_cast %mul3A_147 : i32 to index
          %get3A_207 = tpu.vector_load %get3A_205[%get3A_206] {strides = array<i32>} : memref<512xf32, #tpu.memory_space<vmem>>, vector<16xf32>,
          %get3A_208 = arith.constant 10 : i32
          %get3A_209 = arith.constant 0 : i32
          %get3A_210 = tpu.memref_slice %arg11[%get3A_208, %get3A_209] : memref<16x512xf32, #tpu.memory_space<vmem>> -> memref<1x512xf32, #tpu.memory_space<vmem>>
          %get3A_211 = tpu.memref_squeeze %get3A_210 : memref<1x512xf32, #tpu.memory_space<vmem>> -> memref<512xf32, #tpu.memory_space<vmem>>
          %get3A_212 = arith.index_cast %mul3A_147 : i32 to index
          %get3A_213 = tpu.vector_load %get3A_211[%get3A_212] {strides = array<i32>} : memref<512xf32, #tpu.memory_space<vmem>>, vector<16xf32>,
          %get3A_214 = arith.constant 11 : i32
          %get3A_215 = arith.constant 0 : i32
          %get3A_216 = tpu.memref_slice %arg11[%get3A_214, %get3A_215] : memref<16x512xf32, #tpu.memory_space<vmem>> -> memref<1x512xf32, #tpu.memory_space<vmem>>
          %get3A_217 = tpu.memref_squeeze %get3A_216 : memref<1x512xf32, #tpu.memory_space<vmem>> -> memref<512xf32, #tpu.memory_space<vmem>>
          %get3A_218 = arith.index_cast %mul3A_147 : i32 to index
          %get3A_219 = tpu.vector_load %get3A_217[%get3A_218] {strides = array<i32>} : memref<512xf32, #tpu.memory_space<vmem>>, vector<16xf32>,
          %get3A_220 = arith.constant 12 : i32
          %get3A_221 = arith.constant 0 : i32
          %get3A_222 = tpu.memref_slice %arg11[%get3A_220, %get3A_221] : memref<16x512xf32, #tpu.memory_space<vmem>> -> memref<1x512xf32, #tpu.memory_space<vmem>>
          %get3A_223 = tpu.memref_squeeze %get3A_222 : memref<1x512xf32, #tpu.memory_space<vmem>> -> memref<512xf32, #tpu.memory_space<vmem>>
          %get3A_224 = arith.index_cast %mul3A_147 : i32 to index
          %get3A_225 = tpu.vector_load %get3A_223[%get3A_224] {strides = array<i32>} : memref<512xf32, #tpu.memory_space<vmem>>, vector<16xf32>,
          %get3A_226 = arith.constant 13 : i32
          %get3A_227 = arith.constant 0 : i32
          %get3A_228 = tpu.memref_slice %arg11[%get3A_226, %get3A_227] : memref<16x512xf32, #tpu.memory_space<vmem>> -> memref<1x512xf32, #tpu.memory_space<vmem>>
          %get3A_229 = tpu.memref_squeeze %get3A_228 : memref<1x512xf32, #tpu.memory_space<vmem>> -> memref<512xf32, #tpu.memory_space<vmem>>
          %get3A_230 = arith.index_cast %mul3A_147 : i32 to index
          %get3A_231 = tpu.vector_load %get3A_229[%get3A_230] {strides = array<i32>} : memref<512xf32, #tpu.memory_space<vmem>>, vector<16xf32>,
          %get3A_232 = arith.constant 14 : i32
          %get3A_233 = arith.constant 0 : i32
          %get3A_234 = tpu.memref_slice %arg11[%get3A_232, %get3A_233] : memref<16x512xf32, #tpu.memory_space<vmem>> -> memref<1x512xf32, #tpu.memory_space<vmem>>
          %get3A_235 = tpu.memref_squeeze %get3A_234 : memref<1x512xf32, #tpu.memory_space<vmem>> -> memref<512xf32, #tpu.memory_space<vmem>>
          %get3A_236 = arith.index_cast %mul3A_147 : i32 to index
          %get3A_237 = tpu.vector_load %get3A_235[%get3A_236] {strides = array<i32>} : memref<512xf32, #tpu.memory_space<vmem>>, vector<16xf32>,
          %get3A_238 = arith.constant 15 : i32
          %get3A_239 = arith.constant 0 : i32
          %get3A_240 = tpu.memref_slice %arg11[%get3A_238, %get3A_239] : memref<16x512xf32, #tpu.memory_space<vmem>> -> memref<1x512xf32, #tpu.memory_space<vmem>>
          %get3A_241 = tpu.memref_squeeze %get3A_240 : memref<1x512xf32, #tpu.memory_space<vmem>> -> memref<512xf32, #tpu.memory_space<vmem>>
          %get3A_242 = arith.index_cast %mul3A_147 : i32 to index
          %get3A_243 = tpu.vector_load %get3A_241[%get3A_242] {strides = array<i32>} : memref<512xf32, #tpu.memory_space<vmem>>, vector<16xf32>,
          %mul3A_244 = arith.mulf %get3A_153, %get3A_153 : vector<16xf32>
          %mul3A_245 = arith.mulf %get3A_159, %get3A_159 : vector<16xf32>
          %add3A_246 = arith.addf %mul3A_244, %mul3A_245 : vector<16xf32>
          %mul3A_247 = arith.mulf %get3A_165, %get3A_165 : vector<16xf32>
          %add3A_248 = arith.addf %add3A_246, %mul3A_247 : vector<16xf32>
          %mul3A_249 = arith.mulf %get3A_171, %get3A_171 : vector<16xf32>
          %add3A_250 = arith.addf %add3A_248, %mul3A_249 : vector<16xf32>
          %mul3A_251 = arith.mulf %get3A_177, %get3A_177 : vector<16xf32>
          %add3A_252 = arith.addf %add3A_250, %mul3A_251 : vector<16xf32>
          %mul3A_253 = arith.mulf %get3A_183, %get3A_183 : vector<16xf32>
          %add3A_254 = arith.addf %add3A_252, %mul3A_253 : vector<16xf32>
          %mul3A_255 = arith.mulf %get3A_189, %get3A_189 : vector<16xf32>
          %add3A_256 = arith.addf %add3A_254, %mul3A_255 : vector<16xf32>
          %mul3A_257 = arith.mulf %get3A_195, %get3A_195 : vector<16xf32>
          %add3A_258 = arith.addf %add3A_256, %mul3A_257 : vector<16xf32>
          %mul3A_259 = arith.mulf %get3A_201, %get3A_201 : vector<16xf32>
          %add3A_260 = arith.addf %add3A_258, %mul3A_259 : vector<16xf32>
          %mul3A_261 = arith.mulf %get3A_207, %get3A_207 : vector<16xf32>
          %add3A_262 = arith.addf %add3A_260, %mul3A_261 : vector<16xf32>
          %mul3A_263 = arith.mulf %get3A_213, %get3A_213 : vector<16xf32>
          %add3A_264 = arith.addf %add3A_262, %mul3A_263 : vector<16xf32>
          %mul3A_265 = arith.mulf %get3A_219, %get3A_219 : vector<16xf32>
          %add3A_266 = arith.addf %add3A_264, %mul3A_265 : vector<16xf32>
          %mul3A_267 = arith.mulf %get3A_225, %get3A_225 : vector<16xf32>
          %add3A_268 = arith.addf %add3A_266, %mul3A_267 : vector<16xf32>
          %mul3A_269 = arith.mulf %get3A_231, %get3A_231 : vector<16xf32>
          %add3A_270 = arith.addf %add3A_268, %mul3A_269 : vector<16xf32>
          %mul3A_271 = arith.mulf %get3A_237, %get3A_237 : vector<16xf32>
          %add3A_272 = arith.addf %add3A_270, %mul3A_271 : vector<16xf32>
          %mul3A_273 = arith.mulf %get3A_243, %get3A_243 : vector<16xf32>
          %add3A_274 = arith.addf %add3A_272, %mul3A_273 : vector<16xf32>
          %bitcast_convert_type3A = tpu.bitcast %add3A_274 : vector<16xf32> -> vector<16xi32>
          %shift_right_arithmetic3A = arith.constant 1 : i32
          %shift_right_arithmetic3A_275 = vector.broadcast %shift_right_arithmetic3A : i32 to vector<16xi32>
          %shift_right_arithmetic3A_276 = arith.shrsi %bitcast_convert_type3A, %shift_right_arithmetic3A_275 : vector<16xi32>
          %sub3A_277 = arith.constant 1597463007 : i32
          %sub3A_278 = vector.broadcast %sub3A_277 : i32 to vector<16xi32>
          %sub3A_279 = arith.subi %sub3A_278, %shift_right_arithmetic3A_276 : vector<16xi32>
          %bitcast_convert_type3A_280 = tpu.bitcast %sub3A_279 : vector<16xi32> -> vector<16xf32>
          %mul3A_281 = arith.constant 5.000000e-01 : f32
          %mul3A_282 = vector.broadcast %mul3A_281 : f32 to vector<16xf32>
          %mul3A_283 = arith.mulf %mul3A_282, %add3A_274 : vector<16xf32>
          %mul3A_284 = arith.mulf %mul3A_283, %bitcast_convert_type3A_280 : vector<16xf32>
          %mul3A_285 = arith.mulf %mul3A_284, %bitcast_convert_type3A_280 : vector<16xf32>
          %sub3A_286 = arith.constant 1.500000e+00 : f32
          %sub3A_287 = vector.broadcast %sub3A_286 : f32 to vector<16xf32>
          %sub3A_288 = arith.subf %sub3A_287, %mul3A_285 : vector<16xf32>
          %mul3A_289 = arith.mulf %bitcast_convert_type3A_280, %sub3A_288 : vector<16xf32>
          %mul3A_290 = arith.constant 5.000000e-01 : f32
          %mul3A_291 = vector.broadcast %mul3A_290 : f32 to vector<16xf32>
          %mul3A_292 = arith.mulf %mul3A_291, %add3A_274 : vector<16xf32>
          %mul3A_293 = arith.mulf %mul3A_292, %mul3A_289 : vector<16xf32>
          %mul3A_294 = arith.mulf %mul3A_293, %mul3A_289 : vector<16xf32>
          %sub3A_295 = arith.constant 1.500000e+00 : f32
          %sub3A_296 = vector.broadcast %sub3A_295 : f32 to vector<16xf32>
          %sub3A_297 = arith.subf %sub3A_296, %mul3A_294 : vector<16xf32>
          %mul3A_298 = arith.mulf %mul3A_289, %sub3A_297 : vector<16xf32>
          %mul3A_299 = arith.constant 5.000000e-01 : f32
          %mul3A_300 = vector.broadcast %mul3A_299 : f32 to vector<16xf32>
          %mul3A_301 = arith.mulf %mul3A_300, %add3A_274 : vector<16xf32>
          %mul3A_302 = arith.mulf %mul3A_301, %mul3A_298 : vector<16xf32>
          %mul3A_303 = arith.mulf %mul3A_302, %mul3A_298 : vector<16xf32>
          %sub3A_304 = arith.constant 1.500000e+00 : f32
          %sub3A_305 = vector.broadcast %sub3A_304 : f32 to vector<16xf32>
          %sub3A_306 = arith.subf %sub3A_305, %mul3A_303 : vector<16xf32>
          %mul3A_307 = arith.mulf %mul3A_298, %sub3A_306 : vector<16xf32>
          %gt3A = arith.constant 1.000000e+00 : f32
          %gt3A_308 = vector.broadcast %gt3A : f32 to vector<16xf32>
          %gt3A_309 = arith.cmpf ogt, %add3A_274, %gt3A_308 : vector<16xf32>
          %jit3A_310 = arith.constant 1.000000e+00 : f32
          %broadcast_in_dim3A_311 = vector.broadcast %jit3A_310 : f32 to vector<16xf32>
          %select_n3A_312 = arith.select %gt3A_309, %mul3A_307, %broadcast_in_dim3A_311 : vector<16xi1>, vector<16xf32>
          %add3A_313 = vector.broadcast %mul3A_147 : i32 to vector<16xi32>
          %add3A_314 = arith.addi %iota3A, %add3A_313 : vector<16xi32>
          %broadcast_in_dim3A_315 = arith.constant 0 : i32
          %broadcast_in_dim3A_316 = vector.broadcast %broadcast_in_dim3A_315 : i32 to vector<16xi32>
          %mul3A_317 = arith.mulf %get3A_153, %select_n3A_312 : vector<16xf32>
          tpu.vector_store_idx %arg12[%add3A_314, %broadcast_in_dim3A_316], %mul3A_317 : memref<512x16xf32, #tpu.memory_space<vmem>>[vector<16xi32>, vector<16xi32>], vector<16xf32>,
          %broadcast_in_dim3A_318 = arith.constant 1 : i32
          %broadcast_in_dim3A_319 = vector.broadcast %broadcast_in_dim3A_318 : i32 to vector<16xi32>
          %mul3A_320 = arith.mulf %get3A_159, %select_n3A_312 : vector<16xf32>
          tpu.vector_store_idx %arg12[%add3A_314, %broadcast_in_dim3A_319], %mul3A_320 : memref<512x16xf32, #tpu.memory_space<vmem>>[vector<16xi32>, vector<16xi32>], vector<16xf32>,
          %broadcast_in_dim3A_321 = arith.constant 2 : i32
          %broadcast_in_dim3A_322 = vector.broadcast %broadcast_in_dim3A_321 : i32 to vector<16xi32>
          %mul3A_323 = arith.mulf %get3A_165, %select_n3A_312 : vector<16xf32>
          tpu.vector_store_idx %arg12[%add3A_314, %broadcast_in_dim3A_322], %mul3A_323 : memref<512x16xf32, #tpu.memory_space<vmem>>[vector<16xi32>, vector<16xi32>], vector<16xf32>,
          %broadcast_in_dim3A_324 = arith.constant 3 : i32
          %broadcast_in_dim3A_325 = vector.broadcast %broadcast_in_dim3A_324 : i32 to vector<16xi32>
          %mul3A_326 = arith.mulf %get3A_171, %select_n3A_312 : vector<16xf32>
          tpu.vector_store_idx %arg12[%add3A_314, %broadcast_in_dim3A_325], %mul3A_326 : memref<512x16xf32, #tpu.memory_space<vmem>>[vector<16xi32>, vector<16xi32>], vector<16xf32>,
          %broadcast_in_dim3A_327 = arith.constant 4 : i32
          %broadcast_in_dim3A_328 = vector.broadcast %broadcast_in_dim3A_327 : i32 to vector<16xi32>
          %mul3A_329 = arith.mulf %get3A_177, %select_n3A_312 : vector<16xf32>
          tpu.vector_store_idx %arg12[%add3A_314, %broadcast_in_dim3A_328], %mul3A_329 : memref<512x16xf32, #tpu.memory_space<vmem>>[vector<16xi32>, vector<16xi32>], vector<16xf32>,
          %broadcast_in_dim3A_330 = arith.constant 5 : i32
          %broadcast_in_dim3A_331 = vector.broadcast %broadcast_in_dim3A_330 : i32 to vector<16xi32>
          %mul3A_332 = arith.mulf %get3A_183, %select_n3A_312 : vector<16xf32>
          tpu.vector_store_idx %arg12[%add3A_314, %broadcast_in_dim3A_331], %mul3A_332 : memref<512x16xf32, #tpu.memory_space<vmem>>[vector<16xi32>, vector<16xi32>], vector<16xf32>,
          %broadcast_in_dim3A_333 = arith.constant 6 : i32
          %broadcast_in_dim3A_334 = vector.broadcast %broadcast_in_dim3A_333 : i32 to vector<16xi32>
          %mul3A_335 = arith.mulf %get3A_189, %select_n3A_312 : vector<16xf32>
          tpu.vector_store_idx %arg12[%add3A_314, %broadcast_in_dim3A_334], %mul3A_335 : memref<512x16xf32, #tpu.memory_space<vmem>>[vector<16xi32>, vector<16xi32>], vector<16xf32>,
          %broadcast_in_dim3A_336 = arith.constant 7 : i32
          %broadcast_in_dim3A_337 = vector.broadcast %broadcast_in_dim3A_336 : i32 to vector<16xi32>
          %mul3A_338 = arith.mulf %get3A_195, %select_n3A_312 : vector<16xf32>
          tpu.vector_store_idx %arg12[%add3A_314, %broadcast_in_dim3A_337], %mul3A_338 : memref<512x16xf32, #tpu.memory_space<vmem>>[vector<16xi32>, vector<16xi32>], vector<16xf32>,
          %broadcast_in_dim3A_339 = arith.constant 8 : i32
          %broadcast_in_dim3A_340 = vector.broadcast %broadcast_in_dim3A_339 : i32 to vector<16xi32>
          %mul3A_341 = arith.mulf %get3A_201, %select_n3A_312 : vector<16xf32>
          tpu.vector_store_idx %arg12[%add3A_314, %broadcast_in_dim3A_340], %mul3A_341 : memref<512x16xf32, #tpu.memory_space<vmem>>[vector<16xi32>, vector<16xi32>], vector<16xf32>,
          %broadcast_in_dim3A_342 = arith.constant 9 : i32
          %broadcast_in_dim3A_343 = vector.broadcast %broadcast_in_dim3A_342 : i32 to vector<16xi32>
          %mul3A_344 = arith.mulf %get3A_207, %select_n3A_312 : vector<16xf32>
          tpu.vector_store_idx %arg12[%add3A_314, %broadcast_in_dim3A_343], %mul3A_344 : memref<512x16xf32, #tpu.memory_space<vmem>>[vector<16xi32>, vector<16xi32>], vector<16xf32>,
          %broadcast_in_dim3A_345 = arith.constant 10 : i32
          %broadcast_in_dim3A_346 = vector.broadcast %broadcast_in_dim3A_345 : i32 to vector<16xi32>
          %mul3A_347 = arith.mulf %get3A_213, %select_n3A_312 : vector<16xf32>
          tpu.vector_store_idx %arg12[%add3A_314, %broadcast_in_dim3A_346], %mul3A_347 : memref<512x16xf32, #tpu.memory_space<vmem>>[vector<16xi32>, vector<16xi32>], vector<16xf32>,
          %broadcast_in_dim3A_348 = arith.constant 11 : i32
          %broadcast_in_dim3A_349 = vector.broadcast %broadcast_in_dim3A_348 : i32 to vector<16xi32>
          %mul3A_350 = arith.mulf %get3A_219, %select_n3A_312 : vector<16xf32>
          tpu.vector_store_idx %arg12[%add3A_314, %broadcast_in_dim3A_349], %mul3A_350 : memref<512x16xf32, #tpu.memory_space<vmem>>[vector<16xi32>, vector<16xi32>], vector<16xf32>,
          %broadcast_in_dim3A_351 = arith.constant 12 : i32
          %broadcast_in_dim3A_352 = vector.broadcast %broadcast_in_dim3A_351 : i32 to vector<16xi32>
          %mul3A_353 = arith.mulf %get3A_225, %select_n3A_312 : vector<16xf32>
          tpu.vector_store_idx %arg12[%add3A_314, %broadcast_in_dim3A_352], %mul3A_353 : memref<512x16xf32, #tpu.memory_space<vmem>>[vector<16xi32>, vector<16xi32>], vector<16xf32>,
          %broadcast_in_dim3A_354 = arith.constant 13 : i32
          %broadcast_in_dim3A_355 = vector.broadcast %broadcast_in_dim3A_354 : i32 to vector<16xi32>
          %mul3A_356 = arith.mulf %get3A_231, %select_n3A_312 : vector<16xf32>
          tpu.vector_store_idx %arg12[%add3A_314, %broadcast_in_dim3A_355], %mul3A_356 : memref<512x16xf32, #tpu.memory_space<vmem>>[vector<16xi32>, vector<16xi32>], vector<16xf32>,
          %broadcast_in_dim3A_357 = arith.constant 14 : i32
          %broadcast_in_dim3A_358 = vector.broadcast %broadcast_in_dim3A_357 : i32 to vector<16xi32>
          %mul3A_359 = arith.mulf %get3A_237, %select_n3A_312 : vector<16xf32>
          tpu.vector_store_idx %arg12[%add3A_314, %broadcast_in_dim3A_358], %mul3A_359 : memref<512x16xf32, #tpu.memory_space<vmem>>[vector<16xi32>, vector<16xi32>], vector<16xf32>,
          %broadcast_in_dim3A_360 = arith.constant 15 : i32
          %broadcast_in_dim3A_361 = vector.broadcast %broadcast_in_dim3A_360 : i32 to vector<16xi32>
          %mul3A_362 = arith.mulf %get3A_243, %select_n3A_312 : vector<16xf32>
          tpu.vector_store_idx %arg12[%add3A_314, %broadcast_in_dim3A_361], %mul3A_362 : memref<512x16xf32, #tpu.memory_space<vmem>>[vector<16xi32>, vector<16xi32>], vector<16xf32>,
        }
        %scan3A_113 = arith.constant 32 : i32
        %scan3A_114 = arith.constant 0 : i32
        %scan3A_115 = arith.constant 0 : i32
        %scan3A_116 = arith.constant 8 : i32
        %scan3A_117 = arith.addi %scan3A_115, %scan3A_116 : i32
        %scan3A_118 = arith.constant 1 : i32
        scf.for %scan3A_145 = %scan3A_115 to %scan3A_117 step %scan3A_118  : i32 {
          %mul3A_146 = arith.constant 16 : i32
          %mul3A_147 = arith.muli %scan3A_145, %mul3A_146 : i32
          %add3A_148 = arith.constant 0 : i32
          %add3A_149 = arith.addi %add3A_148, %mul3A_147 : i32
          %get3A_150 = arith.index_cast %add3A_149 : i32 to index
          %get3A_151 = tpu.vector_load %arg13[%get3A_150] {strides = array<i32>} : memref<512xi32, #tpu.memory_space<vmem>>, vector<16xi32>,
          %sub3A_152 = vector.broadcast %multiple_of3A_50 : i32 to vector<16xi32>
          %sub3A_153 = arith.subi %get3A_151, %sub3A_152 : vector<16xi32>
          %max3A = arith.constant -1 : i32
          %max3A_154 = vector.broadcast %max3A : i32 to vector<16xi32>
          %max3A_155 = arith.maxsi %sub3A_153, %max3A_154 : vector<16xi32>
          %min3A_156 = arith.constant 1000 : i32
          %min3A_157 = vector.broadcast %min3A_156 : i32 to vector<16xi32>
          %min3A_158 = arith.minsi %max3A_155, %min3A_157 : vector<16xi32>
          %lt3A = arith.constant 0 : i32
          %lt3A_159 = vector.broadcast %lt3A : i32 to vector<16xi32>
          %lt3A_160 = arith.cmpi slt, %min3A_158, %lt3A_159 : vector<16xi32>
          %jit3A_161 = arith.constant 1000 : i32
          %broadcast_in_dim3A_162 = vector.broadcast %jit3A_161 : i32 to vector<16xi32>
          %select_n3A_163 = arith.select %lt3A_160, %broadcast_in_dim3A_162, %min3A_158 : vector<16xi1>, vector<16xi32>
          %add3A_164 = vector.broadcast %add3A_149 : i32 to vector<16xi32>
          %add3A_165 = arith.addi %iota3A, %add3A_164 : vector<16xi32>
          %lt3A_166 = vector.broadcast %sub3A_107 : i32 to vector<16xi32>
          %lt3A_167 = arith.cmpi slt, %add3A_165, %lt3A_166 : vector<16xi32>
          %jit3A_168 = arith.constant 1000 : i32
          %broadcast_in_dim3A_169 = vector.broadcast %jit3A_168 : i32 to vector<16xi32>
          %select_n3A_170 = arith.select %lt3A_167, %broadcast_in_dim3A_169, %select_n3A_163 : vector<16xi1>, vector<16xi32>
          %add3A_171 = vector.broadcast %multiple_of3A : i32 to vector<16xi32>
          %add3A_172 = arith.addi %select_n3A_170, %add3A_171 : vector<16xi32>
          %mul3A_173 = arith.constant 16 : i32
          %mul3A_174 = arith.muli %scan3A_145, %mul3A_173 : i32
          %swap3A = arith.constant 0 : i32
          %swap3A_175 = arith.constant 0 : i32
          %swap3A_176 = tpu.memref_slice %arg14[%swap3A, %swap3A_175] : memref<4x128xi32, #tpu.memory_space<vmem>> -> memref<1x128xi32, #tpu.memory_space<vmem>>
          %swap3A_177 = tpu.memref_squeeze %swap3A_176 : memref<1x128xi32, #tpu.memory_space<vmem>> -> memref<128xi32, #tpu.memory_space<vmem>>
          %swap3A_178 = arith.index_cast %mul3A_174 : i32 to index
          %swap3A_179 = tpu.vector_load %swap3A_177[%swap3A_178] {strides = array<i32>} : memref<128xi32, #tpu.memory_space<vmem>>, vector<16xi32>,
          tpu.vector_store %swap3A_177[%swap3A_178], %add3A_172 {strides = array<i32>} : memref<128xi32, #tpu.memory_space<vmem>>, vector<16xi32>,
        }
        %scan3A_119 = arith.constant 8 : i32
        %run_scoped3A = arith.constant 0 : i32
        "tpu.region"() ({
          %run_scoped3A_145 = tpu.sem_alloc : memref<!tpu.dma_semaphore, #tpu.memory_space<semaphore_mem>>
          %dma_start3A = arith.constant 0 : i32
          %dma_start3A_146 = arith.constant 0 : i32
          %dma_start3A_147 = tpu.memref_slice %arg12[%dma_start3A, %dma_start3A_146] : memref<512x16xf32, #tpu.memory_space<vmem>> -> memref<128x16xf32, #tpu.memory_space<vmem>>
          %dma_start3A_148 = arith.constant 0 : i32
          %dma_start3A_149 = tpu.memref_slice %arg14[%run_scoped3A, %dma_start3A_148] : memref<4x128xi32, #tpu.memory_space<vmem>> -> memref<1x128xi32, #tpu.memory_space<vmem>>
          %dma_start3A_150 = tpu.memref_squeeze %dma_start3A_149 : memref<1x128xi32, #tpu.memory_space<vmem>> -> memref<128xi32, #tpu.memory_space<vmem>>
          %dma_start3A_151 = arith.constant 0 : i32
          %dma_start3A_152 = arith.constant 0 : i32
          %dma_start3A_153 = tpu.memref_slice %arg6[%dma_start3A_151, %dma_start3A_152] : memref<16128x16xf32, #tpu.memory_space<vmem_shared>> -> memref<16128x16xf32, #tpu.memory_space<vmem_shared>>
          tpu.enqueue_indirect_dma source(%dma_start3A_147 : memref<128x16xf32, #tpu.memory_space<vmem>>) target(%dma_start3A_153 : memref<16128x16xf32, #tpu.memory_space<vmem_shared>>) offsets(%dma_start3A_150 : memref<128xi32, #tpu.memory_space<vmem>>) semaphore(%run_scoped3A_145 : memref<!tpu.dma_semaphore, #tpu.memory_space<semaphore_mem>>) {add = true}
          %dma_wait3A = arith.constant 0 : i32
          %dma_wait3A_154 = arith.constant 0 : i32
          %dma_wait3A_155 = tpu.memref_slice %arg12[%dma_wait3A, %dma_wait3A_154] : memref<512x16xf32, #tpu.memory_space<vmem>> -> memref<128x16xf32, #tpu.memory_space<vmem>>
          %dma_wait3A_156 = arith.constant 0 : i32
          %dma_wait3A_157 = tpu.memref_slice %arg14[%run_scoped3A, %dma_wait3A_156] : memref<4x128xi32, #tpu.memory_space<vmem>> -> memref<1x128xi32, #tpu.memory_space<vmem>>
          %dma_wait3A_158 = tpu.memref_squeeze %dma_wait3A_157 : memref<1x128xi32, #tpu.memory_space<vmem>> -> memref<128xi32, #tpu.memory_space<vmem>>
          %dma_wait3A_159 = arith.constant 0 : i32
          %dma_wait3A_160 = arith.constant 0 : i32
          %dma_wait3A_161 = tpu.memref_slice %arg6[%dma_wait3A_159, %dma_wait3A_160] : memref<16128x16xf32, #tpu.memory_space<vmem_shared>> -> memref<16128x16xf32, #tpu.memory_space<vmem_shared>>
          tpu.wait_indirect_dma semaphore(%run_scoped3A_145 : memref<!tpu.dma_semaphore, #tpu.memory_space<semaphore_mem>>) src(%dma_wait3A_155 : memref<128x16xf32, #tpu.memory_space<vmem>>) dst(%dma_wait3A_161 : memref<16128x16xf32, #tpu.memory_space<vmem_shared>>)
          tpu.yield
        }) : () -> ()
        %run_scoped3A_120 = arith.constant 0 : i32
        "tpu.region"() ({
          %run_scoped3A_145 = tpu.sem_alloc : memref<!tpu.dma_semaphore, #tpu.memory_space<semaphore_mem>>
          %dma_start3A = arith.constant 0 : i32
          %dma_start3A_146 = tpu.memref_slice %arg14[%run_scoped3A_120, %dma_start3A] : memref<4x128xi32, #tpu.memory_space<vmem>> -> memref<1x128xi32, #tpu.memory_space<vmem>>
          %dma_start3A_147 = tpu.memref_squeeze %dma_start3A_146 : memref<1x128xi32, #tpu.memory_space<vmem>> -> memref<128xi32, #tpu.memory_space<vmem>>
          %dma_start3A_148 = arith.constant 0 : i32
          %dma_start3A_149 = arith.constant 0 : i32
          %dma_start3A_150 = tpu.memref_slice %arg7[%dma_start3A_148, %dma_start3A_149] : memref<16128x16xf32, #tpu.memory_space<vmem_shared>> -> memref<16128x16xf32, #tpu.memory_space<vmem_shared>>
          tpu.enqueue_indirect_dma source(%arg15 : memref<128x16xf32, #tpu.memory_space<vmem>>) target(%dma_start3A_150 : memref<16128x16xf32, #tpu.memory_space<vmem_shared>>) offsets(%dma_start3A_147 : memref<128xi32, #tpu.memory_space<vmem>>) semaphore(%run_scoped3A_145 : memref<!tpu.dma_semaphore, #tpu.memory_space<semaphore_mem>>) {add = true}
          %dma_wait3A = arith.constant 0 : i32
          %dma_wait3A_151 = tpu.memref_slice %arg14[%run_scoped3A_120, %dma_wait3A] : memref<4x128xi32, #tpu.memory_space<vmem>> -> memref<1x128xi32, #tpu.memory_space<vmem>>
          %dma_wait3A_152 = tpu.memref_squeeze %dma_wait3A_151 : memref<1x128xi32, #tpu.memory_space<vmem>> -> memref<128xi32, #tpu.memory_space<vmem>>
          %dma_wait3A_153 = arith.constant 0 : i32
          %dma_wait3A_154 = arith.constant 0 : i32
          %dma_wait3A_155 = tpu.memref_slice %arg7[%dma_wait3A_153, %dma_wait3A_154] : memref<16128x16xf32, #tpu.memory_space<vmem_shared>> -> memref<16128x16xf32, #tpu.memory_space<vmem_shared>>
          tpu.wait_indirect_dma semaphore(%run_scoped3A_145 : memref<!tpu.dma_semaphore, #tpu.memory_space<semaphore_mem>>) src(%arg15 : memref<128x16xf32, #tpu.memory_space<vmem>>) dst(%dma_wait3A_155 : memref<16128x16xf32, #tpu.memory_space<vmem_shared>>)
          tpu.yield
        }) : () -> ()
        %scan3A_121 = arith.constant 0 : i32
        %scan3A_122 = arith.constant 0 : i32
        %scan3A_123 = arith.constant 8 : i32
        %scan3A_124 = arith.addi %scan3A_122, %scan3A_123 : i32
        %scan3A_125 = arith.constant 1 : i32
        scf.for %scan3A_145 = %scan3A_122 to %scan3A_124 step %scan3A_125  : i32 {
          %mul3A_146 = arith.constant 16 : i32
          %mul3A_147 = arith.muli %scan3A_145, %mul3A_146 : i32
          %add3A_148 = arith.constant 128 : i32
          %add3A_149 = arith.addi %add3A_148, %mul3A_147 : i32
          %get3A_150 = arith.index_cast %add3A_149 : i32 to index
          %get3A_151 = tpu.vector_load %arg13[%get3A_150] {strides = array<i32>} : memref<512xi32, #tpu.memory_space<vmem>>, vector<16xi32>,
          %sub3A_152 = vector.broadcast %multiple_of3A_50 : i32 to vector<16xi32>
          %sub3A_153 = arith.subi %get3A_151, %sub3A_152 : vector<16xi32>
          %max3A = arith.constant -1 : i32
          %max3A_154 = vector.broadcast %max3A : i32 to vector<16xi32>
          %max3A_155 = arith.maxsi %sub3A_153, %max3A_154 : vector<16xi32>
          %min3A_156 = arith.constant 1000 : i32
          %min3A_157 = vector.broadcast %min3A_156 : i32 to vector<16xi32>
          %min3A_158 = arith.minsi %max3A_155, %min3A_157 : vector<16xi32>
          %lt3A = arith.constant 0 : i32
          %lt3A_159 = vector.broadcast %lt3A : i32 to vector<16xi32>
          %lt3A_160 = arith.cmpi slt, %min3A_158, %lt3A_159 : vector<16xi32>
          %jit3A_161 = arith.constant 1000 : i32
          %broadcast_in_dim3A_162 = vector.broadcast %jit3A_161 : i32 to vector<16xi32>
          %select_n3A_163 = arith.select %lt3A_160, %broadcast_in_dim3A_162, %min3A_158 : vector<16xi1>, vector<16xi32>
          %add3A_164 = vector.broadcast %add3A_149 : i32 to vector<16xi32>
          %add3A_165 = arith.addi %iota3A, %add3A_164 : vector<16xi32>
          %lt3A_166 = vector.broadcast %sub3A_107 : i32 to vector<16xi32>
          %lt3A_167 = arith.cmpi slt, %add3A_165, %lt3A_166 : vector<16xi32>
          %jit3A_168 = arith.constant 1000 : i32
          %broadcast_in_dim3A_169 = vector.broadcast %jit3A_168 : i32 to vector<16xi32>
          %select_n3A_170 = arith.select %lt3A_167, %broadcast_in_dim3A_169, %select_n3A_163 : vector<16xi1>, vector<16xi32>
          %add3A_171 = vector.broadcast %multiple_of3A : i32 to vector<16xi32>
          %add3A_172 = arith.addi %select_n3A_170, %add3A_171 : vector<16xi32>
          %mul3A_173 = arith.constant 16 : i32
          %mul3A_174 = arith.muli %scan3A_145, %mul3A_173 : i32
          %swap3A = arith.constant 1 : i32
          %swap3A_175 = arith.constant 0 : i32
          %swap3A_176 = tpu.memref_slice %arg14[%swap3A, %swap3A_175] : memref<4x128xi32, #tpu.memory_space<vmem>> -> memref<1x128xi32, #tpu.memory_space<vmem>>
          %swap3A_177 = tpu.memref_squeeze %swap3A_176 : memref<1x128xi32, #tpu.memory_space<vmem>> -> memref<128xi32, #tpu.memory_space<vmem>>
          %swap3A_178 = arith.index_cast %mul3A_174 : i32 to index
          %swap3A_179 = tpu.vector_load %swap3A_177[%swap3A_178] {strides = array<i32>} : memref<128xi32, #tpu.memory_space<vmem>>, vector<16xi32>,
          tpu.vector_store %swap3A_177[%swap3A_178], %add3A_172 {strides = array<i32>} : memref<128xi32, #tpu.memory_space<vmem>>, vector<16xi32>,
        }
        %scan3A_126 = arith.constant 8 : i32
        %run_scoped3A_127 = arith.constant 1 : i32
        "tpu.region"() ({
          %run_scoped3A_145 = tpu.sem_alloc : memref<!tpu.dma_semaphore, #tpu.memory_space<semaphore_mem>>
          %dma_start3A = arith.constant 128 : i32
          %dma_start3A_146 = arith.constant 0 : i32
          %dma_start3A_147 = tpu.memref_slice %arg12[%dma_start3A, %dma_start3A_146] : memref<512x16xf32, #tpu.memory_space<vmem>> -> memref<128x16xf32, #tpu.memory_space<vmem>>
          %dma_start3A_148 = arith.constant 0 : i32
          %dma_start3A_149 = tpu.memref_slice %arg14[%run_scoped3A_127, %dma_start3A_148] : memref<4x128xi32, #tpu.memory_space<vmem>> -> memref<1x128xi32, #tpu.memory_space<vmem>>
          %dma_start3A_150 = tpu.memref_squeeze %dma_start3A_149 : memref<1x128xi32, #tpu.memory_space<vmem>> -> memref<128xi32, #tpu.memory_space<vmem>>
          %dma_start3A_151 = arith.constant 0 : i32
          %dma_start3A_152 = arith.constant 0 : i32
          %dma_start3A_153 = tpu.memref_slice %arg6[%dma_start3A_151, %dma_start3A_152] : memref<16128x16xf32, #tpu.memory_space<vmem_shared>> -> memref<16128x16xf32, #tpu.memory_space<vmem_shared>>
          tpu.enqueue_indirect_dma source(%dma_start3A_147 : memref<128x16xf32, #tpu.memory_space<vmem>>) target(%dma_start3A_153 : memref<16128x16xf32, #tpu.memory_space<vmem_shared>>) offsets(%dma_start3A_150 : memref<128xi32, #tpu.memory_space<vmem>>) semaphore(%run_scoped3A_145 : memref<!tpu.dma_semaphore, #tpu.memory_space<semaphore_mem>>) {add = true}
          %dma_wait3A = arith.constant 128 : i32
          %dma_wait3A_154 = arith.constant 0 : i32
          %dma_wait3A_155 = tpu.memref_slice %arg12[%dma_wait3A, %dma_wait3A_154] : memref<512x16xf32, #tpu.memory_space<vmem>> -> memref<128x16xf32, #tpu.memory_space<vmem>>
          %dma_wait3A_156 = arith.constant 0 : i32
          %dma_wait3A_157 = tpu.memref_slice %arg14[%run_scoped3A_127, %dma_wait3A_156] : memref<4x128xi32, #tpu.memory_space<vmem>> -> memref<1x128xi32, #tpu.memory_space<vmem>>
          %dma_wait3A_158 = tpu.memref_squeeze %dma_wait3A_157 : memref<1x128xi32, #tpu.memory_space<vmem>> -> memref<128xi32, #tpu.memory_space<vmem>>
          %dma_wait3A_159 = arith.constant 0 : i32
          %dma_wait3A_160 = arith.constant 0 : i32
          %dma_wait3A_161 = tpu.memref_slice %arg6[%dma_wait3A_159, %dma_wait3A_160] : memref<16128x16xf32, #tpu.memory_space<vmem_shared>> -> memref<16128x16xf32, #tpu.memory_space<vmem_shared>>
          tpu.wait_indirect_dma semaphore(%run_scoped3A_145 : memref<!tpu.dma_semaphore, #tpu.memory_space<semaphore_mem>>) src(%dma_wait3A_155 : memref<128x16xf32, #tpu.memory_space<vmem>>) dst(%dma_wait3A_161 : memref<16128x16xf32, #tpu.memory_space<vmem_shared>>)
          tpu.yield
        }) : () -> ()
        %run_scoped3A_128 = arith.constant 1 : i32
        "tpu.region"() ({
          %run_scoped3A_145 = tpu.sem_alloc : memref<!tpu.dma_semaphore, #tpu.memory_space<semaphore_mem>>
          %dma_start3A = arith.constant 0 : i32
          %dma_start3A_146 = tpu.memref_slice %arg14[%run_scoped3A_128, %dma_start3A] : memref<4x128xi32, #tpu.memory_space<vmem>> -> memref<1x128xi32, #tpu.memory_space<vmem>>
          %dma_start3A_147 = tpu.memref_squeeze %dma_start3A_146 : memref<1x128xi32, #tpu.memory_space<vmem>> -> memref<128xi32, #tpu.memory_space<vmem>>
          %dma_start3A_148 = arith.constant 0 : i32
          %dma_start3A_149 = arith.constant 0 : i32
          %dma_start3A_150 = tpu.memref_slice %arg7[%dma_start3A_148, %dma_start3A_149] : memref<16128x16xf32, #tpu.memory_space<vmem_shared>> -> memref<16128x16xf32, #tpu.memory_space<vmem_shared>>
          tpu.enqueue_indirect_dma source(%arg15 : memref<128x16xf32, #tpu.memory_space<vmem>>) target(%dma_start3A_150 : memref<16128x16xf32, #tpu.memory_space<vmem_shared>>) offsets(%dma_start3A_147 : memref<128xi32, #tpu.memory_space<vmem>>) semaphore(%run_scoped3A_145 : memref<!tpu.dma_semaphore, #tpu.memory_space<semaphore_mem>>) {add = true}
          %dma_wait3A = arith.constant 0 : i32
          %dma_wait3A_151 = tpu.memref_slice %arg14[%run_scoped3A_128, %dma_wait3A] : memref<4x128xi32, #tpu.memory_space<vmem>> -> memref<1x128xi32, #tpu.memory_space<vmem>>
          %dma_wait3A_152 = tpu.memref_squeeze %dma_wait3A_151 : memref<1x128xi32, #tpu.memory_space<vmem>> -> memref<128xi32, #tpu.memory_space<vmem>>
          %dma_wait3A_153 = arith.constant 0 : i32
          %dma_wait3A_154 = arith.constant 0 : i32
          %dma_wait3A_155 = tpu.memref_slice %arg7[%dma_wait3A_153, %dma_wait3A_154] : memref<16128x16xf32, #tpu.memory_space<vmem_shared>> -> memref<16128x16xf32, #tpu.memory_space<vmem_shared>>
          tpu.wait_indirect_dma semaphore(%run_scoped3A_145 : memref<!tpu.dma_semaphore, #tpu.memory_space<semaphore_mem>>) src(%arg15 : memref<128x16xf32, #tpu.memory_space<vmem>>) dst(%dma_wait3A_155 : memref<16128x16xf32, #tpu.memory_space<vmem_shared>>)
          tpu.yield
        }) : () -> ()
        %scan3A_129 = arith.constant 0 : i32
        %scan3A_130 = arith.constant 0 : i32
        %scan3A_131 = arith.constant 8 : i32
        %scan3A_132 = arith.addi %scan3A_130, %scan3A_131 : i32
        %scan3A_133 = arith.constant 1 : i32
        scf.for %scan3A_145 = %scan3A_130 to %scan3A_132 step %scan3A_133  : i32 {
          %mul3A_146 = arith.constant 16 : i32
          %mul3A_147 = arith.muli %scan3A_145, %mul3A_146 : i32
          %add3A_148 = arith.constant 256 : i32
          %add3A_149 = arith.addi %add3A_148, %mul3A_147 : i32
          %get3A_150 = arith.index_cast %add3A_149 : i32 to index
          %get3A_151 = tpu.vector_load %arg13[%get3A_150] {strides = array<i32>} : memref<512xi32, #tpu.memory_space<vmem>>, vector<16xi32>,
          %sub3A_152 = vector.broadcast %multiple_of3A_50 : i32 to vector<16xi32>
          %sub3A_153 = arith.subi %get3A_151, %sub3A_152 : vector<16xi32>
          %max3A = arith.constant -1 : i32
          %max3A_154 = vector.broadcast %max3A : i32 to vector<16xi32>
          %max3A_155 = arith.maxsi %sub3A_153, %max3A_154 : vector<16xi32>
          %min3A_156 = arith.constant 1000 : i32
          %min3A_157 = vector.broadcast %min3A_156 : i32 to vector<16xi32>
          %min3A_158 = arith.minsi %max3A_155, %min3A_157 : vector<16xi32>
          %lt3A = arith.constant 0 : i32
          %lt3A_159 = vector.broadcast %lt3A : i32 to vector<16xi32>
          %lt3A_160 = arith.cmpi slt, %min3A_158, %lt3A_159 : vector<16xi32>
          %jit3A_161 = arith.constant 1000 : i32
          %broadcast_in_dim3A_162 = vector.broadcast %jit3A_161 : i32 to vector<16xi32>
          %select_n3A_163 = arith.select %lt3A_160, %broadcast_in_dim3A_162, %min3A_158 : vector<16xi1>, vector<16xi32>
          %add3A_164 = vector.broadcast %add3A_149 : i32 to vector<16xi32>
          %add3A_165 = arith.addi %iota3A, %add3A_164 : vector<16xi32>
          %lt3A_166 = vector.broadcast %sub3A_107 : i32 to vector<16xi32>
          %lt3A_167 = arith.cmpi slt, %add3A_165, %lt3A_166 : vector<16xi32>
          %jit3A_168 = arith.constant 1000 : i32
          %broadcast_in_dim3A_169 = vector.broadcast %jit3A_168 : i32 to vector<16xi32>
          %select_n3A_170 = arith.select %lt3A_167, %broadcast_in_dim3A_169, %select_n3A_163 : vector<16xi1>, vector<16xi32>
          %add3A_171 = vector.broadcast %multiple_of3A : i32 to vector<16xi32>
          %add3A_172 = arith.addi %select_n3A_170, %add3A_171 : vector<16xi32>
          %mul3A_173 = arith.constant 16 : i32
          %mul3A_174 = arith.muli %scan3A_145, %mul3A_173 : i32
          %swap3A = arith.constant 2 : i32
          %swap3A_175 = arith.constant 0 : i32
          %swap3A_176 = tpu.memref_slice %arg14[%swap3A, %swap3A_175] : memref<4x128xi32, #tpu.memory_space<vmem>> -> memref<1x128xi32, #tpu.memory_space<vmem>>
          %swap3A_177 = tpu.memref_squeeze %swap3A_176 : memref<1x128xi32, #tpu.memory_space<vmem>> -> memref<128xi32, #tpu.memory_space<vmem>>
          %swap3A_178 = arith.index_cast %mul3A_174 : i32 to index
          %swap3A_179 = tpu.vector_load %swap3A_177[%swap3A_178] {strides = array<i32>} : memref<128xi32, #tpu.memory_space<vmem>>, vector<16xi32>,
          tpu.vector_store %swap3A_177[%swap3A_178], %add3A_172 {strides = array<i32>} : memref<128xi32, #tpu.memory_space<vmem>>, vector<16xi32>,
        }
        %scan3A_134 = arith.constant 8 : i32
        %run_scoped3A_135 = arith.constant 2 : i32
        "tpu.region"() ({
          %run_scoped3A_145 = tpu.sem_alloc : memref<!tpu.dma_semaphore, #tpu.memory_space<semaphore_mem>>
          %dma_start3A = arith.constant 256 : i32
          %dma_start3A_146 = arith.constant 0 : i32
          %dma_start3A_147 = tpu.memref_slice %arg12[%dma_start3A, %dma_start3A_146] : memref<512x16xf32, #tpu.memory_space<vmem>> -> memref<128x16xf32, #tpu.memory_space<vmem>>
          %dma_start3A_148 = arith.constant 0 : i32
          %dma_start3A_149 = tpu.memref_slice %arg14[%run_scoped3A_135, %dma_start3A_148] : memref<4x128xi32, #tpu.memory_space<vmem>> -> memref<1x128xi32, #tpu.memory_space<vmem>>
          %dma_start3A_150 = tpu.memref_squeeze %dma_start3A_149 : memref<1x128xi32, #tpu.memory_space<vmem>> -> memref<128xi32, #tpu.memory_space<vmem>>
          %dma_start3A_151 = arith.constant 0 : i32
          %dma_start3A_152 = arith.constant 0 : i32
          %dma_start3A_153 = tpu.memref_slice %arg6[%dma_start3A_151, %dma_start3A_152] : memref<16128x16xf32, #tpu.memory_space<vmem_shared>> -> memref<16128x16xf32, #tpu.memory_space<vmem_shared>>
          tpu.enqueue_indirect_dma source(%dma_start3A_147 : memref<128x16xf32, #tpu.memory_space<vmem>>) target(%dma_start3A_153 : memref<16128x16xf32, #tpu.memory_space<vmem_shared>>) offsets(%dma_start3A_150 : memref<128xi32, #tpu.memory_space<vmem>>) semaphore(%run_scoped3A_145 : memref<!tpu.dma_semaphore, #tpu.memory_space<semaphore_mem>>) {add = true}
          %dma_wait3A = arith.constant 256 : i32
          %dma_wait3A_154 = arith.constant 0 : i32
          %dma_wait3A_155 = tpu.memref_slice %arg12[%dma_wait3A, %dma_wait3A_154] : memref<512x16xf32, #tpu.memory_space<vmem>> -> memref<128x16xf32, #tpu.memory_space<vmem>>
          %dma_wait3A_156 = arith.constant 0 : i32
          %dma_wait3A_157 = tpu.memref_slice %arg14[%run_scoped3A_135, %dma_wait3A_156] : memref<4x128xi32, #tpu.memory_space<vmem>> -> memref<1x128xi32, #tpu.memory_space<vmem>>
          %dma_wait3A_158 = tpu.memref_squeeze %dma_wait3A_157 : memref<1x128xi32, #tpu.memory_space<vmem>> -> memref<128xi32, #tpu.memory_space<vmem>>
          %dma_wait3A_159 = arith.constant 0 : i32
          %dma_wait3A_160 = arith.constant 0 : i32
          %dma_wait3A_161 = tpu.memref_slice %arg6[%dma_wait3A_159, %dma_wait3A_160] : memref<16128x16xf32, #tpu.memory_space<vmem_shared>> -> memref<16128x16xf32, #tpu.memory_space<vmem_shared>>
          tpu.wait_indirect_dma semaphore(%run_scoped3A_145 : memref<!tpu.dma_semaphore, #tpu.memory_space<semaphore_mem>>) src(%dma_wait3A_155 : memref<128x16xf32, #tpu.memory_space<vmem>>) dst(%dma_wait3A_161 : memref<16128x16xf32, #tpu.memory_space<vmem_shared>>)
          tpu.yield
        }) : () -> ()
        %run_scoped3A_136 = arith.constant 2 : i32
        "tpu.region"() ({
          %run_scoped3A_145 = tpu.sem_alloc : memref<!tpu.dma_semaphore, #tpu.memory_space<semaphore_mem>>
          %dma_start3A = arith.constant 0 : i32
          %dma_start3A_146 = tpu.memref_slice %arg14[%run_scoped3A_136, %dma_start3A] : memref<4x128xi32, #tpu.memory_space<vmem>> -> memref<1x128xi32, #tpu.memory_space<vmem>>
          %dma_start3A_147 = tpu.memref_squeeze %dma_start3A_146 : memref<1x128xi32, #tpu.memory_space<vmem>> -> memref<128xi32, #tpu.memory_space<vmem>>
          %dma_start3A_148 = arith.constant 0 : i32
          %dma_start3A_149 = arith.constant 0 : i32
          %dma_start3A_150 = tpu.memref_slice %arg7[%dma_start3A_148, %dma_start3A_149] : memref<16128x16xf32, #tpu.memory_space<vmem_shared>> -> memref<16128x16xf32, #tpu.memory_space<vmem_shared>>
          tpu.enqueue_indirect_dma source(%arg15 : memref<128x16xf32, #tpu.memory_space<vmem>>) target(%dma_start3A_150 : memref<16128x16xf32, #tpu.memory_space<vmem_shared>>) offsets(%dma_start3A_147 : memref<128xi32, #tpu.memory_space<vmem>>) semaphore(%run_scoped3A_145 : memref<!tpu.dma_semaphore, #tpu.memory_space<semaphore_mem>>) {add = true}
          %dma_wait3A = arith.constant 0 : i32
          %dma_wait3A_151 = tpu.memref_slice %arg14[%run_scoped3A_136, %dma_wait3A] : memref<4x128xi32, #tpu.memory_space<vmem>> -> memref<1x128xi32, #tpu.memory_space<vmem>>
          %dma_wait3A_152 = tpu.memref_squeeze %dma_wait3A_151 : memref<1x128xi32, #tpu.memory_space<vmem>> -> memref<128xi32, #tpu.memory_space<vmem>>
          %dma_wait3A_153 = arith.constant 0 : i32
          %dma_wait3A_154 = arith.constant 0 : i32
          %dma_wait3A_155 = tpu.memref_slice %arg7[%dma_wait3A_153, %dma_wait3A_154] : memref<16128x16xf32, #tpu.memory_space<vmem_shared>> -> memref<16128x16xf32, #tpu.memory_space<vmem_shared>>
          tpu.wait_indirect_dma semaphore(%run_scoped3A_145 : memref<!tpu.dma_semaphore, #tpu.memory_space<semaphore_mem>>) src(%arg15 : memref<128x16xf32, #tpu.memory_space<vmem>>) dst(%dma_wait3A_155 : memref<16128x16xf32, #tpu.memory_space<vmem_shared>>)
          tpu.yield
        }) : () -> ()
        %scan3A_137 = arith.constant 0 : i32
        %scan3A_138 = arith.constant 0 : i32
        %scan3A_139 = arith.constant 8 : i32
        %scan3A_140 = arith.addi %scan3A_138, %scan3A_139 : i32
        %scan3A_141 = arith.constant 1 : i32
        scf.for %scan3A_145 = %scan3A_138 to %scan3A_140 step %scan3A_141  : i32 {
          %mul3A_146 = arith.constant 16 : i32
          %mul3A_147 = arith.muli %scan3A_145, %mul3A_146 : i32
          %add3A_148 = arith.constant 384 : i32
          %add3A_149 = arith.addi %add3A_148, %mul3A_147 : i32
          %get3A_150 = arith.index_cast %add3A_149 : i32 to index
          %get3A_151 = tpu.vector_load %arg13[%get3A_150] {strides = array<i32>} : memref<512xi32, #tpu.memory_space<vmem>>, vector<16xi32>,
          %sub3A_152 = vector.broadcast %multiple_of3A_50 : i32 to vector<16xi32>
          %sub3A_153 = arith.subi %get3A_151, %sub3A_152 : vector<16xi32>
          %max3A = arith.constant -1 : i32
          %max3A_154 = vector.broadcast %max3A : i32 to vector<16xi32>
          %max3A_155 = arith.maxsi %sub3A_153, %max3A_154 : vector<16xi32>
          %min3A_156 = arith.constant 1000 : i32
          %min3A_157 = vector.broadcast %min3A_156 : i32 to vector<16xi32>
          %min3A_158 = arith.minsi %max3A_155, %min3A_157 : vector<16xi32>
          %lt3A = arith.constant 0 : i32
          %lt3A_159 = vector.broadcast %lt3A : i32 to vector<16xi32>
          %lt3A_160 = arith.cmpi slt, %min3A_158, %lt3A_159 : vector<16xi32>
          %jit3A_161 = arith.constant 1000 : i32
          %broadcast_in_dim3A_162 = vector.broadcast %jit3A_161 : i32 to vector<16xi32>
          %select_n3A_163 = arith.select %lt3A_160, %broadcast_in_dim3A_162, %min3A_158 : vector<16xi1>, vector<16xi32>
          %add3A_164 = vector.broadcast %add3A_149 : i32 to vector<16xi32>
          %add3A_165 = arith.addi %iota3A, %add3A_164 : vector<16xi32>
          %lt3A_166 = vector.broadcast %sub3A_107 : i32 to vector<16xi32>
          %lt3A_167 = arith.cmpi slt, %add3A_165, %lt3A_166 : vector<16xi32>
          %jit3A_168 = arith.constant 1000 : i32
          %broadcast_in_dim3A_169 = vector.broadcast %jit3A_168 : i32 to vector<16xi32>
          %select_n3A_170 = arith.select %lt3A_167, %broadcast_in_dim3A_169, %select_n3A_163 : vector<16xi1>, vector<16xi32>
          %add3A_171 = vector.broadcast %multiple_of3A : i32 to vector<16xi32>
          %add3A_172 = arith.addi %select_n3A_170, %add3A_171 : vector<16xi32>
          %mul3A_173 = arith.constant 16 : i32
          %mul3A_174 = arith.muli %scan3A_145, %mul3A_173 : i32
          %swap3A = arith.constant 3 : i32
          %swap3A_175 = arith.constant 0 : i32
          %swap3A_176 = tpu.memref_slice %arg14[%swap3A, %swap3A_175] : memref<4x128xi32, #tpu.memory_space<vmem>> -> memref<1x128xi32, #tpu.memory_space<vmem>>
          %swap3A_177 = tpu.memref_squeeze %swap3A_176 : memref<1x128xi32, #tpu.memory_space<vmem>> -> memref<128xi32, #tpu.memory_space<vmem>>
          %swap3A_178 = arith.index_cast %mul3A_174 : i32 to index
          %swap3A_179 = tpu.vector_load %swap3A_177[%swap3A_178] {strides = array<i32>} : memref<128xi32, #tpu.memory_space<vmem>>, vector<16xi32>,
          tpu.vector_store %swap3A_177[%swap3A_178], %add3A_172 {strides = array<i32>} : memref<128xi32, #tpu.memory_space<vmem>>, vector<16xi32>,
        }
        %scan3A_142 = arith.constant 8 : i32
        %run_scoped3A_143 = arith.constant 3 : i32
        "tpu.region"() ({
          %run_scoped3A_145 = tpu.sem_alloc : memref<!tpu.dma_semaphore, #tpu.memory_space<semaphore_mem>>
          %dma_start3A = arith.constant 384 : i32
          %dma_start3A_146 = arith.constant 0 : i32
          %dma_start3A_147 = tpu.memref_slice %arg12[%dma_start3A, %dma_start3A_146] : memref<512x16xf32, #tpu.memory_space<vmem>> -> memref<128x16xf32, #tpu.memory_space<vmem>>
          %dma_start3A_148 = arith.constant 0 : i32
          %dma_start3A_149 = tpu.memref_slice %arg14[%run_scoped3A_143, %dma_start3A_148] : memref<4x128xi32, #tpu.memory_space<vmem>> -> memref<1x128xi32, #tpu.memory_space<vmem>>
          %dma_start3A_150 = tpu.memref_squeeze %dma_start3A_149 : memref<1x128xi32, #tpu.memory_space<vmem>> -> memref<128xi32, #tpu.memory_space<vmem>>
          %dma_start3A_151 = arith.constant 0 : i32
          %dma_start3A_152 = arith.constant 0 : i32
          %dma_start3A_153 = tpu.memref_slice %arg6[%dma_start3A_151, %dma_start3A_152] : memref<16128x16xf32, #tpu.memory_space<vmem_shared>> -> memref<16128x16xf32, #tpu.memory_space<vmem_shared>>
          tpu.enqueue_indirect_dma source(%dma_start3A_147 : memref<128x16xf32, #tpu.memory_space<vmem>>) target(%dma_start3A_153 : memref<16128x16xf32, #tpu.memory_space<vmem_shared>>) offsets(%dma_start3A_150 : memref<128xi32, #tpu.memory_space<vmem>>) semaphore(%run_scoped3A_145 : memref<!tpu.dma_semaphore, #tpu.memory_space<semaphore_mem>>) {add = true}
          %dma_wait3A = arith.constant 384 : i32
          %dma_wait3A_154 = arith.constant 0 : i32
          %dma_wait3A_155 = tpu.memref_slice %arg12[%dma_wait3A, %dma_wait3A_154] : memref<512x16xf32, #tpu.memory_space<vmem>> -> memref<128x16xf32, #tpu.memory_space<vmem>>
          %dma_wait3A_156 = arith.constant 0 : i32
          %dma_wait3A_157 = tpu.memref_slice %arg14[%run_scoped3A_143, %dma_wait3A_156] : memref<4x128xi32, #tpu.memory_space<vmem>> -> memref<1x128xi32, #tpu.memory_space<vmem>>
          %dma_wait3A_158 = tpu.memref_squeeze %dma_wait3A_157 : memref<1x128xi32, #tpu.memory_space<vmem>> -> memref<128xi32, #tpu.memory_space<vmem>>
          %dma_wait3A_159 = arith.constant 0 : i32
          %dma_wait3A_160 = arith.constant 0 : i32
          %dma_wait3A_161 = tpu.memref_slice %arg6[%dma_wait3A_159, %dma_wait3A_160] : memref<16128x16xf32, #tpu.memory_space<vmem_shared>> -> memref<16128x16xf32, #tpu.memory_space<vmem_shared>>
          tpu.wait_indirect_dma semaphore(%run_scoped3A_145 : memref<!tpu.dma_semaphore, #tpu.memory_space<semaphore_mem>>) src(%dma_wait3A_155 : memref<128x16xf32, #tpu.memory_space<vmem>>) dst(%dma_wait3A_161 : memref<16128x16xf32, #tpu.memory_space<vmem_shared>>)
          tpu.yield
        }) : () -> ()
        %run_scoped3A_144 = arith.constant 3 : i32
        "tpu.region"() ({
          %run_scoped3A_145 = tpu.sem_alloc : memref<!tpu.dma_semaphore, #tpu.memory_space<semaphore_mem>>
          %dma_start3A = arith.constant 0 : i32
          %dma_start3A_146 = tpu.memref_slice %arg14[%run_scoped3A_144, %dma_start3A] : memref<4x128xi32, #tpu.memory_space<vmem>> -> memref<1x128xi32, #tpu.memory_space<vmem>>
          %dma_start3A_147 = tpu.memref_squeeze %dma_start3A_146 : memref<1x128xi32, #tpu.memory_space<vmem>> -> memref<128xi32, #tpu.memory_space<vmem>>
          %dma_start3A_148 = arith.constant 0 : i32
          %dma_start3A_149 = arith.constant 0 : i32
          %dma_start3A_150 = tpu.memref_slice %arg7[%dma_start3A_148, %dma_start3A_149] : memref<16128x16xf32, #tpu.memory_space<vmem_shared>> -> memref<16128x16xf32, #tpu.memory_space<vmem_shared>>
          tpu.enqueue_indirect_dma source(%arg15 : memref<128x16xf32, #tpu.memory_space<vmem>>) target(%dma_start3A_150 : memref<16128x16xf32, #tpu.memory_space<vmem_shared>>) offsets(%dma_start3A_147 : memref<128xi32, #tpu.memory_space<vmem>>) semaphore(%run_scoped3A_145 : memref<!tpu.dma_semaphore, #tpu.memory_space<semaphore_mem>>) {add = true}
          %dma_wait3A = arith.constant 0 : i32
          %dma_wait3A_151 = tpu.memref_slice %arg14[%run_scoped3A_144, %dma_wait3A] : memref<4x128xi32, #tpu.memory_space<vmem>> -> memref<1x128xi32, #tpu.memory_space<vmem>>
          %dma_wait3A_152 = tpu.memref_squeeze %dma_wait3A_151 : memref<1x128xi32, #tpu.memory_space<vmem>> -> memref<128xi32, #tpu.memory_space<vmem>>
          %dma_wait3A_153 = arith.constant 0 : i32
          %dma_wait3A_154 = arith.constant 0 : i32
          %dma_wait3A_155 = tpu.memref_slice %arg7[%dma_wait3A_153, %dma_wait3A_154] : memref<16128x16xf32, #tpu.memory_space<vmem_shared>> -> memref<16128x16xf32, #tpu.memory_space<vmem_shared>>
          tpu.wait_indirect_dma semaphore(%run_scoped3A_145 : memref<!tpu.dma_semaphore, #tpu.memory_space<semaphore_mem>>) src(%arg15 : memref<128x16xf32, #tpu.memory_space<vmem>>) dst(%dma_wait3A_155 : memref<16128x16xf32, #tpu.memory_space<vmem_shared>>)
          tpu.yield
        }) : () -> ()
      }
      %while3A_92 = arith.constant 1 : i32
      scf.for %while3A_101 = %while3A_90 to %while3A_86 step %while3A_92  : i32 {
        %mul3A_102 = arith.constant 512 : i32
        %mul3A_103 = arith.muli %while3A_101, %mul3A_102 : i32
        %add3A_104 = arith.addi %and3A_55, %mul3A_103 : i32
        %min3A = arith.constant 818688 : i32
        %min3A_105 = arith.minsi %add3A_104, %min3A : i32
        %multiple_of3A_106 = tpu.assume_multiple %min3A_105, 8 : i32
        %sub3A_107 = arith.subi %add3A_104, %multiple_of3A_106 : i32
        "tpu.region"() ({
          %run_scoped3A_145 = tpu.sem_alloc : memref<!tpu.dma_semaphore, #tpu.memory_space<semaphore_mem>>
          %dma_start3A = arith.constant 0 : i32
          %dma_start3A_146 = tpu.memref_slice %arg2[%dma_start3A, %multiple_of3A_106] : memref<16x819200xf32, #tpu.memory_space<hbm>> -> memref<16x512xf32, #tpu.memory_space<hbm>>
          %dma_start3A_147 = arith.constant 0 : i32
          %dma_start3A_148 = tpu.memref_slice %arg2[%dma_start3A_147, %multiple_of3A_106] : memref<16x819200xf32, #tpu.memory_space<hbm>> -> memref<16x512xf32, #tpu.memory_space<hbm>>
          tpu.enqueue_dma source(%dma_start3A_148 : memref<16x512xf32, #tpu.memory_space<hbm>>) target(%arg11 : memref<16x512xf32, #tpu.memory_space<vmem>>) target_semaphore(%run_scoped3A_145 : memref<!tpu.dma_semaphore, #tpu.memory_space<semaphore_mem>>)
          %dma_wait3A = arith.constant 0 : i32
          %dma_wait3A_149 = tpu.memref_slice %arg2[%dma_wait3A, %multiple_of3A_106] : memref<16x819200xf32, #tpu.memory_space<hbm>> -> memref<16x512xf32, #tpu.memory_space<hbm>>
          %dma_wait3A_150 = arith.constant 0 : i32
          %dma_wait3A_151 = tpu.memref_slice %arg2[%dma_wait3A_150, %multiple_of3A_106] : memref<16x819200xf32, #tpu.memory_space<hbm>> -> memref<16x512xf32, #tpu.memory_space<hbm>>
          tpu.wait_dma2 semaphore(%run_scoped3A_145 : memref<!tpu.dma_semaphore, #tpu.memory_space<semaphore_mem>>) src(%dma_wait3A_151 : memref<16x512xf32, #tpu.memory_space<hbm>>) dst(%arg11 : memref<16x512xf32, #tpu.memory_space<vmem>>)
          tpu.yield
        }) : () -> ()
        "tpu.region"() ({
          %run_scoped3A_145 = tpu.sem_alloc : memref<!tpu.dma_semaphore, #tpu.memory_space<semaphore_mem>>
          %dma_start3A = tpu.memref_slice %arg3[%multiple_of3A_106] : memref<819200xi32, #tpu.memory_space<hbm>> -> memref<512xi32, #tpu.memory_space<hbm>>
          %dma_start3A_146 = tpu.memref_slice %arg3[%multiple_of3A_106] : memref<819200xi32, #tpu.memory_space<hbm>> -> memref<512xi32, #tpu.memory_space<hbm>>
          tpu.enqueue_dma source(%dma_start3A_146 : memref<512xi32, #tpu.memory_space<hbm>>) target(%arg13 : memref<512xi32, #tpu.memory_space<vmem>>) target_semaphore(%run_scoped3A_145 : memref<!tpu.dma_semaphore, #tpu.memory_space<semaphore_mem>>)
          %dma_wait3A = tpu.memref_slice %arg3[%multiple_of3A_106] : memref<819200xi32, #tpu.memory_space<hbm>> -> memref<512xi32, #tpu.memory_space<hbm>>
          %dma_wait3A_147 = tpu.memref_slice %arg3[%multiple_of3A_106] : memref<819200xi32, #tpu.memory_space<hbm>> -> memref<512xi32, #tpu.memory_space<hbm>>
          tpu.wait_dma2 semaphore(%run_scoped3A_145 : memref<!tpu.dma_semaphore, #tpu.memory_space<semaphore_mem>>) src(%dma_wait3A_147 : memref<512xi32, #tpu.memory_space<hbm>>) dst(%arg13 : memref<512xi32, #tpu.memory_space<vmem>>)
          tpu.yield
        }) : () -> ()
        %scan3A_108 = arith.constant 0 : i32
        %scan3A_109 = arith.constant 0 : i32
        %scan3A_110 = arith.constant 32 : i32
        %scan3A_111 = arith.addi %scan3A_109, %scan3A_110 : i32
        %scan3A_112 = arith.constant 1 : i32
        scf.for %scan3A_145 = %scan3A_109 to %scan3A_111 step %scan3A_112  : i32 {
          %mul3A_146 = arith.constant 16 : i32
          %mul3A_147 = arith.muli %scan3A_145, %mul3A_146 : i32
          %get3A_148 = arith.constant 0 : i32
          %get3A_149 = arith.constant 0 : i32
          %get3A_150 = tpu.memref_slice %arg11[%get3A_148, %get3A_149] : memref<16x512xf32, #tpu.memory_space<vmem>> -> memref<1x512xf32, #tpu.memory_space<vmem>>
          %get3A_151 = tpu.memref_squeeze %get3A_150 : memref<1x512xf32, #tpu.memory_space<vmem>> -> memref<512xf32, #tpu.memory_space<vmem>>
          %get3A_152 = arith.index_cast %mul3A_147 : i32 to index
          %get3A_153 = tpu.vector_load %get3A_151[%get3A_152] {strides = array<i32>} : memref<512xf32, #tpu.memory_space<vmem>>, vector<16xf32>,
          %get3A_154 = arith.constant 1 : i32
          %get3A_155 = arith.constant 0 : i32
          %get3A_156 = tpu.memref_slice %arg11[%get3A_154, %get3A_155] : memref<16x512xf32, #tpu.memory_space<vmem>> -> memref<1x512xf32, #tpu.memory_space<vmem>>
          %get3A_157 = tpu.memref_squeeze %get3A_156 : memref<1x512xf32, #tpu.memory_space<vmem>> -> memref<512xf32, #tpu.memory_space<vmem>>
          %get3A_158 = arith.index_cast %mul3A_147 : i32 to index
          %get3A_159 = tpu.vector_load %get3A_157[%get3A_158] {strides = array<i32>} : memref<512xf32, #tpu.memory_space<vmem>>, vector<16xf32>,
          %get3A_160 = arith.constant 2 : i32
          %get3A_161 = arith.constant 0 : i32
          %get3A_162 = tpu.memref_slice %arg11[%get3A_160, %get3A_161] : memref<16x512xf32, #tpu.memory_space<vmem>> -> memref<1x512xf32, #tpu.memory_space<vmem>>
          %get3A_163 = tpu.memref_squeeze %get3A_162 : memref<1x512xf32, #tpu.memory_space<vmem>> -> memref<512xf32, #tpu.memory_space<vmem>>
          %get3A_164 = arith.index_cast %mul3A_147 : i32 to index
          %get3A_165 = tpu.vector_load %get3A_163[%get3A_164] {strides = array<i32>} : memref<512xf32, #tpu.memory_space<vmem>>, vector<16xf32>,
          %get3A_166 = arith.constant 3 : i32
          %get3A_167 = arith.constant 0 : i32
          %get3A_168 = tpu.memref_slice %arg11[%get3A_166, %get3A_167] : memref<16x512xf32, #tpu.memory_space<vmem>> -> memref<1x512xf32, #tpu.memory_space<vmem>>
          %get3A_169 = tpu.memref_squeeze %get3A_168 : memref<1x512xf32, #tpu.memory_space<vmem>> -> memref<512xf32, #tpu.memory_space<vmem>>
          %get3A_170 = arith.index_cast %mul3A_147 : i32 to index
          %get3A_171 = tpu.vector_load %get3A_169[%get3A_170] {strides = array<i32>} : memref<512xf32, #tpu.memory_space<vmem>>, vector<16xf32>,
          %get3A_172 = arith.constant 4 : i32
          %get3A_173 = arith.constant 0 : i32
          %get3A_174 = tpu.memref_slice %arg11[%get3A_172, %get3A_173] : memref<16x512xf32, #tpu.memory_space<vmem>> -> memref<1x512xf32, #tpu.memory_space<vmem>>
          %get3A_175 = tpu.memref_squeeze %get3A_174 : memref<1x512xf32, #tpu.memory_space<vmem>> -> memref<512xf32, #tpu.memory_space<vmem>>
          %get3A_176 = arith.index_cast %mul3A_147 : i32 to index
          %get3A_177 = tpu.vector_load %get3A_175[%get3A_176] {strides = array<i32>} : memref<512xf32, #tpu.memory_space<vmem>>, vector<16xf32>,
          %get3A_178 = arith.constant 5 : i32
          %get3A_179 = arith.constant 0 : i32
          %get3A_180 = tpu.memref_slice %arg11[%get3A_178, %get3A_179] : memref<16x512xf32, #tpu.memory_space<vmem>> -> memref<1x512xf32, #tpu.memory_space<vmem>>
          %get3A_181 = tpu.memref_squeeze %get3A_180 : memref<1x512xf32, #tpu.memory_space<vmem>> -> memref<512xf32, #tpu.memory_space<vmem>>
          %get3A_182 = arith.index_cast %mul3A_147 : i32 to index
          %get3A_183 = tpu.vector_load %get3A_181[%get3A_182] {strides = array<i32>} : memref<512xf32, #tpu.memory_space<vmem>>, vector<16xf32>,
          %get3A_184 = arith.constant 6 : i32
          %get3A_185 = arith.constant 0 : i32
          %get3A_186 = tpu.memref_slice %arg11[%get3A_184, %get3A_185] : memref<16x512xf32, #tpu.memory_space<vmem>> -> memref<1x512xf32, #tpu.memory_space<vmem>>
          %get3A_187 = tpu.memref_squeeze %get3A_186 : memref<1x512xf32, #tpu.memory_space<vmem>> -> memref<512xf32, #tpu.memory_space<vmem>>
          %get3A_188 = arith.index_cast %mul3A_147 : i32 to index
          %get3A_189 = tpu.vector_load %get3A_187[%get3A_188] {strides = array<i32>} : memref<512xf32, #tpu.memory_space<vmem>>, vector<16xf32>,
          %get3A_190 = arith.constant 7 : i32
          %get3A_191 = arith.constant 0 : i32
          %get3A_192 = tpu.memref_slice %arg11[%get3A_190, %get3A_191] : memref<16x512xf32, #tpu.memory_space<vmem>> -> memref<1x512xf32, #tpu.memory_space<vmem>>
          %get3A_193 = tpu.memref_squeeze %get3A_192 : memref<1x512xf32, #tpu.memory_space<vmem>> -> memref<512xf32, #tpu.memory_space<vmem>>
          %get3A_194 = arith.index_cast %mul3A_147 : i32 to index
          %get3A_195 = tpu.vector_load %get3A_193[%get3A_194] {strides = array<i32>} : memref<512xf32, #tpu.memory_space<vmem>>, vector<16xf32>,
          %get3A_196 = arith.constant 8 : i32
          %get3A_197 = arith.constant 0 : i32
          %get3A_198 = tpu.memref_slice %arg11[%get3A_196, %get3A_197] : memref<16x512xf32, #tpu.memory_space<vmem>> -> memref<1x512xf32, #tpu.memory_space<vmem>>
          %get3A_199 = tpu.memref_squeeze %get3A_198 : memref<1x512xf32, #tpu.memory_space<vmem>> -> memref<512xf32, #tpu.memory_space<vmem>>
          %get3A_200 = arith.index_cast %mul3A_147 : i32 to index
          %get3A_201 = tpu.vector_load %get3A_199[%get3A_200] {strides = array<i32>} : memref<512xf32, #tpu.memory_space<vmem>>, vector<16xf32>,
          %get3A_202 = arith.constant 9 : i32
          %get3A_203 = arith.constant 0 : i32
          %get3A_204 = tpu.memref_slice %arg11[%get3A_202, %get3A_203] : memref<16x512xf32, #tpu.memory_space<vmem>> -> memref<1x512xf32, #tpu.memory_space<vmem>>
          %get3A_205 = tpu.memref_squeeze %get3A_204 : memref<1x512xf32, #tpu.memory_space<vmem>> -> memref<512xf32, #tpu.memory_space<vmem>>
          %get3A_206 = arith.index_cast %mul3A_147 : i32 to index
          %get3A_207 = tpu.vector_load %get3A_205[%get3A_206] {strides = array<i32>} : memref<512xf32, #tpu.memory_space<vmem>>, vector<16xf32>,
          %get3A_208 = arith.constant 10 : i32
          %get3A_209 = arith.constant 0 : i32
          %get3A_210 = tpu.memref_slice %arg11[%get3A_208, %get3A_209] : memref<16x512xf32, #tpu.memory_space<vmem>> -> memref<1x512xf32, #tpu.memory_space<vmem>>
          %get3A_211 = tpu.memref_squeeze %get3A_210 : memref<1x512xf32, #tpu.memory_space<vmem>> -> memref<512xf32, #tpu.memory_space<vmem>>
          %get3A_212 = arith.index_cast %mul3A_147 : i32 to index
          %get3A_213 = tpu.vector_load %get3A_211[%get3A_212] {strides = array<i32>} : memref<512xf32, #tpu.memory_space<vmem>>, vector<16xf32>,
          %get3A_214 = arith.constant 11 : i32
          %get3A_215 = arith.constant 0 : i32
          %get3A_216 = tpu.memref_slice %arg11[%get3A_214, %get3A_215] : memref<16x512xf32, #tpu.memory_space<vmem>> -> memref<1x512xf32, #tpu.memory_space<vmem>>
          %get3A_217 = tpu.memref_squeeze %get3A_216 : memref<1x512xf32, #tpu.memory_space<vmem>> -> memref<512xf32, #tpu.memory_space<vmem>>
          %get3A_218 = arith.index_cast %mul3A_147 : i32 to index
          %get3A_219 = tpu.vector_load %get3A_217[%get3A_218] {strides = array<i32>} : memref<512xf32, #tpu.memory_space<vmem>>, vector<16xf32>,
          %get3A_220 = arith.constant 12 : i32
          %get3A_221 = arith.constant 0 : i32
          %get3A_222 = tpu.memref_slice %arg11[%get3A_220, %get3A_221] : memref<16x512xf32, #tpu.memory_space<vmem>> -> memref<1x512xf32, #tpu.memory_space<vmem>>
          %get3A_223 = tpu.memref_squeeze %get3A_222 : memref<1x512xf32, #tpu.memory_space<vmem>> -> memref<512xf32, #tpu.memory_space<vmem>>
          %get3A_224 = arith.index_cast %mul3A_147 : i32 to index
          %get3A_225 = tpu.vector_load %get3A_223[%get3A_224] {strides = array<i32>} : memref<512xf32, #tpu.memory_space<vmem>>, vector<16xf32>,
          %get3A_226 = arith.constant 13 : i32
          %get3A_227 = arith.constant 0 : i32
          %get3A_228 = tpu.memref_slice %arg11[%get3A_226, %get3A_227] : memref<16x512xf32, #tpu.memory_space<vmem>> -> memref<1x512xf32, #tpu.memory_space<vmem>>
          %get3A_229 = tpu.memref_squeeze %get3A_228 : memref<1x512xf32, #tpu.memory_space<vmem>> -> memref<512xf32, #tpu.memory_space<vmem>>
          %get3A_230 = arith.index_cast %mul3A_147 : i32 to index
          %get3A_231 = tpu.vector_load %get3A_229[%get3A_230] {strides = array<i32>} : memref<512xf32, #tpu.memory_space<vmem>>, vector<16xf32>,
          %get3A_232 = arith.constant 14 : i32
          %get3A_233 = arith.constant 0 : i32
          %get3A_234 = tpu.memref_slice %arg11[%get3A_232, %get3A_233] : memref<16x512xf32, #tpu.memory_space<vmem>> -> memref<1x512xf32, #tpu.memory_space<vmem>>
          %get3A_235 = tpu.memref_squeeze %get3A_234 : memref<1x512xf32, #tpu.memory_space<vmem>> -> memref<512xf32, #tpu.memory_space<vmem>>
          %get3A_236 = arith.index_cast %mul3A_147 : i32 to index
          %get3A_237 = tpu.vector_load %get3A_235[%get3A_236] {strides = array<i32>} : memref<512xf32, #tpu.memory_space<vmem>>, vector<16xf32>,
          %get3A_238 = arith.constant 15 : i32
          %get3A_239 = arith.constant 0 : i32
          %get3A_240 = tpu.memref_slice %arg11[%get3A_238, %get3A_239] : memref<16x512xf32, #tpu.memory_space<vmem>> -> memref<1x512xf32, #tpu.memory_space<vmem>>
          %get3A_241 = tpu.memref_squeeze %get3A_240 : memref<1x512xf32, #tpu.memory_space<vmem>> -> memref<512xf32, #tpu.memory_space<vmem>>
          %get3A_242 = arith.index_cast %mul3A_147 : i32 to index
          %get3A_243 = tpu.vector_load %get3A_241[%get3A_242] {strides = array<i32>} : memref<512xf32, #tpu.memory_space<vmem>>, vector<16xf32>,
          %mul3A_244 = arith.mulf %get3A_153, %get3A_153 : vector<16xf32>
          %mul3A_245 = arith.mulf %get3A_159, %get3A_159 : vector<16xf32>
          %add3A_246 = arith.addf %mul3A_244, %mul3A_245 : vector<16xf32>
          %mul3A_247 = arith.mulf %get3A_165, %get3A_165 : vector<16xf32>
          %add3A_248 = arith.addf %add3A_246, %mul3A_247 : vector<16xf32>
          %mul3A_249 = arith.mulf %get3A_171, %get3A_171 : vector<16xf32>
          %add3A_250 = arith.addf %add3A_248, %mul3A_249 : vector<16xf32>
          %mul3A_251 = arith.mulf %get3A_177, %get3A_177 : vector<16xf32>
          %add3A_252 = arith.addf %add3A_250, %mul3A_251 : vector<16xf32>
          %mul3A_253 = arith.mulf %get3A_183, %get3A_183 : vector<16xf32>
          %add3A_254 = arith.addf %add3A_252, %mul3A_253 : vector<16xf32>
          %mul3A_255 = arith.mulf %get3A_189, %get3A_189 : vector<16xf32>
          %add3A_256 = arith.addf %add3A_254, %mul3A_255 : vector<16xf32>
          %mul3A_257 = arith.mulf %get3A_195, %get3A_195 : vector<16xf32>
          %add3A_258 = arith.addf %add3A_256, %mul3A_257 : vector<16xf32>
          %mul3A_259 = arith.mulf %get3A_201, %get3A_201 : vector<16xf32>
          %add3A_260 = arith.addf %add3A_258, %mul3A_259 : vector<16xf32>
          %mul3A_261 = arith.mulf %get3A_207, %get3A_207 : vector<16xf32>
          %add3A_262 = arith.addf %add3A_260, %mul3A_261 : vector<16xf32>
          %mul3A_263 = arith.mulf %get3A_213, %get3A_213 : vector<16xf32>
          %add3A_264 = arith.addf %add3A_262, %mul3A_263 : vector<16xf32>
          %mul3A_265 = arith.mulf %get3A_219, %get3A_219 : vector<16xf32>
          %add3A_266 = arith.addf %add3A_264, %mul3A_265 : vector<16xf32>
          %mul3A_267 = arith.mulf %get3A_225, %get3A_225 : vector<16xf32>
          %add3A_268 = arith.addf %add3A_266, %mul3A_267 : vector<16xf32>
          %mul3A_269 = arith.mulf %get3A_231, %get3A_231 : vector<16xf32>
          %add3A_270 = arith.addf %add3A_268, %mul3A_269 : vector<16xf32>
          %mul3A_271 = arith.mulf %get3A_237, %get3A_237 : vector<16xf32>
          %add3A_272 = arith.addf %add3A_270, %mul3A_271 : vector<16xf32>
          %mul3A_273 = arith.mulf %get3A_243, %get3A_243 : vector<16xf32>
          %add3A_274 = arith.addf %add3A_272, %mul3A_273 : vector<16xf32>
          %bitcast_convert_type3A = tpu.bitcast %add3A_274 : vector<16xf32> -> vector<16xi32>
          %shift_right_arithmetic3A = arith.constant 1 : i32
          %shift_right_arithmetic3A_275 = vector.broadcast %shift_right_arithmetic3A : i32 to vector<16xi32>
          %shift_right_arithmetic3A_276 = arith.shrsi %bitcast_convert_type3A, %shift_right_arithmetic3A_275 : vector<16xi32>
          %sub3A_277 = arith.constant 1597463007 : i32
          %sub3A_278 = vector.broadcast %sub3A_277 : i32 to vector<16xi32>
          %sub3A_279 = arith.subi %sub3A_278, %shift_right_arithmetic3A_276 : vector<16xi32>
          %bitcast_convert_type3A_280 = tpu.bitcast %sub3A_279 : vector<16xi32> -> vector<16xf32>
          %mul3A_281 = arith.constant 5.000000e-01 : f32
          %mul3A_282 = vector.broadcast %mul3A_281 : f32 to vector<16xf32>
          %mul3A_283 = arith.mulf %mul3A_282, %add3A_274 : vector<16xf32>
          %mul3A_284 = arith.mulf %mul3A_283, %bitcast_convert_type3A_280 : vector<16xf32>
          %mul3A_285 = arith.mulf %mul3A_284, %bitcast_convert_type3A_280 : vector<16xf32>
          %sub3A_286 = arith.constant 1.500000e+00 : f32
          %sub3A_287 = vector.broadcast %sub3A_286 : f32 to vector<16xf32>
          %sub3A_288 = arith.subf %sub3A_287, %mul3A_285 : vector<16xf32>
          %mul3A_289 = arith.mulf %bitcast_convert_type3A_280, %sub3A_288 : vector<16xf32>
          %mul3A_290 = arith.constant 5.000000e-01 : f32
          %mul3A_291 = vector.broadcast %mul3A_290 : f32 to vector<16xf32>
          %mul3A_292 = arith.mulf %mul3A_291, %add3A_274 : vector<16xf32>
          %mul3A_293 = arith.mulf %mul3A_292, %mul3A_289 : vector<16xf32>
          %mul3A_294 = arith.mulf %mul3A_293, %mul3A_289 : vector<16xf32>
          %sub3A_295 = arith.constant 1.500000e+00 : f32
          %sub3A_296 = vector.broadcast %sub3A_295 : f32 to vector<16xf32>
          %sub3A_297 = arith.subf %sub3A_296, %mul3A_294 : vector<16xf32>
          %mul3A_298 = arith.mulf %mul3A_289, %sub3A_297 : vector<16xf32>
          %mul3A_299 = arith.constant 5.000000e-01 : f32
          %mul3A_300 = vector.broadcast %mul3A_299 : f32 to vector<16xf32>
          %mul3A_301 = arith.mulf %mul3A_300, %add3A_274 : vector<16xf32>
          %mul3A_302 = arith.mulf %mul3A_301, %mul3A_298 : vector<16xf32>
          %mul3A_303 = arith.mulf %mul3A_302, %mul3A_298 : vector<16xf32>
          %sub3A_304 = arith.constant 1.500000e+00 : f32
          %sub3A_305 = vector.broadcast %sub3A_304 : f32 to vector<16xf32>
          %sub3A_306 = arith.subf %sub3A_305, %mul3A_303 : vector<16xf32>
          %mul3A_307 = arith.mulf %mul3A_298, %sub3A_306 : vector<16xf32>
          %gt3A = arith.constant 1.000000e+00 : f32
          %gt3A_308 = vector.broadcast %gt3A : f32 to vector<16xf32>
          %gt3A_309 = arith.cmpf ogt, %add3A_274, %gt3A_308 : vector<16xf32>
          %jit3A_310 = arith.constant 1.000000e+00 : f32
          %broadcast_in_dim3A_311 = vector.broadcast %jit3A_310 : f32 to vector<16xf32>
          %select_n3A_312 = arith.select %gt3A_309, %mul3A_307, %broadcast_in_dim3A_311 : vector<16xi1>, vector<16xf32>
          %add3A_313 = vector.broadcast %mul3A_147 : i32 to vector<16xi32>
          %add3A_314 = arith.addi %iota3A, %add3A_313 : vector<16xi32>
          %broadcast_in_dim3A_315 = arith.constant 0 : i32
          %broadcast_in_dim3A_316 = vector.broadcast %broadcast_in_dim3A_315 : i32 to vector<16xi32>
          %mul3A_317 = arith.mulf %get3A_153, %select_n3A_312 : vector<16xf32>
          tpu.vector_store_idx %arg12[%add3A_314, %broadcast_in_dim3A_316], %mul3A_317 : memref<512x16xf32, #tpu.memory_space<vmem>>[vector<16xi32>, vector<16xi32>], vector<16xf32>,
          %broadcast_in_dim3A_318 = arith.constant 1 : i32
          %broadcast_in_dim3A_319 = vector.broadcast %broadcast_in_dim3A_318 : i32 to vector<16xi32>
          %mul3A_320 = arith.mulf %get3A_159, %select_n3A_312 : vector<16xf32>
          tpu.vector_store_idx %arg12[%add3A_314, %broadcast_in_dim3A_319], %mul3A_320 : memref<512x16xf32, #tpu.memory_space<vmem>>[vector<16xi32>, vector<16xi32>], vector<16xf32>,
          %broadcast_in_dim3A_321 = arith.constant 2 : i32
          %broadcast_in_dim3A_322 = vector.broadcast %broadcast_in_dim3A_321 : i32 to vector<16xi32>
          %mul3A_323 = arith.mulf %get3A_165, %select_n3A_312 : vector<16xf32>
          tpu.vector_store_idx %arg12[%add3A_314, %broadcast_in_dim3A_322], %mul3A_323 : memref<512x16xf32, #tpu.memory_space<vmem>>[vector<16xi32>, vector<16xi32>], vector<16xf32>,
          %broadcast_in_dim3A_324 = arith.constant 3 : i32
          %broadcast_in_dim3A_325 = vector.broadcast %broadcast_in_dim3A_324 : i32 to vector<16xi32>
          %mul3A_326 = arith.mulf %get3A_171, %select_n3A_312 : vector<16xf32>
          tpu.vector_store_idx %arg12[%add3A_314, %broadcast_in_dim3A_325], %mul3A_326 : memref<512x16xf32, #tpu.memory_space<vmem>>[vector<16xi32>, vector<16xi32>], vector<16xf32>,
          %broadcast_in_dim3A_327 = arith.constant 4 : i32
          %broadcast_in_dim3A_328 = vector.broadcast %broadcast_in_dim3A_327 : i32 to vector<16xi32>
          %mul3A_329 = arith.mulf %get3A_177, %select_n3A_312 : vector<16xf32>
          tpu.vector_store_idx %arg12[%add3A_314, %broadcast_in_dim3A_328], %mul3A_329 : memref<512x16xf32, #tpu.memory_space<vmem>>[vector<16xi32>, vector<16xi32>], vector<16xf32>,
          %broadcast_in_dim3A_330 = arith.constant 5 : i32
          %broadcast_in_dim3A_331 = vector.broadcast %broadcast_in_dim3A_330 : i32 to vector<16xi32>
          %mul3A_332 = arith.mulf %get3A_183, %select_n3A_312 : vector<16xf32>
          tpu.vector_store_idx %arg12[%add3A_314, %broadcast_in_dim3A_331], %mul3A_332 : memref<512x16xf32, #tpu.memory_space<vmem>>[vector<16xi32>, vector<16xi32>], vector<16xf32>,
          %broadcast_in_dim3A_333 = arith.constant 6 : i32
          %broadcast_in_dim3A_334 = vector.broadcast %broadcast_in_dim3A_333 : i32 to vector<16xi32>
          %mul3A_335 = arith.mulf %get3A_189, %select_n3A_312 : vector<16xf32>
          tpu.vector_store_idx %arg12[%add3A_314, %broadcast_in_dim3A_334], %mul3A_335 : memref<512x16xf32, #tpu.memory_space<vmem>>[vector<16xi32>, vector<16xi32>], vector<16xf32>,
          %broadcast_in_dim3A_336 = arith.constant 7 : i32
          %broadcast_in_dim3A_337 = vector.broadcast %broadcast_in_dim3A_336 : i32 to vector<16xi32>
          %mul3A_338 = arith.mulf %get3A_195, %select_n3A_312 : vector<16xf32>
          tpu.vector_store_idx %arg12[%add3A_314, %broadcast_in_dim3A_337], %mul3A_338 : memref<512x16xf32, #tpu.memory_space<vmem>>[vector<16xi32>, vector<16xi32>], vector<16xf32>,
          %broadcast_in_dim3A_339 = arith.constant 8 : i32
          %broadcast_in_dim3A_340 = vector.broadcast %broadcast_in_dim3A_339 : i32 to vector<16xi32>
          %mul3A_341 = arith.mulf %get3A_201, %select_n3A_312 : vector<16xf32>
          tpu.vector_store_idx %arg12[%add3A_314, %broadcast_in_dim3A_340], %mul3A_341 : memref<512x16xf32, #tpu.memory_space<vmem>>[vector<16xi32>, vector<16xi32>], vector<16xf32>,
          %broadcast_in_dim3A_342 = arith.constant 9 : i32
          %broadcast_in_dim3A_343 = vector.broadcast %broadcast_in_dim3A_342 : i32 to vector<16xi32>
          %mul3A_344 = arith.mulf %get3A_207, %select_n3A_312 : vector<16xf32>
          tpu.vector_store_idx %arg12[%add3A_314, %broadcast_in_dim3A_343], %mul3A_344 : memref<512x16xf32, #tpu.memory_space<vmem>>[vector<16xi32>, vector<16xi32>], vector<16xf32>,
          %broadcast_in_dim3A_345 = arith.constant 10 : i32
          %broadcast_in_dim3A_346 = vector.broadcast %broadcast_in_dim3A_345 : i32 to vector<16xi32>
          %mul3A_347 = arith.mulf %get3A_213, %select_n3A_312 : vector<16xf32>
          tpu.vector_store_idx %arg12[%add3A_314, %broadcast_in_dim3A_346], %mul3A_347 : memref<512x16xf32, #tpu.memory_space<vmem>>[vector<16xi32>, vector<16xi32>], vector<16xf32>,
          %broadcast_in_dim3A_348 = arith.constant 11 : i32
          %broadcast_in_dim3A_349 = vector.broadcast %broadcast_in_dim3A_348 : i32 to vector<16xi32>
          %mul3A_350 = arith.mulf %get3A_219, %select_n3A_312 : vector<16xf32>
          tpu.vector_store_idx %arg12[%add3A_314, %broadcast_in_dim3A_349], %mul3A_350 : memref<512x16xf32, #tpu.memory_space<vmem>>[vector<16xi32>, vector<16xi32>], vector<16xf32>,
          %broadcast_in_dim3A_351 = arith.constant 12 : i32
          %broadcast_in_dim3A_352 = vector.broadcast %broadcast_in_dim3A_351 : i32 to vector<16xi32>
          %mul3A_353 = arith.mulf %get3A_225, %select_n3A_312 : vector<16xf32>
          tpu.vector_store_idx %arg12[%add3A_314, %broadcast_in_dim3A_352], %mul3A_353 : memref<512x16xf32, #tpu.memory_space<vmem>>[vector<16xi32>, vector<16xi32>], vector<16xf32>,
          %broadcast_in_dim3A_354 = arith.constant 13 : i32
          %broadcast_in_dim3A_355 = vector.broadcast %broadcast_in_dim3A_354 : i32 to vector<16xi32>
          %mul3A_356 = arith.mulf %get3A_231, %select_n3A_312 : vector<16xf32>
          tpu.vector_store_idx %arg12[%add3A_314, %broadcast_in_dim3A_355], %mul3A_356 : memref<512x16xf32, #tpu.memory_space<vmem>>[vector<16xi32>, vector<16xi32>], vector<16xf32>,
          %broadcast_in_dim3A_357 = arith.constant 14 : i32
          %broadcast_in_dim3A_358 = vector.broadcast %broadcast_in_dim3A_357 : i32 to vector<16xi32>
          %mul3A_359 = arith.mulf %get3A_237, %select_n3A_312 : vector<16xf32>
          tpu.vector_store_idx %arg12[%add3A_314, %broadcast_in_dim3A_358], %mul3A_359 : memref<512x16xf32, #tpu.memory_space<vmem>>[vector<16xi32>, vector<16xi32>], vector<16xf32>,
          %broadcast_in_dim3A_360 = arith.constant 15 : i32
          %broadcast_in_dim3A_361 = vector.broadcast %broadcast_in_dim3A_360 : i32 to vector<16xi32>
          %mul3A_362 = arith.mulf %get3A_243, %select_n3A_312 : vector<16xf32>
          tpu.vector_store_idx %arg12[%add3A_314, %broadcast_in_dim3A_361], %mul3A_362 : memref<512x16xf32, #tpu.memory_space<vmem>>[vector<16xi32>, vector<16xi32>], vector<16xf32>,
        }
        %scan3A_113 = arith.constant 32 : i32
        %scan3A_114 = arith.constant 0 : i32
        %scan3A_115 = arith.constant 0 : i32
        %scan3A_116 = arith.constant 8 : i32
        %scan3A_117 = arith.addi %scan3A_115, %scan3A_116 : i32
        %scan3A_118 = arith.constant 1 : i32
        scf.for %scan3A_145 = %scan3A_115 to %scan3A_117 step %scan3A_118  : i32 {
          %mul3A_146 = arith.constant 16 : i32
          %mul3A_147 = arith.muli %scan3A_145, %mul3A_146 : i32
          %add3A_148 = arith.constant 0 : i32
          %add3A_149 = arith.addi %add3A_148, %mul3A_147 : i32
          %get3A_150 = arith.index_cast %add3A_149 : i32 to index
          %get3A_151 = tpu.vector_load %arg13[%get3A_150] {strides = array<i32>} : memref<512xi32, #tpu.memory_space<vmem>>, vector<16xi32>,
          %sub3A_152 = vector.broadcast %multiple_of3A_50 : i32 to vector<16xi32>
          %sub3A_153 = arith.subi %get3A_151, %sub3A_152 : vector<16xi32>
          %max3A = arith.constant -1 : i32
          %max3A_154 = vector.broadcast %max3A : i32 to vector<16xi32>
          %max3A_155 = arith.maxsi %sub3A_153, %max3A_154 : vector<16xi32>
          %min3A_156 = arith.constant 1000 : i32
          %min3A_157 = vector.broadcast %min3A_156 : i32 to vector<16xi32>
          %min3A_158 = arith.minsi %max3A_155, %min3A_157 : vector<16xi32>
          %lt3A = arith.constant 0 : i32
          %lt3A_159 = vector.broadcast %lt3A : i32 to vector<16xi32>
          %lt3A_160 = arith.cmpi slt, %min3A_158, %lt3A_159 : vector<16xi32>
          %jit3A_161 = arith.constant 1000 : i32
          %broadcast_in_dim3A_162 = vector.broadcast %jit3A_161 : i32 to vector<16xi32>
          %select_n3A_163 = arith.select %lt3A_160, %broadcast_in_dim3A_162, %min3A_158 : vector<16xi1>, vector<16xi32>
          %add3A_164 = vector.broadcast %add3A_149 : i32 to vector<16xi32>
          %add3A_165 = arith.addi %iota3A, %add3A_164 : vector<16xi32>
          %lt3A_166 = vector.broadcast %sub3A_107 : i32 to vector<16xi32>
          %lt3A_167 = arith.cmpi slt, %add3A_165, %lt3A_166 : vector<16xi32>
          %jit3A_168 = arith.constant 1000 : i32
          %broadcast_in_dim3A_169 = vector.broadcast %jit3A_168 : i32 to vector<16xi32>
          %select_n3A_170 = arith.select %lt3A_167, %broadcast_in_dim3A_169, %select_n3A_163 : vector<16xi1>, vector<16xi32>
          %add3A_171 = vector.broadcast %multiple_of3A : i32 to vector<16xi32>
          %add3A_172 = arith.addi %select_n3A_170, %add3A_171 : vector<16xi32>
          %mul3A_173 = arith.constant 16 : i32
          %mul3A_174 = arith.muli %scan3A_145, %mul3A_173 : i32
          %swap3A = arith.constant 0 : i32
          %swap3A_175 = arith.constant 0 : i32
          %swap3A_176 = tpu.memref_slice %arg14[%swap3A, %swap3A_175] : memref<4x128xi32, #tpu.memory_space<vmem>> -> memref<1x128xi32, #tpu.memory_space<vmem>>
          %swap3A_177 = tpu.memref_squeeze %swap3A_176 : memref<1x128xi32, #tpu.memory_space<vmem>> -> memref<128xi32, #tpu.memory_space<vmem>>
          %swap3A_178 = arith.index_cast %mul3A_174 : i32 to index
          %swap3A_179 = tpu.vector_load %swap3A_177[%swap3A_178] {strides = array<i32>} : memref<128xi32, #tpu.memory_space<vmem>>, vector<16xi32>,
          tpu.vector_store %swap3A_177[%swap3A_178], %add3A_172 {strides = array<i32>} : memref<128xi32, #tpu.memory_space<vmem>>, vector<16xi32>,
        }
        %scan3A_119 = arith.constant 8 : i32
        %run_scoped3A = arith.constant 0 : i32
        "tpu.region"() ({
          %run_scoped3A_145 = tpu.sem_alloc : memref<!tpu.dma_semaphore, #tpu.memory_space<semaphore_mem>>
          %dma_start3A = arith.constant 0 : i32
          %dma_start3A_146 = arith.constant 0 : i32
          %dma_start3A_147 = tpu.memref_slice %arg12[%dma_start3A, %dma_start3A_146] : memref<512x16xf32, #tpu.memory_space<vmem>> -> memref<128x16xf32, #tpu.memory_space<vmem>>
          %dma_start3A_148 = arith.constant 0 : i32
          %dma_start3A_149 = tpu.memref_slice %arg14[%run_scoped3A, %dma_start3A_148] : memref<4x128xi32, #tpu.memory_space<vmem>> -> memref<1x128xi32, #tpu.memory_space<vmem>>
          %dma_start3A_150 = tpu.memref_squeeze %dma_start3A_149 : memref<1x128xi32, #tpu.memory_space<vmem>> -> memref<128xi32, #tpu.memory_space<vmem>>
          %dma_start3A_151 = arith.constant 0 : i32
          %dma_start3A_152 = arith.constant 0 : i32
          %dma_start3A_153 = tpu.memref_slice %arg6[%dma_start3A_151, %dma_start3A_152] : memref<16128x16xf32, #tpu.memory_space<vmem_shared>> -> memref<16128x16xf32, #tpu.memory_space<vmem_shared>>
          tpu.enqueue_indirect_dma source(%dma_start3A_147 : memref<128x16xf32, #tpu.memory_space<vmem>>) target(%dma_start3A_153 : memref<16128x16xf32, #tpu.memory_space<vmem_shared>>) offsets(%dma_start3A_150 : memref<128xi32, #tpu.memory_space<vmem>>) semaphore(%run_scoped3A_145 : memref<!tpu.dma_semaphore, #tpu.memory_space<semaphore_mem>>) {add = true}
          %dma_wait3A = arith.constant 0 : i32
          %dma_wait3A_154 = arith.constant 0 : i32
          %dma_wait3A_155 = tpu.memref_slice %arg12[%dma_wait3A, %dma_wait3A_154] : memref<512x16xf32, #tpu.memory_space<vmem>> -> memref<128x16xf32, #tpu.memory_space<vmem>>
          %dma_wait3A_156 = arith.constant 0 : i32
          %dma_wait3A_157 = tpu.memref_slice %arg14[%run_scoped3A, %dma_wait3A_156] : memref<4x128xi32, #tpu.memory_space<vmem>> -> memref<1x128xi32, #tpu.memory_space<vmem>>
          %dma_wait3A_158 = tpu.memref_squeeze %dma_wait3A_157 : memref<1x128xi32, #tpu.memory_space<vmem>> -> memref<128xi32, #tpu.memory_space<vmem>>
          %dma_wait3A_159 = arith.constant 0 : i32
          %dma_wait3A_160 = arith.constant 0 : i32
          %dma_wait3A_161 = tpu.memref_slice %arg6[%dma_wait3A_159, %dma_wait3A_160] : memref<16128x16xf32, #tpu.memory_space<vmem_shared>> -> memref<16128x16xf32, #tpu.memory_space<vmem_shared>>
          tpu.wait_indirect_dma semaphore(%run_scoped3A_145 : memref<!tpu.dma_semaphore, #tpu.memory_space<semaphore_mem>>) src(%dma_wait3A_155 : memref<128x16xf32, #tpu.memory_space<vmem>>) dst(%dma_wait3A_161 : memref<16128x16xf32, #tpu.memory_space<vmem_shared>>)
          tpu.yield
        }) : () -> ()
        %run_scoped3A_120 = arith.constant 0 : i32
        "tpu.region"() ({
          %run_scoped3A_145 = tpu.sem_alloc : memref<!tpu.dma_semaphore, #tpu.memory_space<semaphore_mem>>
          %dma_start3A = arith.constant 0 : i32
          %dma_start3A_146 = tpu.memref_slice %arg14[%run_scoped3A_120, %dma_start3A] : memref<4x128xi32, #tpu.memory_space<vmem>> -> memref<1x128xi32, #tpu.memory_space<vmem>>
          %dma_start3A_147 = tpu.memref_squeeze %dma_start3A_146 : memref<1x128xi32, #tpu.memory_space<vmem>> -> memref<128xi32, #tpu.memory_space<vmem>>
          %dma_start3A_148 = arith.constant 0 : i32
          %dma_start3A_149 = arith.constant 0 : i32
          %dma_start3A_150 = tpu.memref_slice %arg7[%dma_start3A_148, %dma_start3A_149] : memref<16128x16xf32, #tpu.memory_space<vmem_shared>> -> memref<16128x16xf32, #tpu.memory_space<vmem_shared>>
          tpu.enqueue_indirect_dma source(%arg15 : memref<128x16xf32, #tpu.memory_space<vmem>>) target(%dma_start3A_150 : memref<16128x16xf32, #tpu.memory_space<vmem_shared>>) offsets(%dma_start3A_147 : memref<128xi32, #tpu.memory_space<vmem>>) semaphore(%run_scoped3A_145 : memref<!tpu.dma_semaphore, #tpu.memory_space<semaphore_mem>>) {add = true}
          %dma_wait3A = arith.constant 0 : i32
          %dma_wait3A_151 = tpu.memref_slice %arg14[%run_scoped3A_120, %dma_wait3A] : memref<4x128xi32, #tpu.memory_space<vmem>> -> memref<1x128xi32, #tpu.memory_space<vmem>>
          %dma_wait3A_152 = tpu.memref_squeeze %dma_wait3A_151 : memref<1x128xi32, #tpu.memory_space<vmem>> -> memref<128xi32, #tpu.memory_space<vmem>>
          %dma_wait3A_153 = arith.constant 0 : i32
          %dma_wait3A_154 = arith.constant 0 : i32
          %dma_wait3A_155 = tpu.memref_slice %arg7[%dma_wait3A_153, %dma_wait3A_154] : memref<16128x16xf32, #tpu.memory_space<vmem_shared>> -> memref<16128x16xf32, #tpu.memory_space<vmem_shared>>
          tpu.wait_indirect_dma semaphore(%run_scoped3A_145 : memref<!tpu.dma_semaphore, #tpu.memory_space<semaphore_mem>>) src(%arg15 : memref<128x16xf32, #tpu.memory_space<vmem>>) dst(%dma_wait3A_155 : memref<16128x16xf32, #tpu.memory_space<vmem_shared>>)
          tpu.yield
        }) : () -> ()
        %scan3A_121 = arith.constant 0 : i32
        %scan3A_122 = arith.constant 0 : i32
        %scan3A_123 = arith.constant 8 : i32
        %scan3A_124 = arith.addi %scan3A_122, %scan3A_123 : i32
        %scan3A_125 = arith.constant 1 : i32
        scf.for %scan3A_145 = %scan3A_122 to %scan3A_124 step %scan3A_125  : i32 {
          %mul3A_146 = arith.constant 16 : i32
          %mul3A_147 = arith.muli %scan3A_145, %mul3A_146 : i32
          %add3A_148 = arith.constant 128 : i32
          %add3A_149 = arith.addi %add3A_148, %mul3A_147 : i32
          %get3A_150 = arith.index_cast %add3A_149 : i32 to index
          %get3A_151 = tpu.vector_load %arg13[%get3A_150] {strides = array<i32>} : memref<512xi32, #tpu.memory_space<vmem>>, vector<16xi32>,
          %sub3A_152 = vector.broadcast %multiple_of3A_50 : i32 to vector<16xi32>
          %sub3A_153 = arith.subi %get3A_151, %sub3A_152 : vector<16xi32>
          %max3A = arith.constant -1 : i32
          %max3A_154 = vector.broadcast %max3A : i32 to vector<16xi32>
          %max3A_155 = arith.maxsi %sub3A_153, %max3A_154 : vector<16xi32>
          %min3A_156 = arith.constant 1000 : i32
          %min3A_157 = vector.broadcast %min3A_156 : i32 to vector<16xi32>
          %min3A_158 = arith.minsi %max3A_155, %min3A_157 : vector<16xi32>
          %lt3A = arith.constant 0 : i32
          %lt3A_159 = vector.broadcast %lt3A : i32 to vector<16xi32>
          %lt3A_160 = arith.cmpi slt, %min3A_158, %lt3A_159 : vector<16xi32>
          %jit3A_161 = arith.constant 1000 : i32
          %broadcast_in_dim3A_162 = vector.broadcast %jit3A_161 : i32 to vector<16xi32>
          %select_n3A_163 = arith.select %lt3A_160, %broadcast_in_dim3A_162, %min3A_158 : vector<16xi1>, vector<16xi32>
          %add3A_164 = vector.broadcast %add3A_149 : i32 to vector<16xi32>
          %add3A_165 = arith.addi %iota3A, %add3A_164 : vector<16xi32>
          %lt3A_166 = vector.broadcast %sub3A_107 : i32 to vector<16xi32>
          %lt3A_167 = arith.cmpi slt, %add3A_165, %lt3A_166 : vector<16xi32>
          %jit3A_168 = arith.constant 1000 : i32
          %broadcast_in_dim3A_169 = vector.broadcast %jit3A_168 : i32 to vector<16xi32>
          %select_n3A_170 = arith.select %lt3A_167, %broadcast_in_dim3A_169, %select_n3A_163 : vector<16xi1>, vector<16xi32>
          %add3A_171 = vector.broadcast %multiple_of3A : i32 to vector<16xi32>
          %add3A_172 = arith.addi %select_n3A_170, %add3A_171 : vector<16xi32>
          %mul3A_173 = arith.constant 16 : i32
          %mul3A_174 = arith.muli %scan3A_145, %mul3A_173 : i32
          %swap3A = arith.constant 1 : i32
          %swap3A_175 = arith.constant 0 : i32
          %swap3A_176 = tpu.memref_slice %arg14[%swap3A, %swap3A_175] : memref<4x128xi32, #tpu.memory_space<vmem>> -> memref<1x128xi32, #tpu.memory_space<vmem>>
          %swap3A_177 = tpu.memref_squeeze %swap3A_176 : memref<1x128xi32, #tpu.memory_space<vmem>> -> memref<128xi32, #tpu.memory_space<vmem>>
          %swap3A_178 = arith.index_cast %mul3A_174 : i32 to index
          %swap3A_179 = tpu.vector_load %swap3A_177[%swap3A_178] {strides = array<i32>} : memref<128xi32, #tpu.memory_space<vmem>>, vector<16xi32>,
          tpu.vector_store %swap3A_177[%swap3A_178], %add3A_172 {strides = array<i32>} : memref<128xi32, #tpu.memory_space<vmem>>, vector<16xi32>,
        }
        %scan3A_126 = arith.constant 8 : i32
        %run_scoped3A_127 = arith.constant 1 : i32
        "tpu.region"() ({
          %run_scoped3A_145 = tpu.sem_alloc : memref<!tpu.dma_semaphore, #tpu.memory_space<semaphore_mem>>
          %dma_start3A = arith.constant 128 : i32
          %dma_start3A_146 = arith.constant 0 : i32
          %dma_start3A_147 = tpu.memref_slice %arg12[%dma_start3A, %dma_start3A_146] : memref<512x16xf32, #tpu.memory_space<vmem>> -> memref<128x16xf32, #tpu.memory_space<vmem>>
          %dma_start3A_148 = arith.constant 0 : i32
          %dma_start3A_149 = tpu.memref_slice %arg14[%run_scoped3A_127, %dma_start3A_148] : memref<4x128xi32, #tpu.memory_space<vmem>> -> memref<1x128xi32, #tpu.memory_space<vmem>>
          %dma_start3A_150 = tpu.memref_squeeze %dma_start3A_149 : memref<1x128xi32, #tpu.memory_space<vmem>> -> memref<128xi32, #tpu.memory_space<vmem>>
          %dma_start3A_151 = arith.constant 0 : i32
          %dma_start3A_152 = arith.constant 0 : i32
          %dma_start3A_153 = tpu.memref_slice %arg6[%dma_start3A_151, %dma_start3A_152] : memref<16128x16xf32, #tpu.memory_space<vmem_shared>> -> memref<16128x16xf32, #tpu.memory_space<vmem_shared>>
          tpu.enqueue_indirect_dma source(%dma_start3A_147 : memref<128x16xf32, #tpu.memory_space<vmem>>) target(%dma_start3A_153 : memref<16128x16xf32, #tpu.memory_space<vmem_shared>>) offsets(%dma_start3A_150 : memref<128xi32, #tpu.memory_space<vmem>>) semaphore(%run_scoped3A_145 : memref<!tpu.dma_semaphore, #tpu.memory_space<semaphore_mem>>) {add = true}
          %dma_wait3A = arith.constant 128 : i32
          %dma_wait3A_154 = arith.constant 0 : i32
          %dma_wait3A_155 = tpu.memref_slice %arg12[%dma_wait3A, %dma_wait3A_154] : memref<512x16xf32, #tpu.memory_space<vmem>> -> memref<128x16xf32, #tpu.memory_space<vmem>>
          %dma_wait3A_156 = arith.constant 0 : i32
          %dma_wait3A_157 = tpu.memref_slice %arg14[%run_scoped3A_127, %dma_wait3A_156] : memref<4x128xi32, #tpu.memory_space<vmem>> -> memref<1x128xi32, #tpu.memory_space<vmem>>
          %dma_wait3A_158 = tpu.memref_squeeze %dma_wait3A_157 : memref<1x128xi32, #tpu.memory_space<vmem>> -> memref<128xi32, #tpu.memory_space<vmem>>
          %dma_wait3A_159 = arith.constant 0 : i32
          %dma_wait3A_160 = arith.constant 0 : i32
          %dma_wait3A_161 = tpu.memref_slice %arg6[%dma_wait3A_159, %dma_wait3A_160] : memref<16128x16xf32, #tpu.memory_space<vmem_shared>> -> memref<16128x16xf32, #tpu.memory_space<vmem_shared>>
          tpu.wait_indirect_dma semaphore(%run_scoped3A_145 : memref<!tpu.dma_semaphore, #tpu.memory_space<semaphore_mem>>) src(%dma_wait3A_155 : memref<128x16xf32, #tpu.memory_space<vmem>>) dst(%dma_wait3A_161 : memref<16128x16xf32, #tpu.memory_space<vmem_shared>>)
          tpu.yield
        }) : () -> ()
        %run_scoped3A_128 = arith.constant 1 : i32
        "tpu.region"() ({
          %run_scoped3A_145 = tpu.sem_alloc : memref<!tpu.dma_semaphore, #tpu.memory_space<semaphore_mem>>
          %dma_start3A = arith.constant 0 : i32
          %dma_start3A_146 = tpu.memref_slice %arg14[%run_scoped3A_128, %dma_start3A] : memref<4x128xi32, #tpu.memory_space<vmem>> -> memref<1x128xi32, #tpu.memory_space<vmem>>
          %dma_start3A_147 = tpu.memref_squeeze %dma_start3A_146 : memref<1x128xi32, #tpu.memory_space<vmem>> -> memref<128xi32, #tpu.memory_space<vmem>>
          %dma_start3A_148 = arith.constant 0 : i32
          %dma_start3A_149 = arith.constant 0 : i32
          %dma_start3A_150 = tpu.memref_slice %arg7[%dma_start3A_148, %dma_start3A_149] : memref<16128x16xf32, #tpu.memory_space<vmem_shared>> -> memref<16128x16xf32, #tpu.memory_space<vmem_shared>>
          tpu.enqueue_indirect_dma source(%arg15 : memref<128x16xf32, #tpu.memory_space<vmem>>) target(%dma_start3A_150 : memref<16128x16xf32, #tpu.memory_space<vmem_shared>>) offsets(%dma_start3A_147 : memref<128xi32, #tpu.memory_space<vmem>>) semaphore(%run_scoped3A_145 : memref<!tpu.dma_semaphore, #tpu.memory_space<semaphore_mem>>) {add = true}
          %dma_wait3A = arith.constant 0 : i32
          %dma_wait3A_151 = tpu.memref_slice %arg14[%run_scoped3A_128, %dma_wait3A] : memref<4x128xi32, #tpu.memory_space<vmem>> -> memref<1x128xi32, #tpu.memory_space<vmem>>
          %dma_wait3A_152 = tpu.memref_squeeze %dma_wait3A_151 : memref<1x128xi32, #tpu.memory_space<vmem>> -> memref<128xi32, #tpu.memory_space<vmem>>
          %dma_wait3A_153 = arith.constant 0 : i32
          %dma_wait3A_154 = arith.constant 0 : i32
          %dma_wait3A_155 = tpu.memref_slice %arg7[%dma_wait3A_153, %dma_wait3A_154] : memref<16128x16xf32, #tpu.memory_space<vmem_shared>> -> memref<16128x16xf32, #tpu.memory_space<vmem_shared>>
          tpu.wait_indirect_dma semaphore(%run_scoped3A_145 : memref<!tpu.dma_semaphore, #tpu.memory_space<semaphore_mem>>) src(%arg15 : memref<128x16xf32, #tpu.memory_space<vmem>>) dst(%dma_wait3A_155 : memref<16128x16xf32, #tpu.memory_space<vmem_shared>>)
          tpu.yield
        }) : () -> ()
        %scan3A_129 = arith.constant 0 : i32
        %scan3A_130 = arith.constant 0 : i32
        %scan3A_131 = arith.constant 8 : i32
        %scan3A_132 = arith.addi %scan3A_130, %scan3A_131 : i32
        %scan3A_133 = arith.constant 1 : i32
        scf.for %scan3A_145 = %scan3A_130 to %scan3A_132 step %scan3A_133  : i32 {
          %mul3A_146 = arith.constant 16 : i32
          %mul3A_147 = arith.muli %scan3A_145, %mul3A_146 : i32
          %add3A_148 = arith.constant 256 : i32
          %add3A_149 = arith.addi %add3A_148, %mul3A_147 : i32
          %get3A_150 = arith.index_cast %add3A_149 : i32 to index
          %get3A_151 = tpu.vector_load %arg13[%get3A_150] {strides = array<i32>} : memref<512xi32, #tpu.memory_space<vmem>>, vector<16xi32>,
          %sub3A_152 = vector.broadcast %multiple_of3A_50 : i32 to vector<16xi32>
          %sub3A_153 = arith.subi %get3A_151, %sub3A_152 : vector<16xi32>
          %max3A = arith.constant -1 : i32
          %max3A_154 = vector.broadcast %max3A : i32 to vector<16xi32>
          %max3A_155 = arith.maxsi %sub3A_153, %max3A_154 : vector<16xi32>
          %min3A_156 = arith.constant 1000 : i32
          %min3A_157 = vector.broadcast %min3A_156 : i32 to vector<16xi32>
          %min3A_158 = arith.minsi %max3A_155, %min3A_157 : vector<16xi32>
          %lt3A = arith.constant 0 : i32
          %lt3A_159 = vector.broadcast %lt3A : i32 to vector<16xi32>
          %lt3A_160 = arith.cmpi slt, %min3A_158, %lt3A_159 : vector<16xi32>
          %jit3A_161 = arith.constant 1000 : i32
          %broadcast_in_dim3A_162 = vector.broadcast %jit3A_161 : i32 to vector<16xi32>
          %select_n3A_163 = arith.select %lt3A_160, %broadcast_in_dim3A_162, %min3A_158 : vector<16xi1>, vector<16xi32>
          %add3A_164 = vector.broadcast %add3A_149 : i32 to vector<16xi32>
          %add3A_165 = arith.addi %iota3A, %add3A_164 : vector<16xi32>
          %lt3A_166 = vector.broadcast %sub3A_107 : i32 to vector<16xi32>
          %lt3A_167 = arith.cmpi slt, %add3A_165, %lt3A_166 : vector<16xi32>
          %jit3A_168 = arith.constant 1000 : i32
          %broadcast_in_dim3A_169 = vector.broadcast %jit3A_168 : i32 to vector<16xi32>
          %select_n3A_170 = arith.select %lt3A_167, %broadcast_in_dim3A_169, %select_n3A_163 : vector<16xi1>, vector<16xi32>
          %add3A_171 = vector.broadcast %multiple_of3A : i32 to vector<16xi32>
          %add3A_172 = arith.addi %select_n3A_170, %add3A_171 : vector<16xi32>
          %mul3A_173 = arith.constant 16 : i32
          %mul3A_174 = arith.muli %scan3A_145, %mul3A_173 : i32
          %swap3A = arith.constant 2 : i32
          %swap3A_175 = arith.constant 0 : i32
          %swap3A_176 = tpu.memref_slice %arg14[%swap3A, %swap3A_175] : memref<4x128xi32, #tpu.memory_space<vmem>> -> memref<1x128xi32, #tpu.memory_space<vmem>>
          %swap3A_177 = tpu.memref_squeeze %swap3A_176 : memref<1x128xi32, #tpu.memory_space<vmem>> -> memref<128xi32, #tpu.memory_space<vmem>>
          %swap3A_178 = arith.index_cast %mul3A_174 : i32 to index
          %swap3A_179 = tpu.vector_load %swap3A_177[%swap3A_178] {strides = array<i32>} : memref<128xi32, #tpu.memory_space<vmem>>, vector<16xi32>,
          tpu.vector_store %swap3A_177[%swap3A_178], %add3A_172 {strides = array<i32>} : memref<128xi32, #tpu.memory_space<vmem>>, vector<16xi32>,
        }
        %scan3A_134 = arith.constant 8 : i32
        %run_scoped3A_135 = arith.constant 2 : i32
        "tpu.region"() ({
          %run_scoped3A_145 = tpu.sem_alloc : memref<!tpu.dma_semaphore, #tpu.memory_space<semaphore_mem>>
          %dma_start3A = arith.constant 256 : i32
          %dma_start3A_146 = arith.constant 0 : i32
          %dma_start3A_147 = tpu.memref_slice %arg12[%dma_start3A, %dma_start3A_146] : memref<512x16xf32, #tpu.memory_space<vmem>> -> memref<128x16xf32, #tpu.memory_space<vmem>>
          %dma_start3A_148 = arith.constant 0 : i32
          %dma_start3A_149 = tpu.memref_slice %arg14[%run_scoped3A_135, %dma_start3A_148] : memref<4x128xi32, #tpu.memory_space<vmem>> -> memref<1x128xi32, #tpu.memory_space<vmem>>
          %dma_start3A_150 = tpu.memref_squeeze %dma_start3A_149 : memref<1x128xi32, #tpu.memory_space<vmem>> -> memref<128xi32, #tpu.memory_space<vmem>>
          %dma_start3A_151 = arith.constant 0 : i32
          %dma_start3A_152 = arith.constant 0 : i32
          %dma_start3A_153 = tpu.memref_slice %arg6[%dma_start3A_151, %dma_start3A_152] : memref<16128x16xf32, #tpu.memory_space<vmem_shared>> -> memref<16128x16xf32, #tpu.memory_space<vmem_shared>>
          tpu.enqueue_indirect_dma source(%dma_start3A_147 : memref<128x16xf32, #tpu.memory_space<vmem>>) target(%dma_start3A_153 : memref<16128x16xf32, #tpu.memory_space<vmem_shared>>) offsets(%dma_start3A_150 : memref<128xi32, #tpu.memory_space<vmem>>) semaphore(%run_scoped3A_145 : memref<!tpu.dma_semaphore, #tpu.memory_space<semaphore_mem>>) {add = true}
          %dma_wait3A = arith.constant 256 : i32
          %dma_wait3A_154 = arith.constant 0 : i32
          %dma_wait3A_155 = tpu.memref_slice %arg12[%dma_wait3A, %dma_wait3A_154] : memref<512x16xf32, #tpu.memory_space<vmem>> -> memref<128x16xf32, #tpu.memory_space<vmem>>
          %dma_wait3A_156 = arith.constant 0 : i32
          %dma_wait3A_157 = tpu.memref_slice %arg14[%run_scoped3A_135, %dma_wait3A_156] : memref<4x128xi32, #tpu.memory_space<vmem>> -> memref<1x128xi32, #tpu.memory_space<vmem>>
          %dma_wait3A_158 = tpu.memref_squeeze %dma_wait3A_157 : memref<1x128xi32, #tpu.memory_space<vmem>> -> memref<128xi32, #tpu.memory_space<vmem>>
          %dma_wait3A_159 = arith.constant 0 : i32
          %dma_wait3A_160 = arith.constant 0 : i32
          %dma_wait3A_161 = tpu.memref_slice %arg6[%dma_wait3A_159, %dma_wait3A_160] : memref<16128x16xf32, #tpu.memory_space<vmem_shared>> -> memref<16128x16xf32, #tpu.memory_space<vmem_shared>>
          tpu.wait_indirect_dma semaphore(%run_scoped3A_145 : memref<!tpu.dma_semaphore, #tpu.memory_space<semaphore_mem>>) src(%dma_wait3A_155 : memref<128x16xf32, #tpu.memory_space<vmem>>) dst(%dma_wait3A_161 : memref<16128x16xf32, #tpu.memory_space<vmem_shared>>)
          tpu.yield
        }) : () -> ()
        %run_scoped3A_136 = arith.constant 2 : i32
        "tpu.region"() ({
          %run_scoped3A_145 = tpu.sem_alloc : memref<!tpu.dma_semaphore, #tpu.memory_space<semaphore_mem>>
          %dma_start3A = arith.constant 0 : i32
          %dma_start3A_146 = tpu.memref_slice %arg14[%run_scoped3A_136, %dma_start3A] : memref<4x128xi32, #tpu.memory_space<vmem>> -> memref<1x128xi32, #tpu.memory_space<vmem>>
          %dma_start3A_147 = tpu.memref_squeeze %dma_start3A_146 : memref<1x128xi32, #tpu.memory_space<vmem>> -> memref<128xi32, #tpu.memory_space<vmem>>
          %dma_start3A_148 = arith.constant 0 : i32
          %dma_start3A_149 = arith.constant 0 : i32
          %dma_start3A_150 = tpu.memref_slice %arg7[%dma_start3A_148, %dma_start3A_149] : memref<16128x16xf32, #tpu.memory_space<vmem_shared>> -> memref<16128x16xf32, #tpu.memory_space<vmem_shared>>
          tpu.enqueue_indirect_dma source(%arg15 : memref<128x16xf32, #tpu.memory_space<vmem>>) target(%dma_start3A_150 : memref<16128x16xf32, #tpu.memory_space<vmem_shared>>) offsets(%dma_start3A_147 : memref<128xi32, #tpu.memory_space<vmem>>) semaphore(%run_scoped3A_145 : memref<!tpu.dma_semaphore, #tpu.memory_space<semaphore_mem>>) {add = true}
          %dma_wait3A = arith.constant 0 : i32
          %dma_wait3A_151 = tpu.memref_slice %arg14[%run_scoped3A_136, %dma_wait3A] : memref<4x128xi32, #tpu.memory_space<vmem>> -> memref<1x128xi32, #tpu.memory_space<vmem>>
          %dma_wait3A_152 = tpu.memref_squeeze %dma_wait3A_151 : memref<1x128xi32, #tpu.memory_space<vmem>> -> memref<128xi32, #tpu.memory_space<vmem>>
          %dma_wait3A_153 = arith.constant 0 : i32
          %dma_wait3A_154 = arith.constant 0 : i32
          %dma_wait3A_155 = tpu.memref_slice %arg7[%dma_wait3A_153, %dma_wait3A_154] : memref<16128x16xf32, #tpu.memory_space<vmem_shared>> -> memref<16128x16xf32, #tpu.memory_space<vmem_shared>>
          tpu.wait_indirect_dma semaphore(%run_scoped3A_145 : memref<!tpu.dma_semaphore, #tpu.memory_space<semaphore_mem>>) src(%arg15 : memref<128x16xf32, #tpu.memory_space<vmem>>) dst(%dma_wait3A_155 : memref<16128x16xf32, #tpu.memory_space<vmem_shared>>)
          tpu.yield
        }) : () -> ()
        %scan3A_137 = arith.constant 0 : i32
        %scan3A_138 = arith.constant 0 : i32
        %scan3A_139 = arith.constant 8 : i32
        %scan3A_140 = arith.addi %scan3A_138, %scan3A_139 : i32
        %scan3A_141 = arith.constant 1 : i32
        scf.for %scan3A_145 = %scan3A_138 to %scan3A_140 step %scan3A_141  : i32 {
          %mul3A_146 = arith.constant 16 : i32
          %mul3A_147 = arith.muli %scan3A_145, %mul3A_146 : i32
          %add3A_148 = arith.constant 384 : i32
          %add3A_149 = arith.addi %add3A_148, %mul3A_147 : i32
          %get3A_150 = arith.index_cast %add3A_149 : i32 to index
          %get3A_151 = tpu.vector_load %arg13[%get3A_150] {strides = array<i32>} : memref<512xi32, #tpu.memory_space<vmem>>, vector<16xi32>,
          %sub3A_152 = vector.broadcast %multiple_of3A_50 : i32 to vector<16xi32>
          %sub3A_153 = arith.subi %get3A_151, %sub3A_152 : vector<16xi32>
          %max3A = arith.constant -1 : i32
          %max3A_154 = vector.broadcast %max3A : i32 to vector<16xi32>
          %max3A_155 = arith.maxsi %sub3A_153, %max3A_154 : vector<16xi32>
          %min3A_156 = arith.constant 1000 : i32
          %min3A_157 = vector.broadcast %min3A_156 : i32 to vector<16xi32>
          %min3A_158 = arith.minsi %max3A_155, %min3A_157 : vector<16xi32>
          %lt3A = arith.constant 0 : i32
          %lt3A_159 = vector.broadcast %lt3A : i32 to vector<16xi32>
          %lt3A_160 = arith.cmpi slt, %min3A_158, %lt3A_159 : vector<16xi32>
          %jit3A_161 = arith.constant 1000 : i32
          %broadcast_in_dim3A_162 = vector.broadcast %jit3A_161 : i32 to vector<16xi32>
          %select_n3A_163 = arith.select %lt3A_160, %broadcast_in_dim3A_162, %min3A_158 : vector<16xi1>, vector<16xi32>
          %add3A_164 = vector.broadcast %add3A_149 : i32 to vector<16xi32>
          %add3A_165 = arith.addi %iota3A, %add3A_164 : vector<16xi32>
          %lt3A_166 = vector.broadcast %sub3A_107 : i32 to vector<16xi32>
          %lt3A_167 = arith.cmpi slt, %add3A_165, %lt3A_166 : vector<16xi32>
          %jit3A_168 = arith.constant 1000 : i32
          %broadcast_in_dim3A_169 = vector.broadcast %jit3A_168 : i32 to vector<16xi32>
          %select_n3A_170 = arith.select %lt3A_167, %broadcast_in_dim3A_169, %select_n3A_163 : vector<16xi1>, vector<16xi32>
          %add3A_171 = vector.broadcast %multiple_of3A : i32 to vector<16xi32>
          %add3A_172 = arith.addi %select_n3A_170, %add3A_171 : vector<16xi32>
          %mul3A_173 = arith.constant 16 : i32
          %mul3A_174 = arith.muli %scan3A_145, %mul3A_173 : i32
          %swap3A = arith.constant 3 : i32
          %swap3A_175 = arith.constant 0 : i32
          %swap3A_176 = tpu.memref_slice %arg14[%swap3A, %swap3A_175] : memref<4x128xi32, #tpu.memory_space<vmem>> -> memref<1x128xi32, #tpu.memory_space<vmem>>
          %swap3A_177 = tpu.memref_squeeze %swap3A_176 : memref<1x128xi32, #tpu.memory_space<vmem>> -> memref<128xi32, #tpu.memory_space<vmem>>
          %swap3A_178 = arith.index_cast %mul3A_174 : i32 to index
          %swap3A_179 = tpu.vector_load %swap3A_177[%swap3A_178] {strides = array<i32>} : memref<128xi32, #tpu.memory_space<vmem>>, vector<16xi32>,
          tpu.vector_store %swap3A_177[%swap3A_178], %add3A_172 {strides = array<i32>} : memref<128xi32, #tpu.memory_space<vmem>>, vector<16xi32>,
        }
        %scan3A_142 = arith.constant 8 : i32
        %run_scoped3A_143 = arith.constant 3 : i32
        "tpu.region"() ({
          %run_scoped3A_145 = tpu.sem_alloc : memref<!tpu.dma_semaphore, #tpu.memory_space<semaphore_mem>>
          %dma_start3A = arith.constant 384 : i32
          %dma_start3A_146 = arith.constant 0 : i32
          %dma_start3A_147 = tpu.memref_slice %arg12[%dma_start3A, %dma_start3A_146] : memref<512x16xf32, #tpu.memory_space<vmem>> -> memref<128x16xf32, #tpu.memory_space<vmem>>
          %dma_start3A_148 = arith.constant 0 : i32
          %dma_start3A_149 = tpu.memref_slice %arg14[%run_scoped3A_143, %dma_start3A_148] : memref<4x128xi32, #tpu.memory_space<vmem>> -> memref<1x128xi32, #tpu.memory_space<vmem>>
          %dma_start3A_150 = tpu.memref_squeeze %dma_start3A_149 : memref<1x128xi32, #tpu.memory_space<vmem>> -> memref<128xi32, #tpu.memory_space<vmem>>
          %dma_start3A_151 = arith.constant 0 : i32
          %dma_start3A_152 = arith.constant 0 : i32
          %dma_start3A_153 = tpu.memref_slice %arg6[%dma_start3A_151, %dma_start3A_152] : memref<16128x16xf32, #tpu.memory_space<vmem_shared>> -> memref<16128x16xf32, #tpu.memory_space<vmem_shared>>
          tpu.enqueue_indirect_dma source(%dma_start3A_147 : memref<128x16xf32, #tpu.memory_space<vmem>>) target(%dma_start3A_153 : memref<16128x16xf32, #tpu.memory_space<vmem_shared>>) offsets(%dma_start3A_150 : memref<128xi32, #tpu.memory_space<vmem>>) semaphore(%run_scoped3A_145 : memref<!tpu.dma_semaphore, #tpu.memory_space<semaphore_mem>>) {add = true}
          %dma_wait3A = arith.constant 384 : i32
          %dma_wait3A_154 = arith.constant 0 : i32
          %dma_wait3A_155 = tpu.memref_slice %arg12[%dma_wait3A, %dma_wait3A_154] : memref<512x16xf32, #tpu.memory_space<vmem>> -> memref<128x16xf32, #tpu.memory_space<vmem>>
          %dma_wait3A_156 = arith.constant 0 : i32
          %dma_wait3A_157 = tpu.memref_slice %arg14[%run_scoped3A_143, %dma_wait3A_156] : memref<4x128xi32, #tpu.memory_space<vmem>> -> memref<1x128xi32, #tpu.memory_space<vmem>>
          %dma_wait3A_158 = tpu.memref_squeeze %dma_wait3A_157 : memref<1x128xi32, #tpu.memory_space<vmem>> -> memref<128xi32, #tpu.memory_space<vmem>>
          %dma_wait3A_159 = arith.constant 0 : i32
          %dma_wait3A_160 = arith.constant 0 : i32
          %dma_wait3A_161 = tpu.memref_slice %arg6[%dma_wait3A_159, %dma_wait3A_160] : memref<16128x16xf32, #tpu.memory_space<vmem_shared>> -> memref<16128x16xf32, #tpu.memory_space<vmem_shared>>
          tpu.wait_indirect_dma semaphore(%run_scoped3A_145 : memref<!tpu.dma_semaphore, #tpu.memory_space<semaphore_mem>>) src(%dma_wait3A_155 : memref<128x16xf32, #tpu.memory_space<vmem>>) dst(%dma_wait3A_161 : memref<16128x16xf32, #tpu.memory_space<vmem_shared>>)
          tpu.yield
        }) : () -> ()
        %run_scoped3A_144 = arith.constant 3 : i32
        "tpu.region"() ({
          %run_scoped3A_145 = tpu.sem_alloc : memref<!tpu.dma_semaphore, #tpu.memory_space<semaphore_mem>>
          %dma_start3A = arith.constant 0 : i32
          %dma_start3A_146 = tpu.memref_slice %arg14[%run_scoped3A_144, %dma_start3A] : memref<4x128xi32, #tpu.memory_space<vmem>> -> memref<1x128xi32, #tpu.memory_space<vmem>>
          %dma_start3A_147 = tpu.memref_squeeze %dma_start3A_146 : memref<1x128xi32, #tpu.memory_space<vmem>> -> memref<128xi32, #tpu.memory_space<vmem>>
          %dma_start3A_148 = arith.constant 0 : i32
          %dma_start3A_149 = arith.constant 0 : i32
          %dma_start3A_150 = tpu.memref_slice %arg7[%dma_start3A_148, %dma_start3A_149] : memref<16128x16xf32, #tpu.memory_space<vmem_shared>> -> memref<16128x16xf32, #tpu.memory_space<vmem_shared>>
          tpu.enqueue_indirect_dma source(%arg15 : memref<128x16xf32, #tpu.memory_space<vmem>>) target(%dma_start3A_150 : memref<16128x16xf32, #tpu.memory_space<vmem_shared>>) offsets(%dma_start3A_147 : memref<128xi32, #tpu.memory_space<vmem>>) semaphore(%run_scoped3A_145 : memref<!tpu.dma_semaphore, #tpu.memory_space<semaphore_mem>>) {add = true}
          %dma_wait3A = arith.constant 0 : i32
          %dma_wait3A_151 = tpu.memref_slice %arg14[%run_scoped3A_144, %dma_wait3A] : memref<4x128xi32, #tpu.memory_space<vmem>> -> memref<1x128xi32, #tpu.memory_space<vmem>>
          %dma_wait3A_152 = tpu.memref_squeeze %dma_wait3A_151 : memref<1x128xi32, #tpu.memory_space<vmem>> -> memref<128xi32, #tpu.memory_space<vmem>>
          %dma_wait3A_153 = arith.constant 0 : i32
          %dma_wait3A_154 = arith.constant 0 : i32
          %dma_wait3A_155 = tpu.memref_slice %arg7[%dma_wait3A_153, %dma_wait3A_154] : memref<16128x16xf32, #tpu.memory_space<vmem_shared>> -> memref<16128x16xf32, #tpu.memory_space<vmem_shared>>
          tpu.wait_indirect_dma semaphore(%run_scoped3A_145 : memref<!tpu.dma_semaphore, #tpu.memory_space<semaphore_mem>>) src(%arg15 : memref<128x16xf32, #tpu.memory_space<vmem>>) dst(%dma_wait3A_155 : memref<16128x16xf32, #tpu.memory_space<vmem_shared>>)
          tpu.yield
        }) : () -> ()
      }
      "tpu.region"() ({
        %run_scoped3A = tpu.sem_alloc : memref<!tpu.dma_semaphore, #tpu.memory_space<semaphore_mem>>
        %dma_start3A = arith.constant 0 : i32
        %dma_start3A_101 = arith.constant 0 : i32
        %dma_start3A_102 = tpu.memref_slice %arg8[%dma_start3A, %dma_start3A_101] : memref<1008x16xf32, #tpu.memory_space<vmem>> -> memref<1000x16xf32, #tpu.memory_space<vmem>>
        %dma_start3A_103 = arith.constant 0 : i32
        %dma_start3A_104 = tpu.memref_slice %arg6[%multiple_of3A, %dma_start3A_103] : memref<16128x16xf32, #tpu.memory_space<vmem_shared>> -> memref<1000x16xf32, #tpu.memory_space<vmem_shared>>
        %dma_start3A_105 = arith.constant 0 : i32
        %dma_start3A_106 = arith.constant 0 : i32
        %dma_start3A_107 = tpu.memref_slice %arg8[%dma_start3A_105, %dma_start3A_106] : memref<1008x16xf32, #tpu.memory_space<vmem>> -> memref<1000x16xf32, #tpu.memory_space<vmem>>
        %dma_start3A_108 = arith.constant 0 : i32
        %dma_start3A_109 = tpu.memref_slice %arg6[%multiple_of3A, %dma_start3A_108] : memref<16128x16xf32, #tpu.memory_space<vmem_shared>> -> memref<1000x16xf32, #tpu.memory_space<vmem_shared>>
        tpu.enqueue_dma source(%dma_start3A_109 : memref<1000x16xf32, #tpu.memory_space<vmem_shared>>) target(%dma_start3A_107 : memref<1000x16xf32, #tpu.memory_space<vmem>>) target_semaphore(%run_scoped3A : memref<!tpu.dma_semaphore, #tpu.memory_space<semaphore_mem>>)
        %dma_wait3A = arith.constant 0 : i32
        %dma_wait3A_110 = arith.constant 0 : i32
        %dma_wait3A_111 = tpu.memref_slice %arg8[%dma_wait3A, %dma_wait3A_110] : memref<1008x16xf32, #tpu.memory_space<vmem>> -> memref<1000x16xf32, #tpu.memory_space<vmem>>
        %dma_wait3A_112 = arith.constant 0 : i32
        %dma_wait3A_113 = tpu.memref_slice %arg6[%multiple_of3A, %dma_wait3A_112] : memref<16128x16xf32, #tpu.memory_space<vmem_shared>> -> memref<1000x16xf32, #tpu.memory_space<vmem_shared>>
        %dma_wait3A_114 = arith.constant 0 : i32
        %dma_wait3A_115 = arith.constant 0 : i32
        %dma_wait3A_116 = tpu.memref_slice %arg8[%dma_wait3A_114, %dma_wait3A_115] : memref<1008x16xf32, #tpu.memory_space<vmem>> -> memref<1000x16xf32, #tpu.memory_space<vmem>>
        %dma_wait3A_117 = arith.constant 0 : i32
        %dma_wait3A_118 = tpu.memref_slice %arg6[%multiple_of3A, %dma_wait3A_117] : memref<16128x16xf32, #tpu.memory_space<vmem_shared>> -> memref<1000x16xf32, #tpu.memory_space<vmem_shared>>
        tpu.wait_dma2 semaphore(%run_scoped3A : memref<!tpu.dma_semaphore, #tpu.memory_space<semaphore_mem>>) src(%dma_wait3A_118 : memref<1000x16xf32, #tpu.memory_space<vmem_shared>>) dst(%dma_wait3A_116 : memref<1000x16xf32, #tpu.memory_space<vmem>>)
        tpu.yield
      }) : () -> ()
      "tpu.region"() ({
        %run_scoped3A = tpu.sem_alloc : memref<!tpu.dma_semaphore, #tpu.memory_space<semaphore_mem>>
        %dma_start3A = arith.constant 0 : i32
        %dma_start3A_101 = arith.constant 0 : i32
        %dma_start3A_102 = tpu.memref_slice %arg9[%dma_start3A, %dma_start3A_101] : memref<1008x16xf32, #tpu.memory_space<vmem>> -> memref<1000x16xf32, #tpu.memory_space<vmem>>
        %dma_start3A_103 = arith.constant 0 : i32
        %dma_start3A_104 = tpu.memref_slice %arg7[%multiple_of3A, %dma_start3A_103] : memref<16128x16xf32, #tpu.memory_space<vmem_shared>> -> memref<1000x16xf32, #tpu.memory_space<vmem_shared>>
        %dma_start3A_105 = arith.constant 0 : i32
        %dma_start3A_106 = arith.constant 0 : i32
        %dma_start3A_107 = tpu.memref_slice %arg9[%dma_start3A_105, %dma_start3A_106] : memref<1008x16xf32, #tpu.memory_space<vmem>> -> memref<1000x16xf32, #tpu.memory_space<vmem>>
        %dma_start3A_108 = arith.constant 0 : i32
        %dma_start3A_109 = tpu.memref_slice %arg7[%multiple_of3A, %dma_start3A_108] : memref<16128x16xf32, #tpu.memory_space<vmem_shared>> -> memref<1000x16xf32, #tpu.memory_space<vmem_shared>>
        tpu.enqueue_dma source(%dma_start3A_109 : memref<1000x16xf32, #tpu.memory_space<vmem_shared>>) target(%dma_start3A_107 : memref<1000x16xf32, #tpu.memory_space<vmem>>) target_semaphore(%run_scoped3A : memref<!tpu.dma_semaphore, #tpu.memory_space<semaphore_mem>>)
        %dma_wait3A = arith.constant 0 : i32
        %dma_wait3A_110 = arith.constant 0 : i32
        %dma_wait3A_111 = tpu.memref_slice %arg9[%dma_wait3A, %dma_wait3A_110] : memref<1008x16xf32, #tpu.memory_space<vmem>> -> memref<1000x16xf32, #tpu.memory_space<vmem>>
        %dma_wait3A_112 = arith.constant 0 : i32
        %dma_wait3A_113 = tpu.memref_slice %arg7[%multiple_of3A, %dma_wait3A_112] : memref<16128x16xf32, #tpu.memory_space<vmem_shared>> -> memref<1000x16xf32, #tpu.memory_space<vmem_shared>>
        %dma_wait3A_114 = arith.constant 0 : i32
        %dma_wait3A_115 = arith.constant 0 : i32
        %dma_wait3A_116 = tpu.memref_slice %arg9[%dma_wait3A_114, %dma_wait3A_115] : memref<1008x16xf32, #tpu.memory_space<vmem>> -> memref<1000x16xf32, #tpu.memory_space<vmem>>
        %dma_wait3A_117 = arith.constant 0 : i32
        %dma_wait3A_118 = tpu.memref_slice %arg7[%multiple_of3A, %dma_wait3A_117] : memref<16128x16xf32, #tpu.memory_space<vmem_shared>> -> memref<1000x16xf32, #tpu.memory_space<vmem_shared>>
        tpu.wait_dma2 semaphore(%run_scoped3A : memref<!tpu.dma_semaphore, #tpu.memory_space<semaphore_mem>>) src(%dma_wait3A_118 : memref<1000x16xf32, #tpu.memory_space<vmem_shared>>) dst(%dma_wait3A_116 : memref<1000x16xf32, #tpu.memory_space<vmem>>)
        tpu.yield
      }) : () -> ()
      %scan3A_93 = arith.constant 0 : i32
      %scan3A_94 = arith.constant 0 : i32
      %scan3A_95 = arith.constant 1000 : i32
      %scan3A_96 = arith.addi %scan3A_94, %scan3A_95 : i32
      %scan3A_97 = arith.constant 1 : i32
      scf.for %scan3A_101 = %scan3A_94 to %scan3A_96 step %scan3A_97  : i32 {
        %get3A_102 = arith.index_cast %scan3A_101 : i32 to index
        %get3A_103 = arith.constant 0 : index
        %get3A_104 = tpu.vector_load %arg8[%get3A_102, %get3A_103] {strides = array<i32>} : memref<1008x16xf32, #tpu.memory_space<vmem>>, vector<16xf32>,
        %get3A_105 = arith.index_cast %scan3A_101 : i32 to index
        %get3A_106 = arith.constant 0 : index
        %get3A_107 = tpu.vector_load %arg9[%get3A_105, %get3A_106] {strides = array<i32>} : memref<1008x16xf32, #tpu.memory_space<vmem>>, vector<16xf32>,
        %max3A = arith.constant 1.000000e+00 : f32
        %max3A_108 = vector.broadcast %max3A : f32 to vector<16xf32>
        %max3A_109 = arith.maximumf %get3A_107, %max3A_108 : vector<16xf32>
        %div3A_110 = arith.divf %get3A_104, %max3A_109 : vector<16xf32>
        %mul3A_111 = arith.constant 0.00999999977 : f32
        %mul3A_112 = vector.broadcast %mul3A_111 : f32 to vector<16xf32>
        %mul3A_113 = arith.mulf %mul3A_112, %div3A_110 : vector<16xf32>
        %mul3A_114 = arith.constant 16 : i32
        %mul3A_115 = arith.muli %scan3A_101, %mul3A_114 : i32
        %swap3A = arith.index_cast %mul3A_115 : i32 to index
        %swap3A_116 = tpu.vector_load %arg10[%swap3A] {strides = array<i32>} : memref<16000xf32, #tpu.memory_space<vmem>>, vector<16xf32>,
        tpu.vector_store %arg10[%swap3A], %mul3A_113 {strides = array<i32>} : memref<16000xf32, #tpu.memory_space<vmem>>, vector<16xf32>,
        %swap3A_117 = arith.index_cast %scan3A_101 : i32 to index
        %swap3A_118 = arith.constant 0 : index
        %swap3A_119 = tpu.vector_load %arg8[%swap3A_117, %swap3A_118] {strides = array<i32>} : memref<1008x16xf32, #tpu.memory_space<vmem>>, vector<16xf32>,
        tpu.vector_store %arg8[%swap3A_117, %swap3A_118], %broadcast_in_dim3A_3 {strides = array<i32>} : memref<1008x16xf32, #tpu.memory_space<vmem>>, vector<16xf32>,
        %swap3A_120 = arith.index_cast %scan3A_101 : i32 to index
        %swap3A_121 = arith.constant 0 : index
        %swap3A_122 = tpu.vector_load %arg9[%swap3A_120, %swap3A_121] {strides = array<i32>} : memref<1008x16xf32, #tpu.memory_space<vmem>>, vector<16xf32>,
        tpu.vector_store %arg9[%swap3A_120, %swap3A_121], %broadcast_in_dim3A_3 {strides = array<i32>} : memref<1008x16xf32, #tpu.memory_space<vmem>>, vector<16xf32>,
      }
      %scan3A_98 = arith.constant 1000 : i32
      "tpu.region"() ({
        %run_scoped3A = tpu.sem_alloc : memref<!tpu.dma_semaphore, #tpu.memory_space<semaphore_mem>>
        %dma_start3A = arith.constant 0 : i32
        %dma_start3A_101 = tpu.memref_slice %arg6[%multiple_of3A, %dma_start3A] : memref<16128x16xf32, #tpu.memory_space<vmem_shared>> -> memref<1008x16xf32, #tpu.memory_space<vmem_shared>>
        %dma_start3A_102 = arith.constant 0 : i32
        %dma_start3A_103 = tpu.memref_slice %arg6[%multiple_of3A, %dma_start3A_102] : memref<16128x16xf32, #tpu.memory_space<vmem_shared>> -> memref<1008x16xf32, #tpu.memory_space<vmem_shared>>
        tpu.enqueue_dma source(%arg8 : memref<1008x16xf32, #tpu.memory_space<vmem>>) target(%dma_start3A_103 : memref<1008x16xf32, #tpu.memory_space<vmem_shared>>) target_semaphore(%run_scoped3A : memref<!tpu.dma_semaphore, #tpu.memory_space<semaphore_mem>>)
        %dma_wait3A = arith.constant 0 : i32
        %dma_wait3A_104 = tpu.memref_slice %arg6[%multiple_of3A, %dma_wait3A] : memref<16128x16xf32, #tpu.memory_space<vmem_shared>> -> memref<1008x16xf32, #tpu.memory_space<vmem_shared>>
        %dma_wait3A_105 = arith.constant 0 : i32
        %dma_wait3A_106 = tpu.memref_slice %arg6[%multiple_of3A, %dma_wait3A_105] : memref<16128x16xf32, #tpu.memory_space<vmem_shared>> -> memref<1008x16xf32, #tpu.memory_space<vmem_shared>>
        tpu.wait_dma2 semaphore(%run_scoped3A : memref<!tpu.dma_semaphore, #tpu.memory_space<semaphore_mem>>) src(%arg8 : memref<1008x16xf32, #tpu.memory_space<vmem>>) dst(%dma_wait3A_106 : memref<1008x16xf32, #tpu.memory_space<vmem_shared>>)
        tpu.yield
      }) : () -> ()
      "tpu.region"() ({
        %run_scoped3A = tpu.sem_alloc : memref<!tpu.dma_semaphore, #tpu.memory_space<semaphore_mem>>
        %dma_start3A = arith.constant 0 : i32
        %dma_start3A_101 = tpu.memref_slice %arg7[%multiple_of3A, %dma_start3A] : memref<16128x16xf32, #tpu.memory_space<vmem_shared>> -> memref<1008x16xf32, #tpu.memory_space<vmem_shared>>
        %dma_start3A_102 = arith.constant 0 : i32
        %dma_start3A_103 = tpu.memref_slice %arg7[%multiple_of3A, %dma_start3A_102] : memref<16128x16xf32, #tpu.memory_space<vmem_shared>> -> memref<1008x16xf32, #tpu.memory_space<vmem_shared>>
        tpu.enqueue_dma source(%arg9 : memref<1008x16xf32, #tpu.memory_space<vmem>>) target(%dma_start3A_103 : memref<1008x16xf32, #tpu.memory_space<vmem_shared>>) target_semaphore(%run_scoped3A : memref<!tpu.dma_semaphore, #tpu.memory_space<semaphore_mem>>)
        %dma_wait3A = arith.constant 0 : i32
        %dma_wait3A_104 = tpu.memref_slice %arg7[%multiple_of3A, %dma_wait3A] : memref<16128x16xf32, #tpu.memory_space<vmem_shared>> -> memref<1008x16xf32, #tpu.memory_space<vmem_shared>>
        %dma_wait3A_105 = arith.constant 0 : i32
        %dma_wait3A_106 = tpu.memref_slice %arg7[%multiple_of3A, %dma_wait3A_105] : memref<16128x16xf32, #tpu.memory_space<vmem_shared>> -> memref<1008x16xf32, #tpu.memory_space<vmem_shared>>
        tpu.wait_dma2 semaphore(%run_scoped3A : memref<!tpu.dma_semaphore, #tpu.memory_space<semaphore_mem>>) src(%arg9 : memref<1008x16xf32, #tpu.memory_space<vmem>>) dst(%dma_wait3A_106 : memref<1008x16xf32, #tpu.memory_space<vmem_shared>>)
        tpu.yield
      }) : () -> ()
      %mul3A_99 = arith.constant 16 : i32
      %mul3A_100 = arith.muli %multiple_of3A_50, %mul3A_99 : i32
      "tpu.region"() ({
        %run_scoped3A = tpu.sem_alloc : memref<!tpu.dma_semaphore, #tpu.memory_space<semaphore_mem>>
        %dma_start3A = tpu.memref_slice %arg5[%mul3A_100] : memref<16000000xf32, #tpu.memory_space<hbm>> -> memref<16000xf32, #tpu.memory_space<hbm>>
        %dma_start3A_101 = tpu.memref_slice %arg5[%mul3A_100] : memref<16000000xf32, #tpu.memory_space<hbm>> -> memref<16000xf32, #tpu.memory_space<hbm>>
        tpu.enqueue_dma source(%arg10 : memref<16000xf32, #tpu.memory_space<vmem>>) target(%dma_start3A_101 : memref<16000xf32, #tpu.memory_space<hbm>>) target_semaphore(%run_scoped3A : memref<!tpu.dma_semaphore, #tpu.memory_space<semaphore_mem>>)
        %dma_wait3A = tpu.memref_slice %arg5[%mul3A_100] : memref<16000000xf32, #tpu.memory_space<hbm>> -> memref<16000xf32, #tpu.memory_space<hbm>>
        %dma_wait3A_102 = tpu.memref_slice %arg5[%mul3A_100] : memref<16000000xf32, #tpu.memory_space<hbm>> -> memref<16000xf32, #tpu.memory_space<hbm>>
        tpu.wait_dma2 semaphore(%run_scoped3A : memref<!tpu.dma_semaphore, #tpu.memory_space<semaphore_mem>>) src(%arg10 : memref<16000xf32, #tpu.memory_space<vmem>>) dst(%dma_wait3A_102 : memref<16000xf32, #tpu.memory_space<hbm>>)
        tpu.yield
      }) : () -> ()
    }
    return
  }
}

</mosaic_0001>

<sc_bundles>
// kernel: kernel.3.cloned.1.call-start
scs
__scs_entry_jumppad:
0x0: {  	(pc) =	sbr.rel $0x88, $3  }
0x1: {  	(tag) =	ssettag $0x0;
	lr =	simm.s32 $0x1  }
0x2: {  	[smem:$0x3F9E] =	sst lr;
	_ =	strace $0xD0000000  }
0x3: {  	_ = 	snop  }
0x4: {  	_ = 	snop  }
0x5: {  	_ = 	snop  }
0x6: {  	_ = 	snop  }
0x7: {  	_ = 	snop  }
__scs_overlays_trampoline_lowered:
0x8: {  	[smem:$0x3FAD] =	sst s0  }
0x9: {  	[smem:$0x3FAE] =	sst s1  }
0xa: {  	[smem:$0x3FAF] =	sst s2  }
0xb: {  	[smem:$0x3FB0] =	sst s3  }
0xc: {  	[smem:$0x3FB1] =	sst s4  }
0xd: {  	[smem:$0x3FB2] =	sst s5  }
0xe: {  	[smem:$0x3FB3] =	sst s6  }
0xf: {  	[smem:$0x3FB4] =	sst s7  }
0x10: {  	[smem:$0x3FB5] =	sst s8  }
0x11: {  	[smem:$0x3FB6] =	sst s9;
	s0 =	simm.s32 @!p0 $0x0  }
0x12: {  	s1 =	sld [smem:$0x3F9C];
	s0 =	simm.s32 @p0 $0x1  }
0x13: {  	[smem:$0x3FB7] =	sst s0;
	s0 =	simm.s32 @!p1 $0x0  }
0x14: {  	s2 =	sld [smem:$0x3F9B];
	s0 =	simm.s32 @p1 $0x1  }
0x15: {  	[smem:$0x3FB8] =	sst s0;
	s0 =	simm.s32 @!p2 $0x0  }
0x16: {  	s3 =	sld [smem:$0x3FDB];
	s0 =	simm.s32 @p2 $0x1  }
0x17: {  	s4 =	simm.s32 $0x1BF5;
	[smem:$0x3FBA] =	sst s0  }
0x18: {  	s0 =	sld [smem:$0x3F9D];
	_ =	swait.ge [sflag:s4], $0x0  }
0x19: {  	s7 =	sld [smem:$0x3F9E]  }
0x1a: {  	s8 =	sadd.s32 $0xFFFFE003, lr  }
0x1b: {  	s9 =	sadd.s32 $0xFFFFFEF7, lr;
	s5 =	simm.s32 $0xFFFFFFFF;
	p2 =	slt.u32 s8, $0xFFFFF086  }
0x1c: {  	p1 =	slt.u32 s9, $0xF7A;
	s5 =	simm.s32 @!p2 $0x0  }
0x1d: {  	s5 =	simm.s32 @p1 $0x1;
	p0 =	seq.s32 s7, s2  }
0x1e: {  	s7 =	smul.u32 @!p0 $0xF7A, s2;
	p2 =	seq.s32 @!p0 s5, $0x0  }
0x1f: {  	s9 =	smul.u32 $0xF7A, s1;
	s8 =	simm.s32 @!p0 $0x1BF5;
	p2 =	por !p2, p0  }
0x20: {  	[sflag:s8] =	ssyncset.s32 @!p0 $0xFFFFF086;
	s6 =	sadd.s32 @!p0 s3, s7;
	s7 =	simm.s32 @!p0 $0x108  }
0x21: {  	s3 =	sadd.s32 s3, s9;
	s6 =	sadd.s32 @!p0 $0x88, s6;
	s7 =	simm.s32 @p2 $0x1082  }
0x22: {  	[simem:s7], [sflag:s8] =	dma.local @!p0 [hbm:s6], $0xF7A  }
0x23: {  	s9 =	sor.u32 $0xD0000000, s2;
	s6 =	simm.s32 $0x108;
	_ =	swait.ge @!p0 [sflag:s8], $0x0  }
0x24: {  	s3 =	sadd.s32 $0x88, s3;
	s6 =	simm.s32 @!p1 $0x1082;
	[sflag:s4] =	ssyncset.s32 $0xFFFFF086  }
0x25: {  	[simem:s6], [sflag:s4] =	dma.local [hbm:s3], $0xF7A  }
0x26: {  	[smem:$0x3F9E] =	sst s1;
	(tag) =	ssettag s2;
	_ =	strace s9  }
0x27: {  	s1 =	sld [smem:$0x3FAE]  }
0x28: {  	s2 =	sld [smem:$0x3FAF]  }
0x29: {  	s4 =	sld [smem:$0x3FB1]  }
0x2a: {  	p0 =	seq.s32 s5, $0x0;
	s5 =	sld [smem:$0x3FB2]  }
0x2b: {  	s6 =	sld [smem:$0x3FB3]  }
0x2c: {  	s7 =	sld [smem:$0x3FB4]  }
0x2d: {  	s3 =	simm.s32 $0x108;
	s8 =	sld [smem:$0x3FB5]  }
0x2e: {  	s3 =	simm.s32 @!p0 $0x1082;
	s9 =	sld [smem:$0x3FB6]  }
0x2f: {  	lr =	sadd.s32 s0, s3;
	s0 =	sld [smem:$0x3FAD]  }
0x30: {  	s3 =	sld [smem:$0x3FB0]  }
0x31: {  	[smem:$0x3FB9] =	sst s10  }
0x32: {  	s10 =	sld [smem:$0x3FB7];
	_ =	sdelay $0x3  }
0x33: {  	p0 =	seq.s32 s10, $0x1;
	s10 =	sld [smem:$0x3FB9];
	_ =	sdelay $0x3  }
0x34: {  	[smem:$0x3FB9] =	sst s10  }
0x35: {  	s10 =	sld [smem:$0x3FB8];
	_ =	sdelay $0x3  }
0x36: {  	p1 =	seq.s32 s10, $0x1;
	s10 =	sld [smem:$0x3FB9];
	_ =	sdelay $0x3  }
0x37: {  	[smem:$0x3FB9] =	sst s10  }
0x38: {  	s10 =	sld [smem:$0x3FBA]  }
0x39: {  	_ = 	snop;
	(pc) =	sbr.ind lr, $3  }
0x3a: {  	_ = 	snop  }
0x3b: {  	_ = 	snop  }
0x3c: {  	p2 =	seq.s32 s10, $0x1;
	s10 =	sld [smem:$0x3FB9]  }
0x3d: {  	_ =	shalt  }
0x3e: {  	_ =	shalt  }
0x3f: {  	_ =	shalt  }
0x40: {  	_ =	shalt  }
0x41: {  	_ =	shalt  }
0x42: {  	_ =	shalt  }
0x43: {  	_ =	shalt  }
0x44: {  	_ =	shalt  }
0x45: {  	_ =	shalt  }
0x46: {  	_ =	shalt  }
0x47: {  	_ =	shalt  }
0x48: {  	_ =	shalt  }
0x49: {  	_ =	shalt  }
0x4a: {  	_ =	shalt  }
0x4b: {  	_ =	shalt  }
0x4c: {  	_ =	shalt  }
0x4d: {  	_ =	shalt  }
0x4e: {  	_ =	shalt  }
0x4f: {  	_ =	shalt  }
0x50: {  	_ =	shalt  }
0x51: {  	_ =	shalt  }
0x52: {  	_ =	shalt  }
0x53: {  	_ =	shalt  }
0x54: {  	_ =	shalt  }
0x55: {  	_ =	shalt  }
0x56: {  	_ =	shalt  }
0x57: {  	_ =	shalt  }
0x58: {  	_ =	shalt  }
0x59: {  	_ =	shalt  }
0x5a: {  	_ =	shalt  }
0x5b: {  	_ =	shalt  }
0x5c: {  	_ =	shalt  }
0x5d: {  	_ =	shalt  }
0x5e: {  	_ =	shalt  }
0x5f: {  	_ =	shalt  }
0x60: {  	_ =	shalt  }
0x61: {  	_ =	shalt  }
0x62: {  	_ =	shalt  }
0x63: {  	_ =	shalt  }
0x64: {  	_ =	shalt  }
0x65: {  	_ =	shalt  }
0x66: {  	_ =	shalt  }
0x67: {  	_ =	shalt  }
0x68: {  	_ =	shalt  }
0x69: {  	_ =	shalt  }
0x6a: {  	_ =	shalt  }
0x6b: {  	_ =	shalt  }
0x6c: {  	_ =	shalt  }
0x6d: {  	_ =	shalt  }
0x6e: {  	_ =	shalt  }
0x6f: {  	_ =	shalt  }
0x70: {  	_ =	shalt  }
0x71: {  	_ =	shalt  }
0x72: {  	_ =	shalt  }
0x73: {  	_ =	shalt  }
0x74: {  	_ =	shalt  }
0x75: {  	_ =	shalt  }
0x76: {  	_ =	shalt  }
0x77: {  	_ =	shalt  }
0x78: {  	_ =	shalt  }
0x79: {  	_ =	shalt  }
0x7a: {  	_ =	shalt  }
0x7b: {  	_ =	shalt  }
0x7c: {  	_ =	shalt  }
0x7d: {  	_ =	shalt  }
0x7e: {  	_ =	shalt  }
0x7f: {  	_ =	shalt  }
0x80: {  	_ =	shalt  }
0x81: {  	_ =	shalt  }
0x82: {  	_ =	shalt  }
0x83: {  	_ =	shalt  }
0x84: {  	_ =	shalt  }
0x85: {  	_ =	shalt  }
0x86: {  	_ =	shalt  }
0x87: {  	_ =	shalt  }
.Lfunc_end0:
.L_simem_size_0:
called_computation.2_lowered:
.L_overlay_start_0:
0x88: {  	s2 =	sld [smem:$0x3FD9]  }
0x89: {  	s3 =	sld [smem:$0x3FFE];
	_ =	sdelay $0x1  }
0x8a: {  	s1 =	srdreg.scid  }
0x8b: {  	s0 =	sand.u32 $0x1, s1  }
0x8c: {  	s17 =	sshll.u32 s0, $0xA;
	s2 =	sadd.s32 s3, s2  }
0x8d: {  	s2 =	sadd.s32 s2, s17  }
0x8e: {  	[smem:$0x3FC5] =	sst s2  }
0x8f: {  	_ = 	snop  }
0x90: {  	s2 =	sld [smem:$0x3FC7]  }
0x91: {  	s18 =	sld [smem:$0x3FD0];
	(tm) =	ssettm $0x1  }
0x92: {  	s4 =	sld [smem:$0x3FFB];
	_ =	sdelay $0x3  }
0x93: {  	_ =	strace s4  }
0x94: {  	s4 =	sld [smem:$0x3FFC];
	_ =	sdelay $0x3  }
0x95: {  	_ =	strace s4  }
0x96: {  	s4 =	sld [smem:$0x3FFD];
	_ =	sdelay $0x3  }
0x97: {  	_ =	strace s4  }
0x98: {  	_ =	strace $0x8FFFFFFF  }
0x99: {  	s19 =	sld [smem:$0x3FDB];
	_ =	sdelay $0x1  }
0x9a: {  	s5 =	simm.s32 $_scs_section_size  }
0x9b: {  	s6 =	simm.s32 $_size__tile_overlayer_lowered;
	s7 =	simm.s32 $_tile_overlayer_lowered  }
0x9c: {  	s22 =	simm.s32 $0x1BFF;
	s21 =	sshll.u32 s7, $0x1;
	s4 =	sadd.s32 s5, s19  }
0x9d: {  	s8 =	simm.s32 $0x0;
	s20 =	sshll.u32 s6, $0x1;
	s6 =	sadd.s32 s21, s4  }
0x9e: {  	[timem:s8], [sflag:s22] =	dma.local [hbm:s6], s20  }
0x9f: {  	_ =	swait.ge [sflag:s22], s20  }
0xa0: {  	s5 =	ssub.s32 $0x0, s20;
	[sflag:s22] =	ssyncset.done $0x0  }
0xa1: {  	[sflag:s22] =	ssyncadd.s32 s5;
	_ =	sdelay $0x1  }
0xa2: {  	s23 =	simm.s32 $0x1B8B  }
0xa3: {  	_ =	swait.ge [sflag:s23], $0x1  }
0xa4: {  	[sflag:s23] =	ssyncset.done $0x0  }
0xa5: {  	s25 =	simm.s32 $0x1B8E;
	s24 =	sld [smem:$0x3FFE];
	[sflag:s23] =	ssyncadd.s32 $0xFFFFFFFF  }
0xa6: {  	s26 =	simm.s32 $execute0_lowered;
	[smem:$0x3FD2] =	sst s25  }
0xa7: {  	s6 =	sshll.u32 s26, $0x1;
	_ =	strace $0x80000049;
	[dreg:$0x1] =	wrdreg $0xFFFFFFFF  }
0xa8: {  	s28 =	simm.s32 $_size_execute0_lowered;
	s4 =	sadd.s32 s4, s6;
	[dreg:$0x0] =	wrdreg $0x0  }
0xa9: {  	s6 =	sshll.u32 s28, $0x1;
	[dreg:$0x2] =	wrdreg s4  }
0xaa: {  	[dreg:$0x3] =	wrdreg s6  }
0xab: {  	[dreg:$0x4] =	wrdreg $0xC0  }
0xac: {  	_ =	task [dreg:s8], $0x5FFFF  }
0xad: {  	[dreg:$0x1] =	wrdreg $0xFFFFFFFF  }
0xae: {  	[dreg:$0x0] =	wrdreg $0x60  }
0xaf: {  	[dreg:$0x2] =	wrdreg s24  }
0xb0: {  	[dreg:$0x3] =	wrdreg s2  }
0xb1: {  	[dreg:$0x4] =	wrdreg s18  }
0xb2: {  	[dreg:$0x5] =	wrdreg $0x0  }
0xb3: {  	[dreg:$0x6] =	wrdreg $0x3F000  }
0xb4: {  	[dreg:$0x7] =	wrdreg $0x9  }
0xb5: {  	_ =	task.clear_ibuf [dreg:s8], $0x8FFFF;
	_ =	strace $0x90000049  }
0xb6: {  	s29 =	simm.s32 $0x9;
	_ =	strace $0x8000004B  }
0xb7: {  	_ =	swait.ge [sflag:s29], $0x1  }
0xb8: {  	[sflag:s29] =	ssyncadd.s32 $0xFFFFFFFF  }
0xb9: {  	_ =	strace $0x9000004B  }
0xba: {  	_ =	sfence  }
0xbb: {  	s30 =	sld [smem:$0x0];
	_ =	sdelay $0x2  }
0xbc: {  	s31 =	sshll.u32 s1, $0xD;
	s1 =	sshrl.u32 s1, $0x2  }
0xbd: {  	s3 =	sand.u32 $0x4000, s31;
	s1 =	sadd.s32 s1, s30  }
0xbe: {  	s0 =	sor.u32 s3, s0;
	s1 =	sshll.u32 s1, $0x11  }
0xbf: {  	s0 =	sor.u32 s1, s0  }
0xc0: {  	s0 =	sadd.s32 $0x8F2B, s0  }
0xc1: {  	[sflag:s0] =	ssyncadd.remote.s32 $0x1  }
0xc2: {  	_ =	sfence.sel $0xFFFF  }
0xc3: {  	[dreg:$0x0] =	wrdreg $0xFFFFFFFF;
	(pc) =	sbr.abs _section_cstart, $3  }
0xc4: {  	[dreg:$0x1] =	wrdreg $0xFFFFFFFF  }
0xc5: {  	_ =	task.clear_ibuf [dreg:s8], $0x2FFFF;
	_ =	strace $0x9FFFFFFF  }
0xc6: {  	(tm) =	ssettm $0x7FFFFFFF  }
0xc7: {  	_ =	shalt  }
tec
execute0_lowered:
.L_overlay_start_1:
0x0: {  	(tag) =	ssettag $0x1  }
0x1: {  	s0 =	rddreg [dreg:$0x0]  }
0x2: {  	s1 =	rddreg [dreg:$0x1]  }
0x3: {  	s3 =	rddreg [dreg:$0x3]  }
0x4: {  	s4 =	rddreg [dreg:$0x4];
	s2 =	simm.s32 $0x0;
	s15 =	srdreg.scid  }
0x5: {  	s9 =	stileid.u32;
	s18 =	simm.s32 $0x200;
	s19 =	simm.s32 $0xC8000  }
0x6: {  	s20 =	simm.s32 $0x13A80;
	s21 =	simm.s32 $0x17A80;
	s22 =	simm.s32 $0x15A80  }
0x7: {  	s23 =	simm.s32 $0x17C80;
	s24 =	simm.s32 $0x17E80;
	s25 =	simm.s32 $0x80  }
0x8: {  	s28 =	simm.s32 $0x16280;
	s29 =	simm.s32 $0x17D80;
	s30 =	simm.s32 $0x16A80  }
0x9: {  	s31 =	simm.s32 $0x17E00;
	[smem:$0x7FF] =	sst s2;
	s7 =	sadd.s32 $0x1200, s0  }
0xa: {  	s2 =	sand.u32 $0x1, s15;
	s0 =	sadd.s32 $0x191200, s0;
	s8 =	smul.u32 $0x3F00, s9  }
0xb: {  	s5 =	sshll.u32 s9, $0x1;
	s17 =	smul.u32 $0x3F0, s9;
	_ =	strace $0x8000004A  }
0xc: {  	[dreg:$0x6] =	wrdreg s0;
	s16 =	ssub.s32 $0x2, s2;
	s5 =	sor.u32 s5, s2  }
0xd: {  	s15 =	simm.s32 $0x1;
	s6 =	sshrl.u32 s16, $0x1;
	[dreg:$0x7] =	wrdreg s5  }
0xe: {  	s5 =	ssub.s32 $0x407, s5;
	s26 =	sadd.s32 s8, s3;
	s11 =	sadd.s32 s8, s4  }
0xf: {  	s0 =	ssub.s32 s16, s6;
	[dreg:$0x8] =	wrdreg s26;
	s5 =	sshrl.u32 s5, $0x5  }
0x10: {  	v1 =	vlaneseq.u32;
	v2 =	vimm.f32 $0.0e+00;
	s26 =	simm.s32 $0x17D00;
	[dreg:$0x9] =	wrdreg s5;
	s0 =	smax.u32 s0, $0x1  }
0x11: {  	v3 =	vimm.f32 $1.000000000e+00;
	v4 =	vmul.u32 $0x10, v1;
	v0 =	vmov s17;
	s5 =	simm.s32 $0x0;
	[dreg:$0xa] =	wrdreg s0;
	s0 =	simm.s32 $0x17280  }
.LBB2_1:
0x12: {  	[dreg:$0xb] =	wrdreg s5  }
0x13: {  	s2 =	simm.s32 $0x0;
	s17 =	rddreg [dreg:$0x6];
	s6 =	simm.s32 $0x18680  }
0x14: {  	[tilespmem:s6], [sflag:$0x1] =	stream.linear.gather [hbm4b:s17+s2], $0x400, $0x38;
	[tilespmem:$0x18A80] =	vst v63  }
0x15: {  	_ =	swait.ge [sflag:s15], $0x400  }
0x16: {  	[sflag:s15] =	ssyncset.done $0x0  }
0x17: {  	s2 =	simm.s32 $0x0;
	[sflag:s15] =	ssyncadd.s32 $0xFFFFFC00  }
.LBB2_2:
0x18: {  	p0 =	sne.s32 s2, $0xFBC0  }
.Ltmp0:
0x19: {  	_ = 	snop;
	(pc) =	sbr.rel @p0 .LBB2_2-.Ltmp0, $4  }
0x1a: {  	_ = 	snop  }
0x1b: {  	s5 =	sshra.s32 s2, $0x2  }
0x1c: {  	[tilespmem:s5+$0x7E00] =	vst v2  }
0x1d: {  	s2 =	sadd.s32 $0x40, s2;
	[tilespmem:s5+$0xBD00] =	vst v2  }
0x1e: {  	s2 =	simm.s32 $0x40;
	s5 =	simm.s32 $0x0  }
.LBB2_4:
0x1f: {  	p0 =	sne.s32 s2, $0x1FC0;
	[tilespmem:s5+$0x17E80] =	vst v3;
	s5 =	smov.u32 s2;
	s2 =	sadd.s32 $0x40, s2  }
.Ltmp1:
0x20: {  	(pc) =	sbr.rel @p0 .LBB2_4-.Ltmp1, $2  }
0x21: {  	_ =	sdelay $0x2  }
0x22: {  	s5 =	sshra.s32 s5, $0x2  }
0x23: {  	[tilespmem:s5+$0x17E80] =	vst v3;
	s2 =	rddreg [dreg:$0x8];
	s16 =	simm.s32 $0x7E00  }
0x24: {  	[spmem:s2] =	stream.linear.scatter [tilespmem:s16], [sflag:$0x1], $0x3F00, $0x38;
	[tilespmem:$0x18A80] =	vst v63  }
0x25: {  	_ =	swait.ge [sflag:s15], $0x3F00  }
0x26: {  	[sflag:s15] =	ssyncset.done $0x0  }
0x27: {  	s17 =	simm.s32 $0xBD00;
	[sflag:s15] =	ssyncadd.s32 $0xFFFFC100  }
0x28: {  	[spmem:s11] =	stream.linear.scatter [tilespmem:s17], [sflag:$0x1], $0x3F00, $0x38;
	[tilespmem:$0x18A80] =	vst v63  }
0x29: {  	_ =	swait.ge [sflag:s15], $0x3F00  }
0x2a: {  	[sflag:s15] =	ssyncset.done $0x0  }
0x2b: {  	s8 =	simm.s32 $0x0;
	[sflag:s15] =	ssyncadd.s32 $0xFFFFC100  }
.LBB2_6:
0x2c: {  	s2 =	sshll.u32 s8, $0x5;
	s5 =	rddreg [dreg:$0x7]  }
0x2d: {  	s13 =	sor.u32 s5, s2  }
0x2e: {  	v5 =	vld [tilespmem:s13+$0x18680];
	_ =	sdelay $0x4  }
0x2f: {  	(v2sf) =	vpush v5, $0x0  }
0x30: {  	(v2sf) =	vpush v5, $0x1;
	_ =	sdelay $0xd  }
0x31: {  	s10 =	spop (v2sf)  }
0x32: {  	s12 =	spop (v2sf);
	s14 =	sand.u32 $0xFFFFFFF8, s10  }
0x33: {  	s2 =	ssub.s32 s12, s14  }
0x34: {  	s2 =	sadd.s32 $0x1FF, s2  }
0x35: {  	s16 =	sand.u32 $0x1FF, s2  }
0x36: {  	s17 =	sshra.s32 s2, $0x1F;
	p1 =	slt.s32 s2, $0x1;
	p0 =	sne.s32 s16, $0x0  }
0x37: {  	s5 =	sshrl.u32 s17, $0x17;
	p0 =	por !p1, !p0  }
0x38: {  	s2 =	sadd.s32 s5, s2;
	s5 =	simm.s32 $0x1;
	p0 =	por !p0, !p0  }
0x39: {  	s2 =	sshra.s32 s2, $0x9;
	s5 =	simm.s32 @!p0 $0x0  }
0x3a: {  	s2 =	ssub.s32 s2, s5  }
0x3b: {  	p0 =	slt.s32 s2, $0x1  }
.Ltmp2:
0x3c: {  	_ = 	snop;
	(pc) =	sbr.rel @p0 .LBB2_19-.Ltmp2, $1  }
0x3d: {  	_ =	sdelay $0x3  }
0x3e: {  	s5 =	smul.u32 $0x3E8, s13;
	_ =	sdelay $0x1  }
0x3f: {  	s6 =	simm.s32 $0x0;
	v5 =	vmov s5;
	s5 =	simm.s32 $0x0  }
.LBB2_8:
0x40: {  	s9 =	sshll.u32 s6, $0x9  }
0x41: {  	s12 =	sadd.s32 s14, s9  }
0x42: {  	p0 =	slt.s32 s12, $0xC7E00;
	s9 =	smov.u32 s12  }
0x43: {  	s9 =	simm.s32 @!p0 $0xC7E00  }
0x44: {  	s10 =	sshrl.u32 s9, $0x3  }
0x45: {  	s16 =	sadd.s32 s7, s10  }
0x46: {  	[tilespmem:s20], [sflag:$0x1] =	stream.strided.gather [hbm4b:s16+s18], $0x2000, s19, s18, $0x38;
	[tilespmem:$0x18A80] =	vst v63  }
0x47: {  	_ =	swait.ge [sflag:s15], $0x2000  }
0x48: {  	[sflag:s15] =	ssyncset.done $0x0  }
0x49: {  	s10 =	sadd.s32 s1, s10;
	[sflag:s15] =	ssyncadd.s32 $0xFFFFE000  }
0x4a: {  	[tilespmem:s21], [sflag:$0x1] =	stream.linear.gather [hbm4b:s10+s5], $0x200, $0x38;
	[tilespmem:$0x18A80] =	vst v63  }
0x4b: {  	_ =	swait.ge [sflag:s15], $0x200  }
0x4c: {  	[sflag:s15] =	ssyncset.done $0x0  }
0x4d: {  	s16 =	simm.s32 $0x14A80;
	[sflag:s15] =	ssyncadd.s32 $0xFFFFFE00  }
0x4e: {  	v6 =	vld [tilespmem:s16+$0xFFFFF000]  }
0x4f: {  	v7 =	vld [tilespmem:s16+$0xFFFFF200];
	_ =	sdelay $0x1  }
0x50: {  	v8 =	vld [tilespmem:s16+$0xFFFFF400];
	_ =	sdelay $0x1  }
0x51: {  	v9 =	vld [tilespmem:s16+$0xFFFFF600]  }
0x52: {  	v10 =	vmul.f32 v6, v6;
	v11 =	vmul.f32 v7, v7  }
0x53: {  	v12 =	vld [tilespmem:s16+$0xFFFFF800]  }
0x54: {  	v39 =	vmul.f32 v8, v8;
	v10 =	vadd.f32 v11, v10  }
0x55: {  	v13 =	vld [tilespmem:s16+$0xFFFFFA00]  }
0x56: {  	v40 =	vmul.f32 v9, v9;
	v10 =	vadd.f32 v39, v10  }
0x57: {  	v14 =	vld [tilespmem:s16+$0xFFFFFC00]  }
0x58: {  	v41 =	vmul.f32 v12, v12;
	v10 =	vadd.f32 v40, v10  }
0x59: {  	v15 =	vld [tilespmem:s16+$0xFFFFFE00]  }
0x5a: {  	v42 =	vmul.f32 v13, v13;
	v10 =	vadd.f32 v41, v10  }
0x5b: {  	v16 =	vld [tilespmem:s16+$0x0]  }
0x5c: {  	v43 =	vmul.f32 v14, v14;
	v10 =	vadd.f32 v42, v10  }
0x5d: {  	v17 =	vld [tilespmem:s16+$0x200]  }
0x5e: {  	v44 =	vmul.f32 v15, v15;
	v10 =	vadd.f32 v43, v10  }
0x5f: {  	v18 =	vld [tilespmem:s16+$0x400]  }
0x60: {  	v45 =	vmul.f32 v16, v16;
	v10 =	vadd.f32 v44, v10  }
0x61: {  	v19 =	vld [tilespmem:s16+$0x600]  }
0x62: {  	v46 =	vmul.f32 v17, v17;
	v10 =	vadd.f32 v45, v10  }
0x63: {  	v20 =	vld [tilespmem:s16+$0x800]  }
0x64: {  	v47 =	vmul.f32 v18, v18;
	v10 =	vadd.f32 v46, v10  }
0x65: {  	v21 =	vld [tilespmem:s16+$0xA00]  }
0x66: {  	v48 =	vmul.f32 v19, v19;
	v10 =	vadd.f32 v47, v10  }
0x67: {  	v22 =	vld [tilespmem:s16+$0xC00]  }
0x68: {  	v49 =	vmul.f32 v20, v20;
	v10 =	vadd.f32 v48, v10  }
0x69: {  	v23 =	vld [tilespmem:s16+$0xE00]  }
0x6a: {  	v50 =	vmul.f32 v21, v21;
	v10 =	vadd.f32 v49, v10;
	_ =	sdelay $0x1  }
0x6b: {  	v51 =	vmul.f32 v22, v22;
	v10 =	vadd.f32 v50, v10;
	_ =	sdelay $0x1  }
0x6c: {  	v52 =	vmul.f32 v23, v23;
	v10 =	vadd.f32 v51, v10;
	_ =	sdelay $0x1  }
0x6d: {  	v10 =	vadd.f32 v52, v10;
	_ =	sdelay $0x1  }
0x6e: {  	v11 =	vshra.s32 v10, $0x1;
	v24 =	vmul.f32 $5.000000000e-01, v10  }
0x6f: {  	v11 =	vsub.s32 $0x5F3759DF, v11  }
0x70: {  	v25 =	vmul.f32 v11, v24;
	_ =	sdelay $0x1  }
0x71: {  	v25 =	vmul.f32 v11, v25;
	_ =	sdelay $0x1  }
0x72: {  	v25 =	vsub.f32 $1.500000000e+00, v25;
	_ =	sdelay $0x1  }
0x73: {  	v11 =	vmul.f32 v11, v25;
	_ =	sdelay $0x1  }
0x74: {  	v25 =	vmul.f32 v11, v24;
	_ =	sdelay $0x1  }
0x75: {  	v25 =	vmul.f32 v25, v11;
	_ =	sdelay $0x1  }
0x76: {  	v25 =	vsub.f32 $1.500000000e+00, v25;
	_ =	sdelay $0x1  }
0x77: {  	v11 =	vmul.f32 v25, v11;
	_ =	sdelay $0x1  }
0x78: {  	v24 =	vmul.f32 v11, v24;
	_ =	sdelay $0x1  }
0x79: {  	v24 =	vmul.f32 v24, v11;
	_ =	sdelay $0x1  }
0x7a: {  	v53 =	vmov s5;
	v24 =	vsub.f32 $1.500000000e+00, v24  }
0x7b: {  	v25 =	vshll.u32 v53, $0x4  }
0x7c: {  	v54 =	vor.u32 v4, v25;
	v11 =	vmul.f32 v24, v11  }
0x7d: {  	vm0 =	vgt.f32 v10, $1.000000000e+00;
	v55 =	vor.u32 $0x1, v54  }
0x7e: {  	v25 =	vor.u32 $0x2, v54;
	v11 =	vnsel vm0, $0x3F800000, v11  }
0x7f: {  	v26 =	vor.u32 $0x3, v54;
	v6 =	vmul.f32 v11, v6  }
0x80: {  	v27 =	vor.u32 $0x4, v54;
	v7 =	vmul.f32 v11, v7  }
0x81: {  	[tilespmem:v54+s22+$0x0] =	vst.idx.msk $0xffff, v6;
	v6 =	vmul.f32 v11, v8;
	v8 =	vor.u32 $0x5, v54  }
0x82: {  	v56 =	vor.u32 $0x6, v54;
	[tilespmem:v55+s22+$0x0] =	vst.idx.msk $0xffff, v7;
	v7 =	vmul.f32 v11, v9  }
0x83: {  	v57 =	vor.u32 $0x7, v54;
	[tilespmem:v25+s22+$0x0] =	vst.idx.msk $0xffff, v6;
	v6 =	vmul.f32 v11, v12  }
0x84: {  	v58 =	vor.u32 $0x8, v54;
	[tilespmem:v26+s22+$0x0] =	vst.idx.msk $0xffff, v7;
	v7 =	vmul.f32 v11, v13  }
0x85: {  	v59 =	vor.u32 $0x9, v54;
	[tilespmem:v27+s22+$0x0] =	vst.idx.msk $0xffff, v6;
	v6 =	vmul.f32 v11, v14  }
0x86: {  	[tilespmem:v8+s22+$0x0] =	vst.idx.msk $0xffff, v7;
	v7 =	vmul.f32 v11, v15;
	v8 =	vor.u32 $0xA, v54  }
0x87: {  	v60 =	vor.u32 $0xB, v54;
	[tilespmem:v56+s22+$0x0] =	vst.idx.msk $0xffff, v6;
	v6 =	vmul.f32 v11, v16  }
0x88: {  	v61 =	vor.u32 $0xC, v54;
	[tilespmem:v57+s22+$0x0] =	vst.idx.msk $0xffff, v7;
	v7 =	vmul.f32 v11, v17  }
0x89: {  	[tilespmem:v58+s22+$0x0] =	vst.idx.msk $0xffff, v6;
	v6 =	vmul.f32 v11, v18  }
0x8a: {  	v62 =	vor.u32 $0xD, v54;
	[tilespmem:v59+s22+$0x0] =	vst.idx.msk $0xffff, v7;
	v7 =	vmul.f32 v11, v19  }
0x8b: {  	v63 =	vor.u32 $0xE, v54;
	[tilespmem:v8+s22+$0x0] =	vst.idx.msk $0xffff, v6;
	v6 =	vmul.f32 v11, v20  }
0x8c: {  	[tilespmem:v60+s22+$0x0] =	vst.idx.msk $0xffff, v7  }
0x8d: {  	v7 =	vmul.f32 v11, v21;
	[tilespmem:v61+s22+$0x0] =	vst.idx.msk $0xffff, v6;
	v6 =	vor.u32 $0xF, v54  }
0x8e: {  	v8 =	vmul.f32 v11, v22  }
0x8f: {  	[tilespmem:v62+s22+$0x0] =	vst.idx.msk $0xffff, v7  }
0x90: {  	s17 =	simm.s32 $0x10;
	v7 =	vmul.f32 v11, v23;
	[tilespmem:v63+s22+$0x0] =	vst.idx.msk $0xffff, v8  }
.LBB2_9:
0x91: {  	p0 =	seq.s32 s17, $0x1F0  }
0x92: {  	[tilespmem:v6+s22+$0x0] =	vst.idx.msk $0xffff, v7;
	s16 =	sadd.s32 $0x10, s16;
	s10 =	smov.u32 s17;
	s17 =	sadd.s32 $0x10, s17  }
0x93: {  	v10 =	vld [tilespmem:s16+$0xFFFFF000]  }
0x94: {  	v12 =	vld [tilespmem:s16+$0xFFFFF200];
	_ =	sdelay $0x1  }
0x95: {  	v7 =	vld [tilespmem:s16+$0xFFFFF400];
	_ =	sdelay $0x1  }
0x96: {  	v6 =	vld [tilespmem:s16+$0xFFFFF600];
	v9 =	vmul.f32 v10, v10  }
0x97: {  	v11 =	vmul.f32 v12, v12  }
0x98: {  	v8 =	vld [tilespmem:s16+$0xFFFFF800]  }
0x99: {  	v11 =	vadd.f32 v11, v9;
	v13 =	vmul.f32 v7, v7  }
0x9a: {  	v9 =	vld [tilespmem:s16+$0xFFFFFA00]  }
0x9b: {  	v13 =	vadd.f32 v13, v11;
	v14 =	vmul.f32 v6, v6  }
0x9c: {  	v11 =	vld [tilespmem:s16+$0xFFFFFC00]  }
0x9d: {  	v14 =	vadd.f32 v14, v13;
	v15 =	vmul.f32 v8, v8  }
0x9e: {  	v13 =	vld [tilespmem:s16+$0xFFFFFE00]  }
0x9f: {  	v15 =	vadd.f32 v15, v14;
	v16 =	vmul.f32 v9, v9  }
0xa0: {  	v14 =	vld [tilespmem:s16+$0x0]  }
0xa1: {  	v16 =	vadd.f32 v16, v15;
	v17 =	vmul.f32 v11, v11  }
0xa2: {  	v15 =	vld [tilespmem:s16+$0x200]  }
0xa3: {  	v17 =	vadd.f32 v17, v16;
	v18 =	vmul.f32 v13, v13  }
0xa4: {  	v16 =	vld [tilespmem:s16+$0x400]  }
0xa5: {  	v18 =	vadd.f32 v18, v17;
	v19 =	vmul.f32 v14, v14  }
0xa6: {  	v17 =	vld [tilespmem:s16+$0x600]  }
0xa7: {  	v18 =	vadd.f32 v19, v18;
	v19 =	vmul.f32 v15, v15  }
0xa8: {  	v20 =	vld [tilespmem:s16+$0x800]  }
0xa9: {  	v18 =	vadd.f32 v19, v18;
	v19 =	vmul.f32 v16, v16  }
0xaa: {  	v21 =	vld [tilespmem:s16+$0xA00]  }
0xab: {  	v18 =	vadd.f32 v19, v18;
	v19 =	vmul.f32 v17, v17  }
0xac: {  	v22 =	vld [tilespmem:s16+$0xC00]  }
0xad: {  	v18 =	vadd.f32 v19, v18;
	v19 =	vmul.f32 v20, v20  }
0xae: {  	v23 =	vld [tilespmem:s16+$0xE00]  }
0xaf: {  	v18 =	vadd.f32 v19, v18;
	v19 =	vmul.f32 v21, v21;
	_ =	sdelay $0x1  }
0xb0: {  	v18 =	vadd.f32 v19, v18;
	v19 =	vmul.f32 v22, v22;
	_ =	sdelay $0x1  }
0xb1: {  	v18 =	vadd.f32 v19, v18;
	v19 =	vmul.f32 v23, v23;
	_ =	sdelay $0x1  }
0xb2: {  	v18 =	vadd.f32 v19, v18;
	_ =	sdelay $0x1  }
0xb3: {  	v19 =	vshra.s32 v18, $0x1;
	v24 =	vmul.f32 $5.000000000e-01, v18  }
0xb4: {  	v19 =	vsub.s32 $0x5F3759DF, v19  }
0xb5: {  	v25 =	vmul.f32 v19, v24;
	_ =	sdelay $0x1  }
0xb6: {  	v25 =	vmul.f32 v19, v25;
	_ =	sdelay $0x1  }
0xb7: {  	v25 =	vsub.f32 $1.500000000e+00, v25;
	_ =	sdelay $0x1  }
0xb8: {  	v19 =	vmul.f32 v19, v25;
	_ =	sdelay $0x1  }
0xb9: {  	v25 =	vmul.f32 v19, v24;
	_ =	sdelay $0x1  }
0xba: {  	v25 =	vmul.f32 v25, v19;
	_ =	sdelay $0x1  }
0xbb: {  	v25 =	vsub.f32 $1.500000000e+00, v25;
	_ =	sdelay $0x1  }
0xbc: {  	v19 =	vmul.f32 v25, v19;
	_ =	sdelay $0x1  }
0xbd: {  	v24 =	vmul.f32 v19, v24;
	_ =	sdelay $0x1  }
0xbe: {  	v24 =	vmul.f32 v24, v19;
	_ =	sdelay $0x1  }
0xbf: {  	v25 =	vmov s10;
	v24 =	vsub.f32 $1.500000000e+00, v24  }
0xc0: {  	v25 =	vshll.u32 v25, $0x4  }
0xc1: {  	v19 =	vmul.f32 v24, v19;
	v24 =	vor.u32 v4, v25  }
0xc2: {  	vm0 =	vgt.f32 v18, $1.000000000e+00;
	v18 =	vor.u32 $0x1, v24  }
0xc3: {  	v25 =	vor.u32 $0x2, v24;
	v19 =	vnsel vm0, $0x3F800000, v19  }
0xc4: {  	v26 =	vor.u32 $0x3, v24;
	v10 =	vmul.f32 v19, v10;
	v12 =	vmul.f32 v19, v12  }
0xc5: {  	v27 =	vor.u32 $0x4, v24  }
0xc6: {  	v7 =	vmul.f32 v19, v7;
	[tilespmem:v24+s22+$0x0] =	vst.idx.msk $0xffff, v10;
	v10 =	vor.u32 $0x5, v24  }
0xc7: {  	v6 =	vmul.f32 v19, v6;
	[tilespmem:v18+s22+$0x0] =	vst.idx.msk $0xffff, v12;
	v12 =	vor.u32 $0x6, v24  }
0xc8: {  	[tilespmem:v25+s22+$0x0] =	vst.idx.msk $0xffff, v7;
	v7 =	vmul.f32 v19, v8;
	v8 =	vor.u32 $0x7, v24  }
0xc9: {  	[tilespmem:v26+s22+$0x0] =	vst.idx.msk $0xffff, v6;
	v6 =	vmul.f32 v19, v9;
	v9 =	vor.u32 $0x8, v24  }
0xca: {  	[tilespmem:v27+s22+$0x0] =	vst.idx.msk $0xffff, v7;
	v7 =	vmul.f32 v19, v11;
	v11 =	vor.u32 $0x9, v24  }
0xcb: {  	[tilespmem:v10+s22+$0x0] =	vst.idx.msk $0xffff, v6;
	v6 =	vmul.f32 v19, v13;
	v10 =	vor.u32 $0xA, v24  }
0xcc: {  	[tilespmem:v12+s22+$0x0] =	vst.idx.msk $0xffff, v7;
	v7 =	vmul.f32 v19, v14;
	v12 =	vor.u32 $0xB, v24  }
0xcd: {  	[tilespmem:v8+s22+$0x0] =	vst.idx.msk $0xffff, v6;
	v6 =	vmul.f32 v19, v15;
	v8 =	vor.u32 $0xC, v24  }
0xce: {  	[tilespmem:v9+s22+$0x0] =	vst.idx.msk $0xffff, v7;
	v7 =	vmul.f32 v19, v16;
	v9 =	vor.u32 $0xD, v24  }
0xcf: {  	v13 =	vor.u32 $0xE, v24;
	[tilespmem:v11+s22+$0x0] =	vst.idx.msk $0xffff, v6;
	v11 =	vmul.f32 v19, v17  }
.Ltmp3:
0xd0: {  	v6 =	vor.u32 $0xF, v24;
	[tilespmem:v10+s22+$0x0] =	vst.idx.msk $0xffff, v7;
	v7 =	vmul.f32 v19, v20;
	(pc) =	sbr.rel @!p0 .LBB2_9-.Ltmp3, $4  }
0xd1: {  	v10 =	vmul.f32 v19, v21;
	[tilespmem:v12+s22+$0x0] =	vst.idx.msk $0xffff, v11  }
0xd2: {  	[tilespmem:v8+s22+$0x0] =	vst.idx.msk $0xffff, v7;
	v8 =	vmul.f32 v19, v22  }
0xd3: {  	v7 =	vmul.f32 v19, v23;
	[tilespmem:v9+s22+$0x0] =	vst.idx.msk $0xffff, v10  }
0xd4: {  	[tilespmem:v13+s22+$0x0] =	vst.idx.msk $0xffff, v8  }
0xd5: {  	_ =	sdelay $0x3  }
0xd6: {  	[tilespmem:v6+s22+$0x0] =	vst.idx.msk $0xffff, v7;
	s17 =	simm.s32 $0x17A80  }
0xd7: {  	v7 =	vld [tilespmem:s17+$0x0];
	_ =	sdelay $0x4  }
0xd8: {  	v7 =	vsub.s32 v7, v5  }
0xd9: {  	s9 =	ssub.s32 s12, s9;
	s10 =	simm.s32 $0x0;
	v8 =	vshra.s32 v7, $0x1F  }
0xda: {  	v6 =	vmov s9;
	v9 =	vor.u32 s10, v1;
	v8 =	vor.u32 v8, v7  }
0xdb: {  	vm2 =	vlt.s32 v9, v6;
	vm1 =	vlt.s32 v7, $0x0;
	vm0 =	vlt.s32 v8, $0x3E8  }
0xdc: {  	vm15 =	vmor vm2, vm1;
	v7 =	vnsel vm0, $0x3E8, v8  }
0xdd: {  	v7 =	vsel vm15, $0x3E8, v7  }
0xde: {  	s9 =	simm.s32 $0x17C80;
	v7 =	vadd.s32 v0, v7  }
0xdf: {  	s12 =	simm.s32 $0x17A90;
	[tilespmem:s9+$0x0] =	vst v7  }
0xe0: {  	s16 =	simm.s32 $0x20;
	s10 =	simm.s32 $0x10;
	v7 =	vld [tilespmem:s12+$0x0]  }
.LBB2_11:
0xe1: {  	p0 =	sne.s32 s16, $0x70;
	_ =	sdelay $0x3  }
0xe2: {  	v7 =	vsub.s32 v7, v5  }
0xe3: {  	v8 =	vshra.s32 v7, $0x1F  }
0xe4: {  	v9 =	vor.u32 s10, v1;
	s10 =	smov.u32 s16;
	v8 =	vor.u32 v8, v7  }
0xe5: {  	vm2 =	vlt.s32 v9, v6;
	vm1 =	vlt.s32 v7, $0x0;
	vm0 =	vlt.s32 v8, $0x3E8  }
.Ltmp4:
0xe6: {  	v7 =	vnsel vm0, $0x3E8, v8;
	vm0 =	vmor vm2, vm1;
	(pc) =	sbr.rel @p0 .LBB2_11-.Ltmp4, $4  }
0xe7: {  	v7 =	vsel vm0, $0x3E8, v7  }
0xe8: {  	s9 =	sadd.s32 $0x10, s9;
	v7 =	vadd.s32 v0, v7  }
0xe9: {  	s12 =	sadd.s32 $0x10, s12;
	[tilespmem:s9+$0x0] =	vst v7  }
0xea: {  	s16 =	sadd.s32 $0x10, s16;
	v7 =	vld [tilespmem:s12+$0x0]  }
0xeb: {  	_ =	sdelay $0x3  }
0xec: {  	v7 =	vsub.s32 v7, v5  }
0xed: {  	v8 =	vshra.s32 v7, $0x1F  }
0xee: {  	v9 =	vor.u32 s10, v1;
	v8 =	vor.u32 v8, v7  }
0xef: {  	vm2 =	vlt.s32 v9, v6;
	vm1 =	vlt.s32 v7, $0x0;
	vm0 =	vlt.s32 v8, $0x3E8  }
0xf0: {  	vm11 =	vmor vm2, vm1;
	v7 =	vnsel vm0, $0x3E8, v8  }
0xf1: {  	v7 =	vsel vm11, $0x3E8, v7  }
0xf2: {  	s9 =	sadd.s32 $0x10, s9;
	v7 =	vadd.s32 v0, v7  }
0xf3: {  	s16 =	simm.s32 $0x80;
	[tilespmem:s9+$0x0] =	vst v7  }
0xf4: {  	[spmem:s3] =	stream.indirect.scatter.add.f32 [tilespmem:s22], [sflag:$0x1], $0x10, s23, s16, $0xb8;
	[tilespmem:$0x18A80] =	vst v63  }
0xf5: {  	_ =	swait.ge [sflag:s15], $0x800  }
0xf6: {  	[sflag:s15] =	ssyncset.done $0x0  }
0xf7: {  	[sflag:s15] =	ssyncadd.s32 $0xFFFFF800  }
0xf8: {  	[spmem:s4] =	stream.indirect.scatter.add.f32 [tilespmem:s24], [sflag:$0x1], $0x10, s23, s16, $0xb8;
	[tilespmem:$0x18A80] =	vst v63  }
0xf9: {  	_ =	swait.ge [sflag:s15], $0x800  }
0xfa: {  	[sflag:s15] =	ssyncset.done $0x0  }
0xfb: {  	s17 =	simm.s32 $0x17B00;
	[sflag:s15] =	ssyncadd.s32 $0xFFFFF800  }
0xfc: {  	v7 =	vld [tilespmem:s17+$0x0];
	_ =	sdelay $0x4  }
0xfd: {  	v7 =	vsub.s32 v7, v5  }
0xfe: {  	v8 =	vshra.s32 v7, $0x1F  }
0xff: {  	v63 =	vor.u32 s16, v1;
	v8 =	vor.u32 v8, v7  }
0x100: {  	vm14 =	vlt.s32 v63, v6;
	vm13 =	vlt.s32 v7, $0x0;
	vm12 =	vlt.s32 v8, $0x3E8  }
0x101: {  	vm15 =	vmor vm14, vm13;
	v7 =	vnsel vm12, $0x3E8, v8  }
0x102: {  	v7 =	vsel vm15, $0x3E8, v7  }
0x103: {  	s9 =	simm.s32 $0x17D00;
	v7 =	vadd.s32 v0, v7  }
0x104: {  	s12 =	simm.s32 $0x17B10;
	[tilespmem:s9+$0x0] =	vst v7  }
0x105: {  	s10 =	simm.s32 $0x90;
	s16 =	simm.s32 $0xA0;
	v7 =	vld [tilespmem:s12+$0x0]  }
.LBB2_13:
0x106: {  	p0 =	sne.s32 s16, $0xF0;
	_ =	sdelay $0x3  }
0x107: {  	v7 =	vsub.s32 v7, v5  }
0x108: {  	v8 =	vshra.s32 v7, $0x1F  }
0x109: {  	v9 =	vor.u32 s10, v1;
	s10 =	smov.u32 s16;
	v8 =	vor.u32 v8, v7  }
0x10a: {  	vm2 =	vlt.s32 v9, v6;
	vm1 =	vlt.s32 v7, $0x0;
	vm0 =	vlt.s32 v8, $0x3E8  }
.Ltmp5:
0x10b: {  	v7 =	vnsel vm0, $0x3E8, v8;
	vm0 =	vmor vm2, vm1;
	(pc) =	sbr.rel @p0 .LBB2_13-.Ltmp5, $4  }
0x10c: {  	v7 =	vsel vm0, $0x3E8, v7  }
0x10d: {  	s9 =	sadd.s32 $0x10, s9;
	v7 =	vadd.s32 v0, v7  }
0x10e: {  	s12 =	sadd.s32 $0x10, s12;
	[tilespmem:s9+$0x0] =	vst v7  }
0x10f: {  	s16 =	sadd.s32 $0x10, s16;
	v7 =	vld [tilespmem:s12+$0x0]  }
0x110: {  	_ =	sdelay $0x3  }
0x111: {  	v7 =	vsub.s32 v7, v5  }
0x112: {  	v8 =	vshra.s32 v7, $0x1F  }
0x113: {  	v9 =	vor.u32 s10, v1;
	v8 =	vor.u32 v8, v7  }
0x114: {  	vm2 =	vlt.s32 v9, v6;
	vm1 =	vlt.s32 v7, $0x0;
	vm0 =	vlt.s32 v8, $0x3E8  }
0x115: {  	vm11 =	vmor vm2, vm1;
	v7 =	vnsel vm0, $0x3E8, v8  }
0x116: {  	v7 =	vsel vm11, $0x3E8, v7  }
0x117: {  	s9 =	sadd.s32 $0x10, s9;
	v7 =	vadd.s32 v0, v7  }
0x118: {  	[tilespmem:s9+$0x0] =	vst v7  }
0x119: {  	[spmem:s3] =	stream.indirect.scatter.add.f32 [tilespmem:s28], [sflag:$0x1], $0x10, s26, s25, $0xb8;
	[tilespmem:$0x18A80] =	vst v63  }
0x11a: {  	_ =	swait.ge [sflag:s15], $0x800  }
0x11b: {  	[sflag:s15] =	ssyncset.done $0x0  }
0x11c: {  	[sflag:s15] =	ssyncadd.s32 $0xFFFFF800  }
0x11d: {  	[spmem:s4] =	stream.indirect.scatter.add.f32 [tilespmem:s24], [sflag:$0x1], $0x10, s26, s25, $0xb8;
	[tilespmem:$0x18A80] =	vst v63  }
0x11e: {  	_ =	swait.ge [sflag:s15], $0x800  }
0x11f: {  	[sflag:s15] =	ssyncset.done $0x0  }
0x120: {  	s16 =	simm.s32 $0x17B80;
	[sflag:s15] =	ssyncadd.s32 $0xFFFFF800  }
0x121: {  	v7 =	vld [tilespmem:s16+$0x0];
	_ =	sdelay $0x4  }
0x122: {  	v7 =	vsub.s32 v7, v5  }
0x123: {  	s17 =	simm.s32 $0x100;
	v8 =	vshra.s32 v7, $0x1F  }
0x124: {  	v63 =	vor.u32 s17, v1;
	v8 =	vor.u32 v8, v7  }
0x125: {  	vm14 =	vlt.s32 v63, v6;
	vm13 =	vlt.s32 v7, $0x0;
	vm12 =	vlt.s32 v8, $0x3E8  }
0x126: {  	vm15 =	vmor vm14, vm13;
	v7 =	vnsel vm12, $0x3E8, v8  }
0x127: {  	v7 =	vsel vm15, $0x3E8, v7  }
0x128: {  	s9 =	simm.s32 $0x17D80;
	v7 =	vadd.s32 v0, v7  }
0x129: {  	s12 =	simm.s32 $0x17B90;
	[tilespmem:s9+$0x0] =	vst v7  }
0x12a: {  	s10 =	simm.s32 $0x110;
	s16 =	simm.s32 $0x120;
	v7 =	vld [tilespmem:s12+$0x0]  }
.LBB2_15:
0x12b: {  	p0 =	sne.s32 s16, $0x170;
	_ =	sdelay $0x3  }
0x12c: {  	v7 =	vsub.s32 v7, v5  }
0x12d: {  	v8 =	vshra.s32 v7, $0x1F  }
0x12e: {  	v9 =	vor.u32 s10, v1;
	s10 =	smov.u32 s16;
	v8 =	vor.u32 v8, v7  }
0x12f: {  	vm2 =	vlt.s32 v9, v6;
	vm1 =	vlt.s32 v7, $0x0;
	vm0 =	vlt.s32 v8, $0x3E8  }
.Ltmp6:
0x130: {  	v7 =	vnsel vm0, $0x3E8, v8;
	vm0 =	vmor vm2, vm1;
	(pc) =	sbr.rel @p0 .LBB2_15-.Ltmp6, $4  }
0x131: {  	v7 =	vsel vm0, $0x3E8, v7  }
0x132: {  	s9 =	sadd.s32 $0x10, s9;
	v7 =	vadd.s32 v0, v7  }
0x133: {  	s12 =	sadd.s32 $0x10, s12;
	[tilespmem:s9+$0x0] =	vst v7  }
0x134: {  	s16 =	sadd.s32 $0x10, s16;
	v7 =	vld [tilespmem:s12+$0x0]  }
0x135: {  	_ =	sdelay $0x3  }
0x136: {  	v7 =	vsub.s32 v7, v5  }
0x137: {  	v8 =	vshra.s32 v7, $0x1F  }
0x138: {  	v9 =	vor.u32 s10, v1;
	v8 =	vor.u32 v8, v7  }
0x139: {  	vm2 =	vlt.s32 v9, v6;
	vm1 =	vlt.s32 v7, $0x0;
	vm0 =	vlt.s32 v8, $0x3E8  }
0x13a: {  	vm11 =	vmor vm2, vm1;
	v7 =	vnsel vm0, $0x3E8, v8  }
0x13b: {  	v7 =	vsel vm11, $0x3E8, v7  }
0x13c: {  	s9 =	sadd.s32 $0x10, s9;
	v7 =	vadd.s32 v0, v7  }
0x13d: {  	[tilespmem:s9+$0x0] =	vst v7  }
0x13e: {  	[spmem:s3] =	stream.indirect.scatter.add.f32 [tilespmem:s30], [sflag:$0x1], $0x10, s29, s25, $0xb8;
	[tilespmem:$0x18A80] =	vst v63  }
0x13f: {  	_ =	swait.ge [sflag:s15], $0x800  }
0x140: {  	[sflag:s15] =	ssyncset.done $0x0  }
0x141: {  	[sflag:s15] =	ssyncadd.s32 $0xFFFFF800  }
0x142: {  	[spmem:s4] =	stream.indirect.scatter.add.f32 [tilespmem:s24], [sflag:$0x1], $0x10, s29, s25, $0xb8;
	[tilespmem:$0x18A80] =	vst v63  }
0x143: {  	_ =	swait.ge [sflag:s15], $0x800  }
0x144: {  	[sflag:s15] =	ssyncset.done $0x0  }
0x145: {  	s16 =	simm.s32 $0x17C00;
	[sflag:s15] =	ssyncadd.s32 $0xFFFFF800  }
0x146: {  	v7 =	vld [tilespmem:s16+$0x0];
	_ =	sdelay $0x4  }
0x147: {  	v7 =	vsub.s32 v7, v5  }
0x148: {  	s17 =	simm.s32 $0x180;
	v8 =	vshra.s32 v7, $0x1F  }
0x149: {  	v63 =	vor.u32 s17, v1;
	v8 =	vor.u32 v8, v7  }
0x14a: {  	vm14 =	vlt.s32 v63, v6;
	vm13 =	vlt.s32 v7, $0x0;
	vm12 =	vlt.s32 v8, $0x3E8  }
0x14b: {  	vm15 =	vmor vm14, vm13;
	v7 =	vnsel vm12, $0x3E8, v8  }
0x14c: {  	v7 =	vsel vm15, $0x3E8, v7  }
0x14d: {  	s9 =	simm.s32 $0x17E00;
	v7 =	vadd.s32 v0, v7  }
0x14e: {  	s12 =	simm.s32 $0x17C10;
	[tilespmem:s9+$0x0] =	vst v7  }
0x14f: {  	s10 =	simm.s32 $0x190;
	s16 =	simm.s32 $0x1A0;
	v7 =	vld [tilespmem:s12+$0x0]  }
.LBB2_17:
0x150: {  	p0 =	sne.s32 s16, $0x1F0;
	_ =	sdelay $0x3  }
0x151: {  	v7 =	vsub.s32 v7, v5  }
0x152: {  	v8 =	vshra.s32 v7, $0x1F  }
0x153: {  	v9 =	vor.u32 s10, v1;
	s10 =	smov.u32 s16;
	v8 =	vor.u32 v8, v7  }
0x154: {  	vm2 =	vlt.s32 v9, v6;
	vm1 =	vlt.s32 v7, $0x0;
	vm0 =	vlt.s32 v8, $0x3E8  }
.Ltmp7:
0x155: {  	v7 =	vnsel vm0, $0x3E8, v8;
	vm0 =	vmor vm2, vm1;
	(pc) =	sbr.rel @p0 .LBB2_17-.Ltmp7, $4  }
0x156: {  	v7 =	vsel vm0, $0x3E8, v7  }
0x157: {  	s9 =	sadd.s32 $0x10, s9;
	v7 =	vadd.s32 v0, v7  }
0x158: {  	s12 =	sadd.s32 $0x10, s12;
	[tilespmem:s9+$0x0] =	vst v7  }
0x159: {  	s16 =	sadd.s32 $0x10, s16;
	v7 =	vld [tilespmem:s12+$0x0]  }
0x15a: {  	_ =	sdelay $0x3  }
0x15b: {  	v7 =	vsub.s32 v7, v5  }
0x15c: {  	v8 =	vshra.s32 v7, $0x1F  }
0x15d: {  	v9 =	vor.u32 s10, v1;
	v8 =	vor.u32 v8, v7  }
0x15e: {  	vm2 =	vlt.s32 v9, v6;
	vm1 =	vlt.s32 v7, $0x0;
	vm0 =	vlt.s32 v8, $0x3E8  }
0x15f: {  	vm15 =	vmor vm2, vm1;
	v6 =	vnsel vm0, $0x3E8, v8  }
0x160: {  	v6 =	vsel vm15, $0x3E8, v6  }
0x161: {  	s9 =	sadd.s32 $0x10, s9;
	v6 =	vadd.s32 v0, v6  }
0x162: {  	[tilespmem:s9+$0x0] =	vst v6  }
0x163: {  	[spmem:s3] =	stream.indirect.scatter.add.f32 [tilespmem:s0], [sflag:$0x1], $0x10, s31, s25, $0xb8;
	[tilespmem:$0x18A80] =	vst v63  }
0x164: {  	s6 =	sadd.s32 $0x1, s6;
	_ =	swait.ge [sflag:s15], $0x800  }
0x165: {  	p0 =	sne.s32 s6, s2;
	[sflag:s15] =	ssyncset.done $0x0  }
.Ltmp8:
0x166: {  	[sflag:s15] =	ssyncadd.s32 $0xFFFFF800;
	(pc) =	sbr.rel @p0 .LBB2_8-.Ltmp8, $4  }
0x167: {  	[spmem:s4] =	stream.indirect.scatter.add.f32 [tilespmem:s24], [sflag:$0x1], $0x10, s31, s25, $0xb8;
	[tilespmem:$0x18A80] =	vst v63  }
0x168: {  	_ =	swait.ge [sflag:s15], $0x800  }
0x169: {  	[sflag:s15] =	ssyncset.done $0x0  }
0x16a: {  	[sflag:s15] =	ssyncadd.s32 $0xFFFFF800  }
.LBB2_19:
0x16b: {  	s2 =	rddreg [dreg:$0x8];
	s5 =	simm.s32 $0x7E00  }
0x16c: {  	[tilespmem:s5], [sflag:$0x1] =	stream.linear.gather [spmem:s2], $0x3E80, $0x38;
	[tilespmem:$0x18A80] =	vst v63  }
0x16d: {  	_ =	swait.ge [sflag:s15], $0x3E80  }
0x16e: {  	[sflag:s15] =	ssyncset.done $0x0  }
0x16f: {  	s17 =	simm.s32 $0xBD00;
	[sflag:s15] =	ssyncadd.s32 $0xFFFFC180  }
0x170: {  	[tilespmem:s17], [sflag:$0x1] =	stream.linear.gather [spmem:s11], $0x3E80, $0x38;
	[tilespmem:$0x18A80] =	vst v63  }
0x171: {  	_ =	swait.ge [sflag:s15], $0x3E80  }
0x172: {  	[sflag:s15] =	ssyncset.done $0x0  }
0x173: {  	s6 =	simm.s32 $0x0;
	[sflag:s15] =	ssyncadd.s32 $0xFFFFC180  }
0x174: {  	v8 =	vld [tilespmem:s6+$0xBD00];
	_ =	sdelay $0x2  }
0x175: {  	v7 =	vld [tilespmem:s6+$0x7E00];
	[tilespmem:s6+$0x7E00] =	vst v2  }
0x176: {  	s5 =	simm.s32 $0x10;
	[tilespmem:s6+$0xBD00] =	vst v2  }
0x177: {  	v9 =	vld [tilespmem:s5+$0xBD00];
	v8 =	vmax.f32 v8, $1.000000000e+00  }
0x178: {  	(erf) = vrcp.f32 v8;
	_ =	sdelay $0x2  }
0x179: {  	v6 =	vld [tilespmem:s5+$0x7E00];
	[tilespmem:s5+$0x7E00] =	vst v2  }
0x17a: {  	s2 =	simm.s32 $0x20;
	[tilespmem:s5+$0xBD00] =	vst v2;
	v9 =	vmax.f32 v9, $1.000000000e+00  }
0x17b: {  	v5 =	vld [tilespmem:s2+$0x7E00];
	(erf) = vrcp.f32 v9  }
0x17c: {  	v8 =	vld [tilespmem:s2+$0xBD00]  }
0x17d: {  	s12 =	simm.s32 $0xC0;
	[tilespmem:s2+$0x7E00] =	vst v2  }
0x17e: {  	s10 =	simm.s32 $0x100;
	s9 =	simm.s32 $0x140;
	s14 =	simm.s32 $0x180;
	[tilespmem:s2+$0xBD00] =	vst v2  }
.LBB2_20:
0x17f: {  	p0 =	sne.s32 s14, $0xF9C0;
	v9 =	vpop (erf);
	s16 =	smov.u32 s14;
	s14 =	sadd.s32 $0x40, s14  }
.Ltmp9:
0x180: {  	s17 =	sshra.s32 s12, $0x2;
	s12 =	smov.u32 s10;
	v9 =	vmul.f32 v9, v7;
	v7 =	vmov v6;
	v6 =	vmov v5;
	(pc) =	sbr.rel @p0 .LBB2_20-.Ltmp9, $3  }
0x181: {  	s10 =	smov.u32 s9;
	s9 =	smov.u32 s16;
	v5 =	vld [tilespmem:s17+$0x7E00];
	[tilespmem:s17+$0x7E00] =	vst v2;
	v10 =	vmax.f32 v8, $1.000000000e+00  }
0x182: {  	v8 =	vld [tilespmem:s17+$0xBD00];
	[tilespmem:s17+$0xBD00] =	vst v2;
	(erf) = vrcp.f32 v10;
	v9 =	vmul.f32 $9.999999770e-03, v9;
	_ =	sdelay $0x1  }
0x183: {  	[tilespmem:s6+$0xFC00] =	vst v9;
	s6 =	smov.u32 s5;
	s5 =	smov.u32 s2;
	s2 =	smov.u32 s17  }
0x184: {  	_ =	sdelay $0x2  }
0x185: {  	v9 =	vpop (erf)  }
0x186: {  	v7 =	vmul.f32 v9, v7  }
0x187: {  	s12 =	sshra.s32 s12, $0x2  }
0x188: {  	v55 =	vld [tilespmem:s12+$0x7E00];
	[tilespmem:s12+$0x7E00] =	vst v2;
	v7 =	vmul.f32 $9.999999770e-03, v7;
	v11 =	vpop (erf)  }
0x189: {  	v10 =	vld [tilespmem:s12+$0xBD00];
	[tilespmem:s12+$0xBD00] =	vst v2;
	v6 =	vmul.f32 v11, v6  }
0x18a: {  	s16 =	sshra.s32 s10, $0x2;
	[tilespmem:s6+$0xFC00] =	vst v7  }
0x18b: {  	v7 =	vld [tilespmem:s16+$0x7E00];
	[tilespmem:s16+$0x7E00] =	vst v2;
	v6 =	vmul.f32 $9.999999770e-03, v6  }
0x18c: {  	v56 =	vld [tilespmem:s16+$0xBD00];
	[tilespmem:s16+$0xBD00] =	vst v2  }
0x18d: {  	s17 =	sshra.s32 s9, $0x2;
	[tilespmem:s5+$0xFC00] =	vst v6  }
0x18e: {  	v6 =	vld [tilespmem:s17+$0xBD00];
	_ =	sdelay $0x1  }
0x18f: {  	v8 =	vmax.f32 v8, $1.000000000e+00  }
0x190: {  	(erf) = vrcp.f32 v8;
	v57 =	vmax.f32 v10, $1.000000000e+00  }
0x191: {  	(erf) = vrcp.f32 v57;
	v58 =	vmax.f32 v56, $1.000000000e+00  }
0x192: {  	(erf) = vrcp.f32 v58;
	v6 =	vmax.f32 v6, $1.000000000e+00  }
0x193: {  	(erf) = vrcp.f32 v6;
	_ =	sdelay $0x4  }
0x194: {  	v6 =	vld [tilespmem:s17+$0x7E00]  }
0x195: {  	v59 =	vpop (erf)  }
0x196: {  	v5 =	vmul.f32 v59, v5;
	v60 =	vpop (erf)  }
0x197: {  	v61 =	vmul.f32 v60, v55;
	v62 =	vpop (erf)  }
0x198: {  	[tilespmem:s17+$0xBD00] =	vst v2;
	v5 =	vmul.f32 $9.999999770e-03, v5;
	v7 =	vmul.f32 v62, v7;
	v63 =	vpop (erf)  }
0x199: {  	[tilespmem:s17+$0x7E00] =	vst v2;
	v8 =	vmul.f32 $9.999999770e-03, v61;
	v6 =	vmul.f32 v63, v6  }
0x19a: {  	[tilespmem:s2+$0xFC00] =	vst v5;
	v5 =	vmul.f32 $9.999999770e-03, v7  }
0x19b: {  	[tilespmem:s12+$0xFC00] =	vst v8;
	v6 =	vmul.f32 $9.999999770e-03, v6  }
0x19c: {  	[tilespmem:s16+$0xFC00] =	vst v5  }
0x19d: {  	s9 =	simm.s32 $0x7E00;
	s6 =	rddreg [dreg:$0x8];
	[tilespmem:s17+$0xFC00] =	vst v6  }
0x19e: {  	[spmem:s6] =	stream.linear.scatter [tilespmem:s9], [sflag:$0x1], $0x3F00, $0x38;
	[tilespmem:$0x18A80] =	vst v63  }
0x19f: {  	_ =	swait.ge [sflag:s15], $0x3F00  }
0x1a0: {  	[sflag:s15] =	ssyncset.done $0x0  }
0x1a1: {  	s10 =	simm.s32 $0xBD00;
	[sflag:s15] =	ssyncadd.s32 $0xFFFFC100  }
0x1a2: {  	[spmem:s11] =	stream.linear.scatter [tilespmem:s10], [sflag:$0x1], $0x3F00, $0x38;
	[tilespmem:$0x18A80] =	vst v63  }
0x1a3: {  	_ =	swait.ge [sflag:s15], $0x3F00  }
0x1a4: {  	s12 =	smul.u32 $0x3E80, s13;
	[sflag:s15] =	ssyncset.done $0x0  }
0x1a5: {  	[sflag:s15] =	ssyncadd.s32 $0xFFFFC100  }
0x1a6: {  	s2 =	sshrl.u32 s12, $0x3;
	s13 =	rddreg [dreg:$0x2]  }
0x1a7: {  	s14 =	simm.s32 $0x0;
	s16 =	simm.s32 $0xFC00;
	s2 =	sadd.s32 s13, s2  }
0x1a8: {  	[hbm4b:s2+s14] =	stream.linear.scatter [tilespmem:s16], [sflag:$0x1], $0x3E80, $0x38;
	[tilespmem:$0x18A80] =	vst v63  }
0x1a9: {  	_ =	swait.ge [sflag:s15], $0x3E80  }
0x1aa: {  	s8 =	sadd.s32 $0x1, s8;
	s17 =	rddreg [dreg:$0x9]  }
0x1ab: {  	p0 =	sne.s32 s8, s17  }
.Ltmp10:
0x1ac: {  	_ = 	snop;
	(pc) =	sbr.rel @p0 .LBB2_6-.Ltmp10, $3  }
0x1ad: {  	_ =	sdelay $0x1  }
0x1ae: {  	[sflag:s15] =	ssyncset.done $0x0  }
0x1af: {  	[sflag:s15] =	ssyncadd.s32 $0xFFFFC180  }
0x1b0: {  	s5 =	rddreg [dreg:$0xb]  }
0x1b1: {  	s2 =	rddreg [dreg:$0xa];
	s5 =	sadd.s32 $0x1, s5  }
0x1b2: {  	p0 =	sne.s32 s5, s2  }
.Ltmp11:
0x1b3: {  	_ = 	snop;
	(pc) =	sbr.rel @p0 .LBB2_1-.Ltmp11, $1  }
0x1b4: {  	_ =	sdelay $0x3  }
0x1b5: {  	_ =	sfence.sel $0x180000  }
0x1b6: {  	[bflag:$0x0] =	sbarrier.arrive $0xFFFF  }
0x1b7: {  	_ =	strace $0x9000004A  }
0x1b8: {  	s0 =	stileid.u32;
	[bflag:$0x2] =	sbarrier.arrive $0xFFFF  }
0x1b9: {  	p0 =	sne.s32 s0, $0x0;
	s0 =	rddreg [dreg:$0x5]  }
0x1ba: {  	s0 =	sadd.s32 @!p0 $0x100000, s0  }
0x1bb: {  	[sflag:s0] =	ssyncadd.tile.s32 @!p0 $0x1;
	_ =	shalt  }
.Lfunc_end2:
_tile_overlayer_lowered:
.L_overlay_start_2:
0x1bc: {  	(tag) =	ssettag $0x2  }
0x1bd: {  	s0 =	rddreg [dreg:$0x0];
	s2 =	stileid.u32  }
0x1be: {  	s1 =	rddreg [dreg:$0x1];
	p0 =	sne.s32 s2, $0x0  }
0x1bf: {  	s3 =	rddreg [dreg:$0x2];
	[bflag:$0x3] =	sbarrier.arrive $0xFFFF;
	s2 =	simm.s32 @!p0 $0x1C01  }
0x1c0: {  	[timem:s3], [sflag:s2] =	dma.local @!p0 [hbm:s0], s1  }
0x1c1: {  	s0 =	simm.s32 @!p0 $0x1  }
0x1c2: {  	_ =	swait.ge @!p0 [sflag:s0], s1  }
0x1c3: {  	s1 =	ssub.s32 @!p0 $0x0, s1;
	[sflag:s0] =	ssyncset.done @!p0 $0x0  }
0x1c4: {  	[sflag:s0] =	ssyncadd.s32 @!p0 s1  }
0x1c5: {  	[bflag:$0x3] =	sbarrier.arrive $0xFFFF  }
0x1c6: {  	_ =	shalt  }

// kernel: sparse-core-data-format-call.1.cloned.1.call-start
scs
called_computation.1_lowered:
.L_overlay_start_0:
0x0: {  	s2 =	sld [smem:$0x3FD9]  }
0x1: {  	s3 =	sld [smem:$0x3FFE];
	_ =	sdelay $0x1  }
0x2: {  	s1 =	srdreg.scid  }
0x3: {  	s0 =	sand.u32 $0x1, s1  }
0x4: {  	s18 =	sshll.u32 s0, $0xA;
	s2 =	sadd.s32 s3, s2  }
0x5: {  	s2 =	sadd.s32 s2, s18  }
0x6: {  	[smem:$0x3FC5] =	sst s2  }
0x7: {  	_ = 	snop  }
0x8: {  	s2 =	sld [smem:$0x3FC8];
	(tm) =	ssettm $0x1  }
0x9: {  	s19 =	sld [smem:$0x3FFB];
	_ =	sdelay $0x3  }
0xa: {  	_ =	strace s19  }
0xb: {  	s3 =	sld [smem:$0x3FFC];
	_ =	sdelay $0x3  }
0xc: {  	_ =	strace s3  }
0xd: {  	s3 =	sld [smem:$0x3FFD];
	_ =	sdelay $0x3  }
0xe: {  	_ =	strace s3  }
0xf: {  	_ =	strace $0x8FFFFFFF  }
0x10: {  	s20 =	sld [smem:$0x3FDB];
	_ =	sdelay $0x1  }
0x11: {  	s4 =	simm.s32 $_scs_section_size  }
0x12: {  	s5 =	simm.s32 $_size__tile_overlayer_lowered;
	s6 =	simm.s32 $_tile_overlayer_lowered  }
0x13: {  	s23 =	simm.s32 $0x1BFF;
	s22 =	sshll.u32 s6, $0x1;
	s3 =	sadd.s32 s4, s20  }
0x14: {  	s7 =	simm.s32 $0x0;
	s21 =	sshll.u32 s5, $0x1;
	s5 =	sadd.s32 s22, s3  }
0x15: {  	[timem:s7], [sflag:s23] =	dma.local [hbm:s5], s21  }
0x16: {  	_ =	swait.ge [sflag:s23], s21  }
0x17: {  	s4 =	ssub.s32 $0x0, s21;
	[sflag:s23] =	ssyncset.done $0x0  }
0x18: {  	[sflag:s23] =	ssyncadd.s32 s4;
	_ =	sdelay $0x1  }
0x19: {  	s24 =	simm.s32 $0x1B8B  }
0x1a: {  	_ =	swait.ge [sflag:s24], $0x1  }
0x1b: {  	[sflag:s24] =	ssyncset.done $0x0  }
0x1c: {  	s26 =	simm.s32 $0x1B8E;
	s25 =	sld [smem:$0x3FFE];
	[sflag:s24] =	ssyncadd.s32 $0xFFFFFFFF  }
0x1d: {  	s27 =	simm.s32 $execute0_lowered;
	[smem:$0x3FD2] =	sst s26  }
0x1e: {  	s5 =	sshll.u32 s27, $0x1;
	_ =	strace $0x80000046;
	[dreg:$0x1] =	wrdreg $0xFFFFFFFF  }
0x1f: {  	s28 =	simm.s32 $_size_execute0_lowered;
	s3 =	sadd.s32 s3, s5;
	[dreg:$0x0] =	wrdreg $0x0  }
0x20: {  	s5 =	sshll.u32 s28, $0x1;
	[dreg:$0x2] =	wrdreg s3  }
0x21: {  	[dreg:$0x3] =	wrdreg s5  }
0x22: {  	[dreg:$0x4] =	wrdreg $0xC0  }
0x23: {  	_ =	task [dreg:s7], $0x5FFFF  }
0x24: {  	[dreg:$0x1] =	wrdreg $0xFFFFFFFF  }
0x25: {  	[dreg:$0x0] =	wrdreg $0x60  }
0x26: {  	[dreg:$0x2] =	wrdreg s2  }
0x27: {  	[dreg:$0x3] =	wrdreg s25  }
0x28: {  	[dreg:$0x4] =	wrdreg $0x9  }
0x29: {  	_ =	task.clear_ibuf [dreg:s7], $0x5FFFF;
	_ =	strace $0x90000046  }
0x2a: {  	s29 =	simm.s32 $0x9;
	_ =	strace $0x80000048  }
0x2b: {  	_ =	swait.ge [sflag:s29], $0x1  }
0x2c: {  	[sflag:s29] =	ssyncadd.s32 $0xFFFFFFFF  }
0x2d: {  	_ =	strace $0x90000048  }
0x2e: {  	_ =	sfence  }
0x2f: {  	s30 =	sld [smem:$0x0];
	_ =	sdelay $0x2  }
0x30: {  	s31 =	sshll.u32 s1, $0xD;
	s1 =	sshrl.u32 s1, $0x2  }
0x31: {  	s3 =	sand.u32 $0x4000, s31;
	s1 =	sadd.s32 s1, s30  }
0x32: {  	s0 =	sor.u32 s3, s0;
	s1 =	sshll.u32 s1, $0x11  }
0x33: {  	s0 =	sor.u32 s1, s0  }
0x34: {  	s0 =	sadd.s32 $0x8F2B, s0  }
0x35: {  	[sflag:s0] =	ssyncadd.remote.s32 $0x1  }
0x36: {  	_ =	sfence.sel $0xFFFF  }
0x37: {  	[dreg:$0x0] =	wrdreg $0xFFFFFFFF;
	(pc) =	sbr.abs _section_cstart, $3  }
0x38: {  	[dreg:$0x1] =	wrdreg $0xFFFFFFFF  }
0x39: {  	_ =	task.clear_ibuf [dreg:s7], $0x2FFFF;
	_ =	strace $0x9FFFFFFF  }
0x3a: {  	(tm) =	ssettm $0x7FFFFFFF  }
0x3b: {  	_ =	shalt  }
tec
execute0_lowered:
.L_overlay_start_1:
0x0: {  	(tag) =	ssettag $0x1  }
0x1: {  	s0 =	stileid.u32;
	s1 =	srdreg.scid  }
0x2: {  	s7 =	rddreg [dreg:$0x1];
	s31 =	simm.s32 $0x2;
	s15 =	simm.s32 $0x0  }
0x3: {  	s10 =	simm.s32 $0xC8000;
	s2 =	sshll.u32 s0, $0x3;
	s1 =	sshll.u32 s1, $0x7  }
0x4: {  	s11 =	simm.s32 $0x0;
	s16 =	simm.s32 $0x0;
	s1 =	sor.u32 s2, s1  }
0x5: {  	s14 =	simm.s32 $0x0;
	s3 =	sand.u32 $0x1, s0;
	s1 =	sand.u32 $0xF0, s1  }
0x6: {  	s7 =	sadd.s32 $0x1200, s7;
	s5 =	ssub.s32 $0x2, s3;
	s4 =	ssub.s32 $0x1900, s1  }
0x7: {  	s2 =	rddreg [dreg:$0x0];
	s8 =	sshrl.u32 s5, $0x1;
	s6 =	sand.u32 $0xF0, s4  }
0x8: {  	s5 =	sand.u32 $0x1, s5;
	p0 =	sne.s32 s6, $0x0;
	s6 =	simm.s32 $0x1  }
.Ltmp0:
0x9: {  	s9 =	sshrl.u32 s4, $0x8;
	s6 =	simm.s32 @!p0 $0x0;
	(pc) =	sbr.rel .LBB1_1-.Ltmp0, $4  }
0xa: {  	s8 =	sadd.s32 s5, s8;
	s5 =	simm.s32 $0x1;
	s6 =	sadd.s32 s6, s9  }
0xb: {  	s4 =	rddreg [dreg:$0x2];
	_ =	strace $0x80000047;
	s6 =	smul.u32 s8, s6  }
0xc: {  	s13 =	smov.u32 s3;
	s12 =	smov.u32 s1;
	[sflag:s5] =	ssyncpa.u1 $0x0  }
0xd: {  	[sflag:s31] =	ssyncpa.u1 $0x0;
	s9 =	simm.s32 $0x800;
	s8 =	sadd.s32 $0x1, s6  }
.LBB1_7:
0xe: {  	s17 =	sadd.s32 $0x100, s12  }
0xf: {  	s15 =	sadd.s32 $0x2, s13;
	s19 =	smov.u32 s13;
	p1 =	sgt.s32 s17, $0x18FF  }
0x10: {  	s19 =	smov.u32 @p1 s15  }
0x11: {  	s17 =	smov.u32 @p1 s1;
	p1 =	sgt.s32 s19, $0x1  }
0x12: {  	s19 =	smov.u32 @p1 s3;
	p1 =	sne.s32 s14, s8  }
.Ltmp1:
0x13: {  	p0 =	slt.u32 s14, $0x2;
	(pc) =	sbr.rel @!p1 .LBB1_8-.Ltmp1, $4  }
0x14: {  	s18 =	simm.s32 @!p0 $0x2  }
0x15: {  	s16 =	smov.u32 s13;
	s11 =	sadd.s32 $0x4000, s11;
	_ =	swait.ge @!p0 [sflag:s18], $0x4000  }
0x16: {  	s15 =	smov.u32 s12;
	[sflag:s18] =	ssyncset.done @!p0 $0x0;
	s12 =	smov.u32 s17  }
0x17: {  	s14 =	sadd.s32 $0x1, s14;
	[sflag:s18] =	ssyncadd.s32 @!p0 $0xFFFFC000;
	s13 =	smov.u32 s19  }
.LBB1_1:
0x18: {  	p0 =	sge.u32 s14, s6  }
0x19: {  	s17 =	smul.u32 @!p0 $0xC8000, s13  }
0x1a: {  	s31 =	sadd.s32 $0xFFFFFFFF, s14;
	s18 =	sxor.u32 @!p0 $0xFFFFFFFF, s14  }
0x1b: {  	s19 =	sshll.u32 @!p0 s12, $0x7;
	s18 =	sshll.u32 @!p0 s18, $0xE;
	s17 =	sadd.s32 @!p0 s2, s17  }
0x1c: {  	s18 =	sand.u32 @!p0 $0x4000, s18;
	s17 =	sadd.s32 @!p0 s19, s17;
	s19 =	simm.s32 @!p0 $0x0  }
0x1d: {  	[tilespmem:s18], [sflag:$0x1] =	stream.linear.gather @!p0 [hbm4b:s17+s19], $0x4000, $0x38;
	[tilespmem:$0x10000] =	vst v63  }
0x1e: {  	p0 =	sge.u32 s31, s6  }
.Ltmp2:
0x1f: {  	_ = 	snop;
	(pc) =	sbr.rel @p0 .LBB1_7-.Ltmp2, $1  }
0x20: {  	_ =	sdelay $0x3  }
0x21: {  	s17 =	sand.u32 $0x4000, s11  }
0x22: {  	_ =	swait.ge [sflag:s5], $0x4000;
	s20 =	sshll.u32 s14, $0xE;
	s18 =	sor.u32 $0x8040, s17  }
0x23: {  	s19 =	sor.u32 $0x40, s17;
	[sflag:s5] =	ssyncset.done $0x0;
	s31 =	sand.u32 $0x4000, s20  }
0x24: {  	s20 =	simm.s32 $0x0;
	[sflag:s5] =	ssyncadd.s32 $0xFFFFC000;
	s17 =	sor.u32 $0x8000, s31  }
.LBB1_3:
0x25: {  	v0 =	vmov s19;
	_ =	sdelay $0x3  }
0x26: {  	s22 =	simm.s32 $0x0  }
0x27: {  	v6 =	vld.idx.msk [tilespmem:v0+s22+$0x30 ss:$0x1], $0xffff  }
0x28: {  	v7 =	vld.idx.msk [tilespmem:v0+s22+$0xFFFFFFC0 ss:$0x1], $0xffff  }
0x29: {  	v5 =	vld.idx.msk [tilespmem:v0+s22+$0xFFFFFFD0 ss:$0x1], $0xffff  }
0x2a: {  	v4 =	vld.idx.msk [tilespmem:v0+s22+$0xFFFFFFE0 ss:$0x1], $0xffff  }
0x2b: {  	v3 =	vld.idx.msk [tilespmem:v0+s22+$0xFFFFFFF0 ss:$0x1], $0xffff  }
0x2c: {  	v1 =	vld.idx.msk [tilespmem:v0+s22+$0x0 ss:$0x1], $0xffff  }
0x2d: {  	v2 =	vld.idx.msk [tilespmem:v0+s22+$0x10 ss:$0x1], $0xffff;
	[tilespmem:s18+$0x30] =	vst v6  }
0x2e: {  	s21 =	simm.s32 $0x80;
	s23 =	simm.s32 $0x400;
	[tilespmem:s18+$0xFFFFFFC0] =	vst v7;
	v6 =	vld.idx.msk [tilespmem:v0+s22+$0x20 ss:$0x1], $0xffff;
	s22 =	smov.u32 s18  }
.LBB1_4:
0x2f: {  	p0 =	sne.s32 s23, $0xE00;
	v7 =	vld.idx.msk [tilespmem:v0+s21+$0x30 ss:$0x1], $0xffff;
	[tilespmem:s22+$0xFFFFFFD0] =	vst v5  }
0x30: {  	v8 =	vld.idx.msk [tilespmem:v0+s21+$0xFFFFFFC0 ss:$0x1], $0xffff;
	[tilespmem:s22+$0xFFFFFFE0] =	vst v4  }
0x31: {  	v5 =	vld.idx.msk [tilespmem:v0+s21+$0xFFFFFFD0 ss:$0x1], $0xffff;
	[tilespmem:s22+$0xFFFFFFF0] =	vst v3  }
.Ltmp3:
0x32: {  	v4 =	vld.idx.msk [tilespmem:v0+s21+$0xFFFFFFE0 ss:$0x1], $0xffff;
	[tilespmem:s22+$0x0] =	vst v1;
	(pc) =	sbr.rel @p0 .LBB1_4-.Ltmp3, $4  }
0x33: {  	v3 =	vld.idx.msk [tilespmem:v0+s21+$0xFFFFFFF0 ss:$0x1], $0xffff;
	[tilespmem:s22+$0x10] =	vst v2  }
0x34: {  	v1 =	vld.idx.msk [tilespmem:v0+s21+$0x0 ss:$0x1], $0xffff;
	[tilespmem:s22+$0x20] =	vst v6;
	s22 =	sadd.s32 $0x800, s22  }
0x35: {  	v2 =	vld.idx.msk [tilespmem:v0+s21+$0x10 ss:$0x1], $0xffff;
	[tilespmem:s22+$0x30] =	vst v7  }
0x36: {  	[tilespmem:s22+$0xFFFFFFC0] =	vst v8;
	v6 =	vld.idx.msk [tilespmem:v0+s21+$0x20 ss:$0x1], $0xffff;
	s21 =	sshra.s32 s23, $0x2;
	s23 =	sadd.s32 $0x200, s23  }
0x37: {  	_ =	sdelay $0x2  }
0x38: {  	[tilespmem:s22+$0xFFFFFFD0] =	vst v5  }
0x39: {  	v56 =	vld.idx.msk [tilespmem:v0+s21+$0x30 ss:$0x1], $0xffff;
	[tilespmem:s22+$0xFFFFFFE0] =	vst v4  }
0x3a: {  	v57 =	vld.idx.msk [tilespmem:v0+s21+$0xFFFFFFC0 ss:$0x1], $0xffff;
	[tilespmem:s22+$0xFFFFFFF0] =	vst v3  }
0x3b: {  	v58 =	vld.idx.msk [tilespmem:v0+s21+$0xFFFFFFD0 ss:$0x1], $0xffff;
	[tilespmem:s22+$0x0] =	vst v1  }
0x3c: {  	v59 =	vld.idx.msk [tilespmem:v0+s21+$0xFFFFFFE0 ss:$0x1], $0xffff;
	[tilespmem:s22+$0x10] =	vst v2  }
0x3d: {  	v60 =	vld.idx.msk [tilespmem:v0+s21+$0xFFFFFFF0 ss:$0x1], $0xffff;
	s31 =	sadd.s32 $0x800, s22;
	[tilespmem:s22+$0x20] =	vst v6  }
0x3e: {  	v61 =	vld.idx.msk [tilespmem:v0+s21+$0x0 ss:$0x1], $0xffff;
	[tilespmem:s31+$0x30] =	vst v56  }
0x3f: {  	v62 =	vld.idx.msk [tilespmem:v0+s21+$0x10 ss:$0x1], $0xffff;
	s20 =	sadd.s32 $0x1, s20;
	[tilespmem:s31+$0xFFFFFFC0] =	vst v57  }
0x40: {  	v63 =	vld.idx.msk [tilespmem:v0+s21+$0x20 ss:$0x1], $0xffff;
	p0 =	sne.s32 s20, $0x10;
	[tilespmem:s31+$0xFFFFFFD0] =	vst v58  }
.Ltmp4:
0x41: {  	[tilespmem:s31+$0xFFFFFFE0] =	vst v59;
	(pc) =	sbr.rel @p0 .LBB1_3-.Ltmp4, $4  }
0x42: {  	[tilespmem:s31+$0xFFFFFFF0] =	vst v60  }
0x43: {  	[tilespmem:s31+$0x0] =	vst v61  }
0x44: {  	[tilespmem:s31+$0x10] =	vst v62  }
0x45: {  	s18 =	sadd.s32 $0x80, s18;
	s19 =	sadd.s32 $0x400, s19;
	[tilespmem:s31+$0x20] =	vst v63  }
0x46: {  	s15 =	sand.u32 $0x1FFFFFF, s15  }
0x47: {  	s18 =	smulhi.u32 $0x147AE15, s15;
	_ =	sdelay $0x1  }
0x48: {  	s16 =	smul.u32 $0xC8000, s16;
	s18 =	sshrl.u32 s18, $0x5  }
0x49: {  	s18 =	smul.u32 $0x1900, s18  }
.Ltmp5:
0x4a: {  	_ = 	snop;
	(pc) =	sbr.rel .LBB1_7-.Ltmp5, $4  }
0x4b: {  	s15 =	ssub.s32 s15, s18  }
0x4c: {  	s16 =	sadd.s32 s7, s16;
	s15 =	sshll.u32 s15, $0x4  }
0x4d: {  	s15 =	sadd.s32 s15, s16  }
0x4e: {  	[hbm4b:s15+s9] =	stream.strided.scatter [tilespmem:s17], [sflag:$0x2], $0x4000, s10, s9, $0x38;
	[tilespmem:$0x10000] =	vst v63  }
.LBB1_8:
0x4f: {  	_ =	sfence.sel $0x180000  }
0x50: {  	s1 =	simm.s32 $0x1;
	[bflag:$0x0] =	sbarrier.arrive $0xFFFF  }
0x51: {  	s31 =	simm.s32 $0x2;
	[sflag:s1] =	ssyncpa.u1 $0x1  }
0x52: {  	[sflag:s31] =	ssyncpa.u1 $0x1  }
0x53: {  	p0 =	sne.s32 s0, $0x0;
	_ =	strace $0x90000047  }
0x54: {  	s0 =	sadd.s32 @!p0 $0x100000, s4;
	[bflag:$0x2] =	sbarrier.arrive $0xFFFF  }
0x55: {  	[sflag:s0] =	ssyncadd.tile.s32 @!p0 $0x1;
	_ =	shalt  }
.Lfunc_end1:
_tile_overlayer_lowered:
.L_overlay_start_2:
0x56: {  	(tag) =	ssettag $0x2  }
0x57: {  	s0 =	rddreg [dreg:$0x0];
	s2 =	stileid.u32  }
0x58: {  	s1 =	rddreg [dreg:$0x1];
	p0 =	sne.s32 s2, $0x0  }
0x59: {  	s3 =	rddreg [dreg:$0x2];
	[bflag:$0x3] =	sbarrier.arrive $0xFFFF;
	s2 =	simm.s32 @!p0 $0x1C01  }
0x5a: {  	[timem:s3], [sflag:s2] =	dma.local @!p0 [hbm:s0], s1  }
0x5b: {  	s0 =	simm.s32 @!p0 $0x1  }
0x5c: {  	_ =	swait.ge @!p0 [sflag:s0], s1  }
0x5d: {  	s1 =	ssub.s32 @!p0 $0x0, s1;
	[sflag:s0] =	ssyncset.done @!p0 $0x0  }
0x5e: {  	[sflag:s0] =	ssyncadd.s32 @!p0 s1  }
0x5f: {  	[bflag:$0x3] =	sbarrier.arrive $0xFFFF  }
0x60: {  	_ =	shalt  }

// kernel: sparse-core-data-format-call.cloned.1.call-start
scs
called_computation_lowered:
.L_overlay_start_0:
0x0: {  	s2 =	sld [smem:$0x3FD9]  }
0x1: {  	s3 =	sld [smem:$0x3FFE];
	_ =	sdelay $0x1  }
0x2: {  	s1 =	srdreg.scid  }
0x3: {  	s0 =	sand.u32 $0x1, s1  }
0x4: {  	s18 =	sshll.u32 s0, $0xA;
	s2 =	sadd.s32 s3, s2  }
0x5: {  	s2 =	sadd.s32 s2, s18  }
0x6: {  	[smem:$0x3FC5] =	sst s2  }
0x7: {  	_ = 	snop  }
0x8: {  	s2 =	sld [smem:$0x3FD0];
	(tm) =	ssettm $0x1  }
0x9: {  	s19 =	sld [smem:$0x3FFB];
	_ =	sdelay $0x3  }
0xa: {  	_ =	strace s19  }
0xb: {  	s3 =	sld [smem:$0x3FFC];
	_ =	sdelay $0x3  }
0xc: {  	_ =	strace s3  }
0xd: {  	s3 =	sld [smem:$0x3FFD];
	_ =	sdelay $0x3  }
0xe: {  	_ =	strace s3  }
0xf: {  	_ =	strace $0x8FFFFFFF  }
0x10: {  	s20 =	sld [smem:$0x3FDB];
	_ =	sdelay $0x1  }
0x11: {  	s4 =	simm.s32 $_scs_section_size  }
0x12: {  	s5 =	simm.s32 $_size__tile_overlayer_lowered;
	s6 =	simm.s32 $_tile_overlayer_lowered  }
0x13: {  	s23 =	simm.s32 $0x1BFF;
	s22 =	sshll.u32 s6, $0x1;
	s3 =	sadd.s32 s4, s20  }
0x14: {  	s7 =	simm.s32 $0x0;
	s21 =	sshll.u32 s5, $0x1;
	s5 =	sadd.s32 s22, s3  }
0x15: {  	[timem:s7], [sflag:s23] =	dma.local [hbm:s5], s21  }
0x16: {  	_ =	swait.ge [sflag:s23], s21  }
0x17: {  	s4 =	ssub.s32 $0x0, s21;
	[sflag:s23] =	ssyncset.done $0x0  }
0x18: {  	[sflag:s23] =	ssyncadd.s32 s4;
	_ =	sdelay $0x1  }
0x19: {  	s24 =	simm.s32 $0x1B8B  }
0x1a: {  	_ =	swait.ge [sflag:s24], $0x1  }
0x1b: {  	[sflag:s24] =	ssyncset.done $0x0  }
0x1c: {  	s26 =	simm.s32 $0x1B8E;
	s25 =	sld [smem:$0x3FFE];
	[sflag:s24] =	ssyncadd.s32 $0xFFFFFFFF  }
0x1d: {  	s27 =	simm.s32 $execute0_lowered;
	[smem:$0x3FD2] =	sst s26  }
0x1e: {  	s5 =	sshll.u32 s27, $0x1;
	_ =	strace $0x8000004C;
	[dreg:$0x1] =	wrdreg $0xFFFFFFFF  }
0x1f: {  	s28 =	simm.s32 $_size_execute0_lowered;
	s3 =	sadd.s32 s3, s5;
	[dreg:$0x0] =	wrdreg $0x0  }
0x20: {  	s5 =	sshll.u32 s28, $0x1;
	[dreg:$0x2] =	wrdreg s3  }
0x21: {  	[dreg:$0x3] =	wrdreg s5  }
0x22: {  	[dreg:$0x4] =	wrdreg $0xC0  }
0x23: {  	_ =	task [dreg:s7], $0x5FFFF  }
0x24: {  	[dreg:$0x1] =	wrdreg $0xFFFFFFFF  }
0x25: {  	[dreg:$0x0] =	wrdreg $0x60  }
0x26: {  	[dreg:$0x2] =	wrdreg s25  }
0x27: {  	[dreg:$0x3] =	wrdreg s2  }
0x28: {  	[dreg:$0x4] =	wrdreg $0x9  }
0x29: {  	_ =	task.clear_ibuf [dreg:s7], $0x5FFFF;
	_ =	strace $0x9000004C  }
0x2a: {  	s29 =	simm.s32 $0x9;
	_ =	strace $0x8000004E  }
0x2b: {  	_ =	swait.ge [sflag:s29], $0x1  }
0x2c: {  	[sflag:s29] =	ssyncadd.s32 $0xFFFFFFFF  }
0x2d: {  	_ =	strace $0x9000004E  }
0x2e: {  	_ =	sfence  }
0x2f: {  	s30 =	sld [smem:$0x0];
	_ =	sdelay $0x2  }
0x30: {  	s31 =	sshll.u32 s1, $0xD;
	s1 =	sshrl.u32 s1, $0x2  }
0x31: {  	s3 =	sand.u32 $0x4000, s31;
	s1 =	sadd.s32 s1, s30  }
0x32: {  	s0 =	sor.u32 s3, s0;
	s1 =	sshll.u32 s1, $0x11  }
0x33: {  	s0 =	sor.u32 s1, s0  }
0x34: {  	s0 =	sadd.s32 $0x8F2B, s0  }
0x35: {  	[sflag:s0] =	ssyncadd.remote.s32 $0x1  }
0x36: {  	_ =	sfence.sel $0xFFFF  }
0x37: {  	[dreg:$0x0] =	wrdreg $0xFFFFFFFF;
	(pc) =	sbr.abs _section_cstart, $3  }
0x38: {  	[dreg:$0x1] =	wrdreg $0xFFFFFFFF  }
0x39: {  	_ =	task.clear_ibuf [dreg:s7], $0x2FFFF;
	_ =	strace $0x9FFFFFFF  }
0x3a: {  	(tm) =	ssettm $0x7FFFFFFF  }
0x3b: {  	_ =	shalt  }
tec
execute0_lowered:
.L_overlay_start_1:
0x0: {  	(tag) =	ssettag $0x1  }
0x1: {  	s4 =	rddreg [dreg:$0x0]  }
0x2: {  	s0 =	srdreg.scid;
	s2 =	rddreg [dreg:$0x1]  }
0x3: {  	s1 =	stileid.u32;
	s5 =	simm.s32 $0x1;
	s0 =	sshll.u32 s0, $0x4  }
0x4: {  	s7 =	simm.s32 $0x2;
	s11 =	simm.s32 $0x0;
	s3 =	sand.u32 $0x10, s0  }
.Ltmp0:
0x5: {  	p0 =	por $0x0, $0x0;
	s3 =	sor.u32 s1, s3;
	(pc) =	sbr.rel .LBB1_1-.Ltmp0, $4  }
0x6: {  	s8 =	simm.s32 $0x7A1400;
	s10 =	simm.s32 $0x0;
	s3 =	sshll.u32 s3, $0x7  }
0x7: {  	s0 =	rddreg [dreg:$0x2];
	_ =	strace $0x8000004D;
	s6 =	ssub.s32 $0xF4200, s3  }
0x8: {  	s4 =	sadd.s32 $0x1200, s4;
	[sflag:s5] =	ssyncpa.u1 $0x0;
	s6 =	sshrl.u32 s6, $0xC  }
0x9: {  	[sflag:s7] =	ssyncpa.u1 $0x0;
	s9 =	smov.u32 s3;
	s7 =	sadd.s32 $0x2, s6  }
.LBB1_5:
0xa: {  	s13 =	sadd.s32 $0x1000, s9  }
0xb: {  	p2 =	sgt.s32 s13, $0xF423F  }
0xc: {  	s13 =	smov.u32 @p2 s3;
	p2 =	sne.s32 s10, s7  }
.Ltmp1:
0xd: {  	p1 =	slt.u32 s10, $0x2;
	(pc) =	sbr.rel @!p2 .LBB1_6-.Ltmp1, $4  }
0xe: {  	s12 =	simm.s32 @!p1 $0x2  }
0xf: {  	s14 =	sadd.s32 $0x1, s10;
	_ =	swait.ge @!p1 [sflag:s12], $0x800  }
0x10: {  	s11 =	smov.u32 s9;
	p0 =	por !p0, !p0;
	[sflag:s12] =	ssyncset.done @!p1 $0x0  }
0x11: {  	s10 =	smov.u32 s14;
	s9 =	smov.u32 s13;
	[sflag:s12] =	ssyncadd.s32 @!p1 $0xFFFFF800  }
.LBB1_1:
0x12: {  	p1 =	sgt.u32 s10, s6  }
0x13: {  	s13 =	smov.u32 s9;
	p2 =	sgt.s32 @!p1 s9, $0xF41C0  }
0x14: {  	s12 =	sand.u32 @!p1 $0x1FFFFFF, s9;
	s14 =	sshra.s32 @!p1 s9, $0x1F;
	p2 =	por !p2, p1  }
0x15: {  	s15 =	smulhi.u32 @!p1 $0x218DEF5, s12;
	s14 =	sand.u32 @!p1 s14, s9;
	s13 =	simm.s32 @p2 $0xF41C0  }
0x16: {  	s13 =	ssub.s32 @!p1 s13, s14  }
0x17: {  	s14 =	sshrl.u32 @!p1 s15, $0xD;
	s13 =	sadd.s32 @!p1 $0xFFF0BE40, s13  }
0x18: {  	s15 =	sxor.u32 @!p1 $0xFFFFFFFF, s10;
	s14 =	smul.u32 @!p1 $0xF4240, s14;
	s16 =	sshll.u32 @!p1 s13, $0x6  }
0x19: {  	s15 =	sshll.u32 @!p1 s15, $0xB;
	p2 =	sgt.s32 @!p1 s13, $0x7F;
	s13 =	ssub.s32 @!p1 $0x2000, s16  }
0x1a: {  	s12 =	ssub.s32 @!p1 s12, s14;
	p2 =	por !p2, p1;
	s14 =	sand.u32 @!p1 $0x800, s15  }
0x1b: {  	s15 =	simm.s32 @!p1 $0x10;
	s13 =	sshrl.u32 @!p1 s13, $0x2;
	s12 =	sshll.u32 @!p1 s12, $0x4  }
0x1c: {  	s16 =	simm.s32 @!p1 $0x80;
	s13 =	simm.s32 @!p2 $0x0;
	s12 =	sadd.s32 @!p1 s4, s12  }
0x1d: {  	[tilespmem:s14], [sflag:$0x1] =	stream.strided.gather @!p1 [hbm4b:s12+s15], s13, s16, s15, $0x38;
	[tilespmem:$0x2020] =	vst v63  }
0x1e: {  	p1 =	seq.s32 s10, $0x0  }
0x1f: {  	p2 =	sge.u32 @!p1 s10, s7  }
0x20: {  	p1 =	por p1, p2  }
.Ltmp2:
0x21: {  	_ = 	snop;
	(pc) =	sbr.rel @p1 .LBB1_5-.Ltmp2, $1  }
0x22: {  	_ =	sdelay $0x3  }
0x23: {  	p1 =	sgt.s32 s11, $0xF41C0;
	s12 =	smov.u32 s11;
	s13 =	sshra.s32 s11, $0x1F  }
0x24: {  	s12 =	simm.s32 @!p1 $0xF41C0;
	s13 =	sand.u32 s13, s11  }
0x25: {  	s12 =	ssub.s32 s12, s13  }
0x26: {  	s12 =	sadd.s32 $0xFFF0BE40, s12  }
0x27: {  	s29 =	sshll.u32 s12, $0x6  }
0x28: {  	s13 =	ssub.s32 $0x2000, s29  }
0x29: {  	p1 =	sgt.s32 s12, $0x7F;
	s12 =	sshrl.u32 s13, $0x2  }
0x2a: {  	s13 =	simm.s32 $0x1;
	s12 =	simm.s32 @p1 $0x0  }
0x2b: {  	s13 =	simm.s32 @!p0 $0x0;
	_ =	swait.ge [sflag:s5], s12  }
0x2c: {  	s14 =	sshll.u32 s13, $0xB;
	s12 =	ssub.s32 $0x0, s12;
	[sflag:s5] =	ssyncset.done $0x0  }
0x2d: {  	s15 =	sor.u32 $0x40, s14;
	[sflag:s5] =	ssyncadd.s32 s12  }
0x2e: {  	v1 =	vld [tilespmem:s15+$0x30]  }
0x2f: {  	s30 =	smul.u32 $0x2040, s13;
	v4 =	vld [tilespmem:s15+$0xFFFFFFD0]  }
0x30: {  	v5 =	vld [tilespmem:s15+$0xFFFFFFE0]  }
0x31: {  	s31 =	sand.u32 $0x1, s10;
	s12 =	sshrl.u32 s30, $0x2;
	v2 =	vld [tilespmem:s15+$0xFFFFFFF0]  }
0x32: {  	s13 =	smul.u32 $0x2040, s31;
	s12 =	sor.u32 $0x1007, s12;
	v3 =	vld [tilespmem:s15+$0x0]  }
0x33: {  	v0 =	vld [tilespmem:s15+$0x10];
	[tilespmem:s12+$0x0 ss:$0x81] =	vst.msk $0xffff, v1  }
0x34: {  	s13 =	sshrl.u32 s13, $0x2;
	[tilespmem:s12+$0xFFFFFFFA ss:$0x81] =	vst.msk $0xffff, v4;
	v4 =	vld [tilespmem:s15+$0x20]  }
0x35: {  	s14 =	simm.s32 $0x0;
	s13 =	sor.u32 $0x1000, s13;
	v1 =	vld [tilespmem:s15+$0xFFFFFFC0];
	[tilespmem:s12+$0xFFFFFFFB ss:$0x81] =	vst.msk $0xffff, v5;
	s15 =	sadd.s32 $0x80, s15  }
.LBB1_3:
0x36: {  	v5 =	vld [tilespmem:s15+$0x30];
	s14 =	sadd.s32 $0x8, s14;
	[tilespmem:s12+$0xFFFFFFFC ss:$0x81] =	vst.msk $0xffff, v2  }
0x37: {  	v6 =	vld [tilespmem:s15+$0xFFFFFFD0];
	p1 =	slt.u32 s14, $0x78;
	[tilespmem:s12+$0xFFFFFFFD ss:$0x81] =	vst.msk $0xffff, v3  }
0x38: {  	v7 =	vld [tilespmem:s15+$0xFFFFFFE0];
	[tilespmem:s12+$0xFFFFFFFE ss:$0x81] =	vst.msk $0xffff, v0  }
.Ltmp3:
0x39: {  	v2 =	vld [tilespmem:s15+$0xFFFFFFF0];
	[tilespmem:s12+$0xFFFFFFFF ss:$0x81] =	vst.msk $0xffff, v4;
	(pc) =	sbr.rel @p1 .LBB1_3-.Ltmp3, $4  }
0x3a: {  	v3 =	vld [tilespmem:s15+$0x0];
	[tilespmem:s12+$0xFFFFFFF9 ss:$0x81] =	vst.msk $0xffff, v1;
	s12 =	sadd.s32 $0x8, s12  }
0x3b: {  	v0 =	vld [tilespmem:s15+$0x10];
	[tilespmem:s12+$0x0 ss:$0x81] =	vst.msk $0xffff, v5  }
0x3c: {  	[tilespmem:s12+$0xFFFFFFFA ss:$0x81] =	vst.msk $0xffff, v6;
	v4 =	vld [tilespmem:s15+$0x20]  }
0x3d: {  	v1 =	vld [tilespmem:s15+$0xFFFFFFC0];
	[tilespmem:s12+$0xFFFFFFFB ss:$0x81] =	vst.msk $0xffff, v7;
	s15 =	sadd.s32 $0x80, s15  }
0x3e: {  	s14 =	sshll.u32 s11, $0x3  }
0x3f: {  	s30 =	sand.u32 $0x7F, s11;
	s14 =	sand.u32 $0xFFFFFC00, s14  }
0x40: {  	s11 =	sor.u32 s30, s14  }
0x41: {  	s15 =	smulhi.u32 $0x218D6287, s11;
	_ =	sdelay $0x1  }
0x42: {  	s14 =	smulhi.u32 $0x218D6287, s14;
	s15 =	sshrl.u32 s15, $0x11  }
0x43: {  	s15 =	smul.u32 $0xF4280, s15  }
0x44: {  	[tilespmem:s12+$0xFFFFFFFC ss:$0x81] =	vst.msk $0xffff, v2;
	s14 =	sshrl.u32 s14, $0x11  }
.Ltmp4:
0x45: {  	[tilespmem:s12+$0xFFFFFFFD ss:$0x81] =	vst.msk $0xffff, v3;
	s14 =	sand.u32 $0xF, s14;
	s11 =	ssub.s32 s11, s15;
	(pc) =	sbr.rel .LBB1_5-.Ltmp4, $4  }
0x46: {  	[tilespmem:s12+$0xFFFFFFFE ss:$0x81] =	vst.msk $0xffff, v0;
	s14 =	smul.u32 $0x1E850, s14;
	s15 =	sshrl.u32 s11, $0x3;
	s11 =	sand.u32 $0x7, s11  }
0x47: {  	[tilespmem:s12+$0xFFFFFFFF ss:$0x81] =	vst.msk $0xffff, v4;
	s15 =	sadd.s32 s2, s15;
	s11 =	sshll.u32 s11, $0x12  }
0x48: {  	[tilespmem:s12+$0xFFFFFFF9 ss:$0x81] =	vst.msk $0xffff, v1;
	s31 =	sadd.s32 s14, s15;
	s11 =	sor.u32 $0x400, s11  }
0x49: {  	[hbm4b:s31+s11] =	stream.strided.scatter [tilespmem:s13], [sflag:$0x2], $0x800, s8, s11, $0x20;
	[tilespmem:$0x2020] =	vst v63  }
.LBB1_6:
0x4a: {  	_ =	sfence.sel $0x180000  }
0x4b: {  	s2 =	simm.s32 $0x1;
	[bflag:$0x0] =	sbarrier.arrive $0xFFFF  }
0x4c: {  	s31 =	simm.s32 $0x2;
	[sflag:s2] =	ssyncpa.u1 $0x1  }
0x4d: {  	[sflag:s31] =	ssyncpa.u1 $0x1  }
0x4e: {  	p0 =	sne.s32 s1, $0x0;
	_ =	strace $0x9000004D  }
0x4f: {  	s0 =	sadd.s32 @!p0 $0x100000, s0;
	[bflag:$0x2] =	sbarrier.arrive $0xFFFF  }
0x50: {  	[sflag:s0] =	ssyncadd.tile.s32 @!p0 $0x1;
	_ =	shalt  }
.Lfunc_end1:
_tile_overlayer_lowered:
.L_overlay_start_2:
0x51: {  	(tag) =	ssettag $0x2  }
0x52: {  	s0 =	rddreg [dreg:$0x0];
	s2 =	stileid.u32  }
0x53: {  	s1 =	rddreg [dreg:$0x1];
	p0 =	sne.s32 s2, $0x0  }
0x54: {  	s3 =	rddreg [dreg:$0x2];
	[bflag:$0x3] =	sbarrier.arrive $0xFFFF;
	s2 =	simm.s32 @!p0 $0x1C01  }
0x55: {  	[timem:s3], [sflag:s2] =	dma.local @!p0 [hbm:s0], s1  }
0x56: {  	s0 =	simm.s32 @!p0 $0x1  }
0x57: {  	_ =	swait.ge @!p0 [sflag:s0], s1  }
0x58: {  	s1 =	ssub.s32 @!p0 $0x0, s1;
	[sflag:s0] =	ssyncset.done @!p0 $0x0  }
0x59: {  	[sflag:s0] =	ssyncadd.s32 @!p0 s1  }
0x5a: {  	[bflag:$0x3] =	sbarrier.arrive $0xFFFF  }
0x5b: {  	_ =	shalt  }

</sc_bundles>
